<compile_context>
chip_gen: v7x
topology: tpu7x:2x2x1
jax: 0.10.2.dev20260603
libtpu: 0.0.44.dev20260713+nightly
codegen_flags: <defaults>
</compile_context>

<pallas_src>
import functools

import jax
import jax.numpy as jnp
from jax import lax
from jax.experimental import pallas as pl
from jax.experimental.pallas import tpu as pltpu
from jax.experimental.pallas import tpu_sc as plsc

N = 10000
E = 320000
D_IN = 128
D_H = 256
D_OUT = 40

NC = 2
NS = 16
NT = NC * NS
BATCH = 128
NB = 80
NB0 = 152
NB1 = 2 * NB - NB0
EP = NB * BATCH * NT
NP = 10240
RT = NP // NS
BN = 256
GRID = NP // BN



def _sc_mesh():
  return plsc.VectorSubcoreMesh(core_axis_name="c", subcore_axis_name="s")


@functools.partial(
    pl.kernel,
    out_type=jax.ShapeDtypeStruct((NC * NP,), jnp.float32),
    mesh=_sc_mesh(),
    scratch_types=[
        pltpu.VMEM((NB, BATCH), jnp.int32),
        pltpu.VMEM((BATCH,), jnp.float32),
        pltpu.VMEM((RT,), jnp.float32),
        pltpu.VMEM_SHARED((NP,), jnp.float32),
    ],
)
def _deg_kernel(dstr_hbm, ones_hbm, zeros_hbm, out_hbm, dst_v, ones_v, zrow_v,
                acc):
  c = lax.axis_index("c")
  s = lax.axis_index("s")
  w = s * NC + c
  pltpu.sync_copy(zeros_hbm, zrow_v)
  pltpu.sync_copy(zrow_v, acc.at[pl.ds(s * RT, RT)])
  pltpu.sync_copy(ones_hbm, ones_v)
  pltpu.sync_copy(dstr_hbm.at[pl.ds(w * NB, NB)], dst_v)
  plsc.subcore_barrier()

  def body(j, carry):
    pltpu.sync_copy(ones_v, acc.at[dst_v.at[j]], add=True)
    return carry

  lax.fori_loop(0, NB, body, 0)
  plsc.subcore_barrier()
  pltpu.sync_copy(acc.at[pl.ds(s * RT, RT)],
                  out_hbm.at[pl.ds(c * NP + s * RT, RT)])


def _make_agg_kernel(D):

  CHUNK = 8

  @functools.partial(
      pl.kernel,
      out_type=[
          jax.ShapeDtypeStruct((NP, D), jnp.float32),
          jax.ShapeDtypeStruct((NP // 2, D), jnp.float32),
      ],
      mesh=_sc_mesh(),
      scratch_types=[
          pltpu.VMEM((CHUNK, BATCH), jnp.int32),
          pltpu.VMEM((CHUNK, BATCH), jnp.int32),
          pltpu.VMEM((BATCH, D), jnp.float32),
          pltpu.VMEM((BATCH, D), jnp.float32),
          pltpu.SemaphoreType.DMA,
          pltpu.SemaphoreType.DMA,
          pltpu.VMEM_SHARED((NP, D), jnp.float32),
      ],
  )
  def agg(xs_hbm, srcr_hbm, dstr_hbm, out0_hbm, out1_hbm, src_c, dst_c,
          r0, r1, g0, g1, acc):
    rows = [r0, r1]
    gsem = [g0, g1]
    c = lax.axis_index("c")
    s = lax.axis_index("s")
    base = jnp.where(c == 0, s * NB0, NS * NB0 + s * NB1)
    nb = jnp.where(c == 0, NB0, NB1)
    zv = jnp.zeros((16,), jnp.float32)

    def zbody(i, carry):
      for j in range(D // 16):
        rows[0][i, pl.ds(j * 16, 16)] = zv
      return carry

    lax.fori_loop(0, BATCH, zbody, 0)
    for k in range(RT // BATCH):
      pltpu.sync_copy(rows[0], acc.at[pl.ds(s * RT + k * BATCH, BATCH)])
    plsc.subcore_barrier()

    def body(i, carry):
      pltpu.sync_copy(srcr_hbm.at[pl.ds(base + i * CHUNK, CHUNK)], src_c)
      pltpu.sync_copy(dstr_hbm.at[pl.ds(base + i * CHUNK, CHUNK)], dst_c)
      d = [
          pltpu.async_copy(xs_hbm.at[src_c.at[0]], rows[0], gsem[0]),
          pltpu.async_copy(xs_hbm.at[src_c.at[1]], rows[1], gsem[1]),
      ]
      for b in range(CHUNK):
        p = b % 2
        d[p].wait()
        pltpu.sync_copy(rows[p], acc.at[dst_c.at[b]], add=True)
        if b + 2 < CHUNK:
          d[p] = pltpu.async_copy(xs_hbm.at[src_c.at[b + 2]], rows[p], gsem[p])
      return carry

    lax.fori_loop(0, nb // CHUNK, body, 0)
    plsc.subcore_barrier()
    wk = RT // BATCH

    def wb0(k, carry):
      pltpu.sync_copy(acc.at[pl.ds(s * RT + k * BATCH, BATCH)], rows[0])
      pltpu.sync_copy(rows[0], out0_hbm.at[pl.ds(s * RT + k * BATCH, BATCH)])
      return carry

    lax.fori_loop(0, jnp.where(c == 0, wk, 0), wb0, 0)

    h16 = jnp.uint32(0x8000)
    s16 = jnp.uint32(16)

    def wb1(k, carry):
      pltpu.sync_copy(acc.at[pl.ds(s * RT + k * BATCH, BATCH)], rows[0])

      def crow(i, cc):
        i2 = i // 2
        cb = (i % 2) * (D // 2)
        for kk in range(D // 32):
          a = rows[0][i, pl.ds(16 * kk, 16)]
          b = rows[0][i, pl.ds(D // 2 + 16 * kk, 16)]
          ua = lax.bitcast_convert_type(a, jnp.uint32)
          ub = lax.bitcast_convert_type(b, jnp.uint32)
          ra = (ua + h16) >> s16
          rb = ((ub + h16) >> s16) << s16
          rows[1][i2, pl.ds(cb + 16 * kk, 16)] = lax.bitcast_convert_type(
              ra | rb, jnp.float32)
        return cc

      lax.fori_loop(0, BATCH, crow, 0)
      pltpu.sync_copy(rows[1].at[pl.ds(0, BATCH // 2)],
                      out1_hbm.at[pl.ds(s * (RT // 2) + k * (BATCH // 2),
                                        BATCH // 2)])
      return carry

    lax.fori_loop(0, jnp.where(c == 1, wk, 0), wb1, 0)

  return agg


_agg128 = _make_agg_kernel(D_IN)



def _scale_body(degp_ref, x_ref, dinv_ref, xs_ref):
  deg = degp_ref[0] + degp_ref[1] + 1.0
  dinv = lax.rsqrt(deg)
  dinv_ref[...] = dinv
  xs_ref[...] = x_ref[...] * dinv


def _scale_call(degp, x_p):
  return pl.pallas_call(
      _scale_body,
      grid=(GRID,),
      in_specs=[
          pl.BlockSpec((NC, BN, 1), lambda i: (0, i, 0)),
          pl.BlockSpec((BN, D_IN), lambda i: (i, 0)),
      ],
      out_specs=[
          pl.BlockSpec((BN, 1), lambda i: (i, 0)),
          pl.BlockSpec((BN, D_IN), lambda i: (i, 0)),
      ],
      out_shape=[
          jax.ShapeDtypeStruct((NP, 1), jnp.float32),
          jax.ShapeDtypeStruct((NP, D_IN), jnp.float32),
      ],
  )(degp, x_p)


def _unpack_u32(x):
  u = lax.bitcast_convert_type(x, jnp.uint32)
  halves = []
  for t in (0, 1):
    ut = u[:, t * (D_IN // 2):(t + 1) * (D_IN // 2)]
    lo = lax.bitcast_convert_type(ut << jnp.uint32(16), jnp.float32)
    hi = lax.bitcast_convert_type(ut & jnp.uint32(0xFFFF0000), jnp.float32)
    halves.append(jnp.concatenate([lo, hi], axis=1))
  return jnp.stack(halves, axis=1).reshape(BN, D_IN)


def _mlp_body(p1f_ref, p1u_ref, xs_ref, dinv_ref, w1_ref, b1_ref, w2_ref,
              zs_ref):
  i = pl.program_id(0)
  dinv = dinv_ref[...]
  agg = (p1f_ref[...] + _unpack_u32(p1u_ref[...]) + xs_ref[...]) * dinv
  h = jnp.maximum(
      jnp.dot(agg, w1_ref[...], preferred_element_type=jnp.float32)
      + b1_ref[...], 0.0)
  z = jnp.dot(h, w2_ref[...], preferred_element_type=jnp.float32)
  row = i * BN + lax.broadcasted_iota(jnp.int32, (BN, 1), 0)
  zs_ref[...] = jnp.where(row < N, z * dinv, 0.0)


def _mlp_call(p1f, p1u, xs, dinv, W1, b1, W2p):
  return pl.pallas_call(
      _mlp_body,
      grid=(GRID,),
      in_specs=[
          pl.BlockSpec((BN, D_IN), lambda i: (i, 0)),
          pl.BlockSpec((BN // 2, D_IN), lambda i: (i, 0)),
          pl.BlockSpec((BN, D_IN), lambda i: (i, 0)),
          pl.BlockSpec((BN, 1), lambda i: (i, 0)),
          pl.BlockSpec((D_IN, D_H), lambda i: (0, 0)),
          pl.BlockSpec((1, D_H), lambda i: (0, 0)),
          pl.BlockSpec((D_H, D_IN), lambda i: (0, 0)),
      ],
      out_specs=pl.BlockSpec((BN, D_IN), lambda i: (i, 0)),
      out_shape=jax.ShapeDtypeStruct((NP, D_IN), jnp.float32),
  )(p1f, p1u, xs, dinv, W1, b1, W2p)


def _loss_body(p2f_ref, p2u_ref, zs_ref, dinv_ref, b2_ref, y_ref, logits_ref,
               loss_ref):
  i = pl.program_id(0)
  full = (p2f_ref[...] + _unpack_u32(p2u_ref[...]) + zs_ref[...]) * dinv_ref[...]
  logits = full[:, :D_OUT] + b2_ref[...]
  logits_ref[...] = logits
  m = jnp.max(logits, axis=1, keepdims=True)
  lse = jnp.log(jnp.sum(jnp.exp(logits - m), axis=1, keepdims=True)) + m
  sel = lax.broadcasted_iota(jnp.int32, (BN, D_OUT), 1) == y_ref[...]
  picked = jnp.sum(jnp.where(sel, logits, 0.0), axis=1, keepdims=True)
  row = i * BN + lax.broadcasted_iota(jnp.int32, (BN, 1), 0)
  part = jnp.sum(jnp.where(row < N, lse - picked, 0.0))

  @pl.when(i == 0)
  def _():
    loss_ref[...] = jnp.zeros((1, 1), jnp.float32)

  loss_ref[...] += part


def _loss_call(p2f, p2u, zs, dinv, b2, y_p):
  return pl.pallas_call(
      _loss_body,
      grid=(GRID,),
      in_specs=[
          pl.BlockSpec((BN, D_IN), lambda i: (i, 0)),
          pl.BlockSpec((BN // 2, D_IN), lambda i: (i, 0)),
          pl.BlockSpec((BN, D_IN), lambda i: (i, 0)),
          pl.BlockSpec((BN, 1), lambda i: (i, 0)),
          pl.BlockSpec((1, D_OUT), lambda i: (0, 0)),
          pl.BlockSpec((BN, 1), lambda i: (i, 0)),
      ],
      out_specs=[
          pl.BlockSpec((BN, D_OUT), lambda i: (i, 0)),
          pl.BlockSpec((1, 1), lambda i: (0, 0)),
      ],
      out_shape=[
          jax.ShapeDtypeStruct((NP, D_OUT), jnp.float32),
          jax.ShapeDtypeStruct((1, 1), jnp.float32),
      ],
  )(p2f, p2u, zs, dinv, b2, y_p)



def kernel(x, edge_index, y, W1, b1, W2, b2):
  src = edge_index[0].astype(jnp.int32)
  dst = edge_index[1].astype(jnp.int32)
  fill = jnp.full((EP - E,), NP - 1, jnp.int32)
  srcr = jnp.concatenate([src, fill]).reshape(NT * NB, BATCH)
  dstr = jnp.concatenate([dst, fill]).reshape(NT * NB, BATCH)
  x_p = jnp.pad(x, ((0, NP - N), (0, 0)))
  y_p = jnp.pad(y.astype(jnp.int32), (0, NP - N)).reshape(NP, 1)

  ones_b = jnp.ones((BATCH,), jnp.float32)
  zeros_rt = jnp.zeros((RT,), jnp.float32)
  W2p = jnp.pad(W2, ((0, 0), (0, D_IN - D_OUT)))

  degp = _deg_kernel(dstr, ones_b, zeros_rt).reshape(NC, NP, 1)
  dinv, xs = _scale_call(degp, x_p)
  p1f, p1u = _agg128(xs, srcr, dstr)
  zs = _mlp_call(p1f, p1u, xs, dinv, W1, b1.reshape(1, D_H), W2p)
  p2f, p2u = _agg128(zs, srcr, dstr)
  logits_p, loss_sum = _loss_call(p2f, p2u, zs, dinv, b2.reshape(1, D_OUT),
                                  y_p)
  return loss_sum[0, 0] / N, logits_p[:N]

# --- scband reference (transcript-rebuilt; emitter-appended) ---
"""Pipeline reference for scband-gcnwith-loss-65953517797953 (READ-ONLY COPY).

The authoritative reference and input builder live on the scoring server;
editing this copy changes nothing except your own understanding.
"""

import jax, jax.numpy as jnp
import numpy as np

N = 10000
E = 320000
D_IN = 128
D_H = 256
D_OUT = 40


def setup_inputs(seed: int = 0) -> dict:
    key = jax.random.key(seed)
    k1, k2, k3, k4, k5 = jax.random.split(key, 5)
    x = jax.random.normal(k1, (N, D_IN), dtype=jnp.float32)
    edge_index = jax.random.randint(k2, (2, E), 0, N, dtype=jnp.int64)
    y = jax.random.randint(k3, (N,), 0, D_OUT, dtype=jnp.int64)
    W1 = jax.random.normal(k4, (D_IN, D_H), dtype=jnp.float32) / np.sqrt(D_IN)
    b1 = jnp.zeros((D_H,), dtype=jnp.float32)
    W2 = jax.random.normal(k5, (D_H, D_OUT), dtype=jnp.float32) / np.sqrt(D_H)
    b2 = jnp.zeros((D_OUT,), dtype=jnp.float32)
    return {"x": x, "edge_index": edge_index, "y": y, "W1": W1, "b1": b1, "W2": W2, "b2": b2}


def _gcn_conv(h, W, b, src, dst, n_nodes):
    # GCNConv: D^{-1/2} (A + I) D^{-1/2} X W + b  (add self-loops, symmetric norm)
    h = h @ W
    self_idx = jnp.arange(n_nodes, dtype=src.dtype)
    src_sl = jnp.concatenate([src, self_idx])
    dst_sl = jnp.concatenate([dst, self_idx])
    ones = jnp.ones(src_sl.shape[0], dtype=h.dtype)
    deg = jax.ops.segment_sum(ones, dst_sl, num_segments=n_nodes)
    dinv = jnp.where(deg > 0, 1.0 / jnp.sqrt(deg), 0.0)
    norm = dinv[src_sl] * dinv[dst_sl]
    msg = h[src_sl] * norm[:, None]
    out = jax.ops.segment_sum(msg, dst_sl, num_segments=n_nodes)
    return out + b


def reference(x, edge_index, y, W1, b1, W2, b2):
    src = edge_index[0]
    dst = edge_index[1]
    h = _gcn_conv(x, W1, b1, src, dst, N)
    h = jax.nn.relu(h)
    logits = _gcn_conv(h, W2, b2, src, dst, N)
    logp = jax.nn.log_softmax(logits, axis=-1)
    nll = -jnp.take_along_axis(logp, y[:, None], axis=1)[:, 0]
    loss = jnp.mean(nll)
    return loss, logits

if __name__ == "__main__":
    import jax
    _d = setup_inputs()
    print(jax.jit(kernel)(*tuple(_d.values())))

</pallas_src>

<mosaic_0001>
#map = affine_map<(d0, d1) -> (0, 0)>
#map1 = affine_map<(d0, d1) -> (0)>
module attributes {stable_mosaic.version = 14 : i64} {
  func.func @_deg_kernel(%arg0: i32, %arg1: i32, %arg2: memref<2560x128xi32, #tpu.memory_space<hbm>>, %arg3: memref<128xf32, #tpu.memory_space<hbm>>, %arg4: memref<640xf32, #tpu.memory_space<hbm>>, %arg5: memref<20480xf32, #tpu.memory_space<hbm>>, %arg6: memref<80x128xi32, #tpu.memory_space<vmem>>, %arg7: memref<128xf32, #tpu.memory_space<vmem>>, %arg8: memref<640xf32, #tpu.memory_space<vmem>>, %arg9: memref<10240xf32, #tpu.memory_space<vmem_shared>>) attributes {dimension_semantics = [#tpu.dimension_semantics<core_parallel>, #tpu.dimension_semantics<subcore_parallel>], iteration_bounds = array<i64: 2, 16>, scalar_prefetch = 0 : i64, scratch_operands = 4 : i64, tpu.core_type = #tpu.core_type<sc_vector_subcore>, window_params = [{transform_indices = #map}, {transform_indices = #map1}, {transform_indices = #map1}, {transform_indices = #map1}]} {
    %mul3A = arith.constant 2 : i32
    %mul3A_0 = arith.muli %arg1, %mul3A : i32
    %add3A = arith.addi %mul3A_0, %arg0 : i32
    "tpu.region"() ({
      %run_scoped3A = tpu.sem_alloc : memref<!tpu.dma_semaphore, #tpu.memory_space<semaphore_mem>>
      tpu.enqueue_dma source(%arg4 : memref<640xf32, #tpu.memory_space<hbm>>) target(%arg8 : memref<640xf32, #tpu.memory_space<vmem>>) target_semaphore(%run_scoped3A : memref<!tpu.dma_semaphore, #tpu.memory_space<semaphore_mem>>)
      tpu.wait_dma2 semaphore(%run_scoped3A : memref<!tpu.dma_semaphore, #tpu.memory_space<semaphore_mem>>) src(%arg4 : memref<640xf32, #tpu.memory_space<hbm>>) dst(%arg8 : memref<640xf32, #tpu.memory_space<vmem>>)
      tpu.yield
    }) : () -> ()
    %mul3A_1 = arith.constant 640 : i32
    %mul3A_2 = arith.muli %arg1, %mul3A_1 : i32
    "tpu.region"() ({
      %run_scoped3A = tpu.sem_alloc : memref<!tpu.dma_semaphore, #tpu.memory_space<semaphore_mem>>
      %dma_start3A = tpu.memref_slice %arg9[%mul3A_2] : memref<10240xf32, #tpu.memory_space<vmem_shared>> -> memref<640xf32, #tpu.memory_space<vmem_shared>>
      %dma_start3A_18 = tpu.memref_slice %arg9[%mul3A_2] : memref<10240xf32, #tpu.memory_space<vmem_shared>> -> memref<640xf32, #tpu.memory_space<vmem_shared>>
      tpu.enqueue_dma source(%arg8 : memref<640xf32, #tpu.memory_space<vmem>>) target(%dma_start3A_18 : memref<640xf32, #tpu.memory_space<vmem_shared>>) target_semaphore(%run_scoped3A : memref<!tpu.dma_semaphore, #tpu.memory_space<semaphore_mem>>)
      %dma_wait3A = tpu.memref_slice %arg9[%mul3A_2] : memref<10240xf32, #tpu.memory_space<vmem_shared>> -> memref<640xf32, #tpu.memory_space<vmem_shared>>
      %dma_wait3A_19 = tpu.memref_slice %arg9[%mul3A_2] : memref<10240xf32, #tpu.memory_space<vmem_shared>> -> memref<640xf32, #tpu.memory_space<vmem_shared>>
      tpu.wait_dma2 semaphore(%run_scoped3A : memref<!tpu.dma_semaphore, #tpu.memory_space<semaphore_mem>>) src(%arg8 : memref<640xf32, #tpu.memory_space<vmem>>) dst(%dma_wait3A_19 : memref<640xf32, #tpu.memory_space<vmem_shared>>)
      tpu.yield
    }) : () -> ()
    "tpu.region"() ({
      %run_scoped3A = tpu.sem_alloc : memref<!tpu.dma_semaphore, #tpu.memory_space<semaphore_mem>>
      tpu.enqueue_dma source(%arg3 : memref<128xf32, #tpu.memory_space<hbm>>) target(%arg7 : memref<128xf32, #tpu.memory_space<vmem>>) target_semaphore(%run_scoped3A : memref<!tpu.dma_semaphore, #tpu.memory_space<semaphore_mem>>)
      tpu.wait_dma2 semaphore(%run_scoped3A : memref<!tpu.dma_semaphore, #tpu.memory_space<semaphore_mem>>) src(%arg3 : memref<128xf32, #tpu.memory_space<hbm>>) dst(%arg7 : memref<128xf32, #tpu.memory_space<vmem>>)
      tpu.yield
    }) : () -> ()
    %mul3A_3 = arith.constant 80 : i32
    %mul3A_4 = arith.muli %add3A, %mul3A_3 : i32
    "tpu.region"() ({
      %run_scoped3A = tpu.sem_alloc : memref<!tpu.dma_semaphore, #tpu.memory_space<semaphore_mem>>
      %dma_start3A = arith.constant 0 : i32
      %dma_start3A_18 = tpu.memref_slice %arg2[%mul3A_4, %dma_start3A] : memref<2560x128xi32, #tpu.memory_space<hbm>> -> memref<80x128xi32, #tpu.memory_space<hbm>>
      %dma_start3A_19 = arith.constant 0 : i32
      %dma_start3A_20 = tpu.memref_slice %arg2[%mul3A_4, %dma_start3A_19] : memref<2560x128xi32, #tpu.memory_space<hbm>> -> memref<80x128xi32, #tpu.memory_space<hbm>>
      tpu.enqueue_dma source(%dma_start3A_20 : memref<80x128xi32, #tpu.memory_space<hbm>>) target(%arg6 : memref<80x128xi32, #tpu.memory_space<vmem>>) target_semaphore(%run_scoped3A : memref<!tpu.dma_semaphore, #tpu.memory_space<semaphore_mem>>)
      %dma_wait3A = arith.constant 0 : i32
      %dma_wait3A_21 = tpu.memref_slice %arg2[%mul3A_4, %dma_wait3A] : memref<2560x128xi32, #tpu.memory_space<hbm>> -> memref<80x128xi32, #tpu.memory_space<hbm>>
      %dma_wait3A_22 = arith.constant 0 : i32
      %dma_wait3A_23 = tpu.memref_slice %arg2[%mul3A_4, %dma_wait3A_22] : memref<2560x128xi32, #tpu.memory_space<hbm>> -> memref<80x128xi32, #tpu.memory_space<hbm>>
      tpu.wait_dma2 semaphore(%run_scoped3A : memref<!tpu.dma_semaphore, #tpu.memory_space<semaphore_mem>>) src(%dma_wait3A_23 : memref<80x128xi32, #tpu.memory_space<hbm>>) dst(%arg6 : memref<80x128xi32, #tpu.memory_space<vmem>>)
      tpu.yield
    }) : () -> ()
    %barrier3A = arith.constant 0 : index
    tpu.barrier barrier_id(%barrier3A)
    %scan3A = arith.constant 0 : i32
    %scan3A_5 = arith.constant 0 : i32
    %scan3A_6 = arith.constant 80 : i32
    %scan3A_7 = arith.addi %scan3A_5, %scan3A_6 : i32
    %scan3A_8 = arith.constant 1 : i32
    scf.for %scan3A_18 = %scan3A_5 to %scan3A_7 step %scan3A_8  : i32 {
      "tpu.region"() ({
        %run_scoped3A = tpu.sem_alloc : memref<!tpu.dma_semaphore, #tpu.memory_space<semaphore_mem>>
        %dma_start3A = arith.constant 0 : i32
        %dma_start3A_19 = tpu.memref_slice %arg6[%scan3A_18, %dma_start3A] : memref<80x128xi32, #tpu.memory_space<vmem>> -> memref<1x128xi32, #tpu.memory_space<vmem>>
        %dma_start3A_20 = tpu.memref_squeeze %dma_start3A_19 : memref<1x128xi32, #tpu.memory_space<vmem>> -> memref<128xi32, #tpu.memory_space<vmem>>
        %dma_start3A_21 = arith.constant 0 : i32
        %dma_start3A_22 = tpu.memref_slice %arg9[%dma_start3A_21] : memref<10240xf32, #tpu.memory_space<vmem_shared>> -> memref<10240xf32, #tpu.memory_space<vmem_shared>>
        tpu.enqueue_indirect_dma source(%arg7 : memref<128xf32, #tpu.memory_space<vmem>>) target(%dma_start3A_22 : memref<10240xf32, #tpu.memory_space<vmem_shared>>) offsets(%dma_start3A_20 : memref<128xi32, #tpu.memory_space<vmem>>) semaphore(%run_scoped3A : memref<!tpu.dma_semaphore, #tpu.memory_space<semaphore_mem>>) {add = true}
        %dma_wait3A = arith.constant 0 : i32
        %dma_wait3A_23 = tpu.memref_slice %arg6[%scan3A_18, %dma_wait3A] : memref<80x128xi32, #tpu.memory_space<vmem>> -> memref<1x128xi32, #tpu.memory_space<vmem>>
        %dma_wait3A_24 = tpu.memref_squeeze %dma_wait3A_23 : memref<1x128xi32, #tpu.memory_space<vmem>> -> memref<128xi32, #tpu.memory_space<vmem>>
        %dma_wait3A_25 = arith.constant 0 : i32
        %dma_wait3A_26 = tpu.memref_slice %arg9[%dma_wait3A_25] : memref<10240xf32, #tpu.memory_space<vmem_shared>> -> memref<10240xf32, #tpu.memory_space<vmem_shared>>
        tpu.wait_indirect_dma semaphore(%run_scoped3A : memref<!tpu.dma_semaphore, #tpu.memory_space<semaphore_mem>>) src(%arg7 : memref<128xf32, #tpu.memory_space<vmem>>) dst(%dma_wait3A_26 : memref<10240xf32, #tpu.memory_space<vmem_shared>>)
        tpu.yield
      }) : () -> ()
    }
    %scan3A_9 = arith.constant 80 : i32
    %barrier3A_10 = arith.constant 0 : index
    tpu.barrier barrier_id(%barrier3A_10)
    %mul3A_11 = arith.constant 640 : i32
    %mul3A_12 = arith.muli %arg1, %mul3A_11 : i32
    %mul3A_13 = arith.constant 10240 : i32
    %mul3A_14 = arith.muli %arg0, %mul3A_13 : i32
    %mul3A_15 = arith.constant 640 : i32
    %mul3A_16 = arith.muli %arg1, %mul3A_15 : i32
    %add3A_17 = arith.addi %mul3A_14, %mul3A_16 : i32
    "tpu.region"() ({
      %run_scoped3A = tpu.sem_alloc : memref<!tpu.dma_semaphore, #tpu.memory_space<semaphore_mem>>
      %dma_start3A = tpu.memref_slice %arg5[%add3A_17] : memref<20480xf32, #tpu.memory_space<hbm>> -> memref<640xf32, #tpu.memory_space<hbm>>
      %dma_start3A_18 = tpu.memref_slice %arg9[%mul3A_12] : memref<10240xf32, #tpu.memory_space<vmem_shared>> -> memref<640xf32, #tpu.memory_space<vmem_shared>>
      tpu.enqueue_dma source(%dma_start3A_18 : memref<640xf32, #tpu.memory_space<vmem_shared>>) target(%dma_start3A : memref<640xf32, #tpu.memory_space<hbm>>) target_semaphore(%run_scoped3A : memref<!tpu.dma_semaphore, #tpu.memory_space<semaphore_mem>>)
      %dma_wait3A = tpu.memref_slice %arg5[%add3A_17] : memref<20480xf32, #tpu.memory_space<hbm>> -> memref<640xf32, #tpu.memory_space<hbm>>
      %dma_wait3A_19 = tpu.memref_slice %arg9[%mul3A_12] : memref<10240xf32, #tpu.memory_space<vmem_shared>> -> memref<640xf32, #tpu.memory_space<vmem_shared>>
      tpu.wait_dma2 semaphore(%run_scoped3A : memref<!tpu.dma_semaphore, #tpu.memory_space<semaphore_mem>>) src(%dma_wait3A_19 : memref<640xf32, #tpu.memory_space<vmem_shared>>) dst(%dma_wait3A : memref<640xf32, #tpu.memory_space<hbm>>)
      tpu.yield
    }) : () -> ()
    return
  }
}

#map = affine_map<(d0, d1) -> (0, 0)>
module attributes {stable_mosaic.version = 14 : i64} {
  func.func @agg(%arg0: i32, %arg1: i32, %arg2: memref<10240x128xf32, #tpu.memory_space<hbm>>, %arg3: memref<2560x128xi32, #tpu.memory_space<hbm>>, %arg4: memref<2560x128xi32, #tpu.memory_space<hbm>>, %arg5: memref<10240x128xf32, #tpu.memory_space<hbm>>, %arg6: memref<5120x128xf32, #tpu.memory_space<hbm>>, %arg7: memref<8x128xi32, #tpu.memory_space<vmem>>, %arg8: memref<8x128xi32, #tpu.memory_space<vmem>>, %arg9: memref<128x128xf32, #tpu.memory_space<vmem>>, %arg10: memref<128x128xf32, #tpu.memory_space<vmem>>, %arg11: memref<!tpu.dma_semaphore, #tpu.memory_space<semaphore_mem>>, %arg12: memref<!tpu.dma_semaphore, #tpu.memory_space<semaphore_mem>>, %arg13: memref<10240x128xf32, #tpu.memory_space<vmem_shared>>) attributes {dimension_semantics = [#tpu.dimension_semantics<core_parallel>, #tpu.dimension_semantics<subcore_parallel>], iteration_bounds = array<i64: 2, 16>, scalar_prefetch = 0 : i64, scratch_operands = 7 : i64, tpu.core_type = #tpu.core_type<sc_vector_subcore>, window_params = [{transform_indices = #map}, {transform_indices = #map}, {transform_indices = #map}, {transform_indices = #map}, {transform_indices = #map}]} {
    %eq3A = arith.constant 0 : i32
    %eq3A_0 = arith.cmpi eq, %arg0, %eq3A : i32
    %mul3A = arith.constant 152 : i32
    %mul3A_1 = arith.muli %arg1, %mul3A : i32
    %mul3A_2 = arith.constant 8 : i32
    %mul3A_3 = arith.muli %arg1, %mul3A_2 : i32
    %add3A = arith.constant 2432 : i32
    %add3A_4 = arith.addi %add3A, %mul3A_3 : i32
    %select_n3A = arith.select %eq3A_0, %mul3A_1, %add3A_4 : i32
    %eq3A_5 = arith.constant 0 : i32
    %eq3A_6 = arith.cmpi eq, %arg0, %eq3A_5 : i32
    %jit3A = arith.constant 152 : i32
    %jit3A_7 = arith.constant 8 : i32
    %select_n3A_8 = arith.select %eq3A_6, %jit3A, %jit3A_7 : i32
    %broadcast_in_dim3A = arith.constant 0.000000e+00 : f32
    %broadcast_in_dim3A_9 = vector.broadcast %broadcast_in_dim3A : f32 to vector<16xf32>
    %scan3A = arith.constant 0 : i32
    %scan3A_10 = arith.constant 0 : i32
    %scan3A_11 = arith.constant 128 : i32
    %scan3A_12 = arith.addi %scan3A_10, %scan3A_11 : i32
    %scan3A_13 = arith.constant 1 : i32
    scf.for %scan3A_95 = %scan3A_10 to %scan3A_12 step %scan3A_13  : i32 {
      %swap3A = arith.index_cast %scan3A_95 : i32 to index
      %swap3A_96 = arith.constant 0 : index
      %swap3A_97 = tpu.vector_load %arg9[%swap3A, %swap3A_96] {strides = array<i32>} : memref<128x128xf32, #tpu.memory_space<vmem>>, vector<1x16xf32>,
      %swap3A_98 = vector.shape_cast %swap3A_97 : vector<1x16xf32> to vector<16xf32>
      %swap3A_99 = vector.shape_cast %broadcast_in_dim3A_9 : vector<16xf32> to vector<1x16xf32>
      tpu.vector_store %arg9[%swap3A, %swap3A_96], %swap3A_99 {strides = array<i32>} : memref<128x128xf32, #tpu.memory_space<vmem>>, vector<1x16xf32>,
      %swap3A_100 = arith.index_cast %scan3A_95 : i32 to index
      %swap3A_101 = arith.constant 16 : index
      %swap3A_102 = tpu.vector_load %arg9[%swap3A_100, %swap3A_101] {strides = array<i32>} : memref<128x128xf32, #tpu.memory_space<vmem>>, vector<1x16xf32>,
      %swap3A_103 = vector.shape_cast %swap3A_102 : vector<1x16xf32> to vector<16xf32>
      %swap3A_104 = vector.shape_cast %broadcast_in_dim3A_9 : vector<16xf32> to vector<1x16xf32>
      tpu.vector_store %arg9[%swap3A_100, %swap3A_101], %swap3A_104 {strides = array<i32>} : memref<128x128xf32, #tpu.memory_space<vmem>>, vector<1x16xf32>,
      %swap3A_105 = arith.index_cast %scan3A_95 : i32 to index
      %swap3A_106 = arith.constant 32 : index
      %swap3A_107 = tpu.vector_load %arg9[%swap3A_105, %swap3A_106] {strides = array<i32>} : memref<128x128xf32, #tpu.memory_space<vmem>>, vector<1x16xf32>,
      %swap3A_108 = vector.shape_cast %swap3A_107 : vector<1x16xf32> to vector<16xf32>
      %swap3A_109 = vector.shape_cast %broadcast_in_dim3A_9 : vector<16xf32> to vector<1x16xf32>
      tpu.vector_store %arg9[%swap3A_105, %swap3A_106], %swap3A_109 {strides = array<i32>} : memref<128x128xf32, #tpu.memory_space<vmem>>, vector<1x16xf32>,
      %swap3A_110 = arith.index_cast %scan3A_95 : i32 to index
      %swap3A_111 = arith.constant 48 : index
      %swap3A_112 = tpu.vector_load %arg9[%swap3A_110, %swap3A_111] {strides = array<i32>} : memref<128x128xf32, #tpu.memory_space<vmem>>, vector<1x16xf32>,
      %swap3A_113 = vector.shape_cast %swap3A_112 : vector<1x16xf32> to vector<16xf32>
      %swap3A_114 = vector.shape_cast %broadcast_in_dim3A_9 : vector<16xf32> to vector<1x16xf32>
      tpu.vector_store %arg9[%swap3A_110, %swap3A_111], %swap3A_114 {strides = array<i32>} : memref<128x128xf32, #tpu.memory_space<vmem>>, vector<1x16xf32>,
      %swap3A_115 = arith.index_cast %scan3A_95 : i32 to index
      %swap3A_116 = arith.constant 64 : index
      %swap3A_117 = tpu.vector_load %arg9[%swap3A_115, %swap3A_116] {strides = array<i32>} : memref<128x128xf32, #tpu.memory_space<vmem>>, vector<1x16xf32>,
      %swap3A_118 = vector.shape_cast %swap3A_117 : vector<1x16xf32> to vector<16xf32>
      %swap3A_119 = vector.shape_cast %broadcast_in_dim3A_9 : vector<16xf32> to vector<1x16xf32>
      tpu.vector_store %arg9[%swap3A_115, %swap3A_116], %swap3A_119 {strides = array<i32>} : memref<128x128xf32, #tpu.memory_space<vmem>>, vector<1x16xf32>,
      %swap3A_120 = arith.index_cast %scan3A_95 : i32 to index
      %swap3A_121 = arith.constant 80 : index
      %swap3A_122 = tpu.vector_load %arg9[%swap3A_120, %swap3A_121] {strides = array<i32>} : memref<128x128xf32, #tpu.memory_space<vmem>>, vector<1x16xf32>,
      %swap3A_123 = vector.shape_cast %swap3A_122 : vector<1x16xf32> to vector<16xf32>
      %swap3A_124 = vector.shape_cast %broadcast_in_dim3A_9 : vector<16xf32> to vector<1x16xf32>
      tpu.vector_store %arg9[%swap3A_120, %swap3A_121], %swap3A_124 {strides = array<i32>} : memref<128x128xf32, #tpu.memory_space<vmem>>, vector<1x16xf32>,
      %swap3A_125 = arith.index_cast %scan3A_95 : i32 to index
      %swap3A_126 = arith.constant 96 : index
      %swap3A_127 = tpu.vector_load %arg9[%swap3A_125, %swap3A_126] {strides = array<i32>} : memref<128x128xf32, #tpu.memory_space<vmem>>, vector<1x16xf32>,
      %swap3A_128 = vector.shape_cast %swap3A_127 : vector<1x16xf32> to vector<16xf32>
      %swap3A_129 = vector.shape_cast %broadcast_in_dim3A_9 : vector<16xf32> to vector<1x16xf32>
      tpu.vector_store %arg9[%swap3A_125, %swap3A_126], %swap3A_129 {strides = array<i32>} : memref<128x128xf32, #tpu.memory_space<vmem>>, vector<1x16xf32>,
      %swap3A_130 = arith.index_cast %scan3A_95 : i32 to index
      %swap3A_131 = arith.constant 112 : index
      %swap3A_132 = tpu.vector_load %arg9[%swap3A_130, %swap3A_131] {strides = array<i32>} : memref<128x128xf32, #tpu.memory_space<vmem>>, vector<1x16xf32>,
      %swap3A_133 = vector.shape_cast %swap3A_132 : vector<1x16xf32> to vector<16xf32>
      %swap3A_134 = vector.shape_cast %broadcast_in_dim3A_9 : vector<16xf32> to vector<1x16xf32>
      tpu.vector_store %arg9[%swap3A_130, %swap3A_131], %swap3A_134 {strides = array<i32>} : memref<128x128xf32, #tpu.memory_space<vmem>>, vector<1x16xf32>,
    }
    %scan3A_14 = arith.constant 128 : i32
    %mul3A_15 = arith.constant 640 : i32
    %mul3A_16 = arith.muli %arg1, %mul3A_15 : i32
    %add3A_17 = arith.constant 0 : i32
    %add3A_18 = arith.addi %mul3A_16, %add3A_17 : i32
    "tpu.region"() ({
      %run_scoped3A = tpu.sem_alloc : memref<!tpu.dma_semaphore, #tpu.memory_space<semaphore_mem>>
      %dma_start3A = arith.constant 0 : i32
      %dma_start3A_95 = tpu.memref_slice %arg13[%add3A_18, %dma_start3A] : memref<10240x128xf32, #tpu.memory_space<vmem_shared>> -> memref<128x128xf32, #tpu.memory_space<vmem_shared>>
      %dma_start3A_96 = arith.constant 0 : i32
      %dma_start3A_97 = tpu.memref_slice %arg13[%add3A_18, %dma_start3A_96] : memref<10240x128xf32, #tpu.memory_space<vmem_shared>> -> memref<128x128xf32, #tpu.memory_space<vmem_shared>>
      tpu.enqueue_dma source(%arg9 : memref<128x128xf32, #tpu.memory_space<vmem>>) target(%dma_start3A_97 : memref<128x128xf32, #tpu.memory_space<vmem_shared>>) target_semaphore(%run_scoped3A : memref<!tpu.dma_semaphore, #tpu.memory_space<semaphore_mem>>)
      %dma_wait3A = arith.constant 0 : i32
      %dma_wait3A_98 = tpu.memref_slice %arg13[%add3A_18, %dma_wait3A] : memref<10240x128xf32, #tpu.memory_space<vmem_shared>> -> memref<128x128xf32, #tpu.memory_space<vmem_shared>>
      %dma_wait3A_99 = arith.constant 0 : i32
      %dma_wait3A_100 = tpu.memref_slice %arg13[%add3A_18, %dma_wait3A_99] : memref<10240x128xf32, #tpu.memory_space<vmem_shared>> -> memref<128x128xf32, #tpu.memory_space<vmem_shared>>
      tpu.wait_dma2 semaphore(%run_scoped3A : memref<!tpu.dma_semaphore, #tpu.memory_space<semaphore_mem>>) src(%arg9 : memref<128x128xf32, #tpu.memory_space<vmem>>) dst(%dma_wait3A_100 : memref<128x128xf32, #tpu.memory_space<vmem_shared>>)
      tpu.yield
    }) : () -> ()
    %mul3A_19 = arith.constant 640 : i32
    %mul3A_20 = arith.muli %arg1, %mul3A_19 : i32
    %add3A_21 = arith.constant 128 : i32
    %add3A_22 = arith.addi %mul3A_20, %add3A_21 : i32
    "tpu.region"() ({
      %run_scoped3A = tpu.sem_alloc : memref<!tpu.dma_semaphore, #tpu.memory_space<semaphore_mem>>
      %dma_start3A = arith.constant 0 : i32
      %dma_start3A_95 = tpu.memref_slice %arg13[%add3A_22, %dma_start3A] : memref<10240x128xf32, #tpu.memory_space<vmem_shared>> -> memref<128x128xf32, #tpu.memory_space<vmem_shared>>
      %dma_start3A_96 = arith.constant 0 : i32
      %dma_start3A_97 = tpu.memref_slice %arg13[%add3A_22, %dma_start3A_96] : memref<10240x128xf32, #tpu.memory_space<vmem_shared>> -> memref<128x128xf32, #tpu.memory_space<vmem_shared>>
      tpu.enqueue_dma source(%arg9 : memref<128x128xf32, #tpu.memory_space<vmem>>) target(%dma_start3A_97 : memref<128x128xf32, #tpu.memory_space<vmem_shared>>) target_semaphore(%run_scoped3A : memref<!tpu.dma_semaphore, #tpu.memory_space<semaphore_mem>>)
      %dma_wait3A = arith.constant 0 : i32
      %dma_wait3A_98 = tpu.memref_slice %arg13[%add3A_22, %dma_wait3A] : memref<10240x128xf32, #tpu.memory_space<vmem_shared>> -> memref<128x128xf32, #tpu.memory_space<vmem_shared>>
      %dma_wait3A_99 = arith.constant 0 : i32
      %dma_wait3A_100 = tpu.memref_slice %arg13[%add3A_22, %dma_wait3A_99] : memref<10240x128xf32, #tpu.memory_space<vmem_shared>> -> memref<128x128xf32, #tpu.memory_space<vmem_shared>>
      tpu.wait_dma2 semaphore(%run_scoped3A : memref<!tpu.dma_semaphore, #tpu.memory_space<semaphore_mem>>) src(%arg9 : memref<128x128xf32, #tpu.memory_space<vmem>>) dst(%dma_wait3A_100 : memref<128x128xf32, #tpu.memory_space<vmem_shared>>)
      tpu.yield
    }) : () -> ()
    %mul3A_23 = arith.constant 640 : i32
    %mul3A_24 = arith.muli %arg1, %mul3A_23 : i32
    %add3A_25 = arith.constant 256 : i32
    %add3A_26 = arith.addi %mul3A_24, %add3A_25 : i32
    "tpu.region"() ({
      %run_scoped3A = tpu.sem_alloc : memref<!tpu.dma_semaphore, #tpu.memory_space<semaphore_mem>>
      %dma_start3A = arith.constant 0 : i32
      %dma_start3A_95 = tpu.memref_slice %arg13[%add3A_26, %dma_start3A] : memref<10240x128xf32, #tpu.memory_space<vmem_shared>> -> memref<128x128xf32, #tpu.memory_space<vmem_shared>>
      %dma_start3A_96 = arith.constant 0 : i32
      %dma_start3A_97 = tpu.memref_slice %arg13[%add3A_26, %dma_start3A_96] : memref<10240x128xf32, #tpu.memory_space<vmem_shared>> -> memref<128x128xf32, #tpu.memory_space<vmem_shared>>
      tpu.enqueue_dma source(%arg9 : memref<128x128xf32, #tpu.memory_space<vmem>>) target(%dma_start3A_97 : memref<128x128xf32, #tpu.memory_space<vmem_shared>>) target_semaphore(%run_scoped3A : memref<!tpu.dma_semaphore, #tpu.memory_space<semaphore_mem>>)
      %dma_wait3A = arith.constant 0 : i32
      %dma_wait3A_98 = tpu.memref_slice %arg13[%add3A_26, %dma_wait3A] : memref<10240x128xf32, #tpu.memory_space<vmem_shared>> -> memref<128x128xf32, #tpu.memory_space<vmem_shared>>
      %dma_wait3A_99 = arith.constant 0 : i32
      %dma_wait3A_100 = tpu.memref_slice %arg13[%add3A_26, %dma_wait3A_99] : memref<10240x128xf32, #tpu.memory_space<vmem_shared>> -> memref<128x128xf32, #tpu.memory_space<vmem_shared>>
      tpu.wait_dma2 semaphore(%run_scoped3A : memref<!tpu.dma_semaphore, #tpu.memory_space<semaphore_mem>>) src(%arg9 : memref<128x128xf32, #tpu.memory_space<vmem>>) dst(%dma_wait3A_100 : memref<128x128xf32, #tpu.memory_space<vmem_shared>>)
      tpu.yield
    }) : () -> ()
    %mul3A_27 = arith.constant 640 : i32
    %mul3A_28 = arith.muli %arg1, %mul3A_27 : i32
    %add3A_29 = arith.constant 384 : i32
    %add3A_30 = arith.addi %mul3A_28, %add3A_29 : i32
    "tpu.region"() ({
      %run_scoped3A = tpu.sem_alloc : memref<!tpu.dma_semaphore, #tpu.memory_space<semaphore_mem>>
      %dma_start3A = arith.constant 0 : i32
      %dma_start3A_95 = tpu.memref_slice %arg13[%add3A_30, %dma_start3A] : memref<10240x128xf32, #tpu.memory_space<vmem_shared>> -> memref<128x128xf32, #tpu.memory_space<vmem_shared>>
      %dma_start3A_96 = arith.constant 0 : i32
      %dma_start3A_97 = tpu.memref_slice %arg13[%add3A_30, %dma_start3A_96] : memref<10240x128xf32, #tpu.memory_space<vmem_shared>> -> memref<128x128xf32, #tpu.memory_space<vmem_shared>>
      tpu.enqueue_dma source(%arg9 : memref<128x128xf32, #tpu.memory_space<vmem>>) target(%dma_start3A_97 : memref<128x128xf32, #tpu.memory_space<vmem_shared>>) target_semaphore(%run_scoped3A : memref<!tpu.dma_semaphore, #tpu.memory_space<semaphore_mem>>)
      %dma_wait3A = arith.constant 0 : i32
      %dma_wait3A_98 = tpu.memref_slice %arg13[%add3A_30, %dma_wait3A] : memref<10240x128xf32, #tpu.memory_space<vmem_shared>> -> memref<128x128xf32, #tpu.memory_space<vmem_shared>>
      %dma_wait3A_99 = arith.constant 0 : i32
      %dma_wait3A_100 = tpu.memref_slice %arg13[%add3A_30, %dma_wait3A_99] : memref<10240x128xf32, #tpu.memory_space<vmem_shared>> -> memref<128x128xf32, #tpu.memory_space<vmem_shared>>
      tpu.wait_dma2 semaphore(%run_scoped3A : memref<!tpu.dma_semaphore, #tpu.memory_space<semaphore_mem>>) src(%arg9 : memref<128x128xf32, #tpu.memory_space<vmem>>) dst(%dma_wait3A_100 : memref<128x128xf32, #tpu.memory_space<vmem_shared>>)
      tpu.yield
    }) : () -> ()
    %mul3A_31 = arith.constant 640 : i32
    %mul3A_32 = arith.muli %arg1, %mul3A_31 : i32
    %add3A_33 = arith.constant 512 : i32
    %add3A_34 = arith.addi %mul3A_32, %add3A_33 : i32
    "tpu.region"() ({
      %run_scoped3A = tpu.sem_alloc : memref<!tpu.dma_semaphore, #tpu.memory_space<semaphore_mem>>
      %dma_start3A = arith.constant 0 : i32
      %dma_start3A_95 = tpu.memref_slice %arg13[%add3A_34, %dma_start3A] : memref<10240x128xf32, #tpu.memory_space<vmem_shared>> -> memref<128x128xf32, #tpu.memory_space<vmem_shared>>
      %dma_start3A_96 = arith.constant 0 : i32
      %dma_start3A_97 = tpu.memref_slice %arg13[%add3A_34, %dma_start3A_96] : memref<10240x128xf32, #tpu.memory_space<vmem_shared>> -> memref<128x128xf32, #tpu.memory_space<vmem_shared>>
      tpu.enqueue_dma source(%arg9 : memref<128x128xf32, #tpu.memory_space<vmem>>) target(%dma_start3A_97 : memref<128x128xf32, #tpu.memory_space<vmem_shared>>) target_semaphore(%run_scoped3A : memref<!tpu.dma_semaphore, #tpu.memory_space<semaphore_mem>>)
      %dma_wait3A = arith.constant 0 : i32
      %dma_wait3A_98 = tpu.memref_slice %arg13[%add3A_34, %dma_wait3A] : memref<10240x128xf32, #tpu.memory_space<vmem_shared>> -> memref<128x128xf32, #tpu.memory_space<vmem_shared>>
      %dma_wait3A_99 = arith.constant 0 : i32
      %dma_wait3A_100 = tpu.memref_slice %arg13[%add3A_34, %dma_wait3A_99] : memref<10240x128xf32, #tpu.memory_space<vmem_shared>> -> memref<128x128xf32, #tpu.memory_space<vmem_shared>>
      tpu.wait_dma2 semaphore(%run_scoped3A : memref<!tpu.dma_semaphore, #tpu.memory_space<semaphore_mem>>) src(%arg9 : memref<128x128xf32, #tpu.memory_space<vmem>>) dst(%dma_wait3A_100 : memref<128x128xf32, #tpu.memory_space<vmem_shared>>)
      tpu.yield
    }) : () -> ()
    %barrier3A = arith.constant 0 : index
    tpu.barrier barrier_id(%barrier3A)
    %jit3A_35 = arith.constant 8 : i32
    %div3A = arith.divsi %select_n3A_8, %jit3A_35 : i32
    %sign3A = arith.constant 0 : i32
    %sign3A_36 = arith.cmpi sgt, %select_n3A_8, %sign3A : i32
    %sign3A_37 = arith.extui %sign3A_36 : i1 to i32
    %sign3A_38 = arith.constant 0 : i32
    %sign3A_39 = arith.cmpi slt, %select_n3A_8, %sign3A_38 : i32
    %sign3A_40 = arith.extui %sign3A_39 : i1 to i32
    %sign3A_41 = arith.subi %sign3A_37, %sign3A_40 : i32
    %sign3A_42 = arith.constant 0 : i32
    %sign3A_43 = arith.cmpi sgt, %jit3A_35, %sign3A_42 : i32
    %sign3A_44 = arith.extui %sign3A_43 : i1 to i32
    %sign3A_45 = arith.constant 0 : i32
    %sign3A_46 = arith.cmpi slt, %jit3A_35, %sign3A_45 : i32
    %sign3A_47 = arith.extui %sign3A_46 : i1 to i32
    %sign3A_48 = arith.subi %sign3A_44, %sign3A_47 : i32
    %ne3A = arith.cmpi ne, %sign3A_41, %sign3A_48 : i32
    %rem3A = arith.remsi %select_n3A_8, %jit3A_35 : i32
    %ne3A_49 = arith.constant 0 : i32
    %ne3A_50 = arith.cmpi ne, %rem3A, %ne3A_49 : i32
    %and3A = arith.andi %ne3A, %ne3A_50 : i1
    %sub3A = arith.constant 1 : i32
    %sub3A_51 = arith.subi %div3A, %sub3A : i32
    %select_n3A_52 = arith.select %and3A, %sub3A_51, %div3A : i32
    %while3A = arith.constant 0 : i32
    %while3A_53 = arith.constant 0 : i32
    %while3A_54 = arith.subi %select_n3A_52, %while3A_53 : i32
    %while3A_55 = arith.addi %while3A_53, %while3A_54 : i32
    %while3A_56 = arith.constant 1 : i32
    %while3A_57 = arith.divsi %while3A_54, %while3A_56 : i32
    %while3A_58 = arith.muli %while3A_57, %while3A_56 : i32
    %while3A_59 = arith.addi %while3A_53, %while3A_58 : i32
    %while3A_60 = arith.constant 1 : i32
    scf.for %while3A_95 = %while3A_53 to %while3A_59 step %while3A_60  : i32 {
      %mul3A_96 = arith.constant 8 : i32
      %mul3A_97 = arith.muli %while3A_95, %mul3A_96 : i32
      %add3A_98 = arith.addi %select_n3A, %mul3A_97 : i32
      "tpu.region"() ({
        %run_scoped3A_219 = tpu.sem_alloc : memref<!tpu.dma_semaphore, #tpu.memory_space<semaphore_mem>>
        %dma_start3A_220 = arith.constant 0 : i32
        %dma_start3A_221 = tpu.memref_slice %arg3[%add3A_98, %dma_start3A_220] : memref<2560x128xi32, #tpu.memory_space<hbm>> -> memref<8x128xi32, #tpu.memory_space<hbm>>
        %dma_start3A_222 = arith.constant 0 : i32
        %dma_start3A_223 = tpu.memref_slice %arg3[%add3A_98, %dma_start3A_222] : memref<2560x128xi32, #tpu.memory_space<hbm>> -> memref<8x128xi32, #tpu.memory_space<hbm>>
        tpu.enqueue_dma source(%dma_start3A_223 : memref<8x128xi32, #tpu.memory_space<hbm>>) target(%arg7 : memref<8x128xi32, #tpu.memory_space<vmem>>) target_semaphore(%run_scoped3A_219 : memref<!tpu.dma_semaphore, #tpu.memory_space<semaphore_mem>>)
        %dma_wait3A_224 = arith.constant 0 : i32
        %dma_wait3A_225 = tpu.memref_slice %arg3[%add3A_98, %dma_wait3A_224] : memref<2560x128xi32, #tpu.memory_space<hbm>> -> memref<8x128xi32, #tpu.memory_space<hbm>>
        %dma_wait3A_226 = arith.constant 0 : i32
        %dma_wait3A_227 = tpu.memref_slice %arg3[%add3A_98, %dma_wait3A_226] : memref<2560x128xi32, #tpu.memory_space<hbm>> -> memref<8x128xi32, #tpu.memory_space<hbm>>
        tpu.wait_dma2 semaphore(%run_scoped3A_219 : memref<!tpu.dma_semaphore, #tpu.memory_space<semaphore_mem>>) src(%dma_wait3A_227 : memref<8x128xi32, #tpu.memory_space<hbm>>) dst(%arg7 : memref<8x128xi32, #tpu.memory_space<vmem>>)
        tpu.yield
      }) : () -> ()
      %mul3A_99 = arith.constant 8 : i32
      %mul3A_100 = arith.muli %while3A_95, %mul3A_99 : i32
      %add3A_101 = arith.addi %select_n3A, %mul3A_100 : i32
      "tpu.region"() ({
        %run_scoped3A_219 = tpu.sem_alloc : memref<!tpu.dma_semaphore, #tpu.memory_space<semaphore_mem>>
        %dma_start3A_220 = arith.constant 0 : i32
        %dma_start3A_221 = tpu.memref_slice %arg4[%add3A_101, %dma_start3A_220] : memref<2560x128xi32, #tpu.memory_space<hbm>> -> memref<8x128xi32, #tpu.memory_space<hbm>>
        %dma_start3A_222 = arith.constant 0 : i32
        %dma_start3A_223 = tpu.memref_slice %arg4[%add3A_101, %dma_start3A_222] : memref<2560x128xi32, #tpu.memory_space<hbm>> -> memref<8x128xi32, #tpu.memory_space<hbm>>
        tpu.enqueue_dma source(%dma_start3A_223 : memref<8x128xi32, #tpu.memory_space<hbm>>) target(%arg8 : memref<8x128xi32, #tpu.memory_space<vmem>>) target_semaphore(%run_scoped3A_219 : memref<!tpu.dma_semaphore, #tpu.memory_space<semaphore_mem>>)
        %dma_wait3A_224 = arith.constant 0 : i32
        %dma_wait3A_225 = tpu.memref_slice %arg4[%add3A_101, %dma_wait3A_224] : memref<2560x128xi32, #tpu.memory_space<hbm>> -> memref<8x128xi32, #tpu.memory_space<hbm>>
        %dma_wait3A_226 = arith.constant 0 : i32
        %dma_wait3A_227 = tpu.memref_slice %arg4[%add3A_101, %dma_wait3A_226] : memref<2560x128xi32, #tpu.memory_space<hbm>> -> memref<8x128xi32, #tpu.memory_space<hbm>>
        tpu.wait_dma2 semaphore(%run_scoped3A_219 : memref<!tpu.dma_semaphore, #tpu.memory_space<semaphore_mem>>) src(%dma_wait3A_227 : memref<8x128xi32, #tpu.memory_space<hbm>>) dst(%arg8 : memref<8x128xi32, #tpu.memory_space<vmem>>)
        tpu.yield
      }) : () -> ()
      %dma_start3A = arith.constant 0 : i32
      %dma_start3A_102 = arith.constant 0 : i32
      %dma_start3A_103 = tpu.memref_slice %arg7[%dma_start3A, %dma_start3A_102] : memref<8x128xi32, #tpu.memory_space<vmem>> -> memref<1x128xi32, #tpu.memory_space<vmem>>
      %dma_start3A_104 = tpu.memref_squeeze %dma_start3A_103 : memref<1x128xi32, #tpu.memory_space<vmem>> -> memref<128xi32, #tpu.memory_space<vmem>>
      %dma_start3A_105 = arith.constant 0 : i32
      %dma_start3A_106 = arith.constant 0 : i32
      %dma_start3A_107 = tpu.memref_slice %arg2[%dma_start3A_105, %dma_start3A_106] : memref<10240x128xf32, #tpu.memory_space<hbm>> -> memref<10240x128xf32, #tpu.memory_space<hbm>>
      tpu.enqueue_indirect_dma source(%dma_start3A_107 : memref<10240x128xf32, #tpu.memory_space<hbm>>) target(%arg9 : memref<128x128xf32, #tpu.memory_space<vmem>>) offsets(%dma_start3A_104 : memref<128xi32, #tpu.memory_space<vmem>>) semaphore(%arg11 : memref<!tpu.dma_semaphore, #tpu.memory_space<semaphore_mem>>)
      %dma_start3A_108 = arith.constant 1 : i32
      %dma_start3A_109 = arith.constant 0 : i32
      %dma_start3A_110 = tpu.memref_slice %arg7[%dma_start3A_108, %dma_start3A_109] : memref<8x128xi32, #tpu.memory_space<vmem>> -> memref<1x128xi32, #tpu.memory_space<vmem>>
      %dma_start3A_111 = tpu.memref_squeeze %dma_start3A_110 : memref<1x128xi32, #tpu.memory_space<vmem>> -> memref<128xi32, #tpu.memory_space<vmem>>
      %dma_start3A_112 = arith.constant 0 : i32
      %dma_start3A_113 = arith.constant 0 : i32
      %dma_start3A_114 = tpu.memref_slice %arg2[%dma_start3A_112, %dma_start3A_113] : memref<10240x128xf32, #tpu.memory_space<hbm>> -> memref<10240x128xf32, #tpu.memory_space<hbm>>
      tpu.enqueue_indirect_dma source(%dma_start3A_114 : memref<10240x128xf32, #tpu.memory_space<hbm>>) target(%arg10 : memref<128x128xf32, #tpu.memory_space<vmem>>) offsets(%dma_start3A_111 : memref<128xi32, #tpu.memory_space<vmem>>) semaphore(%arg12 : memref<!tpu.dma_semaphore, #tpu.memory_space<semaphore_mem>>)
      %dma_wait3A = arith.constant 0 : i32
      %dma_wait3A_115 = arith.constant 0 : i32
      %dma_wait3A_116 = tpu.memref_slice %arg7[%dma_wait3A, %dma_wait3A_115] : memref<8x128xi32, #tpu.memory_space<vmem>> -> memref<1x128xi32, #tpu.memory_space<vmem>>
      %dma_wait3A_117 = tpu.memref_squeeze %dma_wait3A_116 : memref<1x128xi32, #tpu.memory_space<vmem>> -> memref<128xi32, #tpu.memory_space<vmem>>
      %dma_wait3A_118 = arith.constant 0 : i32
      %dma_wait3A_119 = arith.constant 0 : i32
      %dma_wait3A_120 = tpu.memref_slice %arg2[%dma_wait3A_118, %dma_wait3A_119] : memref<10240x128xf32, #tpu.memory_space<hbm>> -> memref<10240x128xf32, #tpu.memory_space<hbm>>
      tpu.wait_indirect_dma semaphore(%arg11 : memref<!tpu.dma_semaphore, #tpu.memory_space<semaphore_mem>>) src(%dma_wait3A_120 : memref<10240x128xf32, #tpu.memory_space<hbm>>) dst(%arg9 : memref<128x128xf32, #tpu.memory_space<vmem>>)
      %run_scoped3A = arith.constant 0 : i32
      "tpu.region"() ({
        %run_scoped3A_219 = tpu.sem_alloc : memref<!tpu.dma_semaphore, #tpu.memory_space<semaphore_mem>>
        %dma_start3A_220 = arith.constant 0 : i32
        %dma_start3A_221 = tpu.memref_slice %arg8[%run_scoped3A, %dma_start3A_220] : memref<8x128xi32, #tpu.memory_space<vmem>> -> memref<1x128xi32, #tpu.memory_space<vmem>>
        %dma_start3A_222 = tpu.memref_squeeze %dma_start3A_221 : memref<1x128xi32, #tpu.memory_space<vmem>> -> memref<128xi32, #tpu.memory_space<vmem>>
        %dma_start3A_223 = arith.constant 0 : i32
        %dma_start3A_224 = arith.constant 0 : i32
        %dma_start3A_225 = tpu.memref_slice %arg13[%dma_start3A_223, %dma_start3A_224] : memref<10240x128xf32, #tpu.memory_space<vmem_shared>> -> memref<10240x128xf32, #tpu.memory_space<vmem_shared>>
        tpu.enqueue_indirect_dma source(%arg9 : memref<128x128xf32, #tpu.memory_space<vmem>>) target(%dma_start3A_225 : memref<10240x128xf32, #tpu.memory_space<vmem_shared>>) offsets(%dma_start3A_222 : memref<128xi32, #tpu.memory_space<vmem>>) semaphore(%run_scoped3A_219 : memref<!tpu.dma_semaphore, #tpu.memory_space<semaphore_mem>>) {add = true}
        %dma_wait3A_226 = arith.constant 0 : i32
        %dma_wait3A_227 = tpu.memref_slice %arg8[%run_scoped3A, %dma_wait3A_226] : memref<8x128xi32, #tpu.memory_space<vmem>> -> memref<1x128xi32, #tpu.memory_space<vmem>>
        %dma_wait3A_228 = tpu.memref_squeeze %dma_wait3A_227 : memref<1x128xi32, #tpu.memory_space<vmem>> -> memref<128xi32, #tpu.memory_space<vmem>>
        %dma_wait3A_229 = arith.constant 0 : i32
        %dma_wait3A_230 = arith.constant 0 : i32
        %dma_wait3A_231 = tpu.memref_slice %arg13[%dma_wait3A_229, %dma_wait3A_230] : memref<10240x128xf32, #tpu.memory_space<vmem_shared>> -> memref<10240x128xf32, #tpu.memory_space<vmem_shared>>
        tpu.wait_indirect_dma semaphore(%run_scoped3A_219 : memref<!tpu.dma_semaphore, #tpu.memory_space<semaphore_mem>>) src(%arg9 : memref<128x128xf32, #tpu.memory_space<vmem>>) dst(%dma_wait3A_231 : memref<10240x128xf32, #tpu.memory_space<vmem_shared>>)
        tpu.yield
      }) : () -> ()
      %dma_start3A_121 = arith.constant 2 : i32
      %dma_start3A_122 = arith.constant 0 : i32
      %dma_start3A_123 = tpu.memref_slice %arg7[%dma_start3A_121, %dma_start3A_122] : memref<8x128xi32, #tpu.memory_space<vmem>> -> memref<1x128xi32, #tpu.memory_space<vmem>>
      %dma_start3A_124 = tpu.memref_squeeze %dma_start3A_123 : memref<1x128xi32, #tpu.memory_space<vmem>> -> memref<128xi32, #tpu.memory_space<vmem>>
      %dma_start3A_125 = arith.constant 0 : i32
      %dma_start3A_126 = arith.constant 0 : i32
      %dma_start3A_127 = tpu.memref_slice %arg2[%dma_start3A_125, %dma_start3A_126] : memref<10240x128xf32, #tpu.memory_space<hbm>> -> memref<10240x128xf32, #tpu.memory_space<hbm>>
      tpu.enqueue_indirect_dma source(%dma_start3A_127 : memref<10240x128xf32, #tpu.memory_space<hbm>>) target(%arg9 : memref<128x128xf32, #tpu.memory_space<vmem>>) offsets(%dma_start3A_124 : memref<128xi32, #tpu.memory_space<vmem>>) semaphore(%arg11 : memref<!tpu.dma_semaphore, #tpu.memory_space<semaphore_mem>>)
      %dma_wait3A_128 = arith.constant 1 : i32
      %dma_wait3A_129 = arith.constant 0 : i32
      %dma_wait3A_130 = tpu.memref_slice %arg7[%dma_wait3A_128, %dma_wait3A_129] : memref<8x128xi32, #tpu.memory_space<vmem>> -> memref<1x128xi32, #tpu.memory_space<vmem>>
      %dma_wait3A_131 = tpu.memref_squeeze %dma_wait3A_130 : memref<1x128xi32, #tpu.memory_space<vmem>> -> memref<128xi32, #tpu.memory_space<vmem>>
      %dma_wait3A_132 = arith.constant 0 : i32
      %dma_wait3A_133 = arith.constant 0 : i32
      %dma_wait3A_134 = tpu.memref_slice %arg2[%dma_wait3A_132, %dma_wait3A_133] : memref<10240x128xf32, #tpu.memory_space<hbm>> -> memref<10240x128xf32, #tpu.memory_space<hbm>>
      tpu.wait_indirect_dma semaphore(%arg12 : memref<!tpu.dma_semaphore, #tpu.memory_space<semaphore_mem>>) src(%dma_wait3A_134 : memref<10240x128xf32, #tpu.memory_space<hbm>>) dst(%arg10 : memref<128x128xf32, #tpu.memory_space<vmem>>)
      %run_scoped3A_135 = arith.constant 1 : i32
      "tpu.region"() ({
        %run_scoped3A_219 = tpu.sem_alloc : memref<!tpu.dma_semaphore, #tpu.memory_space<semaphore_mem>>
        %dma_start3A_220 = arith.constant 0 : i32
        %dma_start3A_221 = tpu.memref_slice %arg8[%run_scoped3A_135, %dma_start3A_220] : memref<8x128xi32, #tpu.memory_space<vmem>> -> memref<1x128xi32, #tpu.memory_space<vmem>>
        %dma_start3A_222 = tpu.memref_squeeze %dma_start3A_221 : memref<1x128xi32, #tpu.memory_space<vmem>> -> memref<128xi32, #tpu.memory_space<vmem>>
        %dma_start3A_223 = arith.constant 0 : i32
        %dma_start3A_224 = arith.constant 0 : i32
        %dma_start3A_225 = tpu.memref_slice %arg13[%dma_start3A_223, %dma_start3A_224] : memref<10240x128xf32, #tpu.memory_space<vmem_shared>> -> memref<10240x128xf32, #tpu.memory_space<vmem_shared>>
        tpu.enqueue_indirect_dma source(%arg10 : memref<128x128xf32, #tpu.memory_space<vmem>>) target(%dma_start3A_225 : memref<10240x128xf32, #tpu.memory_space<vmem_shared>>) offsets(%dma_start3A_222 : memref<128xi32, #tpu.memory_space<vmem>>) semaphore(%run_scoped3A_219 : memref<!tpu.dma_semaphore, #tpu.memory_space<semaphore_mem>>) {add = true}
        %dma_wait3A_226 = arith.constant 0 : i32
        %dma_wait3A_227 = tpu.memref_slice %arg8[%run_scoped3A_135, %dma_wait3A_226] : memref<8x128xi32, #tpu.memory_space<vmem>> -> memref<1x128xi32, #tpu.memory_space<vmem>>
        %dma_wait3A_228 = tpu.memref_squeeze %dma_wait3A_227 : memref<1x128xi32, #tpu.memory_space<vmem>> -> memref<128xi32, #tpu.memory_space<vmem>>
        %dma_wait3A_229 = arith.constant 0 : i32
        %dma_wait3A_230 = arith.constant 0 : i32
        %dma_wait3A_231 = tpu.memref_slice %arg13[%dma_wait3A_229, %dma_wait3A_230] : memref<10240x128xf32, #tpu.memory_space<vmem_shared>> -> memref<10240x128xf32, #tpu.memory_space<vmem_shared>>
        tpu.wait_indirect_dma semaphore(%run_scoped3A_219 : memref<!tpu.dma_semaphore, #tpu.memory_space<semaphore_mem>>) src(%arg10 : memref<128x128xf32, #tpu.memory_space<vmem>>) dst(%dma_wait3A_231 : memref<10240x128xf32, #tpu.memory_space<vmem_shared>>)
        tpu.yield
      }) : () -> ()
      %dma_start3A_136 = arith.constant 3 : i32
      %dma_start3A_137 = arith.constant 0 : i32
      %dma_start3A_138 = tpu.memref_slice %arg7[%dma_start3A_136, %dma_start3A_137] : memref<8x128xi32, #tpu.memory_space<vmem>> -> memref<1x128xi32, #tpu.memory_space<vmem>>
      %dma_start3A_139 = tpu.memref_squeeze %dma_start3A_138 : memref<1x128xi32, #tpu.memory_space<vmem>> -> memref<128xi32, #tpu.memory_space<vmem>>
      %dma_start3A_140 = arith.constant 0 : i32
      %dma_start3A_141 = arith.constant 0 : i32
      %dma_start3A_142 = tpu.memref_slice %arg2[%dma_start3A_140, %dma_start3A_141] : memref<10240x128xf32, #tpu.memory_space<hbm>> -> memref<10240x128xf32, #tpu.memory_space<hbm>>
      tpu.enqueue_indirect_dma source(%dma_start3A_142 : memref<10240x128xf32, #tpu.memory_space<hbm>>) target(%arg10 : memref<128x128xf32, #tpu.memory_space<vmem>>) offsets(%dma_start3A_139 : memref<128xi32, #tpu.memory_space<vmem>>) semaphore(%arg12 : memref<!tpu.dma_semaphore, #tpu.memory_space<semaphore_mem>>)
      %dma_wait3A_143 = arith.constant 2 : i32
      %dma_wait3A_144 = arith.constant 0 : i32
      %dma_wait3A_145 = tpu.memref_slice %arg7[%dma_wait3A_143, %dma_wait3A_144] : memref<8x128xi32, #tpu.memory_space<vmem>> -> memref<1x128xi32, #tpu.memory_space<vmem>>
      %dma_wait3A_146 = tpu.memref_squeeze %dma_wait3A_145 : memref<1x128xi32, #tpu.memory_space<vmem>> -> memref<128xi32, #tpu.memory_space<vmem>>
      %dma_wait3A_147 = arith.constant 0 : i32
      %dma_wait3A_148 = arith.constant 0 : i32
      %dma_wait3A_149 = tpu.memref_slice %arg2[%dma_wait3A_147, %dma_wait3A_148] : memref<10240x128xf32, #tpu.memory_space<hbm>> -> memref<10240x128xf32, #tpu.memory_space<hbm>>
      tpu.wait_indirect_dma semaphore(%arg11 : memref<!tpu.dma_semaphore, #tpu.memory_space<semaphore_mem>>) src(%dma_wait3A_149 : memref<10240x128xf32, #tpu.memory_space<hbm>>) dst(%arg9 : memref<128x128xf32, #tpu.memory_space<vmem>>)
      %run_scoped3A_150 = arith.constant 2 : i32
      "tpu.region"() ({
        %run_scoped3A_219 = tpu.sem_alloc : memref<!tpu.dma_semaphore, #tpu.memory_space<semaphore_mem>>
        %dma_start3A_220 = arith.constant 0 : i32
        %dma_start3A_221 = tpu.memref_slice %arg8[%run_scoped3A_150, %dma_start3A_220] : memref<8x128xi32, #tpu.memory_space<vmem>> -> memref<1x128xi32, #tpu.memory_space<vmem>>
        %dma_start3A_222 = tpu.memref_squeeze %dma_start3A_221 : memref<1x128xi32, #tpu.memory_space<vmem>> -> memref<128xi32, #tpu.memory_space<vmem>>
        %dma_start3A_223 = arith.constant 0 : i32
        %dma_start3A_224 = arith.constant 0 : i32
        %dma_start3A_225 = tpu.memref_slice %arg13[%dma_start3A_223, %dma_start3A_224] : memref<10240x128xf32, #tpu.memory_space<vmem_shared>> -> memref<10240x128xf32, #tpu.memory_space<vmem_shared>>
        tpu.enqueue_indirect_dma source(%arg9 : memref<128x128xf32, #tpu.memory_space<vmem>>) target(%dma_start3A_225 : memref<10240x128xf32, #tpu.memory_space<vmem_shared>>) offsets(%dma_start3A_222 : memref<128xi32, #tpu.memory_space<vmem>>) semaphore(%run_scoped3A_219 : memref<!tpu.dma_semaphore, #tpu.memory_space<semaphore_mem>>) {add = true}
        %dma_wait3A_226 = arith.constant 0 : i32
        %dma_wait3A_227 = tpu.memref_slice %arg8[%run_scoped3A_150, %dma_wait3A_226] : memref<8x128xi32, #tpu.memory_space<vmem>> -> memref<1x128xi32, #tpu.memory_space<vmem>>
        %dma_wait3A_228 = tpu.memref_squeeze %dma_wait3A_227 : memref<1x128xi32, #tpu.memory_space<vmem>> -> memref<128xi32, #tpu.memory_space<vmem>>
        %dma_wait3A_229 = arith.constant 0 : i32
        %dma_wait3A_230 = arith.constant 0 : i32
        %dma_wait3A_231 = tpu.memref_slice %arg13[%dma_wait3A_229, %dma_wait3A_230] : memref<10240x128xf32, #tpu.memory_space<vmem_shared>> -> memref<10240x128xf32, #tpu.memory_space<vmem_shared>>
        tpu.wait_indirect_dma semaphore(%run_scoped3A_219 : memref<!tpu.dma_semaphore, #tpu.memory_space<semaphore_mem>>) src(%arg9 : memref<128x128xf32, #tpu.memory_space<vmem>>) dst(%dma_wait3A_231 : memref<10240x128xf32, #tpu.memory_space<vmem_shared>>)
        tpu.yield
      }) : () -> ()
      %dma_start3A_151 = arith.constant 4 : i32
      %dma_start3A_152 = arith.constant 0 : i32
      %dma_start3A_153 = tpu.memref_slice %arg7[%dma_start3A_151, %dma_start3A_152] : memref<8x128xi32, #tpu.memory_space<vmem>> -> memref<1x128xi32, #tpu.memory_space<vmem>>
      %dma_start3A_154 = tpu.memref_squeeze %dma_start3A_153 : memref<1x128xi32, #tpu.memory_space<vmem>> -> memref<128xi32, #tpu.memory_space<vmem>>
      %dma_start3A_155 = arith.constant 0 : i32
      %dma_start3A_156 = arith.constant 0 : i32
      %dma_start3A_157 = tpu.memref_slice %arg2[%dma_start3A_155, %dma_start3A_156] : memref<10240x128xf32, #tpu.memory_space<hbm>> -> memref<10240x128xf32, #tpu.memory_space<hbm>>
      tpu.enqueue_indirect_dma source(%dma_start3A_157 : memref<10240x128xf32, #tpu.memory_space<hbm>>) target(%arg9 : memref<128x128xf32, #tpu.memory_space<vmem>>) offsets(%dma_start3A_154 : memref<128xi32, #tpu.memory_space<vmem>>) semaphore(%arg11 : memref<!tpu.dma_semaphore, #tpu.memory_space<semaphore_mem>>)
      %dma_wait3A_158 = arith.constant 3 : i32
      %dma_wait3A_159 = arith.constant 0 : i32
      %dma_wait3A_160 = tpu.memref_slice %arg7[%dma_wait3A_158, %dma_wait3A_159] : memref<8x128xi32, #tpu.memory_space<vmem>> -> memref<1x128xi32, #tpu.memory_space<vmem>>
      %dma_wait3A_161 = tpu.memref_squeeze %dma_wait3A_160 : memref<1x128xi32, #tpu.memory_space<vmem>> -> memref<128xi32, #tpu.memory_space<vmem>>
      %dma_wait3A_162 = arith.constant 0 : i32
      %dma_wait3A_163 = arith.constant 0 : i32
      %dma_wait3A_164 = tpu.memref_slice %arg2[%dma_wait3A_162, %dma_wait3A_163] : memref<10240x128xf32, #tpu.memory_space<hbm>> -> memref<10240x128xf32, #tpu.memory_space<hbm>>
      tpu.wait_indirect_dma semaphore(%arg12 : memref<!tpu.dma_semaphore, #tpu.memory_space<semaphore_mem>>) src(%dma_wait3A_164 : memref<10240x128xf32, #tpu.memory_space<hbm>>) dst(%arg10 : memref<128x128xf32, #tpu.memory_space<vmem>>)
      %run_scoped3A_165 = arith.constant 3 : i32
      "tpu.region"() ({
        %run_scoped3A_219 = tpu.sem_alloc : memref<!tpu.dma_semaphore, #tpu.memory_space<semaphore_mem>>
        %dma_start3A_220 = arith.constant 0 : i32
        %dma_start3A_221 = tpu.memref_slice %arg8[%run_scoped3A_165, %dma_start3A_220] : memref<8x128xi32, #tpu.memory_space<vmem>> -> memref<1x128xi32, #tpu.memory_space<vmem>>
        %dma_start3A_222 = tpu.memref_squeeze %dma_start3A_221 : memref<1x128xi32, #tpu.memory_space<vmem>> -> memref<128xi32, #tpu.memory_space<vmem>>
        %dma_start3A_223 = arith.constant 0 : i32
        %dma_start3A_224 = arith.constant 0 : i32
        %dma_start3A_225 = tpu.memref_slice %arg13[%dma_start3A_223, %dma_start3A_224] : memref<10240x128xf32, #tpu.memory_space<vmem_shared>> -> memref<10240x128xf32, #tpu.memory_space<vmem_shared>>
        tpu.enqueue_indirect_dma source(%arg10 : memref<128x128xf32, #tpu.memory_space<vmem>>) target(%dma_start3A_225 : memref<10240x128xf32, #tpu.memory_space<vmem_shared>>) offsets(%dma_start3A_222 : memref<128xi32, #tpu.memory_space<vmem>>) semaphore(%run_scoped3A_219 : memref<!tpu.dma_semaphore, #tpu.memory_space<semaphore_mem>>) {add = true}
        %dma_wait3A_226 = arith.constant 0 : i32
        %dma_wait3A_227 = tpu.memref_slice %arg8[%run_scoped3A_165, %dma_wait3A_226] : memref<8x128xi32, #tpu.memory_space<vmem>> -> memref<1x128xi32, #tpu.memory_space<vmem>>
        %dma_wait3A_228 = tpu.memref_squeeze %dma_wait3A_227 : memref<1x128xi32, #tpu.memory_space<vmem>> -> memref<128xi32, #tpu.memory_space<vmem>>
        %dma_wait3A_229 = arith.constant 0 : i32
        %dma_wait3A_230 = arith.constant 0 : i32
        %dma_wait3A_231 = tpu.memref_slice %arg13[%dma_wait3A_229, %dma_wait3A_230] : memref<10240x128xf32, #tpu.memory_space<vmem_shared>> -> memref<10240x128xf32, #tpu.memory_space<vmem_shared>>
        tpu.wait_indirect_dma semaphore(%run_scoped3A_219 : memref<!tpu.dma_semaphore, #tpu.memory_space<semaphore_mem>>) src(%arg10 : memref<128x128xf32, #tpu.memory_space<vmem>>) dst(%dma_wait3A_231 : memref<10240x128xf32, #tpu.memory_space<vmem_shared>>)
        tpu.yield
      }) : () -> ()
      %dma_start3A_166 = arith.constant 5 : i32
      %dma_start3A_167 = arith.constant 0 : i32
      %dma_start3A_168 = tpu.memref_slice %arg7[%dma_start3A_166, %dma_start3A_167] : memref<8x128xi32, #tpu.memory_space<vmem>> -> memref<1x128xi32, #tpu.memory_space<vmem>>
      %dma_start3A_169 = tpu.memref_squeeze %dma_start3A_168 : memref<1x128xi32, #tpu.memory_space<vmem>> -> memref<128xi32, #tpu.memory_space<vmem>>
      %dma_start3A_170 = arith.constant 0 : i32
      %dma_start3A_171 = arith.constant 0 : i32
      %dma_start3A_172 = tpu.memref_slice %arg2[%dma_start3A_170, %dma_start3A_171] : memref<10240x128xf32, #tpu.memory_space<hbm>> -> memref<10240x128xf32, #tpu.memory_space<hbm>>
      tpu.enqueue_indirect_dma source(%dma_start3A_172 : memref<10240x128xf32, #tpu.memory_space<hbm>>) target(%arg10 : memref<128x128xf32, #tpu.memory_space<vmem>>) offsets(%dma_start3A_169 : memref<128xi32, #tpu.memory_space<vmem>>) semaphore(%arg12 : memref<!tpu.dma_semaphore, #tpu.memory_space<semaphore_mem>>)
      %dma_wait3A_173 = arith.constant 4 : i32
      %dma_wait3A_174 = arith.constant 0 : i32
      %dma_wait3A_175 = tpu.memref_slice %arg7[%dma_wait3A_173, %dma_wait3A_174] : memref<8x128xi32, #tpu.memory_space<vmem>> -> memref<1x128xi32, #tpu.memory_space<vmem>>
      %dma_wait3A_176 = tpu.memref_squeeze %dma_wait3A_175 : memref<1x128xi32, #tpu.memory_space<vmem>> -> memref<128xi32, #tpu.memory_space<vmem>>
      %dma_wait3A_177 = arith.constant 0 : i32
      %dma_wait3A_178 = arith.constant 0 : i32
      %dma_wait3A_179 = tpu.memref_slice %arg2[%dma_wait3A_177, %dma_wait3A_178] : memref<10240x128xf32, #tpu.memory_space<hbm>> -> memref<10240x128xf32, #tpu.memory_space<hbm>>
      tpu.wait_indirect_dma semaphore(%arg11 : memref<!tpu.dma_semaphore, #tpu.memory_space<semaphore_mem>>) src(%dma_wait3A_179 : memref<10240x128xf32, #tpu.memory_space<hbm>>) dst(%arg9 : memref<128x128xf32, #tpu.memory_space<vmem>>)
      %run_scoped3A_180 = arith.constant 4 : i32
      "tpu.region"() ({
        %run_scoped3A_219 = tpu.sem_alloc : memref<!tpu.dma_semaphore, #tpu.memory_space<semaphore_mem>>
        %dma_start3A_220 = arith.constant 0 : i32
        %dma_start3A_221 = tpu.memref_slice %arg8[%run_scoped3A_180, %dma_start3A_220] : memref<8x128xi32, #tpu.memory_space<vmem>> -> memref<1x128xi32, #tpu.memory_space<vmem>>
        %dma_start3A_222 = tpu.memref_squeeze %dma_start3A_221 : memref<1x128xi32, #tpu.memory_space<vmem>> -> memref<128xi32, #tpu.memory_space<vmem>>
        %dma_start3A_223 = arith.constant 0 : i32
        %dma_start3A_224 = arith.constant 0 : i32
        %dma_start3A_225 = tpu.memref_slice %arg13[%dma_start3A_223, %dma_start3A_224] : memref<10240x128xf32, #tpu.memory_space<vmem_shared>> -> memref<10240x128xf32, #tpu.memory_space<vmem_shared>>
        tpu.enqueue_indirect_dma source(%arg9 : memref<128x128xf32, #tpu.memory_space<vmem>>) target(%dma_start3A_225 : memref<10240x128xf32, #tpu.memory_space<vmem_shared>>) offsets(%dma_start3A_222 : memref<128xi32, #tpu.memory_space<vmem>>) semaphore(%run_scoped3A_219 : memref<!tpu.dma_semaphore, #tpu.memory_space<semaphore_mem>>) {add = true}
        %dma_wait3A_226 = arith.constant 0 : i32
        %dma_wait3A_227 = tpu.memref_slice %arg8[%run_scoped3A_180, %dma_wait3A_226] : memref<8x128xi32, #tpu.memory_space<vmem>> -> memref<1x128xi32, #tpu.memory_space<vmem>>
        %dma_wait3A_228 = tpu.memref_squeeze %dma_wait3A_227 : memref<1x128xi32, #tpu.memory_space<vmem>> -> memref<128xi32, #tpu.memory_space<vmem>>
        %dma_wait3A_229 = arith.constant 0 : i32
        %dma_wait3A_230 = arith.constant 0 : i32
        %dma_wait3A_231 = tpu.memref_slice %arg13[%dma_wait3A_229, %dma_wait3A_230] : memref<10240x128xf32, #tpu.memory_space<vmem_shared>> -> memref<10240x128xf32, #tpu.memory_space<vmem_shared>>
        tpu.wait_indirect_dma semaphore(%run_scoped3A_219 : memref<!tpu.dma_semaphore, #tpu.memory_space<semaphore_mem>>) src(%arg9 : memref<128x128xf32, #tpu.memory_space<vmem>>) dst(%dma_wait3A_231 : memref<10240x128xf32, #tpu.memory_space<vmem_shared>>)
        tpu.yield
      }) : () -> ()
      %dma_start3A_181 = arith.constant 6 : i32
      %dma_start3A_182 = arith.constant 0 : i32
      %dma_start3A_183 = tpu.memref_slice %arg7[%dma_start3A_181, %dma_start3A_182] : memref<8x128xi32, #tpu.memory_space<vmem>> -> memref<1x128xi32, #tpu.memory_space<vmem>>
      %dma_start3A_184 = tpu.memref_squeeze %dma_start3A_183 : memref<1x128xi32, #tpu.memory_space<vmem>> -> memref<128xi32, #tpu.memory_space<vmem>>
      %dma_start3A_185 = arith.constant 0 : i32
      %dma_start3A_186 = arith.constant 0 : i32
      %dma_start3A_187 = tpu.memref_slice %arg2[%dma_start3A_185, %dma_start3A_186] : memref<10240x128xf32, #tpu.memory_space<hbm>> -> memref<10240x128xf32, #tpu.memory_space<hbm>>
      tpu.enqueue_indirect_dma source(%dma_start3A_187 : memref<10240x128xf32, #tpu.memory_space<hbm>>) target(%arg9 : memref<128x128xf32, #tpu.memory_space<vmem>>) offsets(%dma_start3A_184 : memref<128xi32, #tpu.memory_space<vmem>>) semaphore(%arg11 : memref<!tpu.dma_semaphore, #tpu.memory_space<semaphore_mem>>)
      %dma_wait3A_188 = arith.constant 5 : i32
      %dma_wait3A_189 = arith.constant 0 : i32
      %dma_wait3A_190 = tpu.memref_slice %arg7[%dma_wait3A_188, %dma_wait3A_189] : memref<8x128xi32, #tpu.memory_space<vmem>> -> memref<1x128xi32, #tpu.memory_space<vmem>>
      %dma_wait3A_191 = tpu.memref_squeeze %dma_wait3A_190 : memref<1x128xi32, #tpu.memory_space<vmem>> -> memref<128xi32, #tpu.memory_space<vmem>>
      %dma_wait3A_192 = arith.constant 0 : i32
      %dma_wait3A_193 = arith.constant 0 : i32
      %dma_wait3A_194 = tpu.memref_slice %arg2[%dma_wait3A_192, %dma_wait3A_193] : memref<10240x128xf32, #tpu.memory_space<hbm>> -> memref<10240x128xf32, #tpu.memory_space<hbm>>
      tpu.wait_indirect_dma semaphore(%arg12 : memref<!tpu.dma_semaphore, #tpu.memory_space<semaphore_mem>>) src(%dma_wait3A_194 : memref<10240x128xf32, #tpu.memory_space<hbm>>) dst(%arg10 : memref<128x128xf32, #tpu.memory_space<vmem>>)
      %run_scoped3A_195 = arith.constant 5 : i32
      "tpu.region"() ({
        %run_scoped3A_219 = tpu.sem_alloc : memref<!tpu.dma_semaphore, #tpu.memory_space<semaphore_mem>>
        %dma_start3A_220 = arith.constant 0 : i32
        %dma_start3A_221 = tpu.memref_slice %arg8[%run_scoped3A_195, %dma_start3A_220] : memref<8x128xi32, #tpu.memory_space<vmem>> -> memref<1x128xi32, #tpu.memory_space<vmem>>
        %dma_start3A_222 = tpu.memref_squeeze %dma_start3A_221 : memref<1x128xi32, #tpu.memory_space<vmem>> -> memref<128xi32, #tpu.memory_space<vmem>>
        %dma_start3A_223 = arith.constant 0 : i32
        %dma_start3A_224 = arith.constant 0 : i32
        %dma_start3A_225 = tpu.memref_slice %arg13[%dma_start3A_223, %dma_start3A_224] : memref<10240x128xf32, #tpu.memory_space<vmem_shared>> -> memref<10240x128xf32, #tpu.memory_space<vmem_shared>>
        tpu.enqueue_indirect_dma source(%arg10 : memref<128x128xf32, #tpu.memory_space<vmem>>) target(%dma_start3A_225 : memref<10240x128xf32, #tpu.memory_space<vmem_shared>>) offsets(%dma_start3A_222 : memref<128xi32, #tpu.memory_space<vmem>>) semaphore(%run_scoped3A_219 : memref<!tpu.dma_semaphore, #tpu.memory_space<semaphore_mem>>) {add = true}
        %dma_wait3A_226 = arith.constant 0 : i32
        %dma_wait3A_227 = tpu.memref_slice %arg8[%run_scoped3A_195, %dma_wait3A_226] : memref<8x128xi32, #tpu.memory_space<vmem>> -> memref<1x128xi32, #tpu.memory_space<vmem>>
        %dma_wait3A_228 = tpu.memref_squeeze %dma_wait3A_227 : memref<1x128xi32, #tpu.memory_space<vmem>> -> memref<128xi32, #tpu.memory_space<vmem>>
        %dma_wait3A_229 = arith.constant 0 : i32
        %dma_wait3A_230 = arith.constant 0 : i32
        %dma_wait3A_231 = tpu.memref_slice %arg13[%dma_wait3A_229, %dma_wait3A_230] : memref<10240x128xf32, #tpu.memory_space<vmem_shared>> -> memref<10240x128xf32, #tpu.memory_space<vmem_shared>>
        tpu.wait_indirect_dma semaphore(%run_scoped3A_219 : memref<!tpu.dma_semaphore, #tpu.memory_space<semaphore_mem>>) src(%arg10 : memref<128x128xf32, #tpu.memory_space<vmem>>) dst(%dma_wait3A_231 : memref<10240x128xf32, #tpu.memory_space<vmem_shared>>)
        tpu.yield
      }) : () -> ()
      %dma_start3A_196 = arith.constant 7 : i32
      %dma_start3A_197 = arith.constant 0 : i32
      %dma_start3A_198 = tpu.memref_slice %arg7[%dma_start3A_196, %dma_start3A_197] : memref<8x128xi32, #tpu.memory_space<vmem>> -> memref<1x128xi32, #tpu.memory_space<vmem>>
      %dma_start3A_199 = tpu.memref_squeeze %dma_start3A_198 : memref<1x128xi32, #tpu.memory_space<vmem>> -> memref<128xi32, #tpu.memory_space<vmem>>
      %dma_start3A_200 = arith.constant 0 : i32
      %dma_start3A_201 = arith.constant 0 : i32
      %dma_start3A_202 = tpu.memref_slice %arg2[%dma_start3A_200, %dma_start3A_201] : memref<10240x128xf32, #tpu.memory_space<hbm>> -> memref<10240x128xf32, #tpu.memory_space<hbm>>
      tpu.enqueue_indirect_dma source(%dma_start3A_202 : memref<10240x128xf32, #tpu.memory_space<hbm>>) target(%arg10 : memref<128x128xf32, #tpu.memory_space<vmem>>) offsets(%dma_start3A_199 : memref<128xi32, #tpu.memory_space<vmem>>) semaphore(%arg12 : memref<!tpu.dma_semaphore, #tpu.memory_space<semaphore_mem>>)
      %dma_wait3A_203 = arith.constant 6 : i32
      %dma_wait3A_204 = arith.constant 0 : i32
      %dma_wait3A_205 = tpu.memref_slice %arg7[%dma_wait3A_203, %dma_wait3A_204] : memref<8x128xi32, #tpu.memory_space<vmem>> -> memref<1x128xi32, #tpu.memory_space<vmem>>
      %dma_wait3A_206 = tpu.memref_squeeze %dma_wait3A_205 : memref<1x128xi32, #tpu.memory_space<vmem>> -> memref<128xi32, #tpu.memory_space<vmem>>
      %dma_wait3A_207 = arith.constant 0 : i32
      %dma_wait3A_208 = arith.constant 0 : i32
      %dma_wait3A_209 = tpu.memref_slice %arg2[%dma_wait3A_207, %dma_wait3A_208] : memref<10240x128xf32, #tpu.memory_space<hbm>> -> memref<10240x128xf32, #tpu.memory_space<hbm>>
      tpu.wait_indirect_dma semaphore(%arg11 : memref<!tpu.dma_semaphore, #tpu.memory_space<semaphore_mem>>) src(%dma_wait3A_209 : memref<10240x128xf32, #tpu.memory_space<hbm>>) dst(%arg9 : memref<128x128xf32, #tpu.memory_space<vmem>>)
      %run_scoped3A_210 = arith.constant 6 : i32
      "tpu.region"() ({
        %run_scoped3A_219 = tpu.sem_alloc : memref<!tpu.dma_semaphore, #tpu.memory_space<semaphore_mem>>
        %dma_start3A_220 = arith.constant 0 : i32
        %dma_start3A_221 = tpu.memref_slice %arg8[%run_scoped3A_210, %dma_start3A_220] : memref<8x128xi32, #tpu.memory_space<vmem>> -> memref<1x128xi32, #tpu.memory_space<vmem>>
        %dma_start3A_222 = tpu.memref_squeeze %dma_start3A_221 : memref<1x128xi32, #tpu.memory_space<vmem>> -> memref<128xi32, #tpu.memory_space<vmem>>
        %dma_start3A_223 = arith.constant 0 : i32
        %dma_start3A_224 = arith.constant 0 : i32
        %dma_start3A_225 = tpu.memref_slice %arg13[%dma_start3A_223, %dma_start3A_224] : memref<10240x128xf32, #tpu.memory_space<vmem_shared>> -> memref<10240x128xf32, #tpu.memory_space<vmem_shared>>
        tpu.enqueue_indirect_dma source(%arg9 : memref<128x128xf32, #tpu.memory_space<vmem>>) target(%dma_start3A_225 : memref<10240x128xf32, #tpu.memory_space<vmem_shared>>) offsets(%dma_start3A_222 : memref<128xi32, #tpu.memory_space<vmem>>) semaphore(%run_scoped3A_219 : memref<!tpu.dma_semaphore, #tpu.memory_space<semaphore_mem>>) {add = true}
        %dma_wait3A_226 = arith.constant 0 : i32
        %dma_wait3A_227 = tpu.memref_slice %arg8[%run_scoped3A_210, %dma_wait3A_226] : memref<8x128xi32, #tpu.memory_space<vmem>> -> memref<1x128xi32, #tpu.memory_space<vmem>>
        %dma_wait3A_228 = tpu.memref_squeeze %dma_wait3A_227 : memref<1x128xi32, #tpu.memory_space<vmem>> -> memref<128xi32, #tpu.memory_space<vmem>>
        %dma_wait3A_229 = arith.constant 0 : i32
        %dma_wait3A_230 = arith.constant 0 : i32
        %dma_wait3A_231 = tpu.memref_slice %arg13[%dma_wait3A_229, %dma_wait3A_230] : memref<10240x128xf32, #tpu.memory_space<vmem_shared>> -> memref<10240x128xf32, #tpu.memory_space<vmem_shared>>
        tpu.wait_indirect_dma semaphore(%run_scoped3A_219 : memref<!tpu.dma_semaphore, #tpu.memory_space<semaphore_mem>>) src(%arg9 : memref<128x128xf32, #tpu.memory_space<vmem>>) dst(%dma_wait3A_231 : memref<10240x128xf32, #tpu.memory_space<vmem_shared>>)
        tpu.yield
      }) : () -> ()
      %dma_wait3A_211 = arith.constant 7 : i32
      %dma_wait3A_212 = arith.constant 0 : i32
      %dma_wait3A_213 = tpu.memref_slice %arg7[%dma_wait3A_211, %dma_wait3A_212] : memref<8x128xi32, #tpu.memory_space<vmem>> -> memref<1x128xi32, #tpu.memory_space<vmem>>
      %dma_wait3A_214 = tpu.memref_squeeze %dma_wait3A_213 : memref<1x128xi32, #tpu.memory_space<vmem>> -> memref<128xi32, #tpu.memory_space<vmem>>
      %dma_wait3A_215 = arith.constant 0 : i32
      %dma_wait3A_216 = arith.constant 0 : i32
      %dma_wait3A_217 = tpu.memref_slice %arg2[%dma_wait3A_215, %dma_wait3A_216] : memref<10240x128xf32, #tpu.memory_space<hbm>> -> memref<10240x128xf32, #tpu.memory_space<hbm>>
      tpu.wait_indirect_dma semaphore(%arg12 : memref<!tpu.dma_semaphore, #tpu.memory_space<semaphore_mem>>) src(%dma_wait3A_217 : memref<10240x128xf32, #tpu.memory_space<hbm>>) dst(%arg10 : memref<128x128xf32, #tpu.memory_space<vmem>>)
      %run_scoped3A_218 = arith.constant 7 : i32
      "tpu.region"() ({
        %run_scoped3A_219 = tpu.sem_alloc : memref<!tpu.dma_semaphore, #tpu.memory_space<semaphore_mem>>
        %dma_start3A_220 = arith.constant 0 : i32
        %dma_start3A_221 = tpu.memref_slice %arg8[%run_scoped3A_218, %dma_start3A_220] : memref<8x128xi32, #tpu.memory_space<vmem>> -> memref<1x128xi32, #tpu.memory_space<vmem>>
        %dma_start3A_222 = tpu.memref_squeeze %dma_start3A_221 : memref<1x128xi32, #tpu.memory_space<vmem>> -> memref<128xi32, #tpu.memory_space<vmem>>
        %dma_start3A_223 = arith.constant 0 : i32
        %dma_start3A_224 = arith.constant 0 : i32
        %dma_start3A_225 = tpu.memref_slice %arg13[%dma_start3A_223, %dma_start3A_224] : memref<10240x128xf32, #tpu.memory_space<vmem_shared>> -> memref<10240x128xf32, #tpu.memory_space<vmem_shared>>
        tpu.enqueue_indirect_dma source(%arg10 : memref<128x128xf32, #tpu.memory_space<vmem>>) target(%dma_start3A_225 : memref<10240x128xf32, #tpu.memory_space<vmem_shared>>) offsets(%dma_start3A_222 : memref<128xi32, #tpu.memory_space<vmem>>) semaphore(%run_scoped3A_219 : memref<!tpu.dma_semaphore, #tpu.memory_space<semaphore_mem>>) {add = true}
        %dma_wait3A_226 = arith.constant 0 : i32
        %dma_wait3A_227 = tpu.memref_slice %arg8[%run_scoped3A_218, %dma_wait3A_226] : memref<8x128xi32, #tpu.memory_space<vmem>> -> memref<1x128xi32, #tpu.memory_space<vmem>>
        %dma_wait3A_228 = tpu.memref_squeeze %dma_wait3A_227 : memref<1x128xi32, #tpu.memory_space<vmem>> -> memref<128xi32, #tpu.memory_space<vmem>>
        %dma_wait3A_229 = arith.constant 0 : i32
        %dma_wait3A_230 = arith.constant 0 : i32
        %dma_wait3A_231 = tpu.memref_slice %arg13[%dma_wait3A_229, %dma_wait3A_230] : memref<10240x128xf32, #tpu.memory_space<vmem_shared>> -> memref<10240x128xf32, #tpu.memory_space<vmem_shared>>
        tpu.wait_indirect_dma semaphore(%run_scoped3A_219 : memref<!tpu.dma_semaphore, #tpu.memory_space<semaphore_mem>>) src(%arg10 : memref<128x128xf32, #tpu.memory_space<vmem>>) dst(%dma_wait3A_231 : memref<10240x128xf32, #tpu.memory_space<vmem_shared>>)
        tpu.yield
      }) : () -> ()
    }
    %while3A_61 = arith.constant 1 : i32
    scf.for %while3A_95 = %while3A_59 to %while3A_55 step %while3A_61  : i32 {
      %mul3A_96 = arith.constant 8 : i32
      %mul3A_97 = arith.muli %while3A_95, %mul3A_96 : i32
      %add3A_98 = arith.addi %select_n3A, %mul3A_97 : i32
      "tpu.region"() ({
        %run_scoped3A_219 = tpu.sem_alloc : memref<!tpu.dma_semaphore, #tpu.memory_space<semaphore_mem>>
        %dma_start3A_220 = arith.constant 0 : i32
        %dma_start3A_221 = tpu.memref_slice %arg3[%add3A_98, %dma_start3A_220] : memref<2560x128xi32, #tpu.memory_space<hbm>> -> memref<8x128xi32, #tpu.memory_space<hbm>>
        %dma_start3A_222 = arith.constant 0 : i32
        %dma_start3A_223 = tpu.memref_slice %arg3[%add3A_98, %dma_start3A_222] : memref<2560x128xi32, #tpu.memory_space<hbm>> -> memref<8x128xi32, #tpu.memory_space<hbm>>
        tpu.enqueue_dma source(%dma_start3A_223 : memref<8x128xi32, #tpu.memory_space<hbm>>) target(%arg7 : memref<8x128xi32, #tpu.memory_space<vmem>>) target_semaphore(%run_scoped3A_219 : memref<!tpu.dma_semaphore, #tpu.memory_space<semaphore_mem>>)
        %dma_wait3A_224 = arith.constant 0 : i32
        %dma_wait3A_225 = tpu.memref_slice %arg3[%add3A_98, %dma_wait3A_224] : memref<2560x128xi32, #tpu.memory_space<hbm>> -> memref<8x128xi32, #tpu.memory_space<hbm>>
        %dma_wait3A_226 = arith.constant 0 : i32
        %dma_wait3A_227 = tpu.memref_slice %arg3[%add3A_98, %dma_wait3A_226] : memref<2560x128xi32, #tpu.memory_space<hbm>> -> memref<8x128xi32, #tpu.memory_space<hbm>>
        tpu.wait_dma2 semaphore(%run_scoped3A_219 : memref<!tpu.dma_semaphore, #tpu.memory_space<semaphore_mem>>) src(%dma_wait3A_227 : memref<8x128xi32, #tpu.memory_space<hbm>>) dst(%arg7 : memref<8x128xi32, #tpu.memory_space<vmem>>)
        tpu.yield
      }) : () -> ()
      %mul3A_99 = arith.constant 8 : i32
      %mul3A_100 = arith.muli %while3A_95, %mul3A_99 : i32
      %add3A_101 = arith.addi %select_n3A, %mul3A_100 : i32
      "tpu.region"() ({
        %run_scoped3A_219 = tpu.sem_alloc : memref<!tpu.dma_semaphore, #tpu.memory_space<semaphore_mem>>
        %dma_start3A_220 = arith.constant 0 : i32
        %dma_start3A_221 = tpu.memref_slice %arg4[%add3A_101, %dma_start3A_220] : memref<2560x128xi32, #tpu.memory_space<hbm>> -> memref<8x128xi32, #tpu.memory_space<hbm>>
        %dma_start3A_222 = arith.constant 0 : i32
        %dma_start3A_223 = tpu.memref_slice %arg4[%add3A_101, %dma_start3A_222] : memref<2560x128xi32, #tpu.memory_space<hbm>> -> memref<8x128xi32, #tpu.memory_space<hbm>>
        tpu.enqueue_dma source(%dma_start3A_223 : memref<8x128xi32, #tpu.memory_space<hbm>>) target(%arg8 : memref<8x128xi32, #tpu.memory_space<vmem>>) target_semaphore(%run_scoped3A_219 : memref<!tpu.dma_semaphore, #tpu.memory_space<semaphore_mem>>)
        %dma_wait3A_224 = arith.constant 0 : i32
        %dma_wait3A_225 = tpu.memref_slice %arg4[%add3A_101, %dma_wait3A_224] : memref<2560x128xi32, #tpu.memory_space<hbm>> -> memref<8x128xi32, #tpu.memory_space<hbm>>
        %dma_wait3A_226 = arith.constant 0 : i32
        %dma_wait3A_227 = tpu.memref_slice %arg4[%add3A_101, %dma_wait3A_226] : memref<2560x128xi32, #tpu.memory_space<hbm>> -> memref<8x128xi32, #tpu.memory_space<hbm>>
        tpu.wait_dma2 semaphore(%run_scoped3A_219 : memref<!tpu.dma_semaphore, #tpu.memory_space<semaphore_mem>>) src(%dma_wait3A_227 : memref<8x128xi32, #tpu.memory_space<hbm>>) dst(%arg8 : memref<8x128xi32, #tpu.memory_space<vmem>>)
        tpu.yield
      }) : () -> ()
      %dma_start3A = arith.constant 0 : i32
      %dma_start3A_102 = arith.constant 0 : i32
      %dma_start3A_103 = tpu.memref_slice %arg7[%dma_start3A, %dma_start3A_102] : memref<8x128xi32, #tpu.memory_space<vmem>> -> memref<1x128xi32, #tpu.memory_space<vmem>>
      %dma_start3A_104 = tpu.memref_squeeze %dma_start3A_103 : memref<1x128xi32, #tpu.memory_space<vmem>> -> memref<128xi32, #tpu.memory_space<vmem>>
      %dma_start3A_105 = arith.constant 0 : i32
      %dma_start3A_106 = arith.constant 0 : i32
      %dma_start3A_107 = tpu.memref_slice %arg2[%dma_start3A_105, %dma_start3A_106] : memref<10240x128xf32, #tpu.memory_space<hbm>> -> memref<10240x128xf32, #tpu.memory_space<hbm>>
      tpu.enqueue_indirect_dma source(%dma_start3A_107 : memref<10240x128xf32, #tpu.memory_space<hbm>>) target(%arg9 : memref<128x128xf32, #tpu.memory_space<vmem>>) offsets(%dma_start3A_104 : memref<128xi32, #tpu.memory_space<vmem>>) semaphore(%arg11 : memref<!tpu.dma_semaphore, #tpu.memory_space<semaphore_mem>>)
      %dma_start3A_108 = arith.constant 1 : i32
      %dma_start3A_109 = arith.constant 0 : i32
      %dma_start3A_110 = tpu.memref_slice %arg7[%dma_start3A_108, %dma_start3A_109] : memref<8x128xi32, #tpu.memory_space<vmem>> -> memref<1x128xi32, #tpu.memory_space<vmem>>
      %dma_start3A_111 = tpu.memref_squeeze %dma_start3A_110 : memref<1x128xi32, #tpu.memory_space<vmem>> -> memref<128xi32, #tpu.memory_space<vmem>>
      %dma_start3A_112 = arith.constant 0 : i32
      %dma_start3A_113 = arith.constant 0 : i32
      %dma_start3A_114 = tpu.memref_slice %arg2[%dma_start3A_112, %dma_start3A_113] : memref<10240x128xf32, #tpu.memory_space<hbm>> -> memref<10240x128xf32, #tpu.memory_space<hbm>>
      tpu.enqueue_indirect_dma source(%dma_start3A_114 : memref<10240x128xf32, #tpu.memory_space<hbm>>) target(%arg10 : memref<128x128xf32, #tpu.memory_space<vmem>>) offsets(%dma_start3A_111 : memref<128xi32, #tpu.memory_space<vmem>>) semaphore(%arg12 : memref<!tpu.dma_semaphore, #tpu.memory_space<semaphore_mem>>)
      %dma_wait3A = arith.constant 0 : i32
      %dma_wait3A_115 = arith.constant 0 : i32
      %dma_wait3A_116 = tpu.memref_slice %arg7[%dma_wait3A, %dma_wait3A_115] : memref<8x128xi32, #tpu.memory_space<vmem>> -> memref<1x128xi32, #tpu.memory_space<vmem>>
      %dma_wait3A_117 = tpu.memref_squeeze %dma_wait3A_116 : memref<1x128xi32, #tpu.memory_space<vmem>> -> memref<128xi32, #tpu.memory_space<vmem>>
      %dma_wait3A_118 = arith.constant 0 : i32
      %dma_wait3A_119 = arith.constant 0 : i32
      %dma_wait3A_120 = tpu.memref_slice %arg2[%dma_wait3A_118, %dma_wait3A_119] : memref<10240x128xf32, #tpu.memory_space<hbm>> -> memref<10240x128xf32, #tpu.memory_space<hbm>>
      tpu.wait_indirect_dma semaphore(%arg11 : memref<!tpu.dma_semaphore, #tpu.memory_space<semaphore_mem>>) src(%dma_wait3A_120 : memref<10240x128xf32, #tpu.memory_space<hbm>>) dst(%arg9 : memref<128x128xf32, #tpu.memory_space<vmem>>)
      %run_scoped3A = arith.constant 0 : i32
      "tpu.region"() ({
        %run_scoped3A_219 = tpu.sem_alloc : memref<!tpu.dma_semaphore, #tpu.memory_space<semaphore_mem>>
        %dma_start3A_220 = arith.constant 0 : i32
        %dma_start3A_221 = tpu.memref_slice %arg8[%run_scoped3A, %dma_start3A_220] : memref<8x128xi32, #tpu.memory_space<vmem>> -> memref<1x128xi32, #tpu.memory_space<vmem>>
        %dma_start3A_222 = tpu.memref_squeeze %dma_start3A_221 : memref<1x128xi32, #tpu.memory_space<vmem>> -> memref<128xi32, #tpu.memory_space<vmem>>
        %dma_start3A_223 = arith.constant 0 : i32
        %dma_start3A_224 = arith.constant 0 : i32
        %dma_start3A_225 = tpu.memref_slice %arg13[%dma_start3A_223, %dma_start3A_224] : memref<10240x128xf32, #tpu.memory_space<vmem_shared>> -> memref<10240x128xf32, #tpu.memory_space<vmem_shared>>
        tpu.enqueue_indirect_dma source(%arg9 : memref<128x128xf32, #tpu.memory_space<vmem>>) target(%dma_start3A_225 : memref<10240x128xf32, #tpu.memory_space<vmem_shared>>) offsets(%dma_start3A_222 : memref<128xi32, #tpu.memory_space<vmem>>) semaphore(%run_scoped3A_219 : memref<!tpu.dma_semaphore, #tpu.memory_space<semaphore_mem>>) {add = true}
        %dma_wait3A_226 = arith.constant 0 : i32
        %dma_wait3A_227 = tpu.memref_slice %arg8[%run_scoped3A, %dma_wait3A_226] : memref<8x128xi32, #tpu.memory_space<vmem>> -> memref<1x128xi32, #tpu.memory_space<vmem>>
        %dma_wait3A_228 = tpu.memref_squeeze %dma_wait3A_227 : memref<1x128xi32, #tpu.memory_space<vmem>> -> memref<128xi32, #tpu.memory_space<vmem>>
        %dma_wait3A_229 = arith.constant 0 : i32
        %dma_wait3A_230 = arith.constant 0 : i32
        %dma_wait3A_231 = tpu.memref_slice %arg13[%dma_wait3A_229, %dma_wait3A_230] : memref<10240x128xf32, #tpu.memory_space<vmem_shared>> -> memref<10240x128xf32, #tpu.memory_space<vmem_shared>>
        tpu.wait_indirect_dma semaphore(%run_scoped3A_219 : memref<!tpu.dma_semaphore, #tpu.memory_space<semaphore_mem>>) src(%arg9 : memref<128x128xf32, #tpu.memory_space<vmem>>) dst(%dma_wait3A_231 : memref<10240x128xf32, #tpu.memory_space<vmem_shared>>)
        tpu.yield
      }) : () -> ()
      %dma_start3A_121 = arith.constant 2 : i32
      %dma_start3A_122 = arith.constant 0 : i32
      %dma_start3A_123 = tpu.memref_slice %arg7[%dma_start3A_121, %dma_start3A_122] : memref<8x128xi32, #tpu.memory_space<vmem>> -> memref<1x128xi32, #tpu.memory_space<vmem>>
      %dma_start3A_124 = tpu.memref_squeeze %dma_start3A_123 : memref<1x128xi32, #tpu.memory_space<vmem>> -> memref<128xi32, #tpu.memory_space<vmem>>
      %dma_start3A_125 = arith.constant 0 : i32
      %dma_start3A_126 = arith.constant 0 : i32
      %dma_start3A_127 = tpu.memref_slice %arg2[%dma_start3A_125, %dma_start3A_126] : memref<10240x128xf32, #tpu.memory_space<hbm>> -> memref<10240x128xf32, #tpu.memory_space<hbm>>
      tpu.enqueue_indirect_dma source(%dma_start3A_127 : memref<10240x128xf32, #tpu.memory_space<hbm>>) target(%arg9 : memref<128x128xf32, #tpu.memory_space<vmem>>) offsets(%dma_start3A_124 : memref<128xi32, #tpu.memory_space<vmem>>) semaphore(%arg11 : memref<!tpu.dma_semaphore, #tpu.memory_space<semaphore_mem>>)
      %dma_wait3A_128 = arith.constant 1 : i32
      %dma_wait3A_129 = arith.constant 0 : i32
      %dma_wait3A_130 = tpu.memref_slice %arg7[%dma_wait3A_128, %dma_wait3A_129] : memref<8x128xi32, #tpu.memory_space<vmem>> -> memref<1x128xi32, #tpu.memory_space<vmem>>
      %dma_wait3A_131 = tpu.memref_squeeze %dma_wait3A_130 : memref<1x128xi32, #tpu.memory_space<vmem>> -> memref<128xi32, #tpu.memory_space<vmem>>
      %dma_wait3A_132 = arith.constant 0 : i32
      %dma_wait3A_133 = arith.constant 0 : i32
      %dma_wait3A_134 = tpu.memref_slice %arg2[%dma_wait3A_132, %dma_wait3A_133] : memref<10240x128xf32, #tpu.memory_space<hbm>> -> memref<10240x128xf32, #tpu.memory_space<hbm>>
      tpu.wait_indirect_dma semaphore(%arg12 : memref<!tpu.dma_semaphore, #tpu.memory_space<semaphore_mem>>) src(%dma_wait3A_134 : memref<10240x128xf32, #tpu.memory_space<hbm>>) dst(%arg10 : memref<128x128xf32, #tpu.memory_space<vmem>>)
      %run_scoped3A_135 = arith.constant 1 : i32
      "tpu.region"() ({
        %run_scoped3A_219 = tpu.sem_alloc : memref<!tpu.dma_semaphore, #tpu.memory_space<semaphore_mem>>
        %dma_start3A_220 = arith.constant 0 : i32
        %dma_start3A_221 = tpu.memref_slice %arg8[%run_scoped3A_135, %dma_start3A_220] : memref<8x128xi32, #tpu.memory_space<vmem>> -> memref<1x128xi32, #tpu.memory_space<vmem>>
        %dma_start3A_222 = tpu.memref_squeeze %dma_start3A_221 : memref<1x128xi32, #tpu.memory_space<vmem>> -> memref<128xi32, #tpu.memory_space<vmem>>
        %dma_start3A_223 = arith.constant 0 : i32
        %dma_start3A_224 = arith.constant 0 : i32
        %dma_start3A_225 = tpu.memref_slice %arg13[%dma_start3A_223, %dma_start3A_224] : memref<10240x128xf32, #tpu.memory_space<vmem_shared>> -> memref<10240x128xf32, #tpu.memory_space<vmem_shared>>
        tpu.enqueue_indirect_dma source(%arg10 : memref<128x128xf32, #tpu.memory_space<vmem>>) target(%dma_start3A_225 : memref<10240x128xf32, #tpu.memory_space<vmem_shared>>) offsets(%dma_start3A_222 : memref<128xi32, #tpu.memory_space<vmem>>) semaphore(%run_scoped3A_219 : memref<!tpu.dma_semaphore, #tpu.memory_space<semaphore_mem>>) {add = true}
        %dma_wait3A_226 = arith.constant 0 : i32
        %dma_wait3A_227 = tpu.memref_slice %arg8[%run_scoped3A_135, %dma_wait3A_226] : memref<8x128xi32, #tpu.memory_space<vmem>> -> memref<1x128xi32, #tpu.memory_space<vmem>>
        %dma_wait3A_228 = tpu.memref_squeeze %dma_wait3A_227 : memref<1x128xi32, #tpu.memory_space<vmem>> -> memref<128xi32, #tpu.memory_space<vmem>>
        %dma_wait3A_229 = arith.constant 0 : i32
        %dma_wait3A_230 = arith.constant 0 : i32
        %dma_wait3A_231 = tpu.memref_slice %arg13[%dma_wait3A_229, %dma_wait3A_230] : memref<10240x128xf32, #tpu.memory_space<vmem_shared>> -> memref<10240x128xf32, #tpu.memory_space<vmem_shared>>
        tpu.wait_indirect_dma semaphore(%run_scoped3A_219 : memref<!tpu.dma_semaphore, #tpu.memory_space<semaphore_mem>>) src(%arg10 : memref<128x128xf32, #tpu.memory_space<vmem>>) dst(%dma_wait3A_231 : memref<10240x128xf32, #tpu.memory_space<vmem_shared>>)
        tpu.yield
      }) : () -> ()
      %dma_start3A_136 = arith.constant 3 : i32
      %dma_start3A_137 = arith.constant 0 : i32
      %dma_start3A_138 = tpu.memref_slice %arg7[%dma_start3A_136, %dma_start3A_137] : memref<8x128xi32, #tpu.memory_space<vmem>> -> memref<1x128xi32, #tpu.memory_space<vmem>>
      %dma_start3A_139 = tpu.memref_squeeze %dma_start3A_138 : memref<1x128xi32, #tpu.memory_space<vmem>> -> memref<128xi32, #tpu.memory_space<vmem>>
      %dma_start3A_140 = arith.constant 0 : i32
      %dma_start3A_141 = arith.constant 0 : i32
      %dma_start3A_142 = tpu.memref_slice %arg2[%dma_start3A_140, %dma_start3A_141] : memref<10240x128xf32, #tpu.memory_space<hbm>> -> memref<10240x128xf32, #tpu.memory_space<hbm>>
      tpu.enqueue_indirect_dma source(%dma_start3A_142 : memref<10240x128xf32, #tpu.memory_space<hbm>>) target(%arg10 : memref<128x128xf32, #tpu.memory_space<vmem>>) offsets(%dma_start3A_139 : memref<128xi32, #tpu.memory_space<vmem>>) semaphore(%arg12 : memref<!tpu.dma_semaphore, #tpu.memory_space<semaphore_mem>>)
      %dma_wait3A_143 = arith.constant 2 : i32
      %dma_wait3A_144 = arith.constant 0 : i32
      %dma_wait3A_145 = tpu.memref_slice %arg7[%dma_wait3A_143, %dma_wait3A_144] : memref<8x128xi32, #tpu.memory_space<vmem>> -> memref<1x128xi32, #tpu.memory_space<vmem>>
      %dma_wait3A_146 = tpu.memref_squeeze %dma_wait3A_145 : memref<1x128xi32, #tpu.memory_space<vmem>> -> memref<128xi32, #tpu.memory_space<vmem>>
      %dma_wait3A_147 = arith.constant 0 : i32
      %dma_wait3A_148 = arith.constant 0 : i32
      %dma_wait3A_149 = tpu.memref_slice %arg2[%dma_wait3A_147, %dma_wait3A_148] : memref<10240x128xf32, #tpu.memory_space<hbm>> -> memref<10240x128xf32, #tpu.memory_space<hbm>>
      tpu.wait_indirect_dma semaphore(%arg11 : memref<!tpu.dma_semaphore, #tpu.memory_space<semaphore_mem>>) src(%dma_wait3A_149 : memref<10240x128xf32, #tpu.memory_space<hbm>>) dst(%arg9 : memref<128x128xf32, #tpu.memory_space<vmem>>)
      %run_scoped3A_150 = arith.constant 2 : i32
      "tpu.region"() ({
        %run_scoped3A_219 = tpu.sem_alloc : memref<!tpu.dma_semaphore, #tpu.memory_space<semaphore_mem>>
        %dma_start3A_220 = arith.constant 0 : i32
        %dma_start3A_221 = tpu.memref_slice %arg8[%run_scoped3A_150, %dma_start3A_220] : memref<8x128xi32, #tpu.memory_space<vmem>> -> memref<1x128xi32, #tpu.memory_space<vmem>>
        %dma_start3A_222 = tpu.memref_squeeze %dma_start3A_221 : memref<1x128xi32, #tpu.memory_space<vmem>> -> memref<128xi32, #tpu.memory_space<vmem>>
        %dma_start3A_223 = arith.constant 0 : i32
        %dma_start3A_224 = arith.constant 0 : i32
        %dma_start3A_225 = tpu.memref_slice %arg13[%dma_start3A_223, %dma_start3A_224] : memref<10240x128xf32, #tpu.memory_space<vmem_shared>> -> memref<10240x128xf32, #tpu.memory_space<vmem_shared>>
        tpu.enqueue_indirect_dma source(%arg9 : memref<128x128xf32, #tpu.memory_space<vmem>>) target(%dma_start3A_225 : memref<10240x128xf32, #tpu.memory_space<vmem_shared>>) offsets(%dma_start3A_222 : memref<128xi32, #tpu.memory_space<vmem>>) semaphore(%run_scoped3A_219 : memref<!tpu.dma_semaphore, #tpu.memory_space<semaphore_mem>>) {add = true}
        %dma_wait3A_226 = arith.constant 0 : i32
        %dma_wait3A_227 = tpu.memref_slice %arg8[%run_scoped3A_150, %dma_wait3A_226] : memref<8x128xi32, #tpu.memory_space<vmem>> -> memref<1x128xi32, #tpu.memory_space<vmem>>
        %dma_wait3A_228 = tpu.memref_squeeze %dma_wait3A_227 : memref<1x128xi32, #tpu.memory_space<vmem>> -> memref<128xi32, #tpu.memory_space<vmem>>
        %dma_wait3A_229 = arith.constant 0 : i32
        %dma_wait3A_230 = arith.constant 0 : i32
        %dma_wait3A_231 = tpu.memref_slice %arg13[%dma_wait3A_229, %dma_wait3A_230] : memref<10240x128xf32, #tpu.memory_space<vmem_shared>> -> memref<10240x128xf32, #tpu.memory_space<vmem_shared>>
        tpu.wait_indirect_dma semaphore(%run_scoped3A_219 : memref<!tpu.dma_semaphore, #tpu.memory_space<semaphore_mem>>) src(%arg9 : memref<128x128xf32, #tpu.memory_space<vmem>>) dst(%dma_wait3A_231 : memref<10240x128xf32, #tpu.memory_space<vmem_shared>>)
        tpu.yield
      }) : () -> ()
      %dma_start3A_151 = arith.constant 4 : i32
      %dma_start3A_152 = arith.constant 0 : i32
      %dma_start3A_153 = tpu.memref_slice %arg7[%dma_start3A_151, %dma_start3A_152] : memref<8x128xi32, #tpu.memory_space<vmem>> -> memref<1x128xi32, #tpu.memory_space<vmem>>
      %dma_start3A_154 = tpu.memref_squeeze %dma_start3A_153 : memref<1x128xi32, #tpu.memory_space<vmem>> -> memref<128xi32, #tpu.memory_space<vmem>>
      %dma_start3A_155 = arith.constant 0 : i32
      %dma_start3A_156 = arith.constant 0 : i32
      %dma_start3A_157 = tpu.memref_slice %arg2[%dma_start3A_155, %dma_start3A_156] : memref<10240x128xf32, #tpu.memory_space<hbm>> -> memref<10240x128xf32, #tpu.memory_space<hbm>>
      tpu.enqueue_indirect_dma source(%dma_start3A_157 : memref<10240x128xf32, #tpu.memory_space<hbm>>) target(%arg9 : memref<128x128xf32, #tpu.memory_space<vmem>>) offsets(%dma_start3A_154 : memref<128xi32, #tpu.memory_space<vmem>>) semaphore(%arg11 : memref<!tpu.dma_semaphore, #tpu.memory_space<semaphore_mem>>)
      %dma_wait3A_158 = arith.constant 3 : i32
      %dma_wait3A_159 = arith.constant 0 : i32
      %dma_wait3A_160 = tpu.memref_slice %arg7[%dma_wait3A_158, %dma_wait3A_159] : memref<8x128xi32, #tpu.memory_space<vmem>> -> memref<1x128xi32, #tpu.memory_space<vmem>>
      %dma_wait3A_161 = tpu.memref_squeeze %dma_wait3A_160 : memref<1x128xi32, #tpu.memory_space<vmem>> -> memref<128xi32, #tpu.memory_space<vmem>>
      %dma_wait3A_162 = arith.constant 0 : i32
      %dma_wait3A_163 = arith.constant 0 : i32
      %dma_wait3A_164 = tpu.memref_slice %arg2[%dma_wait3A_162, %dma_wait3A_163] : memref<10240x128xf32, #tpu.memory_space<hbm>> -> memref<10240x128xf32, #tpu.memory_space<hbm>>
      tpu.wait_indirect_dma semaphore(%arg12 : memref<!tpu.dma_semaphore, #tpu.memory_space<semaphore_mem>>) src(%dma_wait3A_164 : memref<10240x128xf32, #tpu.memory_space<hbm>>) dst(%arg10 : memref<128x128xf32, #tpu.memory_space<vmem>>)
      %run_scoped3A_165 = arith.constant 3 : i32
      "tpu.region"() ({
        %run_scoped3A_219 = tpu.sem_alloc : memref<!tpu.dma_semaphore, #tpu.memory_space<semaphore_mem>>
        %dma_start3A_220 = arith.constant 0 : i32
        %dma_start3A_221 = tpu.memref_slice %arg8[%run_scoped3A_165, %dma_start3A_220] : memref<8x128xi32, #tpu.memory_space<vmem>> -> memref<1x128xi32, #tpu.memory_space<vmem>>
        %dma_start3A_222 = tpu.memref_squeeze %dma_start3A_221 : memref<1x128xi32, #tpu.memory_space<vmem>> -> memref<128xi32, #tpu.memory_space<vmem>>
        %dma_start3A_223 = arith.constant 0 : i32
        %dma_start3A_224 = arith.constant 0 : i32
        %dma_start3A_225 = tpu.memref_slice %arg13[%dma_start3A_223, %dma_start3A_224] : memref<10240x128xf32, #tpu.memory_space<vmem_shared>> -> memref<10240x128xf32, #tpu.memory_space<vmem_shared>>
        tpu.enqueue_indirect_dma source(%arg10 : memref<128x128xf32, #tpu.memory_space<vmem>>) target(%dma_start3A_225 : memref<10240x128xf32, #tpu.memory_space<vmem_shared>>) offsets(%dma_start3A_222 : memref<128xi32, #tpu.memory_space<vmem>>) semaphore(%run_scoped3A_219 : memref<!tpu.dma_semaphore, #tpu.memory_space<semaphore_mem>>) {add = true}
        %dma_wait3A_226 = arith.constant 0 : i32
        %dma_wait3A_227 = tpu.memref_slice %arg8[%run_scoped3A_165, %dma_wait3A_226] : memref<8x128xi32, #tpu.memory_space<vmem>> -> memref<1x128xi32, #tpu.memory_space<vmem>>
        %dma_wait3A_228 = tpu.memref_squeeze %dma_wait3A_227 : memref<1x128xi32, #tpu.memory_space<vmem>> -> memref<128xi32, #tpu.memory_space<vmem>>
        %dma_wait3A_229 = arith.constant 0 : i32
        %dma_wait3A_230 = arith.constant 0 : i32
        %dma_wait3A_231 = tpu.memref_slice %arg13[%dma_wait3A_229, %dma_wait3A_230] : memref<10240x128xf32, #tpu.memory_space<vmem_shared>> -> memref<10240x128xf32, #tpu.memory_space<vmem_shared>>
        tpu.wait_indirect_dma semaphore(%run_scoped3A_219 : memref<!tpu.dma_semaphore, #tpu.memory_space<semaphore_mem>>) src(%arg10 : memref<128x128xf32, #tpu.memory_space<vmem>>) dst(%dma_wait3A_231 : memref<10240x128xf32, #tpu.memory_space<vmem_shared>>)
        tpu.yield
      }) : () -> ()
      %dma_start3A_166 = arith.constant 5 : i32
      %dma_start3A_167 = arith.constant 0 : i32
      %dma_start3A_168 = tpu.memref_slice %arg7[%dma_start3A_166, %dma_start3A_167] : memref<8x128xi32, #tpu.memory_space<vmem>> -> memref<1x128xi32, #tpu.memory_space<vmem>>
      %dma_start3A_169 = tpu.memref_squeeze %dma_start3A_168 : memref<1x128xi32, #tpu.memory_space<vmem>> -> memref<128xi32, #tpu.memory_space<vmem>>
      %dma_start3A_170 = arith.constant 0 : i32
      %dma_start3A_171 = arith.constant 0 : i32
      %dma_start3A_172 = tpu.memref_slice %arg2[%dma_start3A_170, %dma_start3A_171] : memref<10240x128xf32, #tpu.memory_space<hbm>> -> memref<10240x128xf32, #tpu.memory_space<hbm>>
      tpu.enqueue_indirect_dma source(%dma_start3A_172 : memref<10240x128xf32, #tpu.memory_space<hbm>>) target(%arg10 : memref<128x128xf32, #tpu.memory_space<vmem>>) offsets(%dma_start3A_169 : memref<128xi32, #tpu.memory_space<vmem>>) semaphore(%arg12 : memref<!tpu.dma_semaphore, #tpu.memory_space<semaphore_mem>>)
      %dma_wait3A_173 = arith.constant 4 : i32
      %dma_wait3A_174 = arith.constant 0 : i32
      %dma_wait3A_175 = tpu.memref_slice %arg7[%dma_wait3A_173, %dma_wait3A_174] : memref<8x128xi32, #tpu.memory_space<vmem>> -> memref<1x128xi32, #tpu.memory_space<vmem>>
      %dma_wait3A_176 = tpu.memref_squeeze %dma_wait3A_175 : memref<1x128xi32, #tpu.memory_space<vmem>> -> memref<128xi32, #tpu.memory_space<vmem>>
      %dma_wait3A_177 = arith.constant 0 : i32
      %dma_wait3A_178 = arith.constant 0 : i32
      %dma_wait3A_179 = tpu.memref_slice %arg2[%dma_wait3A_177, %dma_wait3A_178] : memref<10240x128xf32, #tpu.memory_space<hbm>> -> memref<10240x128xf32, #tpu.memory_space<hbm>>
      tpu.wait_indirect_dma semaphore(%arg11 : memref<!tpu.dma_semaphore, #tpu.memory_space<semaphore_mem>>) src(%dma_wait3A_179 : memref<10240x128xf32, #tpu.memory_space<hbm>>) dst(%arg9 : memref<128x128xf32, #tpu.memory_space<vmem>>)
      %run_scoped3A_180 = arith.constant 4 : i32
      "tpu.region"() ({
        %run_scoped3A_219 = tpu.sem_alloc : memref<!tpu.dma_semaphore, #tpu.memory_space<semaphore_mem>>
        %dma_start3A_220 = arith.constant 0 : i32
        %dma_start3A_221 = tpu.memref_slice %arg8[%run_scoped3A_180, %dma_start3A_220] : memref<8x128xi32, #tpu.memory_space<vmem>> -> memref<1x128xi32, #tpu.memory_space<vmem>>
        %dma_start3A_222 = tpu.memref_squeeze %dma_start3A_221 : memref<1x128xi32, #tpu.memory_space<vmem>> -> memref<128xi32, #tpu.memory_space<vmem>>
        %dma_start3A_223 = arith.constant 0 : i32
        %dma_start3A_224 = arith.constant 0 : i32
        %dma_start3A_225 = tpu.memref_slice %arg13[%dma_start3A_223, %dma_start3A_224] : memref<10240x128xf32, #tpu.memory_space<vmem_shared>> -> memref<10240x128xf32, #tpu.memory_space<vmem_shared>>
        tpu.enqueue_indirect_dma source(%arg9 : memref<128x128xf32, #tpu.memory_space<vmem>>) target(%dma_start3A_225 : memref<10240x128xf32, #tpu.memory_space<vmem_shared>>) offsets(%dma_start3A_222 : memref<128xi32, #tpu.memory_space<vmem>>) semaphore(%run_scoped3A_219 : memref<!tpu.dma_semaphore, #tpu.memory_space<semaphore_mem>>) {add = true}
        %dma_wait3A_226 = arith.constant 0 : i32
        %dma_wait3A_227 = tpu.memref_slice %arg8[%run_scoped3A_180, %dma_wait3A_226] : memref<8x128xi32, #tpu.memory_space<vmem>> -> memref<1x128xi32, #tpu.memory_space<vmem>>
        %dma_wait3A_228 = tpu.memref_squeeze %dma_wait3A_227 : memref<1x128xi32, #tpu.memory_space<vmem>> -> memref<128xi32, #tpu.memory_space<vmem>>
        %dma_wait3A_229 = arith.constant 0 : i32
        %dma_wait3A_230 = arith.constant 0 : i32
        %dma_wait3A_231 = tpu.memref_slice %arg13[%dma_wait3A_229, %dma_wait3A_230] : memref<10240x128xf32, #tpu.memory_space<vmem_shared>> -> memref<10240x128xf32, #tpu.memory_space<vmem_shared>>
        tpu.wait_indirect_dma semaphore(%run_scoped3A_219 : memref<!tpu.dma_semaphore, #tpu.memory_space<semaphore_mem>>) src(%arg9 : memref<128x128xf32, #tpu.memory_space<vmem>>) dst(%dma_wait3A_231 : memref<10240x128xf32, #tpu.memory_space<vmem_shared>>)
        tpu.yield
      }) : () -> ()
      %dma_start3A_181 = arith.constant 6 : i32
      %dma_start3A_182 = arith.constant 0 : i32
      %dma_start3A_183 = tpu.memref_slice %arg7[%dma_start3A_181, %dma_start3A_182] : memref<8x128xi32, #tpu.memory_space<vmem>> -> memref<1x128xi32, #tpu.memory_space<vmem>>
      %dma_start3A_184 = tpu.memref_squeeze %dma_start3A_183 : memref<1x128xi32, #tpu.memory_space<vmem>> -> memref<128xi32, #tpu.memory_space<vmem>>
      %dma_start3A_185 = arith.constant 0 : i32
      %dma_start3A_186 = arith.constant 0 : i32
      %dma_start3A_187 = tpu.memref_slice %arg2[%dma_start3A_185, %dma_start3A_186] : memref<10240x128xf32, #tpu.memory_space<hbm>> -> memref<10240x128xf32, #tpu.memory_space<hbm>>
      tpu.enqueue_indirect_dma source(%dma_start3A_187 : memref<10240x128xf32, #tpu.memory_space<hbm>>) target(%arg9 : memref<128x128xf32, #tpu.memory_space<vmem>>) offsets(%dma_start3A_184 : memref<128xi32, #tpu.memory_space<vmem>>) semaphore(%arg11 : memref<!tpu.dma_semaphore, #tpu.memory_space<semaphore_mem>>)
      %dma_wait3A_188 = arith.constant 5 : i32
      %dma_wait3A_189 = arith.constant 0 : i32
      %dma_wait3A_190 = tpu.memref_slice %arg7[%dma_wait3A_188, %dma_wait3A_189] : memref<8x128xi32, #tpu.memory_space<vmem>> -> memref<1x128xi32, #tpu.memory_space<vmem>>
      %dma_wait3A_191 = tpu.memref_squeeze %dma_wait3A_190 : memref<1x128xi32, #tpu.memory_space<vmem>> -> memref<128xi32, #tpu.memory_space<vmem>>
      %dma_wait3A_192 = arith.constant 0 : i32
      %dma_wait3A_193 = arith.constant 0 : i32
      %dma_wait3A_194 = tpu.memref_slice %arg2[%dma_wait3A_192, %dma_wait3A_193] : memref<10240x128xf32, #tpu.memory_space<hbm>> -> memref<10240x128xf32, #tpu.memory_space<hbm>>
      tpu.wait_indirect_dma semaphore(%arg12 : memref<!tpu.dma_semaphore, #tpu.memory_space<semaphore_mem>>) src(%dma_wait3A_194 : memref<10240x128xf32, #tpu.memory_space<hbm>>) dst(%arg10 : memref<128x128xf32, #tpu.memory_space<vmem>>)
      %run_scoped3A_195 = arith.constant 5 : i32
      "tpu.region"() ({
        %run_scoped3A_219 = tpu.sem_alloc : memref<!tpu.dma_semaphore, #tpu.memory_space<semaphore_mem>>
        %dma_start3A_220 = arith.constant 0 : i32
        %dma_start3A_221 = tpu.memref_slice %arg8[%run_scoped3A_195, %dma_start3A_220] : memref<8x128xi32, #tpu.memory_space<vmem>> -> memref<1x128xi32, #tpu.memory_space<vmem>>
        %dma_start3A_222 = tpu.memref_squeeze %dma_start3A_221 : memref<1x128xi32, #tpu.memory_space<vmem>> -> memref<128xi32, #tpu.memory_space<vmem>>
        %dma_start3A_223 = arith.constant 0 : i32
        %dma_start3A_224 = arith.constant 0 : i32
        %dma_start3A_225 = tpu.memref_slice %arg13[%dma_start3A_223, %dma_start3A_224] : memref<10240x128xf32, #tpu.memory_space<vmem_shared>> -> memref<10240x128xf32, #tpu.memory_space<vmem_shared>>
        tpu.enqueue_indirect_dma source(%arg10 : memref<128x128xf32, #tpu.memory_space<vmem>>) target(%dma_start3A_225 : memref<10240x128xf32, #tpu.memory_space<vmem_shared>>) offsets(%dma_start3A_222 : memref<128xi32, #tpu.memory_space<vmem>>) semaphore(%run_scoped3A_219 : memref<!tpu.dma_semaphore, #tpu.memory_space<semaphore_mem>>) {add = true}
        %dma_wait3A_226 = arith.constant 0 : i32
        %dma_wait3A_227 = tpu.memref_slice %arg8[%run_scoped3A_195, %dma_wait3A_226] : memref<8x128xi32, #tpu.memory_space<vmem>> -> memref<1x128xi32, #tpu.memory_space<vmem>>
        %dma_wait3A_228 = tpu.memref_squeeze %dma_wait3A_227 : memref<1x128xi32, #tpu.memory_space<vmem>> -> memref<128xi32, #tpu.memory_space<vmem>>
        %dma_wait3A_229 = arith.constant 0 : i32
        %dma_wait3A_230 = arith.constant 0 : i32
        %dma_wait3A_231 = tpu.memref_slice %arg13[%dma_wait3A_229, %dma_wait3A_230] : memref<10240x128xf32, #tpu.memory_space<vmem_shared>> -> memref<10240x128xf32, #tpu.memory_space<vmem_shared>>
        tpu.wait_indirect_dma semaphore(%run_scoped3A_219 : memref<!tpu.dma_semaphore, #tpu.memory_space<semaphore_mem>>) src(%arg10 : memref<128x128xf32, #tpu.memory_space<vmem>>) dst(%dma_wait3A_231 : memref<10240x128xf32, #tpu.memory_space<vmem_shared>>)
        tpu.yield
      }) : () -> ()
      %dma_start3A_196 = arith.constant 7 : i32
      %dma_start3A_197 = arith.constant 0 : i32
      %dma_start3A_198 = tpu.memref_slice %arg7[%dma_start3A_196, %dma_start3A_197] : memref<8x128xi32, #tpu.memory_space<vmem>> -> memref<1x128xi32, #tpu.memory_space<vmem>>
      %dma_start3A_199 = tpu.memref_squeeze %dma_start3A_198 : memref<1x128xi32, #tpu.memory_space<vmem>> -> memref<128xi32, #tpu.memory_space<vmem>>
      %dma_start3A_200 = arith.constant 0 : i32
      %dma_start3A_201 = arith.constant 0 : i32
      %dma_start3A_202 = tpu.memref_slice %arg2[%dma_start3A_200, %dma_start3A_201] : memref<10240x128xf32, #tpu.memory_space<hbm>> -> memref<10240x128xf32, #tpu.memory_space<hbm>>
      tpu.enqueue_indirect_dma source(%dma_start3A_202 : memref<10240x128xf32, #tpu.memory_space<hbm>>) target(%arg10 : memref<128x128xf32, #tpu.memory_space<vmem>>) offsets(%dma_start3A_199 : memref<128xi32, #tpu.memory_space<vmem>>) semaphore(%arg12 : memref<!tpu.dma_semaphore, #tpu.memory_space<semaphore_mem>>)
      %dma_wait3A_203 = arith.constant 6 : i32
      %dma_wait3A_204 = arith.constant 0 : i32
      %dma_wait3A_205 = tpu.memref_slice %arg7[%dma_wait3A_203, %dma_wait3A_204] : memref<8x128xi32, #tpu.memory_space<vmem>> -> memref<1x128xi32, #tpu.memory_space<vmem>>
      %dma_wait3A_206 = tpu.memref_squeeze %dma_wait3A_205 : memref<1x128xi32, #tpu.memory_space<vmem>> -> memref<128xi32, #tpu.memory_space<vmem>>
      %dma_wait3A_207 = arith.constant 0 : i32
      %dma_wait3A_208 = arith.constant 0 : i32
      %dma_wait3A_209 = tpu.memref_slice %arg2[%dma_wait3A_207, %dma_wait3A_208] : memref<10240x128xf32, #tpu.memory_space<hbm>> -> memref<10240x128xf32, #tpu.memory_space<hbm>>
      tpu.wait_indirect_dma semaphore(%arg11 : memref<!tpu.dma_semaphore, #tpu.memory_space<semaphore_mem>>) src(%dma_wait3A_209 : memref<10240x128xf32, #tpu.memory_space<hbm>>) dst(%arg9 : memref<128x128xf32, #tpu.memory_space<vmem>>)
      %run_scoped3A_210 = arith.constant 6 : i32
      "tpu.region"() ({
        %run_scoped3A_219 = tpu.sem_alloc : memref<!tpu.dma_semaphore, #tpu.memory_space<semaphore_mem>>
        %dma_start3A_220 = arith.constant 0 : i32
        %dma_start3A_221 = tpu.memref_slice %arg8[%run_scoped3A_210, %dma_start3A_220] : memref<8x128xi32, #tpu.memory_space<vmem>> -> memref<1x128xi32, #tpu.memory_space<vmem>>
        %dma_start3A_222 = tpu.memref_squeeze %dma_start3A_221 : memref<1x128xi32, #tpu.memory_space<vmem>> -> memref<128xi32, #tpu.memory_space<vmem>>
        %dma_start3A_223 = arith.constant 0 : i32
        %dma_start3A_224 = arith.constant 0 : i32
        %dma_start3A_225 = tpu.memref_slice %arg13[%dma_start3A_223, %dma_start3A_224] : memref<10240x128xf32, #tpu.memory_space<vmem_shared>> -> memref<10240x128xf32, #tpu.memory_space<vmem_shared>>
        tpu.enqueue_indirect_dma source(%arg9 : memref<128x128xf32, #tpu.memory_space<vmem>>) target(%dma_start3A_225 : memref<10240x128xf32, #tpu.memory_space<vmem_shared>>) offsets(%dma_start3A_222 : memref<128xi32, #tpu.memory_space<vmem>>) semaphore(%run_scoped3A_219 : memref<!tpu.dma_semaphore, #tpu.memory_space<semaphore_mem>>) {add = true}
        %dma_wait3A_226 = arith.constant 0 : i32
        %dma_wait3A_227 = tpu.memref_slice %arg8[%run_scoped3A_210, %dma_wait3A_226] : memref<8x128xi32, #tpu.memory_space<vmem>> -> memref<1x128xi32, #tpu.memory_space<vmem>>
        %dma_wait3A_228 = tpu.memref_squeeze %dma_wait3A_227 : memref<1x128xi32, #tpu.memory_space<vmem>> -> memref<128xi32, #tpu.memory_space<vmem>>
        %dma_wait3A_229 = arith.constant 0 : i32
        %dma_wait3A_230 = arith.constant 0 : i32
        %dma_wait3A_231 = tpu.memref_slice %arg13[%dma_wait3A_229, %dma_wait3A_230] : memref<10240x128xf32, #tpu.memory_space<vmem_shared>> -> memref<10240x128xf32, #tpu.memory_space<vmem_shared>>
        tpu.wait_indirect_dma semaphore(%run_scoped3A_219 : memref<!tpu.dma_semaphore, #tpu.memory_space<semaphore_mem>>) src(%arg9 : memref<128x128xf32, #tpu.memory_space<vmem>>) dst(%dma_wait3A_231 : memref<10240x128xf32, #tpu.memory_space<vmem_shared>>)
        tpu.yield
      }) : () -> ()
      %dma_wait3A_211 = arith.constant 7 : i32
      %dma_wait3A_212 = arith.constant 0 : i32
      %dma_wait3A_213 = tpu.memref_slice %arg7[%dma_wait3A_211, %dma_wait3A_212] : memref<8x128xi32, #tpu.memory_space<vmem>> -> memref<1x128xi32, #tpu.memory_space<vmem>>
      %dma_wait3A_214 = tpu.memref_squeeze %dma_wait3A_213 : memref<1x128xi32, #tpu.memory_space<vmem>> -> memref<128xi32, #tpu.memory_space<vmem>>
      %dma_wait3A_215 = arith.constant 0 : i32
      %dma_wait3A_216 = arith.constant 0 : i32
      %dma_wait3A_217 = tpu.memref_slice %arg2[%dma_wait3A_215, %dma_wait3A_216] : memref<10240x128xf32, #tpu.memory_space<hbm>> -> memref<10240x128xf32, #tpu.memory_space<hbm>>
      tpu.wait_indirect_dma semaphore(%arg12 : memref<!tpu.dma_semaphore, #tpu.memory_space<semaphore_mem>>) src(%dma_wait3A_217 : memref<10240x128xf32, #tpu.memory_space<hbm>>) dst(%arg10 : memref<128x128xf32, #tpu.memory_space<vmem>>)
      %run_scoped3A_218 = arith.constant 7 : i32
      "tpu.region"() ({
        %run_scoped3A_219 = tpu.sem_alloc : memref<!tpu.dma_semaphore, #tpu.memory_space<semaphore_mem>>
        %dma_start3A_220 = arith.constant 0 : i32
        %dma_start3A_221 = tpu.memref_slice %arg8[%run_scoped3A_218, %dma_start3A_220] : memref<8x128xi32, #tpu.memory_space<vmem>> -> memref<1x128xi32, #tpu.memory_space<vmem>>
        %dma_start3A_222 = tpu.memref_squeeze %dma_start3A_221 : memref<1x128xi32, #tpu.memory_space<vmem>> -> memref<128xi32, #tpu.memory_space<vmem>>
        %dma_start3A_223 = arith.constant 0 : i32
        %dma_start3A_224 = arith.constant 0 : i32
        %dma_start3A_225 = tpu.memref_slice %arg13[%dma_start3A_223, %dma_start3A_224] : memref<10240x128xf32, #tpu.memory_space<vmem_shared>> -> memref<10240x128xf32, #tpu.memory_space<vmem_shared>>
        tpu.enqueue_indirect_dma source(%arg10 : memref<128x128xf32, #tpu.memory_space<vmem>>) target(%dma_start3A_225 : memref<10240x128xf32, #tpu.memory_space<vmem_shared>>) offsets(%dma_start3A_222 : memref<128xi32, #tpu.memory_space<vmem>>) semaphore(%run_scoped3A_219 : memref<!tpu.dma_semaphore, #tpu.memory_space<semaphore_mem>>) {add = true}
        %dma_wait3A_226 = arith.constant 0 : i32
        %dma_wait3A_227 = tpu.memref_slice %arg8[%run_scoped3A_218, %dma_wait3A_226] : memref<8x128xi32, #tpu.memory_space<vmem>> -> memref<1x128xi32, #tpu.memory_space<vmem>>
        %dma_wait3A_228 = tpu.memref_squeeze %dma_wait3A_227 : memref<1x128xi32, #tpu.memory_space<vmem>> -> memref<128xi32, #tpu.memory_space<vmem>>
        %dma_wait3A_229 = arith.constant 0 : i32
        %dma_wait3A_230 = arith.constant 0 : i32
        %dma_wait3A_231 = tpu.memref_slice %arg13[%dma_wait3A_229, %dma_wait3A_230] : memref<10240x128xf32, #tpu.memory_space<vmem_shared>> -> memref<10240x128xf32, #tpu.memory_space<vmem_shared>>
        tpu.wait_indirect_dma semaphore(%run_scoped3A_219 : memref<!tpu.dma_semaphore, #tpu.memory_space<semaphore_mem>>) src(%arg10 : memref<128x128xf32, #tpu.memory_space<vmem>>) dst(%dma_wait3A_231 : memref<10240x128xf32, #tpu.memory_space<vmem_shared>>)
        tpu.yield
      }) : () -> ()
    }
    %barrier3A_62 = arith.constant 0 : index
    tpu.barrier barrier_id(%barrier3A_62)
    %eq3A_63 = arith.constant 0 : i32
    %eq3A_64 = arith.cmpi eq, %arg0, %eq3A_63 : i32
    %jit3A_65 = arith.constant 5 : i32
    %jit3A_66 = arith.constant 0 : i32
    %select_n3A_67 = arith.select %eq3A_64, %jit3A_65, %jit3A_66 : i32
    %while3A_68 = arith.constant 0 : i32
    %while3A_69 = arith.constant 0 : i32
    %while3A_70 = arith.subi %select_n3A_67, %while3A_69 : i32
    %while3A_71 = arith.addi %while3A_69, %while3A_70 : i32
    %while3A_72 = arith.constant 1 : i32
    %while3A_73 = arith.divsi %while3A_70, %while3A_72 : i32
    %while3A_74 = arith.muli %while3A_73, %while3A_72 : i32
    %while3A_75 = arith.addi %while3A_69, %while3A_74 : i32
    %while3A_76 = arith.constant 1 : i32
    scf.for %while3A_95 = %while3A_69 to %while3A_75 step %while3A_76  : i32 {
      %mul3A_96 = arith.constant 640 : i32
      %mul3A_97 = arith.muli %arg1, %mul3A_96 : i32
      %mul3A_98 = arith.constant 128 : i32
      %mul3A_99 = arith.muli %while3A_95, %mul3A_98 : i32
      %add3A_100 = arith.addi %mul3A_97, %mul3A_99 : i32
      "tpu.region"() ({
        %run_scoped3A = tpu.sem_alloc : memref<!tpu.dma_semaphore, #tpu.memory_space<semaphore_mem>>
        %dma_start3A = arith.constant 0 : i32
        %dma_start3A_106 = tpu.memref_slice %arg13[%add3A_100, %dma_start3A] : memref<10240x128xf32, #tpu.memory_space<vmem_shared>> -> memref<128x128xf32, #tpu.memory_space<vmem_shared>>
        %dma_start3A_107 = arith.constant 0 : i32
        %dma_start3A_108 = tpu.memref_slice %arg13[%add3A_100, %dma_start3A_107] : memref<10240x128xf32, #tpu.memory_space<vmem_shared>> -> memref<128x128xf32, #tpu.memory_space<vmem_shared>>
        tpu.enqueue_dma source(%dma_start3A_108 : memref<128x128xf32, #tpu.memory_space<vmem_shared>>) target(%arg9 : memref<128x128xf32, #tpu.memory_space<vmem>>) target_semaphore(%run_scoped3A : memref<!tpu.dma_semaphore, #tpu.memory_space<semaphore_mem>>)
        %dma_wait3A = arith.constant 0 : i32
        %dma_wait3A_109 = tpu.memref_slice %arg13[%add3A_100, %dma_wait3A] : memref<10240x128xf32, #tpu.memory_space<vmem_shared>> -> memref<128x128xf32, #tpu.memory_space<vmem_shared>>
        %dma_wait3A_110 = arith.constant 0 : i32
        %dma_wait3A_111 = tpu.memref_slice %arg13[%add3A_100, %dma_wait3A_110] : memref<10240x128xf32, #tpu.memory_space<vmem_shared>> -> memref<128x128xf32, #tpu.memory_space<vmem_shared>>
        tpu.wait_dma2 semaphore(%run_scoped3A : memref<!tpu.dma_semaphore, #tpu.memory_space<semaphore_mem>>) src(%dma_wait3A_111 : memref<128x128xf32, #tpu.memory_space<vmem_shared>>) dst(%arg9 : memref<128x128xf32, #tpu.memory_space<vmem>>)
        tpu.yield
      }) : () -> ()
      %mul3A_101 = arith.constant 640 : i32
      %mul3A_102 = arith.muli %arg1, %mul3A_101 : i32
      %mul3A_103 = arith.constant 128 : i32
      %mul3A_104 = arith.muli %while3A_95, %mul3A_103 : i32
      %add3A_105 = arith.addi %mul3A_102, %mul3A_104 : i32
      "tpu.region"() ({
        %run_scoped3A = tpu.sem_alloc : memref<!tpu.dma_semaphore, #tpu.memory_space<semaphore_mem>>
        %dma_start3A = arith.constant 0 : i32
        %dma_start3A_106 = tpu.memref_slice %arg5[%add3A_105, %dma_start3A] : memref<10240x128xf32, #tpu.memory_space<hbm>> -> memref<128x128xf32, #tpu.memory_space<hbm>>
        %dma_start3A_107 = arith.constant 0 : i32
        %dma_start3A_108 = tpu.memref_slice %arg5[%add3A_105, %dma_start3A_107] : memref<10240x128xf32, #tpu.memory_space<hbm>> -> memref<128x128xf32, #tpu.memory_space<hbm>>
        tpu.enqueue_dma source(%arg9 : memref<128x128xf32, #tpu.memory_space<vmem>>) target(%dma_start3A_108 : memref<128x128xf32, #tpu.memory_space<hbm>>) target_semaphore(%run_scoped3A : memref<!tpu.dma_semaphore, #tpu.memory_space<semaphore_mem>>)
        %dma_wait3A = arith.constant 0 : i32
        %dma_wait3A_109 = tpu.memref_slice %arg5[%add3A_105, %dma_wait3A] : memref<10240x128xf32, #tpu.memory_space<hbm>> -> memref<128x128xf32, #tpu.memory_space<hbm>>
        %dma_wait3A_110 = arith.constant 0 : i32
        %dma_wait3A_111 = tpu.memref_slice %arg5[%add3A_105, %dma_wait3A_110] : memref<10240x128xf32, #tpu.memory_space<hbm>> -> memref<128x128xf32, #tpu.memory_space<hbm>>
        tpu.wait_dma2 semaphore(%run_scoped3A : memref<!tpu.dma_semaphore, #tpu.memory_space<semaphore_mem>>) src(%arg9 : memref<128x128xf32, #tpu.memory_space<vmem>>) dst(%dma_wait3A_111 : memref<128x128xf32, #tpu.memory_space<hbm>>)
        tpu.yield
      }) : () -> ()
    }
    %while3A_77 = arith.constant 1 : i32
    scf.for %while3A_95 = %while3A_75 to %while3A_71 step %while3A_77  : i32 {
      %mul3A_96 = arith.constant 640 : i32
      %mul3A_97 = arith.muli %arg1, %mul3A_96 : i32
      %mul3A_98 = arith.constant 128 : i32
      %mul3A_99 = arith.muli %while3A_95, %mul3A_98 : i32
      %add3A_100 = arith.addi %mul3A_97, %mul3A_99 : i32
      "tpu.region"() ({
        %run_scoped3A = tpu.sem_alloc : memref<!tpu.dma_semaphore, #tpu.memory_space<semaphore_mem>>
        %dma_start3A = arith.constant 0 : i32
        %dma_start3A_106 = tpu.memref_slice %arg13[%add3A_100, %dma_start3A] : memref<10240x128xf32, #tpu.memory_space<vmem_shared>> -> memref<128x128xf32, #tpu.memory_space<vmem_shared>>
        %dma_start3A_107 = arith.constant 0 : i32
        %dma_start3A_108 = tpu.memref_slice %arg13[%add3A_100, %dma_start3A_107] : memref<10240x128xf32, #tpu.memory_space<vmem_shared>> -> memref<128x128xf32, #tpu.memory_space<vmem_shared>>
        tpu.enqueue_dma source(%dma_start3A_108 : memref<128x128xf32, #tpu.memory_space<vmem_shared>>) target(%arg9 : memref<128x128xf32, #tpu.memory_space<vmem>>) target_semaphore(%run_scoped3A : memref<!tpu.dma_semaphore, #tpu.memory_space<semaphore_mem>>)
        %dma_wait3A = arith.constant 0 : i32
        %dma_wait3A_109 = tpu.memref_slice %arg13[%add3A_100, %dma_wait3A] : memref<10240x128xf32, #tpu.memory_space<vmem_shared>> -> memref<128x128xf32, #tpu.memory_space<vmem_shared>>
        %dma_wait3A_110 = arith.constant 0 : i32
        %dma_wait3A_111 = tpu.memref_slice %arg13[%add3A_100, %dma_wait3A_110] : memref<10240x128xf32, #tpu.memory_space<vmem_shared>> -> memref<128x128xf32, #tpu.memory_space<vmem_shared>>
        tpu.wait_dma2 semaphore(%run_scoped3A : memref<!tpu.dma_semaphore, #tpu.memory_space<semaphore_mem>>) src(%dma_wait3A_111 : memref<128x128xf32, #tpu.memory_space<vmem_shared>>) dst(%arg9 : memref<128x128xf32, #tpu.memory_space<vmem>>)
        tpu.yield
      }) : () -> ()
      %mul3A_101 = arith.constant 640 : i32
      %mul3A_102 = arith.muli %arg1, %mul3A_101 : i32
      %mul3A_103 = arith.constant 128 : i32
      %mul3A_104 = arith.muli %while3A_95, %mul3A_103 : i32
      %add3A_105 = arith.addi %mul3A_102, %mul3A_104 : i32
      "tpu.region"() ({
        %run_scoped3A = tpu.sem_alloc : memref<!tpu.dma_semaphore, #tpu.memory_space<semaphore_mem>>
        %dma_start3A = arith.constant 0 : i32
        %dma_start3A_106 = tpu.memref_slice %arg5[%add3A_105, %dma_start3A] : memref<10240x128xf32, #tpu.memory_space<hbm>> -> memref<128x128xf32, #tpu.memory_space<hbm>>
        %dma_start3A_107 = arith.constant 0 : i32
        %dma_start3A_108 = tpu.memref_slice %arg5[%add3A_105, %dma_start3A_107] : memref<10240x128xf32, #tpu.memory_space<hbm>> -> memref<128x128xf32, #tpu.memory_space<hbm>>
        tpu.enqueue_dma source(%arg9 : memref<128x128xf32, #tpu.memory_space<vmem>>) target(%dma_start3A_108 : memref<128x128xf32, #tpu.memory_space<hbm>>) target_semaphore(%run_scoped3A : memref<!tpu.dma_semaphore, #tpu.memory_space<semaphore_mem>>)
        %dma_wait3A = arith.constant 0 : i32
        %dma_wait3A_109 = tpu.memref_slice %arg5[%add3A_105, %dma_wait3A] : memref<10240x128xf32, #tpu.memory_space<hbm>> -> memref<128x128xf32, #tpu.memory_space<hbm>>
        %dma_wait3A_110 = arith.constant 0 : i32
        %dma_wait3A_111 = tpu.memref_slice %arg5[%add3A_105, %dma_wait3A_110] : memref<10240x128xf32, #tpu.memory_space<hbm>> -> memref<128x128xf32, #tpu.memory_space<hbm>>
        tpu.wait_dma2 semaphore(%run_scoped3A : memref<!tpu.dma_semaphore, #tpu.memory_space<semaphore_mem>>) src(%arg9 : memref<128x128xf32, #tpu.memory_space<vmem>>) dst(%dma_wait3A_111 : memref<128x128xf32, #tpu.memory_space<hbm>>)
        tpu.yield
      }) : () -> ()
    }
    %eq3A_78 = arith.constant 1 : i32
    %eq3A_79 = arith.cmpi eq, %arg0, %eq3A_78 : i32
    %jit3A_80 = arith.constant 5 : i32
    %jit3A_81 = arith.constant 0 : i32
    %select_n3A_82 = arith.select %eq3A_79, %jit3A_80, %jit3A_81 : i32
    %while3A_83 = arith.constant 0 : i32
    %while3A_84 = arith.constant 32768 : i32
    %while3A_85 = arith.constant 16 : i32
    %while3A_86 = arith.constant 0 : i32
    %while3A_87 = arith.subi %select_n3A_82, %while3A_86 : i32
    %while3A_88 = arith.addi %while3A_86, %while3A_87 : i32
    %while3A_89 = arith.constant 1 : i32
    %while3A_90 = arith.divsi %while3A_87, %while3A_89 : i32
    %while3A_91 = arith.muli %while3A_90, %while3A_89 : i32
    %while3A_92 = arith.addi %while3A_86, %while3A_91 : i32
    %while3A_93 = arith.constant 1 : i32
    scf.for %while3A_95 = %while3A_86 to %while3A_92 step %while3A_93  : i32 {
      %mul3A_96 = arith.constant 640 : i32
      %mul3A_97 = arith.muli %arg1, %mul3A_96 : i32
      %mul3A_98 = arith.constant 128 : i32
      %mul3A_99 = arith.muli %while3A_95, %mul3A_98 : i32
      %add3A_100 = arith.addi %mul3A_97, %mul3A_99 : i32
      "tpu.region"() ({
        %run_scoped3A = tpu.sem_alloc : memref<!tpu.dma_semaphore, #tpu.memory_space<semaphore_mem>>
        %dma_start3A = arith.constant 0 : i32
        %dma_start3A_112 = tpu.memref_slice %arg13[%add3A_100, %dma_start3A] : memref<10240x128xf32, #tpu.memory_space<vmem_shared>> -> memref<128x128xf32, #tpu.memory_space<vmem_shared>>
        %dma_start3A_113 = arith.constant 0 : i32
        %dma_start3A_114 = tpu.memref_slice %arg13[%add3A_100, %dma_start3A_113] : memref<10240x128xf32, #tpu.memory_space<vmem_shared>> -> memref<128x128xf32, #tpu.memory_space<vmem_shared>>
        tpu.enqueue_dma source(%dma_start3A_114 : memref<128x128xf32, #tpu.memory_space<vmem_shared>>) target(%arg9 : memref<128x128xf32, #tpu.memory_space<vmem>>) target_semaphore(%run_scoped3A : memref<!tpu.dma_semaphore, #tpu.memory_space<semaphore_mem>>)
        %dma_wait3A = arith.constant 0 : i32
        %dma_wait3A_115 = tpu.memref_slice %arg13[%add3A_100, %dma_wait3A] : memref<10240x128xf32, #tpu.memory_space<vmem_shared>> -> memref<128x128xf32, #tpu.memory_space<vmem_shared>>
        %dma_wait3A_116 = arith.constant 0 : i32
        %dma_wait3A_117 = tpu.memref_slice %arg13[%add3A_100, %dma_wait3A_116] : memref<10240x128xf32, #tpu.memory_space<vmem_shared>> -> memref<128x128xf32, #tpu.memory_space<vmem_shared>>
        tpu.wait_dma2 semaphore(%run_scoped3A : memref<!tpu.dma_semaphore, #tpu.memory_space<semaphore_mem>>) src(%dma_wait3A_117 : memref<128x128xf32, #tpu.memory_space<vmem_shared>>) dst(%arg9 : memref<128x128xf32, #tpu.memory_space<vmem>>)
        tpu.yield
      }) : () -> ()
      %scan3A_101 = arith.constant 0 : i32
      %scan3A_102 = arith.constant 0 : i32
      %scan3A_103 = arith.constant 128 : i32
      %scan3A_104 = arith.addi %scan3A_102, %scan3A_103 : i32
      %scan3A_105 = arith.constant 1 : i32
      scf.for %scan3A_112 = %scan3A_102 to %scan3A_104 step %scan3A_105  : i32 {
        %jit3A_113 = arith.constant 2 : i32
        %div3A_114 = arith.divsi %scan3A_112, %jit3A_113 : i32
        %sign3A_115 = arith.constant 0 : i32
        %sign3A_116 = arith.cmpi sgt, %scan3A_112, %sign3A_115 : i32
        %sign3A_117 = arith.extui %sign3A_116 : i1 to i32
        %sign3A_118 = arith.constant 0 : i32
        %sign3A_119 = arith.cmpi slt, %scan3A_112, %sign3A_118 : i32
        %sign3A_120 = arith.extui %sign3A_119 : i1 to i32
        %sign3A_121 = arith.subi %sign3A_117, %sign3A_120 : i32
        %sign3A_122 = arith.constant 0 : i32
        %sign3A_123 = arith.cmpi sgt, %jit3A_113, %sign3A_122 : i32
        %sign3A_124 = arith.extui %sign3A_123 : i1 to i32
        %sign3A_125 = arith.constant 0 : i32
        %sign3A_126 = arith.cmpi slt, %jit3A_113, %sign3A_125 : i32
        %sign3A_127 = arith.extui %sign3A_126 : i1 to i32
        %sign3A_128 = arith.subi %sign3A_124, %sign3A_127 : i32
        %ne3A_129 = arith.cmpi ne, %sign3A_121, %sign3A_128 : i32
        %rem3A_130 = arith.remsi %scan3A_112, %jit3A_113 : i32
        %ne3A_131 = arith.constant 0 : i32
        %ne3A_132 = arith.cmpi ne, %rem3A_130, %ne3A_131 : i32
        %and3A_133 = arith.andi %ne3A_129, %ne3A_132 : i1
        %sub3A_134 = arith.constant 1 : i32
        %sub3A_135 = arith.subi %div3A_114, %sub3A_134 : i32
        %select_n3A_136 = arith.select %and3A_133, %sub3A_135, %div3A_114 : i32
        %jit3A_137 = arith.constant 2 : i32
        %eq3A_138 = arith.constant 0 : i32
        %eq3A_139 = arith.cmpi eq, %jit3A_137, %eq3A_138 : i32
        %jit3A_140 = arith.constant 1 : i32
        %select_n3A_141 = arith.select %eq3A_139, %jit3A_140, %jit3A_137 : i32
        %rem3A_142 = arith.remsi %scan3A_112, %select_n3A_141 : i32
        %ne3A_143 = arith.constant 0 : i32
        %ne3A_144 = arith.cmpi ne, %rem3A_142, %ne3A_143 : i32
        %lt3A = arith.constant 0 : i32
        %lt3A_145 = arith.cmpi slt, %rem3A_142, %lt3A : i32
        %lt3A_146 = arith.constant 0 : i32
        %lt3A_147 = arith.cmpi slt, %select_n3A_141, %lt3A_146 : i32
        %ne3A_148 = arith.xori %lt3A_145, %lt3A_147 : i1
        %and3A_149 = arith.andi %ne3A_148, %ne3A_144 : i1
        %add3A_150 = arith.addi %rem3A_142, %select_n3A_141 : i32
        %select_n3A_151 = arith.select %and3A_149, %add3A_150, %rem3A_142 : i32
        %mul3A_152 = arith.constant 64 : i32
        %mul3A_153 = arith.muli %select_n3A_151, %mul3A_152 : i32
        %get3A = arith.index_cast %scan3A_112 : i32 to index
        %get3A_154 = arith.constant 0 : index
        %get3A_155 = tpu.vector_load %arg9[%get3A, %get3A_154] {strides = array<i32>} : memref<128x128xf32, #tpu.memory_space<vmem>>, vector<1x16xf32>,
        %get3A_156 = vector.shape_cast %get3A_155 : vector<1x16xf32> to vector<16xf32>
        %get3A_157 = arith.index_cast %scan3A_112 : i32 to index
        %get3A_158 = arith.constant 64 : index
        %get3A_159 = tpu.vector_load %arg9[%get3A_157, %get3A_158] {strides = array<i32>} : memref<128x128xf32, #tpu.memory_space<vmem>>, vector<1x16xf32>,
        %get3A_160 = vector.shape_cast %get3A_159 : vector<1x16xf32> to vector<16xf32>
        %bitcast_convert_type3A = tpu.bitcast %get3A_156 : vector<16xf32> -> vector<16xi32>
        %bitcast_convert_type3A_161 = tpu.bitcast %get3A_160 : vector<16xf32> -> vector<16xi32>
        %add3A_162 = vector.broadcast %while3A_84 : i32 to vector<16xi32>
        %add3A_163 = arith.addi %bitcast_convert_type3A, %add3A_162 : vector<16xi32>
        %shift_right_logical3A = vector.broadcast %while3A_85 : i32 to vector<16xi32>
        %shift_right_logical3A_164 = arith.shrui %add3A_163, %shift_right_logical3A : vector<16xi32>
        %add3A_165 = vector.broadcast %while3A_84 : i32 to vector<16xi32>
        %add3A_166 = arith.addi %bitcast_convert_type3A_161, %add3A_165 : vector<16xi32>
        %shift_right_logical3A_167 = vector.broadcast %while3A_85 : i32 to vector<16xi32>
        %shift_right_logical3A_168 = arith.shrui %add3A_166, %shift_right_logical3A_167 : vector<16xi32>
        %shift_left3A = vector.broadcast %while3A_85 : i32 to vector<16xi32>
        %shift_left3A_169 = arith.shli %shift_right_logical3A_168, %shift_left3A : vector<16xi32>
        %or3A = arith.ori %shift_right_logical3A_164, %shift_left3A_169 : vector<16xi32>
        %bitcast_convert_type3A_170 = tpu.bitcast %or3A : vector<16xi32> -> vector<16xf32>
        %add3A_171 = arith.constant 0 : i32
        %add3A_172 = arith.addi %mul3A_153, %add3A_171 : i32
        %swap3A = arith.index_cast %select_n3A_136 : i32 to index
        %swap3A_173 = arith.index_cast %add3A_172 : i32 to index
        %swap3A_174 = tpu.vector_load %arg10[%swap3A, %swap3A_173] {strides = array<i32>} : memref<128x128xf32, #tpu.memory_space<vmem>>, vector<1x16xf32>,
        %swap3A_175 = vector.shape_cast %swap3A_174 : vector<1x16xf32> to vector<16xf32>
        %swap3A_176 = vector.shape_cast %bitcast_convert_type3A_170 : vector<16xf32> to vector<1x16xf32>
        tpu.vector_store %arg10[%swap3A, %swap3A_173], %swap3A_176 {strides = array<i32>} : memref<128x128xf32, #tpu.memory_space<vmem>>, vector<1x16xf32>,
        %get3A_177 = arith.index_cast %scan3A_112 : i32 to index
        %get3A_178 = arith.constant 16 : index
        %get3A_179 = tpu.vector_load %arg9[%get3A_177, %get3A_178] {strides = array<i32>} : memref<128x128xf32, #tpu.memory_space<vmem>>, vector<1x16xf32>,
        %get3A_180 = vector.shape_cast %get3A_179 : vector<1x16xf32> to vector<16xf32>
        %get3A_181 = arith.index_cast %scan3A_112 : i32 to index
        %get3A_182 = arith.constant 80 : index
        %get3A_183 = tpu.vector_load %arg9[%get3A_181, %get3A_182] {strides = array<i32>} : memref<128x128xf32, #tpu.memory_space<vmem>>, vector<1x16xf32>,
        %get3A_184 = vector.shape_cast %get3A_183 : vector<1x16xf32> to vector<16xf32>
        %bitcast_convert_type3A_185 = tpu.bitcast %get3A_180 : vector<16xf32> -> vector<16xi32>
        %bitcast_convert_type3A_186 = tpu.bitcast %get3A_184 : vector<16xf32> -> vector<16xi32>
        %add3A_187 = vector.broadcast %while3A_84 : i32 to vector<16xi32>
        %add3A_188 = arith.addi %bitcast_convert_type3A_185, %add3A_187 : vector<16xi32>
        %shift_right_logical3A_189 = vector.broadcast %while3A_85 : i32 to vector<16xi32>
        %shift_right_logical3A_190 = arith.shrui %add3A_188, %shift_right_logical3A_189 : vector<16xi32>
        %add3A_191 = vector.broadcast %while3A_84 : i32 to vector<16xi32>
        %add3A_192 = arith.addi %bitcast_convert_type3A_186, %add3A_191 : vector<16xi32>
        %shift_right_logical3A_193 = vector.broadcast %while3A_85 : i32 to vector<16xi32>
        %shift_right_logical3A_194 = arith.shrui %add3A_192, %shift_right_logical3A_193 : vector<16xi32>
        %shift_left3A_195 = vector.broadcast %while3A_85 : i32 to vector<16xi32>
        %shift_left3A_196 = arith.shli %shift_right_logical3A_194, %shift_left3A_195 : vector<16xi32>
        %or3A_197 = arith.ori %shift_right_logical3A_190, %shift_left3A_196 : vector<16xi32>
        %bitcast_convert_type3A_198 = tpu.bitcast %or3A_197 : vector<16xi32> -> vector<16xf32>
        %add3A_199 = arith.constant 16 : i32
        %add3A_200 = arith.addi %mul3A_153, %add3A_199 : i32
        %swap3A_201 = arith.index_cast %select_n3A_136 : i32 to index
        %swap3A_202 = arith.index_cast %add3A_200 : i32 to index
        %swap3A_203 = tpu.vector_load %arg10[%swap3A_201, %swap3A_202] {strides = array<i32>} : memref<128x128xf32, #tpu.memory_space<vmem>>, vector<1x16xf32>,
        %swap3A_204 = vector.shape_cast %swap3A_203 : vector<1x16xf32> to vector<16xf32>
        %swap3A_205 = vector.shape_cast %bitcast_convert_type3A_198 : vector<16xf32> to vector<1x16xf32>
        tpu.vector_store %arg10[%swap3A_201, %swap3A_202], %swap3A_205 {strides = array<i32>} : memref<128x128xf32, #tpu.memory_space<vmem>>, vector<1x16xf32>,
        %get3A_206 = arith.index_cast %scan3A_112 : i32 to index
        %get3A_207 = arith.constant 32 : index
        %get3A_208 = tpu.vector_load %arg9[%get3A_206, %get3A_207] {strides = array<i32>} : memref<128x128xf32, #tpu.memory_space<vmem>>, vector<1x16xf32>,
        %get3A_209 = vector.shape_cast %get3A_208 : vector<1x16xf32> to vector<16xf32>
        %get3A_210 = arith.index_cast %scan3A_112 : i32 to index
        %get3A_211 = arith.constant 96 : index
        %get3A_212 = tpu.vector_load %arg9[%get3A_210, %get3A_211] {strides = array<i32>} : memref<128x128xf32, #tpu.memory_space<vmem>>, vector<1x16xf32>,
        %get3A_213 = vector.shape_cast %get3A_212 : vector<1x16xf32> to vector<16xf32>
        %bitcast_convert_type3A_214 = tpu.bitcast %get3A_209 : vector<16xf32> -> vector<16xi32>
        %bitcast_convert_type3A_215 = tpu.bitcast %get3A_213 : vector<16xf32> -> vector<16xi32>
        %add3A_216 = vector.broadcast %while3A_84 : i32 to vector<16xi32>
        %add3A_217 = arith.addi %bitcast_convert_type3A_214, %add3A_216 : vector<16xi32>
        %shift_right_logical3A_218 = vector.broadcast %while3A_85 : i32 to vector<16xi32>
        %shift_right_logical3A_219 = arith.shrui %add3A_217, %shift_right_logical3A_218 : vector<16xi32>
        %add3A_220 = vector.broadcast %while3A_84 : i32 to vector<16xi32>
        %add3A_221 = arith.addi %bitcast_convert_type3A_215, %add3A_220 : vector<16xi32>
        %shift_right_logical3A_222 = vector.broadcast %while3A_85 : i32 to vector<16xi32>
        %shift_right_logical3A_223 = arith.shrui %add3A_221, %shift_right_logical3A_222 : vector<16xi32>
        %shift_left3A_224 = vector.broadcast %while3A_85 : i32 to vector<16xi32>
        %shift_left3A_225 = arith.shli %shift_right_logical3A_223, %shift_left3A_224 : vector<16xi32>
        %or3A_226 = arith.ori %shift_right_logical3A_219, %shift_left3A_225 : vector<16xi32>
        %bitcast_convert_type3A_227 = tpu.bitcast %or3A_226 : vector<16xi32> -> vector<16xf32>
        %add3A_228 = arith.constant 32 : i32
        %add3A_229 = arith.addi %mul3A_153, %add3A_228 : i32
        %swap3A_230 = arith.index_cast %select_n3A_136 : i32 to index
        %swap3A_231 = arith.index_cast %add3A_229 : i32 to index
        %swap3A_232 = tpu.vector_load %arg10[%swap3A_230, %swap3A_231] {strides = array<i32>} : memref<128x128xf32, #tpu.memory_space<vmem>>, vector<1x16xf32>,
        %swap3A_233 = vector.shape_cast %swap3A_232 : vector<1x16xf32> to vector<16xf32>
        %swap3A_234 = vector.shape_cast %bitcast_convert_type3A_227 : vector<16xf32> to vector<1x16xf32>
        tpu.vector_store %arg10[%swap3A_230, %swap3A_231], %swap3A_234 {strides = array<i32>} : memref<128x128xf32, #tpu.memory_space<vmem>>, vector<1x16xf32>,
        %get3A_235 = arith.index_cast %scan3A_112 : i32 to index
        %get3A_236 = arith.constant 48 : index
        %get3A_237 = tpu.vector_load %arg9[%get3A_235, %get3A_236] {strides = array<i32>} : memref<128x128xf32, #tpu.memory_space<vmem>>, vector<1x16xf32>,
        %get3A_238 = vector.shape_cast %get3A_237 : vector<1x16xf32> to vector<16xf32>
        %get3A_239 = arith.index_cast %scan3A_112 : i32 to index
        %get3A_240 = arith.constant 112 : index
        %get3A_241 = tpu.vector_load %arg9[%get3A_239, %get3A_240] {strides = array<i32>} : memref<128x128xf32, #tpu.memory_space<vmem>>, vector<1x16xf32>,
        %get3A_242 = vector.shape_cast %get3A_241 : vector<1x16xf32> to vector<16xf32>
        %bitcast_convert_type3A_243 = tpu.bitcast %get3A_238 : vector<16xf32> -> vector<16xi32>
        %bitcast_convert_type3A_244 = tpu.bitcast %get3A_242 : vector<16xf32> -> vector<16xi32>
        %add3A_245 = vector.broadcast %while3A_84 : i32 to vector<16xi32>
        %add3A_246 = arith.addi %bitcast_convert_type3A_243, %add3A_245 : vector<16xi32>
        %shift_right_logical3A_247 = vector.broadcast %while3A_85 : i32 to vector<16xi32>
        %shift_right_logical3A_248 = arith.shrui %add3A_246, %shift_right_logical3A_247 : vector<16xi32>
        %add3A_249 = vector.broadcast %while3A_84 : i32 to vector<16xi32>
        %add3A_250 = arith.addi %bitcast_convert_type3A_244, %add3A_249 : vector<16xi32>
        %shift_right_logical3A_251 = vector.broadcast %while3A_85 : i32 to vector<16xi32>
        %shift_right_logical3A_252 = arith.shrui %add3A_250, %shift_right_logical3A_251 : vector<16xi32>
        %shift_left3A_253 = vector.broadcast %while3A_85 : i32 to vector<16xi32>
        %shift_left3A_254 = arith.shli %shift_right_logical3A_252, %shift_left3A_253 : vector<16xi32>
        %or3A_255 = arith.ori %shift_right_logical3A_248, %shift_left3A_254 : vector<16xi32>
        %bitcast_convert_type3A_256 = tpu.bitcast %or3A_255 : vector<16xi32> -> vector<16xf32>
        %add3A_257 = arith.constant 48 : i32
        %add3A_258 = arith.addi %mul3A_153, %add3A_257 : i32
        %swap3A_259 = arith.index_cast %select_n3A_136 : i32 to index
        %swap3A_260 = arith.index_cast %add3A_258 : i32 to index
        %swap3A_261 = tpu.vector_load %arg10[%swap3A_259, %swap3A_260] {strides = array<i32>} : memref<128x128xf32, #tpu.memory_space<vmem>>, vector<1x16xf32>,
        %swap3A_262 = vector.shape_cast %swap3A_261 : vector<1x16xf32> to vector<16xf32>
        %swap3A_263 = vector.shape_cast %bitcast_convert_type3A_256 : vector<16xf32> to vector<1x16xf32>
        tpu.vector_store %arg10[%swap3A_259, %swap3A_260], %swap3A_263 {strides = array<i32>} : memref<128x128xf32, #tpu.memory_space<vmem>>, vector<1x16xf32>,
      }
      %scan3A_106 = arith.constant 128 : i32
      %mul3A_107 = arith.constant 320 : i32
      %mul3A_108 = arith.muli %arg1, %mul3A_107 : i32
      %mul3A_109 = arith.constant 64 : i32
      %mul3A_110 = arith.muli %while3A_95, %mul3A_109 : i32
      %add3A_111 = arith.addi %mul3A_108, %mul3A_110 : i32
      "tpu.region"() ({
        %run_scoped3A = tpu.sem_alloc : memref<!tpu.dma_semaphore, #tpu.memory_space<semaphore_mem>>
        %dma_start3A = arith.constant 0 : i32
        %dma_start3A_112 = arith.constant 0 : i32
        %dma_start3A_113 = tpu.memref_slice %arg10[%dma_start3A, %dma_start3A_112] : memref<128x128xf32, #tpu.memory_space<vmem>> -> memref<64x128xf32, #tpu.memory_space<vmem>>
        %dma_start3A_114 = arith.constant 0 : i32
        %dma_start3A_115 = tpu.memref_slice %arg6[%add3A_111, %dma_start3A_114] : memref<5120x128xf32, #tpu.memory_space<hbm>> -> memref<64x128xf32, #tpu.memory_space<hbm>>
        %dma_start3A_116 = arith.constant 0 : i32
        %dma_start3A_117 = tpu.memref_slice %arg6[%add3A_111, %dma_start3A_116] : memref<5120x128xf32, #tpu.memory_space<hbm>> -> memref<64x128xf32, #tpu.memory_space<hbm>>
        %dma_start3A_118 = arith.constant 0 : i32
        %dma_start3A_119 = arith.constant 0 : i32
        %dma_start3A_120 = tpu.memref_slice %arg10[%dma_start3A_118, %dma_start3A_119] : memref<128x128xf32, #tpu.memory_space<vmem>> -> memref<64x128xf32, #tpu.memory_space<vmem>>
        tpu.enqueue_dma source(%dma_start3A_120 : memref<64x128xf32, #tpu.memory_space<vmem>>) target(%dma_start3A_117 : memref<64x128xf32, #tpu.memory_space<hbm>>) target_semaphore(%run_scoped3A : memref<!tpu.dma_semaphore, #tpu.memory_space<semaphore_mem>>)
        %dma_wait3A = arith.constant 0 : i32
        %dma_wait3A_121 = arith.constant 0 : i32
        %dma_wait3A_122 = tpu.memref_slice %arg10[%dma_wait3A, %dma_wait3A_121] : memref<128x128xf32, #tpu.memory_space<vmem>> -> memref<64x128xf32, #tpu.memory_space<vmem>>
        %dma_wait3A_123 = arith.constant 0 : i32
        %dma_wait3A_124 = tpu.memref_slice %arg6[%add3A_111, %dma_wait3A_123] : memref<5120x128xf32, #tpu.memory_space<hbm>> -> memref<64x128xf32, #tpu.memory_space<hbm>>
        %dma_wait3A_125 = arith.constant 0 : i32
        %dma_wait3A_126 = tpu.memref_slice %arg6[%add3A_111, %dma_wait3A_125] : memref<5120x128xf32, #tpu.memory_space<hbm>> -> memref<64x128xf32, #tpu.memory_space<hbm>>
        %dma_wait3A_127 = arith.constant 0 : i32
        %dma_wait3A_128 = arith.constant 0 : i32
        %dma_wait3A_129 = tpu.memref_slice %arg10[%dma_wait3A_127, %dma_wait3A_128] : memref<128x128xf32, #tpu.memory_space<vmem>> -> memref<64x128xf32, #tpu.memory_space<vmem>>
        tpu.wait_dma2 semaphore(%run_scoped3A : memref<!tpu.dma_semaphore, #tpu.memory_space<semaphore_mem>>) src(%dma_wait3A_129 : memref<64x128xf32, #tpu.memory_space<vmem>>) dst(%dma_wait3A_126 : memref<64x128xf32, #tpu.memory_space<hbm>>)
        tpu.yield
      }) : () -> ()
    }
    %while3A_94 = arith.constant 1 : i32
    scf.for %while3A_95 = %while3A_92 to %while3A_88 step %while3A_94  : i32 {
      %mul3A_96 = arith.constant 640 : i32
      %mul3A_97 = arith.muli %arg1, %mul3A_96 : i32
      %mul3A_98 = arith.constant 128 : i32
      %mul3A_99 = arith.muli %while3A_95, %mul3A_98 : i32
      %add3A_100 = arith.addi %mul3A_97, %mul3A_99 : i32
      "tpu.region"() ({
        %run_scoped3A = tpu.sem_alloc : memref<!tpu.dma_semaphore, #tpu.memory_space<semaphore_mem>>
        %dma_start3A = arith.constant 0 : i32
        %dma_start3A_112 = tpu.memref_slice %arg13[%add3A_100, %dma_start3A] : memref<10240x128xf32, #tpu.memory_space<vmem_shared>> -> memref<128x128xf32, #tpu.memory_space<vmem_shared>>
        %dma_start3A_113 = arith.constant 0 : i32
        %dma_start3A_114 = tpu.memref_slice %arg13[%add3A_100, %dma_start3A_113] : memref<10240x128xf32, #tpu.memory_space<vmem_shared>> -> memref<128x128xf32, #tpu.memory_space<vmem_shared>>
        tpu.enqueue_dma source(%dma_start3A_114 : memref<128x128xf32, #tpu.memory_space<vmem_shared>>) target(%arg9 : memref<128x128xf32, #tpu.memory_space<vmem>>) target_semaphore(%run_scoped3A : memref<!tpu.dma_semaphore, #tpu.memory_space<semaphore_mem>>)
        %dma_wait3A = arith.constant 0 : i32
        %dma_wait3A_115 = tpu.memref_slice %arg13[%add3A_100, %dma_wait3A] : memref<10240x128xf32, #tpu.memory_space<vmem_shared>> -> memref<128x128xf32, #tpu.memory_space<vmem_shared>>
        %dma_wait3A_116 = arith.constant 0 : i32
        %dma_wait3A_117 = tpu.memref_slice %arg13[%add3A_100, %dma_wait3A_116] : memref<10240x128xf32, #tpu.memory_space<vmem_shared>> -> memref<128x128xf32, #tpu.memory_space<vmem_shared>>
        tpu.wait_dma2 semaphore(%run_scoped3A : memref<!tpu.dma_semaphore, #tpu.memory_space<semaphore_mem>>) src(%dma_wait3A_117 : memref<128x128xf32, #tpu.memory_space<vmem_shared>>) dst(%arg9 : memref<128x128xf32, #tpu.memory_space<vmem>>)
        tpu.yield
      }) : () -> ()
      %scan3A_101 = arith.constant 0 : i32
      %scan3A_102 = arith.constant 0 : i32
      %scan3A_103 = arith.constant 128 : i32
      %scan3A_104 = arith.addi %scan3A_102, %scan3A_103 : i32
      %scan3A_105 = arith.constant 1 : i32
      scf.for %scan3A_112 = %scan3A_102 to %scan3A_104 step %scan3A_105  : i32 {
        %jit3A_113 = arith.constant 2 : i32
        %div3A_114 = arith.divsi %scan3A_112, %jit3A_113 : i32
        %sign3A_115 = arith.constant 0 : i32
        %sign3A_116 = arith.cmpi sgt, %scan3A_112, %sign3A_115 : i32
        %sign3A_117 = arith.extui %sign3A_116 : i1 to i32
        %sign3A_118 = arith.constant 0 : i32
        %sign3A_119 = arith.cmpi slt, %scan3A_112, %sign3A_118 : i32
        %sign3A_120 = arith.extui %sign3A_119 : i1 to i32
        %sign3A_121 = arith.subi %sign3A_117, %sign3A_120 : i32
        %sign3A_122 = arith.constant 0 : i32
        %sign3A_123 = arith.cmpi sgt, %jit3A_113, %sign3A_122 : i32
        %sign3A_124 = arith.extui %sign3A_123 : i1 to i32
        %sign3A_125 = arith.constant 0 : i32
        %sign3A_126 = arith.cmpi slt, %jit3A_113, %sign3A_125 : i32
        %sign3A_127 = arith.extui %sign3A_126 : i1 to i32
        %sign3A_128 = arith.subi %sign3A_124, %sign3A_127 : i32
        %ne3A_129 = arith.cmpi ne, %sign3A_121, %sign3A_128 : i32
        %rem3A_130 = arith.remsi %scan3A_112, %jit3A_113 : i32
        %ne3A_131 = arith.constant 0 : i32
        %ne3A_132 = arith.cmpi ne, %rem3A_130, %ne3A_131 : i32
        %and3A_133 = arith.andi %ne3A_129, %ne3A_132 : i1
        %sub3A_134 = arith.constant 1 : i32
        %sub3A_135 = arith.subi %div3A_114, %sub3A_134 : i32
        %select_n3A_136 = arith.select %and3A_133, %sub3A_135, %div3A_114 : i32
        %jit3A_137 = arith.constant 2 : i32
        %eq3A_138 = arith.constant 0 : i32
        %eq3A_139 = arith.cmpi eq, %jit3A_137, %eq3A_138 : i32
        %jit3A_140 = arith.constant 1 : i32
        %select_n3A_141 = arith.select %eq3A_139, %jit3A_140, %jit3A_137 : i32
        %rem3A_142 = arith.remsi %scan3A_112, %select_n3A_141 : i32
        %ne3A_143 = arith.constant 0 : i32
        %ne3A_144 = arith.cmpi ne, %rem3A_142, %ne3A_143 : i32
        %lt3A = arith.constant 0 : i32
        %lt3A_145 = arith.cmpi slt, %rem3A_142, %lt3A : i32
        %lt3A_146 = arith.constant 0 : i32
        %lt3A_147 = arith.cmpi slt, %select_n3A_141, %lt3A_146 : i32
        %ne3A_148 = arith.xori %lt3A_145, %lt3A_147 : i1
        %and3A_149 = arith.andi %ne3A_148, %ne3A_144 : i1
        %add3A_150 = arith.addi %rem3A_142, %select_n3A_141 : i32
        %select_n3A_151 = arith.select %and3A_149, %add3A_150, %rem3A_142 : i32
        %mul3A_152 = arith.constant 64 : i32
        %mul3A_153 = arith.muli %select_n3A_151, %mul3A_152 : i32
        %get3A = arith.index_cast %scan3A_112 : i32 to index
        %get3A_154 = arith.constant 0 : index
        %get3A_155 = tpu.vector_load %arg9[%get3A, %get3A_154] {strides = array<i32>} : memref<128x128xf32, #tpu.memory_space<vmem>>, vector<1x16xf32>,
        %get3A_156 = vector.shape_cast %get3A_155 : vector<1x16xf32> to vector<16xf32>
        %get3A_157 = arith.index_cast %scan3A_112 : i32 to index
        %get3A_158 = arith.constant 64 : index
        %get3A_159 = tpu.vector_load %arg9[%get3A_157, %get3A_158] {strides = array<i32>} : memref<128x128xf32, #tpu.memory_space<vmem>>, vector<1x16xf32>,
        %get3A_160 = vector.shape_cast %get3A_159 : vector<1x16xf32> to vector<16xf32>
        %bitcast_convert_type3A = tpu.bitcast %get3A_156 : vector<16xf32> -> vector<16xi32>
        %bitcast_convert_type3A_161 = tpu.bitcast %get3A_160 : vector<16xf32> -> vector<16xi32>
        %add3A_162 = vector.broadcast %while3A_84 : i32 to vector<16xi32>
        %add3A_163 = arith.addi %bitcast_convert_type3A, %add3A_162 : vector<16xi32>
        %shift_right_logical3A = vector.broadcast %while3A_85 : i32 to vector<16xi32>
        %shift_right_logical3A_164 = arith.shrui %add3A_163, %shift_right_logical3A : vector<16xi32>
        %add3A_165 = vector.broadcast %while3A_84 : i32 to vector<16xi32>
        %add3A_166 = arith.addi %bitcast_convert_type3A_161, %add3A_165 : vector<16xi32>
        %shift_right_logical3A_167 = vector.broadcast %while3A_85 : i32 to vector<16xi32>
        %shift_right_logical3A_168 = arith.shrui %add3A_166, %shift_right_logical3A_167 : vector<16xi32>
        %shift_left3A = vector.broadcast %while3A_85 : i32 to vector<16xi32>
        %shift_left3A_169 = arith.shli %shift_right_logical3A_168, %shift_left3A : vector<16xi32>
        %or3A = arith.ori %shift_right_logical3A_164, %shift_left3A_169 : vector<16xi32>
        %bitcast_convert_type3A_170 = tpu.bitcast %or3A : vector<16xi32> -> vector<16xf32>
        %add3A_171 = arith.constant 0 : i32
        %add3A_172 = arith.addi %mul3A_153, %add3A_171 : i32
        %swap3A = arith.index_cast %select_n3A_136 : i32 to index
        %swap3A_173 = arith.index_cast %add3A_172 : i32 to index
        %swap3A_174 = tpu.vector_load %arg10[%swap3A, %swap3A_173] {strides = array<i32>} : memref<128x128xf32, #tpu.memory_space<vmem>>, vector<1x16xf32>,
        %swap3A_175 = vector.shape_cast %swap3A_174 : vector<1x16xf32> to vector<16xf32>
        %swap3A_176 = vector.shape_cast %bitcast_convert_type3A_170 : vector<16xf32> to vector<1x16xf32>
        tpu.vector_store %arg10[%swap3A, %swap3A_173], %swap3A_176 {strides = array<i32>} : memref<128x128xf32, #tpu.memory_space<vmem>>, vector<1x16xf32>,
        %get3A_177 = arith.index_cast %scan3A_112 : i32 to index
        %get3A_178 = arith.constant 16 : index
        %get3A_179 = tpu.vector_load %arg9[%get3A_177, %get3A_178] {strides = array<i32>} : memref<128x128xf32, #tpu.memory_space<vmem>>, vector<1x16xf32>,
        %get3A_180 = vector.shape_cast %get3A_179 : vector<1x16xf32> to vector<16xf32>
        %get3A_181 = arith.index_cast %scan3A_112 : i32 to index
        %get3A_182 = arith.constant 80 : index
        %get3A_183 = tpu.vector_load %arg9[%get3A_181, %get3A_182] {strides = array<i32>} : memref<128x128xf32, #tpu.memory_space<vmem>>, vector<1x16xf32>,
        %get3A_184 = vector.shape_cast %get3A_183 : vector<1x16xf32> to vector<16xf32>
        %bitcast_convert_type3A_185 = tpu.bitcast %get3A_180 : vector<16xf32> -> vector<16xi32>
        %bitcast_convert_type3A_186 = tpu.bitcast %get3A_184 : vector<16xf32> -> vector<16xi32>
        %add3A_187 = vector.broadcast %while3A_84 : i32 to vector<16xi32>
        %add3A_188 = arith.addi %bitcast_convert_type3A_185, %add3A_187 : vector<16xi32>
        %shift_right_logical3A_189 = vector.broadcast %while3A_85 : i32 to vector<16xi32>
        %shift_right_logical3A_190 = arith.shrui %add3A_188, %shift_right_logical3A_189 : vector<16xi32>
        %add3A_191 = vector.broadcast %while3A_84 : i32 to vector<16xi32>
        %add3A_192 = arith.addi %bitcast_convert_type3A_186, %add3A_191 : vector<16xi32>
        %shift_right_logical3A_193 = vector.broadcast %while3A_85 : i32 to vector<16xi32>
        %shift_right_logical3A_194 = arith.shrui %add3A_192, %shift_right_logical3A_193 : vector<16xi32>
        %shift_left3A_195 = vector.broadcast %while3A_85 : i32 to vector<16xi32>
        %shift_left3A_196 = arith.shli %shift_right_logical3A_194, %shift_left3A_195 : vector<16xi32>
        %or3A_197 = arith.ori %shift_right_logical3A_190, %shift_left3A_196 : vector<16xi32>
        %bitcast_convert_type3A_198 = tpu.bitcast %or3A_197 : vector<16xi32> -> vector<16xf32>
        %add3A_199 = arith.constant 16 : i32
        %add3A_200 = arith.addi %mul3A_153, %add3A_199 : i32
        %swap3A_201 = arith.index_cast %select_n3A_136 : i32 to index
        %swap3A_202 = arith.index_cast %add3A_200 : i32 to index
        %swap3A_203 = tpu.vector_load %arg10[%swap3A_201, %swap3A_202] {strides = array<i32>} : memref<128x128xf32, #tpu.memory_space<vmem>>, vector<1x16xf32>,
        %swap3A_204 = vector.shape_cast %swap3A_203 : vector<1x16xf32> to vector<16xf32>
        %swap3A_205 = vector.shape_cast %bitcast_convert_type3A_198 : vector<16xf32> to vector<1x16xf32>
        tpu.vector_store %arg10[%swap3A_201, %swap3A_202], %swap3A_205 {strides = array<i32>} : memref<128x128xf32, #tpu.memory_space<vmem>>, vector<1x16xf32>,
        %get3A_206 = arith.index_cast %scan3A_112 : i32 to index
        %get3A_207 = arith.constant 32 : index
        %get3A_208 = tpu.vector_load %arg9[%get3A_206, %get3A_207] {strides = array<i32>} : memref<128x128xf32, #tpu.memory_space<vmem>>, vector<1x16xf32>,
        %get3A_209 = vector.shape_cast %get3A_208 : vector<1x16xf32> to vector<16xf32>
        %get3A_210 = arith.index_cast %scan3A_112 : i32 to index
        %get3A_211 = arith.constant 96 : index
        %get3A_212 = tpu.vector_load %arg9[%get3A_210, %get3A_211] {strides = array<i32>} : memref<128x128xf32, #tpu.memory_space<vmem>>, vector<1x16xf32>,
        %get3A_213 = vector.shape_cast %get3A_212 : vector<1x16xf32> to vector<16xf32>
        %bitcast_convert_type3A_214 = tpu.bitcast %get3A_209 : vector<16xf32> -> vector<16xi32>
        %bitcast_convert_type3A_215 = tpu.bitcast %get3A_213 : vector<16xf32> -> vector<16xi32>
        %add3A_216 = vector.broadcast %while3A_84 : i32 to vector<16xi32>
        %add3A_217 = arith.addi %bitcast_convert_type3A_214, %add3A_216 : vector<16xi32>
        %shift_right_logical3A_218 = vector.broadcast %while3A_85 : i32 to vector<16xi32>
        %shift_right_logical3A_219 = arith.shrui %add3A_217, %shift_right_logical3A_218 : vector<16xi32>
        %add3A_220 = vector.broadcast %while3A_84 : i32 to vector<16xi32>
        %add3A_221 = arith.addi %bitcast_convert_type3A_215, %add3A_220 : vector<16xi32>
        %shift_right_logical3A_222 = vector.broadcast %while3A_85 : i32 to vector<16xi32>
        %shift_right_logical3A_223 = arith.shrui %add3A_221, %shift_right_logical3A_222 : vector<16xi32>
        %shift_left3A_224 = vector.broadcast %while3A_85 : i32 to vector<16xi32>
        %shift_left3A_225 = arith.shli %shift_right_logical3A_223, %shift_left3A_224 : vector<16xi32>
        %or3A_226 = arith.ori %shift_right_logical3A_219, %shift_left3A_225 : vector<16xi32>
        %bitcast_convert_type3A_227 = tpu.bitcast %or3A_226 : vector<16xi32> -> vector<16xf32>
        %add3A_228 = arith.constant 32 : i32
        %add3A_229 = arith.addi %mul3A_153, %add3A_228 : i32
        %swap3A_230 = arith.index_cast %select_n3A_136 : i32 to index
        %swap3A_231 = arith.index_cast %add3A_229 : i32 to index
        %swap3A_232 = tpu.vector_load %arg10[%swap3A_230, %swap3A_231] {strides = array<i32>} : memref<128x128xf32, #tpu.memory_space<vmem>>, vector<1x16xf32>,
        %swap3A_233 = vector.shape_cast %swap3A_232 : vector<1x16xf32> to vector<16xf32>
        %swap3A_234 = vector.shape_cast %bitcast_convert_type3A_227 : vector<16xf32> to vector<1x16xf32>
        tpu.vector_store %arg10[%swap3A_230, %swap3A_231], %swap3A_234 {strides = array<i32>} : memref<128x128xf32, #tpu.memory_space<vmem>>, vector<1x16xf32>,
        %get3A_235 = arith.index_cast %scan3A_112 : i32 to index
        %get3A_236 = arith.constant 48 : index
        %get3A_237 = tpu.vector_load %arg9[%get3A_235, %get3A_236] {strides = array<i32>} : memref<128x128xf32, #tpu.memory_space<vmem>>, vector<1x16xf32>,
        %get3A_238 = vector.shape_cast %get3A_237 : vector<1x16xf32> to vector<16xf32>
        %get3A_239 = arith.index_cast %scan3A_112 : i32 to index
        %get3A_240 = arith.constant 112 : index
        %get3A_241 = tpu.vector_load %arg9[%get3A_239, %get3A_240] {strides = array<i32>} : memref<128x128xf32, #tpu.memory_space<vmem>>, vector<1x16xf32>,
        %get3A_242 = vector.shape_cast %get3A_241 : vector<1x16xf32> to vector<16xf32>
        %bitcast_convert_type3A_243 = tpu.bitcast %get3A_238 : vector<16xf32> -> vector<16xi32>
        %bitcast_convert_type3A_244 = tpu.bitcast %get3A_242 : vector<16xf32> -> vector<16xi32>
        %add3A_245 = vector.broadcast %while3A_84 : i32 to vector<16xi32>
        %add3A_246 = arith.addi %bitcast_convert_type3A_243, %add3A_245 : vector<16xi32>
        %shift_right_logical3A_247 = vector.broadcast %while3A_85 : i32 to vector<16xi32>
        %shift_right_logical3A_248 = arith.shrui %add3A_246, %shift_right_logical3A_247 : vector<16xi32>
        %add3A_249 = vector.broadcast %while3A_84 : i32 to vector<16xi32>
        %add3A_250 = arith.addi %bitcast_convert_type3A_244, %add3A_249 : vector<16xi32>
        %shift_right_logical3A_251 = vector.broadcast %while3A_85 : i32 to vector<16xi32>
        %shift_right_logical3A_252 = arith.shrui %add3A_250, %shift_right_logical3A_251 : vector<16xi32>
        %shift_left3A_253 = vector.broadcast %while3A_85 : i32 to vector<16xi32>
        %shift_left3A_254 = arith.shli %shift_right_logical3A_252, %shift_left3A_253 : vector<16xi32>
        %or3A_255 = arith.ori %shift_right_logical3A_248, %shift_left3A_254 : vector<16xi32>
        %bitcast_convert_type3A_256 = tpu.bitcast %or3A_255 : vector<16xi32> -> vector<16xf32>
        %add3A_257 = arith.constant 48 : i32
        %add3A_258 = arith.addi %mul3A_153, %add3A_257 : i32
        %swap3A_259 = arith.index_cast %select_n3A_136 : i32 to index
        %swap3A_260 = arith.index_cast %add3A_258 : i32 to index
        %swap3A_261 = tpu.vector_load %arg10[%swap3A_259, %swap3A_260] {strides = array<i32>} : memref<128x128xf32, #tpu.memory_space<vmem>>, vector<1x16xf32>,
        %swap3A_262 = vector.shape_cast %swap3A_261 : vector<1x16xf32> to vector<16xf32>
        %swap3A_263 = vector.shape_cast %bitcast_convert_type3A_256 : vector<16xf32> to vector<1x16xf32>
        tpu.vector_store %arg10[%swap3A_259, %swap3A_260], %swap3A_263 {strides = array<i32>} : memref<128x128xf32, #tpu.memory_space<vmem>>, vector<1x16xf32>,
      }
      %scan3A_106 = arith.constant 128 : i32
      %mul3A_107 = arith.constant 320 : i32
      %mul3A_108 = arith.muli %arg1, %mul3A_107 : i32
      %mul3A_109 = arith.constant 64 : i32
      %mul3A_110 = arith.muli %while3A_95, %mul3A_109 : i32
      %add3A_111 = arith.addi %mul3A_108, %mul3A_110 : i32
      "tpu.region"() ({
        %run_scoped3A = tpu.sem_alloc : memref<!tpu.dma_semaphore, #tpu.memory_space<semaphore_mem>>
        %dma_start3A = arith.constant 0 : i32
        %dma_start3A_112 = arith.constant 0 : i32
        %dma_start3A_113 = tpu.memref_slice %arg10[%dma_start3A, %dma_start3A_112] : memref<128x128xf32, #tpu.memory_space<vmem>> -> memref<64x128xf32, #tpu.memory_space<vmem>>
        %dma_start3A_114 = arith.constant 0 : i32
        %dma_start3A_115 = tpu.memref_slice %arg6[%add3A_111, %dma_start3A_114] : memref<5120x128xf32, #tpu.memory_space<hbm>> -> memref<64x128xf32, #tpu.memory_space<hbm>>
        %dma_start3A_116 = arith.constant 0 : i32
        %dma_start3A_117 = tpu.memref_slice %arg6[%add3A_111, %dma_start3A_116] : memref<5120x128xf32, #tpu.memory_space<hbm>> -> memref<64x128xf32, #tpu.memory_space<hbm>>
        %dma_start3A_118 = arith.constant 0 : i32
        %dma_start3A_119 = arith.constant 0 : i32
        %dma_start3A_120 = tpu.memref_slice %arg10[%dma_start3A_118, %dma_start3A_119] : memref<128x128xf32, #tpu.memory_space<vmem>> -> memref<64x128xf32, #tpu.memory_space<vmem>>
        tpu.enqueue_dma source(%dma_start3A_120 : memref<64x128xf32, #tpu.memory_space<vmem>>) target(%dma_start3A_117 : memref<64x128xf32, #tpu.memory_space<hbm>>) target_semaphore(%run_scoped3A : memref<!tpu.dma_semaphore, #tpu.memory_space<semaphore_mem>>)
        %dma_wait3A = arith.constant 0 : i32
        %dma_wait3A_121 = arith.constant 0 : i32
        %dma_wait3A_122 = tpu.memref_slice %arg10[%dma_wait3A, %dma_wait3A_121] : memref<128x128xf32, #tpu.memory_space<vmem>> -> memref<64x128xf32, #tpu.memory_space<vmem>>
        %dma_wait3A_123 = arith.constant 0 : i32
        %dma_wait3A_124 = tpu.memref_slice %arg6[%add3A_111, %dma_wait3A_123] : memref<5120x128xf32, #tpu.memory_space<hbm>> -> memref<64x128xf32, #tpu.memory_space<hbm>>
        %dma_wait3A_125 = arith.constant 0 : i32
        %dma_wait3A_126 = tpu.memref_slice %arg6[%add3A_111, %dma_wait3A_125] : memref<5120x128xf32, #tpu.memory_space<hbm>> -> memref<64x128xf32, #tpu.memory_space<hbm>>
        %dma_wait3A_127 = arith.constant 0 : i32
        %dma_wait3A_128 = arith.constant 0 : i32
        %dma_wait3A_129 = tpu.memref_slice %arg10[%dma_wait3A_127, %dma_wait3A_128] : memref<128x128xf32, #tpu.memory_space<vmem>> -> memref<64x128xf32, #tpu.memory_space<vmem>>
        tpu.wait_dma2 semaphore(%run_scoped3A : memref<!tpu.dma_semaphore, #tpu.memory_space<semaphore_mem>>) src(%dma_wait3A_129 : memref<64x128xf32, #tpu.memory_space<vmem>>) dst(%dma_wait3A_126 : memref<64x128xf32, #tpu.memory_space<hbm>>)
        tpu.yield
      }) : () -> ()
    }
    return
  }
}

#map = affine_map<(d0, d1) -> (0, 0)>
module attributes {stable_mosaic.version = 14 : i64} {
  func.func @agg(%arg0: i32, %arg1: i32, %arg2: memref<10240x128xf32, #tpu.memory_space<hbm>>, %arg3: memref<2560x128xi32, #tpu.memory_space<hbm>>, %arg4: memref<2560x128xi32, #tpu.memory_space<hbm>>, %arg5: memref<10240x128xf32, #tpu.memory_space<hbm>>, %arg6: memref<5120x128xf32, #tpu.memory_space<hbm>>, %arg7: memref<8x128xi32, #tpu.memory_space<vmem>>, %arg8: memref<8x128xi32, #tpu.memory_space<vmem>>, %arg9: memref<128x128xf32, #tpu.memory_space<vmem>>, %arg10: memref<128x128xf32, #tpu.memory_space<vmem>>, %arg11: memref<!tpu.dma_semaphore, #tpu.memory_space<semaphore_mem>>, %arg12: memref<!tpu.dma_semaphore, #tpu.memory_space<semaphore_mem>>, %arg13: memref<10240x128xf32, #tpu.memory_space<vmem_shared>>) attributes {dimension_semantics = [#tpu.dimension_semantics<core_parallel>, #tpu.dimension_semantics<subcore_parallel>], iteration_bounds = array<i64: 2, 16>, scalar_prefetch = 0 : i64, scratch_operands = 7 : i64, tpu.core_type = #tpu.core_type<sc_vector_subcore>, window_params = [{transform_indices = #map}, {transform_indices = #map}, {transform_indices = #map}, {transform_indices = #map}, {transform_indices = #map}]} {
    %eq3A = arith.constant 0 : i32
    %eq3A_0 = arith.cmpi eq, %arg0, %eq3A : i32
    %mul3A = arith.constant 152 : i32
    %mul3A_1 = arith.muli %arg1, %mul3A : i32
    %mul3A_2 = arith.constant 8 : i32
    %mul3A_3 = arith.muli %arg1, %mul3A_2 : i32
    %add3A = arith.constant 2432 : i32
    %add3A_4 = arith.addi %add3A, %mul3A_3 : i32
    %select_n3A = arith.select %eq3A_0, %mul3A_1, %add3A_4 : i32
    %eq3A_5 = arith.constant 0 : i32
    %eq3A_6 = arith.cmpi eq, %arg0, %eq3A_5 : i32
    %jit3A = arith.constant 152 : i32
    %jit3A_7 = arith.constant 8 : i32
    %select_n3A_8 = arith.select %eq3A_6, %jit3A, %jit3A_7 : i32
    %broadcast_in_dim3A = arith.constant 0.000000e+00 : f32
    %broadcast_in_dim3A_9 = vector.broadcast %broadcast_in_dim3A : f32 to vector<16xf32>
    %scan3A = arith.constant 0 : i32
    %scan3A_10 = arith.constant 0 : i32
    %scan3A_11 = arith.constant 128 : i32
    %scan3A_12 = arith.addi %scan3A_10, %scan3A_11 : i32
    %scan3A_13 = arith.constant 1 : i32
    scf.for %scan3A_95 = %scan3A_10 to %scan3A_12 step %scan3A_13  : i32 {
      %swap3A = arith.index_cast %scan3A_95 : i32 to index
      %swap3A_96 = arith.constant 0 : index
      %swap3A_97 = tpu.vector_load %arg9[%swap3A, %swap3A_96] {strides = array<i32>} : memref<128x128xf32, #tpu.memory_space<vmem>>, vector<1x16xf32>,
      %swap3A_98 = vector.shape_cast %swap3A_97 : vector<1x16xf32> to vector<16xf32>
      %swap3A_99 = vector.shape_cast %broadcast_in_dim3A_9 : vector<16xf32> to vector<1x16xf32>
      tpu.vector_store %arg9[%swap3A, %swap3A_96], %swap3A_99 {strides = array<i32>} : memref<128x128xf32, #tpu.memory_space<vmem>>, vector<1x16xf32>,
      %swap3A_100 = arith.index_cast %scan3A_95 : i32 to index
      %swap3A_101 = arith.constant 16 : index
      %swap3A_102 = tpu.vector_load %arg9[%swap3A_100, %swap3A_101] {strides = array<i32>} : memref<128x128xf32, #tpu.memory_space<vmem>>, vector<1x16xf32>,
      %swap3A_103 = vector.shape_cast %swap3A_102 : vector<1x16xf32> to vector<16xf32>
      %swap3A_104 = vector.shape_cast %broadcast_in_dim3A_9 : vector<16xf32> to vector<1x16xf32>
      tpu.vector_store %arg9[%swap3A_100, %swap3A_101], %swap3A_104 {strides = array<i32>} : memref<128x128xf32, #tpu.memory_space<vmem>>, vector<1x16xf32>,
      %swap3A_105 = arith.index_cast %scan3A_95 : i32 to index
      %swap3A_106 = arith.constant 32 : index
      %swap3A_107 = tpu.vector_load %arg9[%swap3A_105, %swap3A_106] {strides = array<i32>} : memref<128x128xf32, #tpu.memory_space<vmem>>, vector<1x16xf32>,
      %swap3A_108 = vector.shape_cast %swap3A_107 : vector<1x16xf32> to vector<16xf32>
      %swap3A_109 = vector.shape_cast %broadcast_in_dim3A_9 : vector<16xf32> to vector<1x16xf32>
      tpu.vector_store %arg9[%swap3A_105, %swap3A_106], %swap3A_109 {strides = array<i32>} : memref<128x128xf32, #tpu.memory_space<vmem>>, vector<1x16xf32>,
      %swap3A_110 = arith.index_cast %scan3A_95 : i32 to index
      %swap3A_111 = arith.constant 48 : index
      %swap3A_112 = tpu.vector_load %arg9[%swap3A_110, %swap3A_111] {strides = array<i32>} : memref<128x128xf32, #tpu.memory_space<vmem>>, vector<1x16xf32>,
      %swap3A_113 = vector.shape_cast %swap3A_112 : vector<1x16xf32> to vector<16xf32>
      %swap3A_114 = vector.shape_cast %broadcast_in_dim3A_9 : vector<16xf32> to vector<1x16xf32>
      tpu.vector_store %arg9[%swap3A_110, %swap3A_111], %swap3A_114 {strides = array<i32>} : memref<128x128xf32, #tpu.memory_space<vmem>>, vector<1x16xf32>,
      %swap3A_115 = arith.index_cast %scan3A_95 : i32 to index
      %swap3A_116 = arith.constant 64 : index
      %swap3A_117 = tpu.vector_load %arg9[%swap3A_115, %swap3A_116] {strides = array<i32>} : memref<128x128xf32, #tpu.memory_space<vmem>>, vector<1x16xf32>,
      %swap3A_118 = vector.shape_cast %swap3A_117 : vector<1x16xf32> to vector<16xf32>
      %swap3A_119 = vector.shape_cast %broadcast_in_dim3A_9 : vector<16xf32> to vector<1x16xf32>
      tpu.vector_store %arg9[%swap3A_115, %swap3A_116], %swap3A_119 {strides = array<i32>} : memref<128x128xf32, #tpu.memory_space<vmem>>, vector<1x16xf32>,
      %swap3A_120 = arith.index_cast %scan3A_95 : i32 to index
      %swap3A_121 = arith.constant 80 : index
      %swap3A_122 = tpu.vector_load %arg9[%swap3A_120, %swap3A_121] {strides = array<i32>} : memref<128x128xf32, #tpu.memory_space<vmem>>, vector<1x16xf32>,
      %swap3A_123 = vector.shape_cast %swap3A_122 : vector<1x16xf32> to vector<16xf32>
      %swap3A_124 = vector.shape_cast %broadcast_in_dim3A_9 : vector<16xf32> to vector<1x16xf32>
      tpu.vector_store %arg9[%swap3A_120, %swap3A_121], %swap3A_124 {strides = array<i32>} : memref<128x128xf32, #tpu.memory_space<vmem>>, vector<1x16xf32>,
      %swap3A_125 = arith.index_cast %scan3A_95 : i32 to index
      %swap3A_126 = arith.constant 96 : index
      %swap3A_127 = tpu.vector_load %arg9[%swap3A_125, %swap3A_126] {strides = array<i32>} : memref<128x128xf32, #tpu.memory_space<vmem>>, vector<1x16xf32>,
      %swap3A_128 = vector.shape_cast %swap3A_127 : vector<1x16xf32> to vector<16xf32>
      %swap3A_129 = vector.shape_cast %broadcast_in_dim3A_9 : vector<16xf32> to vector<1x16xf32>
      tpu.vector_store %arg9[%swap3A_125, %swap3A_126], %swap3A_129 {strides = array<i32>} : memref<128x128xf32, #tpu.memory_space<vmem>>, vector<1x16xf32>,
      %swap3A_130 = arith.index_cast %scan3A_95 : i32 to index
      %swap3A_131 = arith.constant 112 : index
      %swap3A_132 = tpu.vector_load %arg9[%swap3A_130, %swap3A_131] {strides = array<i32>} : memref<128x128xf32, #tpu.memory_space<vmem>>, vector<1x16xf32>,
      %swap3A_133 = vector.shape_cast %swap3A_132 : vector<1x16xf32> to vector<16xf32>
      %swap3A_134 = vector.shape_cast %broadcast_in_dim3A_9 : vector<16xf32> to vector<1x16xf32>
      tpu.vector_store %arg9[%swap3A_130, %swap3A_131], %swap3A_134 {strides = array<i32>} : memref<128x128xf32, #tpu.memory_space<vmem>>, vector<1x16xf32>,
    }
    %scan3A_14 = arith.constant 128 : i32
    %mul3A_15 = arith.constant 640 : i32
    %mul3A_16 = arith.muli %arg1, %mul3A_15 : i32
    %add3A_17 = arith.constant 0 : i32
    %add3A_18 = arith.addi %mul3A_16, %add3A_17 : i32
    "tpu.region"() ({
      %run_scoped3A = tpu.sem_alloc : memref<!tpu.dma_semaphore, #tpu.memory_space<semaphore_mem>>
      %dma_start3A = arith.constant 0 : i32
      %dma_start3A_95 = tpu.memref_slice %arg13[%add3A_18, %dma_start3A] : memref<10240x128xf32, #tpu.memory_space<vmem_shared>> -> memref<128x128xf32, #tpu.memory_space<vmem_shared>>
      %dma_start3A_96 = arith.constant 0 : i32
      %dma_start3A_97 = tpu.memref_slice %arg13[%add3A_18, %dma_start3A_96] : memref<10240x128xf32, #tpu.memory_space<vmem_shared>> -> memref<128x128xf32, #tpu.memory_space<vmem_shared>>
      tpu.enqueue_dma source(%arg9 : memref<128x128xf32, #tpu.memory_space<vmem>>) target(%dma_start3A_97 : memref<128x128xf32, #tpu.memory_space<vmem_shared>>) target_semaphore(%run_scoped3A : memref<!tpu.dma_semaphore, #tpu.memory_space<semaphore_mem>>)
      %dma_wait3A = arith.constant 0 : i32
      %dma_wait3A_98 = tpu.memref_slice %arg13[%add3A_18, %dma_wait3A] : memref<10240x128xf32, #tpu.memory_space<vmem_shared>> -> memref<128x128xf32, #tpu.memory_space<vmem_shared>>
      %dma_wait3A_99 = arith.constant 0 : i32
      %dma_wait3A_100 = tpu.memref_slice %arg13[%add3A_18, %dma_wait3A_99] : memref<10240x128xf32, #tpu.memory_space<vmem_shared>> -> memref<128x128xf32, #tpu.memory_space<vmem_shared>>
      tpu.wait_dma2 semaphore(%run_scoped3A : memref<!tpu.dma_semaphore, #tpu.memory_space<semaphore_mem>>) src(%arg9 : memref<128x128xf32, #tpu.memory_space<vmem>>) dst(%dma_wait3A_100 : memref<128x128xf32, #tpu.memory_space<vmem_shared>>)
      tpu.yield
    }) : () -> ()
    %mul3A_19 = arith.constant 640 : i32
    %mul3A_20 = arith.muli %arg1, %mul3A_19 : i32
    %add3A_21 = arith.constant 128 : i32
    %add3A_22 = arith.addi %mul3A_20, %add3A_21 : i32
    "tpu.region"() ({
      %run_scoped3A = tpu.sem_alloc : memref<!tpu.dma_semaphore, #tpu.memory_space<semaphore_mem>>
      %dma_start3A = arith.constant 0 : i32
      %dma_start3A_95 = tpu.memref_slice %arg13[%add3A_22, %dma_start3A] : memref<10240x128xf32, #tpu.memory_space<vmem_shared>> -> memref<128x128xf32, #tpu.memory_space<vmem_shared>>
      %dma_start3A_96 = arith.constant 0 : i32
      %dma_start3A_97 = tpu.memref_slice %arg13[%add3A_22, %dma_start3A_96] : memref<10240x128xf32, #tpu.memory_space<vmem_shared>> -> memref<128x128xf32, #tpu.memory_space<vmem_shared>>
      tpu.enqueue_dma source(%arg9 : memref<128x128xf32, #tpu.memory_space<vmem>>) target(%dma_start3A_97 : memref<128x128xf32, #tpu.memory_space<vmem_shared>>) target_semaphore(%run_scoped3A : memref<!tpu.dma_semaphore, #tpu.memory_space<semaphore_mem>>)
      %dma_wait3A = arith.constant 0 : i32
      %dma_wait3A_98 = tpu.memref_slice %arg13[%add3A_22, %dma_wait3A] : memref<10240x128xf32, #tpu.memory_space<vmem_shared>> -> memref<128x128xf32, #tpu.memory_space<vmem_shared>>
      %dma_wait3A_99 = arith.constant 0 : i32
      %dma_wait3A_100 = tpu.memref_slice %arg13[%add3A_22, %dma_wait3A_99] : memref<10240x128xf32, #tpu.memory_space<vmem_shared>> -> memref<128x128xf32, #tpu.memory_space<vmem_shared>>
      tpu.wait_dma2 semaphore(%run_scoped3A : memref<!tpu.dma_semaphore, #tpu.memory_space<semaphore_mem>>) src(%arg9 : memref<128x128xf32, #tpu.memory_space<vmem>>) dst(%dma_wait3A_100 : memref<128x128xf32, #tpu.memory_space<vmem_shared>>)
      tpu.yield
    }) : () -> ()
    %mul3A_23 = arith.constant 640 : i32
    %mul3A_24 = arith.muli %arg1, %mul3A_23 : i32
    %add3A_25 = arith.constant 256 : i32
    %add3A_26 = arith.addi %mul3A_24, %add3A_25 : i32
    "tpu.region"() ({
      %run_scoped3A = tpu.sem_alloc : memref<!tpu.dma_semaphore, #tpu.memory_space<semaphore_mem>>
      %dma_start3A = arith.constant 0 : i32
      %dma_start3A_95 = tpu.memref_slice %arg13[%add3A_26, %dma_start3A] : memref<10240x128xf32, #tpu.memory_space<vmem_shared>> -> memref<128x128xf32, #tpu.memory_space<vmem_shared>>
      %dma_start3A_96 = arith.constant 0 : i32
      %dma_start3A_97 = tpu.memref_slice %arg13[%add3A_26, %dma_start3A_96] : memref<10240x128xf32, #tpu.memory_space<vmem_shared>> -> memref<128x128xf32, #tpu.memory_space<vmem_shared>>
      tpu.enqueue_dma source(%arg9 : memref<128x128xf32, #tpu.memory_space<vmem>>) target(%dma_start3A_97 : memref<128x128xf32, #tpu.memory_space<vmem_shared>>) target_semaphore(%run_scoped3A : memref<!tpu.dma_semaphore, #tpu.memory_space<semaphore_mem>>)
      %dma_wait3A = arith.constant 0 : i32
      %dma_wait3A_98 = tpu.memref_slice %arg13[%add3A_26, %dma_wait3A] : memref<10240x128xf32, #tpu.memory_space<vmem_shared>> -> memref<128x128xf32, #tpu.memory_space<vmem_shared>>
      %dma_wait3A_99 = arith.constant 0 : i32
      %dma_wait3A_100 = tpu.memref_slice %arg13[%add3A_26, %dma_wait3A_99] : memref<10240x128xf32, #tpu.memory_space<vmem_shared>> -> memref<128x128xf32, #tpu.memory_space<vmem_shared>>
      tpu.wait_dma2 semaphore(%run_scoped3A : memref<!tpu.dma_semaphore, #tpu.memory_space<semaphore_mem>>) src(%arg9 : memref<128x128xf32, #tpu.memory_space<vmem>>) dst(%dma_wait3A_100 : memref<128x128xf32, #tpu.memory_space<vmem_shared>>)
      tpu.yield
    }) : () -> ()
    %mul3A_27 = arith.constant 640 : i32
    %mul3A_28 = arith.muli %arg1, %mul3A_27 : i32
    %add3A_29 = arith.constant 384 : i32
    %add3A_30 = arith.addi %mul3A_28, %add3A_29 : i32
    "tpu.region"() ({
      %run_scoped3A = tpu.sem_alloc : memref<!tpu.dma_semaphore, #tpu.memory_space<semaphore_mem>>
      %dma_start3A = arith.constant 0 : i32
      %dma_start3A_95 = tpu.memref_slice %arg13[%add3A_30, %dma_start3A] : memref<10240x128xf32, #tpu.memory_space<vmem_shared>> -> memref<128x128xf32, #tpu.memory_space<vmem_shared>>
      %dma_start3A_96 = arith.constant 0 : i32
      %dma_start3A_97 = tpu.memref_slice %arg13[%add3A_30, %dma_start3A_96] : memref<10240x128xf32, #tpu.memory_space<vmem_shared>> -> memref<128x128xf32, #tpu.memory_space<vmem_shared>>
      tpu.enqueue_dma source(%arg9 : memref<128x128xf32, #tpu.memory_space<vmem>>) target(%dma_start3A_97 : memref<128x128xf32, #tpu.memory_space<vmem_shared>>) target_semaphore(%run_scoped3A : memref<!tpu.dma_semaphore, #tpu.memory_space<semaphore_mem>>)
      %dma_wait3A = arith.constant 0 : i32
      %dma_wait3A_98 = tpu.memref_slice %arg13[%add3A_30, %dma_wait3A] : memref<10240x128xf32, #tpu.memory_space<vmem_shared>> -> memref<128x128xf32, #tpu.memory_space<vmem_shared>>
      %dma_wait3A_99 = arith.constant 0 : i32
      %dma_wait3A_100 = tpu.memref_slice %arg13[%add3A_30, %dma_wait3A_99] : memref<10240x128xf32, #tpu.memory_space<vmem_shared>> -> memref<128x128xf32, #tpu.memory_space<vmem_shared>>
      tpu.wait_dma2 semaphore(%run_scoped3A : memref<!tpu.dma_semaphore, #tpu.memory_space<semaphore_mem>>) src(%arg9 : memref<128x128xf32, #tpu.memory_space<vmem>>) dst(%dma_wait3A_100 : memref<128x128xf32, #tpu.memory_space<vmem_shared>>)
      tpu.yield
    }) : () -> ()
    %mul3A_31 = arith.constant 640 : i32
    %mul3A_32 = arith.muli %arg1, %mul3A_31 : i32
    %add3A_33 = arith.constant 512 : i32
    %add3A_34 = arith.addi %mul3A_32, %add3A_33 : i32
    "tpu.region"() ({
      %run_scoped3A = tpu.sem_alloc : memref<!tpu.dma_semaphore, #tpu.memory_space<semaphore_mem>>
      %dma_start3A = arith.constant 0 : i32
      %dma_start3A_95 = tpu.memref_slice %arg13[%add3A_34, %dma_start3A] : memref<10240x128xf32, #tpu.memory_space<vmem_shared>> -> memref<128x128xf32, #tpu.memory_space<vmem_shared>>
      %dma_start3A_96 = arith.constant 0 : i32
      %dma_start3A_97 = tpu.memref_slice %arg13[%add3A_34, %dma_start3A_96] : memref<10240x128xf32, #tpu.memory_space<vmem_shared>> -> memref<128x128xf32, #tpu.memory_space<vmem_shared>>
      tpu.enqueue_dma source(%arg9 : memref<128x128xf32, #tpu.memory_space<vmem>>) target(%dma_start3A_97 : memref<128x128xf32, #tpu.memory_space<vmem_shared>>) target_semaphore(%run_scoped3A : memref<!tpu.dma_semaphore, #tpu.memory_space<semaphore_mem>>)
      %dma_wait3A = arith.constant 0 : i32
      %dma_wait3A_98 = tpu.memref_slice %arg13[%add3A_34, %dma_wait3A] : memref<10240x128xf32, #tpu.memory_space<vmem_shared>> -> memref<128x128xf32, #tpu.memory_space<vmem_shared>>
      %dma_wait3A_99 = arith.constant 0 : i32
      %dma_wait3A_100 = tpu.memref_slice %arg13[%add3A_34, %dma_wait3A_99] : memref<10240x128xf32, #tpu.memory_space<vmem_shared>> -> memref<128x128xf32, #tpu.memory_space<vmem_shared>>
      tpu.wait_dma2 semaphore(%run_scoped3A : memref<!tpu.dma_semaphore, #tpu.memory_space<semaphore_mem>>) src(%arg9 : memref<128x128xf32, #tpu.memory_space<vmem>>) dst(%dma_wait3A_100 : memref<128x128xf32, #tpu.memory_space<vmem_shared>>)
      tpu.yield
    }) : () -> ()
    %barrier3A = arith.constant 0 : index
    tpu.barrier barrier_id(%barrier3A)
    %jit3A_35 = arith.constant 8 : i32
    %div3A = arith.divsi %select_n3A_8, %jit3A_35 : i32
    %sign3A = arith.constant 0 : i32
    %sign3A_36 = arith.cmpi sgt, %select_n3A_8, %sign3A : i32
    %sign3A_37 = arith.extui %sign3A_36 : i1 to i32
    %sign3A_38 = arith.constant 0 : i32
    %sign3A_39 = arith.cmpi slt, %select_n3A_8, %sign3A_38 : i32
    %sign3A_40 = arith.extui %sign3A_39 : i1 to i32
    %sign3A_41 = arith.subi %sign3A_37, %sign3A_40 : i32
    %sign3A_42 = arith.constant 0 : i32
    %sign3A_43 = arith.cmpi sgt, %jit3A_35, %sign3A_42 : i32
    %sign3A_44 = arith.extui %sign3A_43 : i1 to i32
    %sign3A_45 = arith.constant 0 : i32
    %sign3A_46 = arith.cmpi slt, %jit3A_35, %sign3A_45 : i32
    %sign3A_47 = arith.extui %sign3A_46 : i1 to i32
    %sign3A_48 = arith.subi %sign3A_44, %sign3A_47 : i32
    %ne3A = arith.cmpi ne, %sign3A_41, %sign3A_48 : i32
    %rem3A = arith.remsi %select_n3A_8, %jit3A_35 : i32
    %ne3A_49 = arith.constant 0 : i32
    %ne3A_50 = arith.cmpi ne, %rem3A, %ne3A_49 : i32
    %and3A = arith.andi %ne3A, %ne3A_50 : i1
    %sub3A = arith.constant 1 : i32
    %sub3A_51 = arith.subi %div3A, %sub3A : i32
    %select_n3A_52 = arith.select %and3A, %sub3A_51, %div3A : i32
    %while3A = arith.constant 0 : i32
    %while3A_53 = arith.constant 0 : i32
    %while3A_54 = arith.subi %select_n3A_52, %while3A_53 : i32
    %while3A_55 = arith.addi %while3A_53, %while3A_54 : i32
    %while3A_56 = arith.constant 1 : i32
    %while3A_57 = arith.divsi %while3A_54, %while3A_56 : i32
    %while3A_58 = arith.muli %while3A_57, %while3A_56 : i32
    %while3A_59 = arith.addi %while3A_53, %while3A_58 : i32
    %while3A_60 = arith.constant 1 : i32
    scf.for %while3A_95 = %while3A_53 to %while3A_59 step %while3A_60  : i32 {
      %mul3A_96 = arith.constant 8 : i32
      %mul3A_97 = arith.muli %while3A_95, %mul3A_96 : i32
      %add3A_98 = arith.addi %select_n3A, %mul3A_97 : i32
      "tpu.region"() ({
        %run_scoped3A_219 = tpu.sem_alloc : memref<!tpu.dma_semaphore, #tpu.memory_space<semaphore_mem>>
        %dma_start3A_220 = arith.constant 0 : i32
        %dma_start3A_221 = tpu.memref_slice %arg3[%add3A_98, %dma_start3A_220] : memref<2560x128xi32, #tpu.memory_space<hbm>> -> memref<8x128xi32, #tpu.memory_space<hbm>>
        %dma_start3A_222 = arith.constant 0 : i32
        %dma_start3A_223 = tpu.memref_slice %arg3[%add3A_98, %dma_start3A_222] : memref<2560x128xi32, #tpu.memory_space<hbm>> -> memref<8x128xi32, #tpu.memory_space<hbm>>
        tpu.enqueue_dma source(%dma_start3A_223 : memref<8x128xi32, #tpu.memory_space<hbm>>) target(%arg7 : memref<8x128xi32, #tpu.memory_space<vmem>>) target_semaphore(%run_scoped3A_219 : memref<!tpu.dma_semaphore, #tpu.memory_space<semaphore_mem>>)
        %dma_wait3A_224 = arith.constant 0 : i32
        %dma_wait3A_225 = tpu.memref_slice %arg3[%add3A_98, %dma_wait3A_224] : memref<2560x128xi32, #tpu.memory_space<hbm>> -> memref<8x128xi32, #tpu.memory_space<hbm>>
        %dma_wait3A_226 = arith.constant 0 : i32
        %dma_wait3A_227 = tpu.memref_slice %arg3[%add3A_98, %dma_wait3A_226] : memref<2560x128xi32, #tpu.memory_space<hbm>> -> memref<8x128xi32, #tpu.memory_space<hbm>>
        tpu.wait_dma2 semaphore(%run_scoped3A_219 : memref<!tpu.dma_semaphore, #tpu.memory_space<semaphore_mem>>) src(%dma_wait3A_227 : memref<8x128xi32, #tpu.memory_space<hbm>>) dst(%arg7 : memref<8x128xi32, #tpu.memory_space<vmem>>)
        tpu.yield
      }) : () -> ()
      %mul3A_99 = arith.constant 8 : i32
      %mul3A_100 = arith.muli %while3A_95, %mul3A_99 : i32
      %add3A_101 = arith.addi %select_n3A, %mul3A_100 : i32
      "tpu.region"() ({
        %run_scoped3A_219 = tpu.sem_alloc : memref<!tpu.dma_semaphore, #tpu.memory_space<semaphore_mem>>
        %dma_start3A_220 = arith.constant 0 : i32
        %dma_start3A_221 = tpu.memref_slice %arg4[%add3A_101, %dma_start3A_220] : memref<2560x128xi32, #tpu.memory_space<hbm>> -> memref<8x128xi32, #tpu.memory_space<hbm>>
        %dma_start3A_222 = arith.constant 0 : i32
        %dma_start3A_223 = tpu.memref_slice %arg4[%add3A_101, %dma_start3A_222] : memref<2560x128xi32, #tpu.memory_space<hbm>> -> memref<8x128xi32, #tpu.memory_space<hbm>>
        tpu.enqueue_dma source(%dma_start3A_223 : memref<8x128xi32, #tpu.memory_space<hbm>>) target(%arg8 : memref<8x128xi32, #tpu.memory_space<vmem>>) target_semaphore(%run_scoped3A_219 : memref<!tpu.dma_semaphore, #tpu.memory_space<semaphore_mem>>)
        %dma_wait3A_224 = arith.constant 0 : i32
        %dma_wait3A_225 = tpu.memref_slice %arg4[%add3A_101, %dma_wait3A_224] : memref<2560x128xi32, #tpu.memory_space<hbm>> -> memref<8x128xi32, #tpu.memory_space<hbm>>
        %dma_wait3A_226 = arith.constant 0 : i32
        %dma_wait3A_227 = tpu.memref_slice %arg4[%add3A_101, %dma_wait3A_226] : memref<2560x128xi32, #tpu.memory_space<hbm>> -> memref<8x128xi32, #tpu.memory_space<hbm>>
        tpu.wait_dma2 semaphore(%run_scoped3A_219 : memref<!tpu.dma_semaphore, #tpu.memory_space<semaphore_mem>>) src(%dma_wait3A_227 : memref<8x128xi32, #tpu.memory_space<hbm>>) dst(%arg8 : memref<8x128xi32, #tpu.memory_space<vmem>>)
        tpu.yield
      }) : () -> ()
      %dma_start3A = arith.constant 0 : i32
      %dma_start3A_102 = arith.constant 0 : i32
      %dma_start3A_103 = tpu.memref_slice %arg7[%dma_start3A, %dma_start3A_102] : memref<8x128xi32, #tpu.memory_space<vmem>> -> memref<1x128xi32, #tpu.memory_space<vmem>>
      %dma_start3A_104 = tpu.memref_squeeze %dma_start3A_103 : memref<1x128xi32, #tpu.memory_space<vmem>> -> memref<128xi32, #tpu.memory_space<vmem>>
      %dma_start3A_105 = arith.constant 0 : i32
      %dma_start3A_106 = arith.constant 0 : i32
      %dma_start3A_107 = tpu.memref_slice %arg2[%dma_start3A_105, %dma_start3A_106] : memref<10240x128xf32, #tpu.memory_space<hbm>> -> memref<10240x128xf32, #tpu.memory_space<hbm>>
      tpu.enqueue_indirect_dma source(%dma_start3A_107 : memref<10240x128xf32, #tpu.memory_space<hbm>>) target(%arg9 : memref<128x128xf32, #tpu.memory_space<vmem>>) offsets(%dma_start3A_104 : memref<128xi32, #tpu.memory_space<vmem>>) semaphore(%arg11 : memref<!tpu.dma_semaphore, #tpu.memory_space<semaphore_mem>>)
      %dma_start3A_108 = arith.constant 1 : i32
      %dma_start3A_109 = arith.constant 0 : i32
      %dma_start3A_110 = tpu.memref_slice %arg7[%dma_start3A_108, %dma_start3A_109] : memref<8x128xi32, #tpu.memory_space<vmem>> -> memref<1x128xi32, #tpu.memory_space<vmem>>
      %dma_start3A_111 = tpu.memref_squeeze %dma_start3A_110 : memref<1x128xi32, #tpu.memory_space<vmem>> -> memref<128xi32, #tpu.memory_space<vmem>>
      %dma_start3A_112 = arith.constant 0 : i32
      %dma_start3A_113 = arith.constant 0 : i32
      %dma_start3A_114 = tpu.memref_slice %arg2[%dma_start3A_112, %dma_start3A_113] : memref<10240x128xf32, #tpu.memory_space<hbm>> -> memref<10240x128xf32, #tpu.memory_space<hbm>>
      tpu.enqueue_indirect_dma source(%dma_start3A_114 : memref<10240x128xf32, #tpu.memory_space<hbm>>) target(%arg10 : memref<128x128xf32, #tpu.memory_space<vmem>>) offsets(%dma_start3A_111 : memref<128xi32, #tpu.memory_space<vmem>>) semaphore(%arg12 : memref<!tpu.dma_semaphore, #tpu.memory_space<semaphore_mem>>)
      %dma_wait3A = arith.constant 0 : i32
      %dma_wait3A_115 = arith.constant 0 : i32
      %dma_wait3A_116 = tpu.memref_slice %arg7[%dma_wait3A, %dma_wait3A_115] : memref<8x128xi32, #tpu.memory_space<vmem>> -> memref<1x128xi32, #tpu.memory_space<vmem>>
      %dma_wait3A_117 = tpu.memref_squeeze %dma_wait3A_116 : memref<1x128xi32, #tpu.memory_space<vmem>> -> memref<128xi32, #tpu.memory_space<vmem>>
      %dma_wait3A_118 = arith.constant 0 : i32
      %dma_wait3A_119 = arith.constant 0 : i32
      %dma_wait3A_120 = tpu.memref_slice %arg2[%dma_wait3A_118, %dma_wait3A_119] : memref<10240x128xf32, #tpu.memory_space<hbm>> -> memref<10240x128xf32, #tpu.memory_space<hbm>>
      tpu.wait_indirect_dma semaphore(%arg11 : memref<!tpu.dma_semaphore, #tpu.memory_space<semaphore_mem>>) src(%dma_wait3A_120 : memref<10240x128xf32, #tpu.memory_space<hbm>>) dst(%arg9 : memref<128x128xf32, #tpu.memory_space<vmem>>)
      %run_scoped3A = arith.constant 0 : i32
      "tpu.region"() ({
        %run_scoped3A_219 = tpu.sem_alloc : memref<!tpu.dma_semaphore, #tpu.memory_space<semaphore_mem>>
        %dma_start3A_220 = arith.constant 0 : i32
        %dma_start3A_221 = tpu.memref_slice %arg8[%run_scoped3A, %dma_start3A_220] : memref<8x128xi32, #tpu.memory_space<vmem>> -> memref<1x128xi32, #tpu.memory_space<vmem>>
        %dma_start3A_222 = tpu.memref_squeeze %dma_start3A_221 : memref<1x128xi32, #tpu.memory_space<vmem>> -> memref<128xi32, #tpu.memory_space<vmem>>
        %dma_start3A_223 = arith.constant 0 : i32
        %dma_start3A_224 = arith.constant 0 : i32
        %dma_start3A_225 = tpu.memref_slice %arg13[%dma_start3A_223, %dma_start3A_224] : memref<10240x128xf32, #tpu.memory_space<vmem_shared>> -> memref<10240x128xf32, #tpu.memory_space<vmem_shared>>
        tpu.enqueue_indirect_dma source(%arg9 : memref<128x128xf32, #tpu.memory_space<vmem>>) target(%dma_start3A_225 : memref<10240x128xf32, #tpu.memory_space<vmem_shared>>) offsets(%dma_start3A_222 : memref<128xi32, #tpu.memory_space<vmem>>) semaphore(%run_scoped3A_219 : memref<!tpu.dma_semaphore, #tpu.memory_space<semaphore_mem>>) {add = true}
        %dma_wait3A_226 = arith.constant 0 : i32
        %dma_wait3A_227 = tpu.memref_slice %arg8[%run_scoped3A, %dma_wait3A_226] : memref<8x128xi32, #tpu.memory_space<vmem>> -> memref<1x128xi32, #tpu.memory_space<vmem>>
        %dma_wait3A_228 = tpu.memref_squeeze %dma_wait3A_227 : memref<1x128xi32, #tpu.memory_space<vmem>> -> memref<128xi32, #tpu.memory_space<vmem>>
        %dma_wait3A_229 = arith.constant 0 : i32
        %dma_wait3A_230 = arith.constant 0 : i32
        %dma_wait3A_231 = tpu.memref_slice %arg13[%dma_wait3A_229, %dma_wait3A_230] : memref<10240x128xf32, #tpu.memory_space<vmem_shared>> -> memref<10240x128xf32, #tpu.memory_space<vmem_shared>>
        tpu.wait_indirect_dma semaphore(%run_scoped3A_219 : memref<!tpu.dma_semaphore, #tpu.memory_space<semaphore_mem>>) src(%arg9 : memref<128x128xf32, #tpu.memory_space<vmem>>) dst(%dma_wait3A_231 : memref<10240x128xf32, #tpu.memory_space<vmem_shared>>)
        tpu.yield
      }) : () -> ()
      %dma_start3A_121 = arith.constant 2 : i32
      %dma_start3A_122 = arith.constant 0 : i32
      %dma_start3A_123 = tpu.memref_slice %arg7[%dma_start3A_121, %dma_start3A_122] : memref<8x128xi32, #tpu.memory_space<vmem>> -> memref<1x128xi32, #tpu.memory_space<vmem>>
      %dma_start3A_124 = tpu.memref_squeeze %dma_start3A_123 : memref<1x128xi32, #tpu.memory_space<vmem>> -> memref<128xi32, #tpu.memory_space<vmem>>
      %dma_start3A_125 = arith.constant 0 : i32
      %dma_start3A_126 = arith.constant 0 : i32
      %dma_start3A_127 = tpu.memref_slice %arg2[%dma_start3A_125, %dma_start3A_126] : memref<10240x128xf32, #tpu.memory_space<hbm>> -> memref<10240x128xf32, #tpu.memory_space<hbm>>
      tpu.enqueue_indirect_dma source(%dma_start3A_127 : memref<10240x128xf32, #tpu.memory_space<hbm>>) target(%arg9 : memref<128x128xf32, #tpu.memory_space<vmem>>) offsets(%dma_start3A_124 : memref<128xi32, #tpu.memory_space<vmem>>) semaphore(%arg11 : memref<!tpu.dma_semaphore, #tpu.memory_space<semaphore_mem>>)
      %dma_wait3A_128 = arith.constant 1 : i32
      %dma_wait3A_129 = arith.constant 0 : i32
      %dma_wait3A_130 = tpu.memref_slice %arg7[%dma_wait3A_128, %dma_wait3A_129] : memref<8x128xi32, #tpu.memory_space<vmem>> -> memref<1x128xi32, #tpu.memory_space<vmem>>
      %dma_wait3A_131 = tpu.memref_squeeze %dma_wait3A_130 : memref<1x128xi32, #tpu.memory_space<vmem>> -> memref<128xi32, #tpu.memory_space<vmem>>
      %dma_wait3A_132 = arith.constant 0 : i32
      %dma_wait3A_133 = arith.constant 0 : i32
      %dma_wait3A_134 = tpu.memref_slice %arg2[%dma_wait3A_132, %dma_wait3A_133] : memref<10240x128xf32, #tpu.memory_space<hbm>> -> memref<10240x128xf32, #tpu.memory_space<hbm>>
      tpu.wait_indirect_dma semaphore(%arg12 : memref<!tpu.dma_semaphore, #tpu.memory_space<semaphore_mem>>) src(%dma_wait3A_134 : memref<10240x128xf32, #tpu.memory_space<hbm>>) dst(%arg10 : memref<128x128xf32, #tpu.memory_space<vmem>>)
      %run_scoped3A_135 = arith.constant 1 : i32
      "tpu.region"() ({
        %run_scoped3A_219 = tpu.sem_alloc : memref<!tpu.dma_semaphore, #tpu.memory_space<semaphore_mem>>
        %dma_start3A_220 = arith.constant 0 : i32
        %dma_start3A_221 = tpu.memref_slice %arg8[%run_scoped3A_135, %dma_start3A_220] : memref<8x128xi32, #tpu.memory_space<vmem>> -> memref<1x128xi32, #tpu.memory_space<vmem>>
        %dma_start3A_222 = tpu.memref_squeeze %dma_start3A_221 : memref<1x128xi32, #tpu.memory_space<vmem>> -> memref<128xi32, #tpu.memory_space<vmem>>
        %dma_start3A_223 = arith.constant 0 : i32
        %dma_start3A_224 = arith.constant 0 : i32
        %dma_start3A_225 = tpu.memref_slice %arg13[%dma_start3A_223, %dma_start3A_224] : memref<10240x128xf32, #tpu.memory_space<vmem_shared>> -> memref<10240x128xf32, #tpu.memory_space<vmem_shared>>
        tpu.enqueue_indirect_dma source(%arg10 : memref<128x128xf32, #tpu.memory_space<vmem>>) target(%dma_start3A_225 : memref<10240x128xf32, #tpu.memory_space<vmem_shared>>) offsets(%dma_start3A_222 : memref<128xi32, #tpu.memory_space<vmem>>) semaphore(%run_scoped3A_219 : memref<!tpu.dma_semaphore, #tpu.memory_space<semaphore_mem>>) {add = true}
        %dma_wait3A_226 = arith.constant 0 : i32
        %dma_wait3A_227 = tpu.memref_slice %arg8[%run_scoped3A_135, %dma_wait3A_226] : memref<8x128xi32, #tpu.memory_space<vmem>> -> memref<1x128xi32, #tpu.memory_space<vmem>>
        %dma_wait3A_228 = tpu.memref_squeeze %dma_wait3A_227 : memref<1x128xi32, #tpu.memory_space<vmem>> -> memref<128xi32, #tpu.memory_space<vmem>>
        %dma_wait3A_229 = arith.constant 0 : i32
        %dma_wait3A_230 = arith.constant 0 : i32
        %dma_wait3A_231 = tpu.memref_slice %arg13[%dma_wait3A_229, %dma_wait3A_230] : memref<10240x128xf32, #tpu.memory_space<vmem_shared>> -> memref<10240x128xf32, #tpu.memory_space<vmem_shared>>
        tpu.wait_indirect_dma semaphore(%run_scoped3A_219 : memref<!tpu.dma_semaphore, #tpu.memory_space<semaphore_mem>>) src(%arg10 : memref<128x128xf32, #tpu.memory_space<vmem>>) dst(%dma_wait3A_231 : memref<10240x128xf32, #tpu.memory_space<vmem_shared>>)
        tpu.yield
      }) : () -> ()
      %dma_start3A_136 = arith.constant 3 : i32
      %dma_start3A_137 = arith.constant 0 : i32
      %dma_start3A_138 = tpu.memref_slice %arg7[%dma_start3A_136, %dma_start3A_137] : memref<8x128xi32, #tpu.memory_space<vmem>> -> memref<1x128xi32, #tpu.memory_space<vmem>>
      %dma_start3A_139 = tpu.memref_squeeze %dma_start3A_138 : memref<1x128xi32, #tpu.memory_space<vmem>> -> memref<128xi32, #tpu.memory_space<vmem>>
      %dma_start3A_140 = arith.constant 0 : i32
      %dma_start3A_141 = arith.constant 0 : i32
      %dma_start3A_142 = tpu.memref_slice %arg2[%dma_start3A_140, %dma_start3A_141] : memref<10240x128xf32, #tpu.memory_space<hbm>> -> memref<10240x128xf32, #tpu.memory_space<hbm>>
      tpu.enqueue_indirect_dma source(%dma_start3A_142 : memref<10240x128xf32, #tpu.memory_space<hbm>>) target(%arg10 : memref<128x128xf32, #tpu.memory_space<vmem>>) offsets(%dma_start3A_139 : memref<128xi32, #tpu.memory_space<vmem>>) semaphore(%arg12 : memref<!tpu.dma_semaphore, #tpu.memory_space<semaphore_mem>>)
      %dma_wait3A_143 = arith.constant 2 : i32
      %dma_wait3A_144 = arith.constant 0 : i32
      %dma_wait3A_145 = tpu.memref_slice %arg7[%dma_wait3A_143, %dma_wait3A_144] : memref<8x128xi32, #tpu.memory_space<vmem>> -> memref<1x128xi32, #tpu.memory_space<vmem>>
      %dma_wait3A_146 = tpu.memref_squeeze %dma_wait3A_145 : memref<1x128xi32, #tpu.memory_space<vmem>> -> memref<128xi32, #tpu.memory_space<vmem>>
      %dma_wait3A_147 = arith.constant 0 : i32
      %dma_wait3A_148 = arith.constant 0 : i32
      %dma_wait3A_149 = tpu.memref_slice %arg2[%dma_wait3A_147, %dma_wait3A_148] : memref<10240x128xf32, #tpu.memory_space<hbm>> -> memref<10240x128xf32, #tpu.memory_space<hbm>>
      tpu.wait_indirect_dma semaphore(%arg11 : memref<!tpu.dma_semaphore, #tpu.memory_space<semaphore_mem>>) src(%dma_wait3A_149 : memref<10240x128xf32, #tpu.memory_space<hbm>>) dst(%arg9 : memref<128x128xf32, #tpu.memory_space<vmem>>)
      %run_scoped3A_150 = arith.constant 2 : i32
      "tpu.region"() ({
        %run_scoped3A_219 = tpu.sem_alloc : memref<!tpu.dma_semaphore, #tpu.memory_space<semaphore_mem>>
        %dma_start3A_220 = arith.constant 0 : i32
        %dma_start3A_221 = tpu.memref_slice %arg8[%run_scoped3A_150, %dma_start3A_220] : memref<8x128xi32, #tpu.memory_space<vmem>> -> memref<1x128xi32, #tpu.memory_space<vmem>>
        %dma_start3A_222 = tpu.memref_squeeze %dma_start3A_221 : memref<1x128xi32, #tpu.memory_space<vmem>> -> memref<128xi32, #tpu.memory_space<vmem>>
        %dma_start3A_223 = arith.constant 0 : i32
        %dma_start3A_224 = arith.constant 0 : i32
        %dma_start3A_225 = tpu.memref_slice %arg13[%dma_start3A_223, %dma_start3A_224] : memref<10240x128xf32, #tpu.memory_space<vmem_shared>> -> memref<10240x128xf32, #tpu.memory_space<vmem_shared>>
        tpu.enqueue_indirect_dma source(%arg9 : memref<128x128xf32, #tpu.memory_space<vmem>>) target(%dma_start3A_225 : memref<10240x128xf32, #tpu.memory_space<vmem_shared>>) offsets(%dma_start3A_222 : memref<128xi32, #tpu.memory_space<vmem>>) semaphore(%run_scoped3A_219 : memref<!tpu.dma_semaphore, #tpu.memory_space<semaphore_mem>>) {add = true}
        %dma_wait3A_226 = arith.constant 0 : i32
        %dma_wait3A_227 = tpu.memref_slice %arg8[%run_scoped3A_150, %dma_wait3A_226] : memref<8x128xi32, #tpu.memory_space<vmem>> -> memref<1x128xi32, #tpu.memory_space<vmem>>
        %dma_wait3A_228 = tpu.memref_squeeze %dma_wait3A_227 : memref<1x128xi32, #tpu.memory_space<vmem>> -> memref<128xi32, #tpu.memory_space<vmem>>
        %dma_wait3A_229 = arith.constant 0 : i32
        %dma_wait3A_230 = arith.constant 0 : i32
        %dma_wait3A_231 = tpu.memref_slice %arg13[%dma_wait3A_229, %dma_wait3A_230] : memref<10240x128xf32, #tpu.memory_space<vmem_shared>> -> memref<10240x128xf32, #tpu.memory_space<vmem_shared>>
        tpu.wait_indirect_dma semaphore(%run_scoped3A_219 : memref<!tpu.dma_semaphore, #tpu.memory_space<semaphore_mem>>) src(%arg9 : memref<128x128xf32, #tpu.memory_space<vmem>>) dst(%dma_wait3A_231 : memref<10240x128xf32, #tpu.memory_space<vmem_shared>>)
        tpu.yield
      }) : () -> ()
      %dma_start3A_151 = arith.constant 4 : i32
      %dma_start3A_152 = arith.constant 0 : i32
      %dma_start3A_153 = tpu.memref_slice %arg7[%dma_start3A_151, %dma_start3A_152] : memref<8x128xi32, #tpu.memory_space<vmem>> -> memref<1x128xi32, #tpu.memory_space<vmem>>
      %dma_start3A_154 = tpu.memref_squeeze %dma_start3A_153 : memref<1x128xi32, #tpu.memory_space<vmem>> -> memref<128xi32, #tpu.memory_space<vmem>>
      %dma_start3A_155 = arith.constant 0 : i32
      %dma_start3A_156 = arith.constant 0 : i32
      %dma_start3A_157 = tpu.memref_slice %arg2[%dma_start3A_155, %dma_start3A_156] : memref<10240x128xf32, #tpu.memory_space<hbm>> -> memref<10240x128xf32, #tpu.memory_space<hbm>>
      tpu.enqueue_indirect_dma source(%dma_start3A_157 : memref<10240x128xf32, #tpu.memory_space<hbm>>) target(%arg9 : memref<128x128xf32, #tpu.memory_space<vmem>>) offsets(%dma_start3A_154 : memref<128xi32, #tpu.memory_space<vmem>>) semaphore(%arg11 : memref<!tpu.dma_semaphore, #tpu.memory_space<semaphore_mem>>)
      %dma_wait3A_158 = arith.constant 3 : i32
      %dma_wait3A_159 = arith.constant 0 : i32
      %dma_wait3A_160 = tpu.memref_slice %arg7[%dma_wait3A_158, %dma_wait3A_159] : memref<8x128xi32, #tpu.memory_space<vmem>> -> memref<1x128xi32, #tpu.memory_space<vmem>>
      %dma_wait3A_161 = tpu.memref_squeeze %dma_wait3A_160 : memref<1x128xi32, #tpu.memory_space<vmem>> -> memref<128xi32, #tpu.memory_space<vmem>>
      %dma_wait3A_162 = arith.constant 0 : i32
      %dma_wait3A_163 = arith.constant 0 : i32
      %dma_wait3A_164 = tpu.memref_slice %arg2[%dma_wait3A_162, %dma_wait3A_163] : memref<10240x128xf32, #tpu.memory_space<hbm>> -> memref<10240x128xf32, #tpu.memory_space<hbm>>
      tpu.wait_indirect_dma semaphore(%arg12 : memref<!tpu.dma_semaphore, #tpu.memory_space<semaphore_mem>>) src(%dma_wait3A_164 : memref<10240x128xf32, #tpu.memory_space<hbm>>) dst(%arg10 : memref<128x128xf32, #tpu.memory_space<vmem>>)
      %run_scoped3A_165 = arith.constant 3 : i32
      "tpu.region"() ({
        %run_scoped3A_219 = tpu.sem_alloc : memref<!tpu.dma_semaphore, #tpu.memory_space<semaphore_mem>>
        %dma_start3A_220 = arith.constant 0 : i32
        %dma_start3A_221 = tpu.memref_slice %arg8[%run_scoped3A_165, %dma_start3A_220] : memref<8x128xi32, #tpu.memory_space<vmem>> -> memref<1x128xi32, #tpu.memory_space<vmem>>
        %dma_start3A_222 = tpu.memref_squeeze %dma_start3A_221 : memref<1x128xi32, #tpu.memory_space<vmem>> -> memref<128xi32, #tpu.memory_space<vmem>>
        %dma_start3A_223 = arith.constant 0 : i32
        %dma_start3A_224 = arith.constant 0 : i32
        %dma_start3A_225 = tpu.memref_slice %arg13[%dma_start3A_223, %dma_start3A_224] : memref<10240x128xf32, #tpu.memory_space<vmem_shared>> -> memref<10240x128xf32, #tpu.memory_space<vmem_shared>>
        tpu.enqueue_indirect_dma source(%arg10 : memref<128x128xf32, #tpu.memory_space<vmem>>) target(%dma_start3A_225 : memref<10240x128xf32, #tpu.memory_space<vmem_shared>>) offsets(%dma_start3A_222 : memref<128xi32, #tpu.memory_space<vmem>>) semaphore(%run_scoped3A_219 : memref<!tpu.dma_semaphore, #tpu.memory_space<semaphore_mem>>) {add = true}
        %dma_wait3A_226 = arith.constant 0 : i32
        %dma_wait3A_227 = tpu.memref_slice %arg8[%run_scoped3A_165, %dma_wait3A_226] : memref<8x128xi32, #tpu.memory_space<vmem>> -> memref<1x128xi32, #tpu.memory_space<vmem>>
        %dma_wait3A_228 = tpu.memref_squeeze %dma_wait3A_227 : memref<1x128xi32, #tpu.memory_space<vmem>> -> memref<128xi32, #tpu.memory_space<vmem>>
        %dma_wait3A_229 = arith.constant 0 : i32
        %dma_wait3A_230 = arith.constant 0 : i32
        %dma_wait3A_231 = tpu.memref_slice %arg13[%dma_wait3A_229, %dma_wait3A_230] : memref<10240x128xf32, #tpu.memory_space<vmem_shared>> -> memref<10240x128xf32, #tpu.memory_space<vmem_shared>>
        tpu.wait_indirect_dma semaphore(%run_scoped3A_219 : memref<!tpu.dma_semaphore, #tpu.memory_space<semaphore_mem>>) src(%arg10 : memref<128x128xf32, #tpu.memory_space<vmem>>) dst(%dma_wait3A_231 : memref<10240x128xf32, #tpu.memory_space<vmem_shared>>)
        tpu.yield
      }) : () -> ()
      %dma_start3A_166 = arith.constant 5 : i32
      %dma_start3A_167 = arith.constant 0 : i32
      %dma_start3A_168 = tpu.memref_slice %arg7[%dma_start3A_166, %dma_start3A_167] : memref<8x128xi32, #tpu.memory_space<vmem>> -> memref<1x128xi32, #tpu.memory_space<vmem>>
      %dma_start3A_169 = tpu.memref_squeeze %dma_start3A_168 : memref<1x128xi32, #tpu.memory_space<vmem>> -> memref<128xi32, #tpu.memory_space<vmem>>
      %dma_start3A_170 = arith.constant 0 : i32
      %dma_start3A_171 = arith.constant 0 : i32
      %dma_start3A_172 = tpu.memref_slice %arg2[%dma_start3A_170, %dma_start3A_171] : memref<10240x128xf32, #tpu.memory_space<hbm>> -> memref<10240x128xf32, #tpu.memory_space<hbm>>
      tpu.enqueue_indirect_dma source(%dma_start3A_172 : memref<10240x128xf32, #tpu.memory_space<hbm>>) target(%arg10 : memref<128x128xf32, #tpu.memory_space<vmem>>) offsets(%dma_start3A_169 : memref<128xi32, #tpu.memory_space<vmem>>) semaphore(%arg12 : memref<!tpu.dma_semaphore, #tpu.memory_space<semaphore_mem>>)
      %dma_wait3A_173 = arith.constant 4 : i32
      %dma_wait3A_174 = arith.constant 0 : i32
      %dma_wait3A_175 = tpu.memref_slice %arg7[%dma_wait3A_173, %dma_wait3A_174] : memref<8x128xi32, #tpu.memory_space<vmem>> -> memref<1x128xi32, #tpu.memory_space<vmem>>
      %dma_wait3A_176 = tpu.memref_squeeze %dma_wait3A_175 : memref<1x128xi32, #tpu.memory_space<vmem>> -> memref<128xi32, #tpu.memory_space<vmem>>
      %dma_wait3A_177 = arith.constant 0 : i32
      %dma_wait3A_178 = arith.constant 0 : i32
      %dma_wait3A_179 = tpu.memref_slice %arg2[%dma_wait3A_177, %dma_wait3A_178] : memref<10240x128xf32, #tpu.memory_space<hbm>> -> memref<10240x128xf32, #tpu.memory_space<hbm>>
      tpu.wait_indirect_dma semaphore(%arg11 : memref<!tpu.dma_semaphore, #tpu.memory_space<semaphore_mem>>) src(%dma_wait3A_179 : memref<10240x128xf32, #tpu.memory_space<hbm>>) dst(%arg9 : memref<128x128xf32, #tpu.memory_space<vmem>>)
      %run_scoped3A_180 = arith.constant 4 : i32
      "tpu.region"() ({
        %run_scoped3A_219 = tpu.sem_alloc : memref<!tpu.dma_semaphore, #tpu.memory_space<semaphore_mem>>
        %dma_start3A_220 = arith.constant 0 : i32
        %dma_start3A_221 = tpu.memref_slice %arg8[%run_scoped3A_180, %dma_start3A_220] : memref<8x128xi32, #tpu.memory_space<vmem>> -> memref<1x128xi32, #tpu.memory_space<vmem>>
        %dma_start3A_222 = tpu.memref_squeeze %dma_start3A_221 : memref<1x128xi32, #tpu.memory_space<vmem>> -> memref<128xi32, #tpu.memory_space<vmem>>
        %dma_start3A_223 = arith.constant 0 : i32
        %dma_start3A_224 = arith.constant 0 : i32
        %dma_start3A_225 = tpu.memref_slice %arg13[%dma_start3A_223, %dma_start3A_224] : memref<10240x128xf32, #tpu.memory_space<vmem_shared>> -> memref<10240x128xf32, #tpu.memory_space<vmem_shared>>
        tpu.enqueue_indirect_dma source(%arg9 : memref<128x128xf32, #tpu.memory_space<vmem>>) target(%dma_start3A_225 : memref<10240x128xf32, #tpu.memory_space<vmem_shared>>) offsets(%dma_start3A_222 : memref<128xi32, #tpu.memory_space<vmem>>) semaphore(%run_scoped3A_219 : memref<!tpu.dma_semaphore, #tpu.memory_space<semaphore_mem>>) {add = true}
        %dma_wait3A_226 = arith.constant 0 : i32
        %dma_wait3A_227 = tpu.memref_slice %arg8[%run_scoped3A_180, %dma_wait3A_226] : memref<8x128xi32, #tpu.memory_space<vmem>> -> memref<1x128xi32, #tpu.memory_space<vmem>>
        %dma_wait3A_228 = tpu.memref_squeeze %dma_wait3A_227 : memref<1x128xi32, #tpu.memory_space<vmem>> -> memref<128xi32, #tpu.memory_space<vmem>>
        %dma_wait3A_229 = arith.constant 0 : i32
        %dma_wait3A_230 = arith.constant 0 : i32
        %dma_wait3A_231 = tpu.memref_slice %arg13[%dma_wait3A_229, %dma_wait3A_230] : memref<10240x128xf32, #tpu.memory_space<vmem_shared>> -> memref<10240x128xf32, #tpu.memory_space<vmem_shared>>
        tpu.wait_indirect_dma semaphore(%run_scoped3A_219 : memref<!tpu.dma_semaphore, #tpu.memory_space<semaphore_mem>>) src(%arg9 : memref<128x128xf32, #tpu.memory_space<vmem>>) dst(%dma_wait3A_231 : memref<10240x128xf32, #tpu.memory_space<vmem_shared>>)
        tpu.yield
      }) : () -> ()
      %dma_start3A_181 = arith.constant 6 : i32
      %dma_start3A_182 = arith.constant 0 : i32
      %dma_start3A_183 = tpu.memref_slice %arg7[%dma_start3A_181, %dma_start3A_182] : memref<8x128xi32, #tpu.memory_space<vmem>> -> memref<1x128xi32, #tpu.memory_space<vmem>>
      %dma_start3A_184 = tpu.memref_squeeze %dma_start3A_183 : memref<1x128xi32, #tpu.memory_space<vmem>> -> memref<128xi32, #tpu.memory_space<vmem>>
      %dma_start3A_185 = arith.constant 0 : i32
      %dma_start3A_186 = arith.constant 0 : i32
      %dma_start3A_187 = tpu.memref_slice %arg2[%dma_start3A_185, %dma_start3A_186] : memref<10240x128xf32, #tpu.memory_space<hbm>> -> memref<10240x128xf32, #tpu.memory_space<hbm>>
      tpu.enqueue_indirect_dma source(%dma_start3A_187 : memref<10240x128xf32, #tpu.memory_space<hbm>>) target(%arg9 : memref<128x128xf32, #tpu.memory_space<vmem>>) offsets(%dma_start3A_184 : memref<128xi32, #tpu.memory_space<vmem>>) semaphore(%arg11 : memref<!tpu.dma_semaphore, #tpu.memory_space<semaphore_mem>>)
      %dma_wait3A_188 = arith.constant 5 : i32
      %dma_wait3A_189 = arith.constant 0 : i32
      %dma_wait3A_190 = tpu.memref_slice %arg7[%dma_wait3A_188, %dma_wait3A_189] : memref<8x128xi32, #tpu.memory_space<vmem>> -> memref<1x128xi32, #tpu.memory_space<vmem>>
      %dma_wait3A_191 = tpu.memref_squeeze %dma_wait3A_190 : memref<1x128xi32, #tpu.memory_space<vmem>> -> memref<128xi32, #tpu.memory_space<vmem>>
      %dma_wait3A_192 = arith.constant 0 : i32
      %dma_wait3A_193 = arith.constant 0 : i32
      %dma_wait3A_194 = tpu.memref_slice %arg2[%dma_wait3A_192, %dma_wait3A_193] : memref<10240x128xf32, #tpu.memory_space<hbm>> -> memref<10240x128xf32, #tpu.memory_space<hbm>>
      tpu.wait_indirect_dma semaphore(%arg12 : memref<!tpu.dma_semaphore, #tpu.memory_space<semaphore_mem>>) src(%dma_wait3A_194 : memref<10240x128xf32, #tpu.memory_space<hbm>>) dst(%arg10 : memref<128x128xf32, #tpu.memory_space<vmem>>)
      %run_scoped3A_195 = arith.constant 5 : i32
      "tpu.region"() ({
        %run_scoped3A_219 = tpu.sem_alloc : memref<!tpu.dma_semaphore, #tpu.memory_space<semaphore_mem>>
        %dma_start3A_220 = arith.constant 0 : i32
        %dma_start3A_221 = tpu.memref_slice %arg8[%run_scoped3A_195, %dma_start3A_220] : memref<8x128xi32, #tpu.memory_space<vmem>> -> memref<1x128xi32, #tpu.memory_space<vmem>>
        %dma_start3A_222 = tpu.memref_squeeze %dma_start3A_221 : memref<1x128xi32, #tpu.memory_space<vmem>> -> memref<128xi32, #tpu.memory_space<vmem>>
        %dma_start3A_223 = arith.constant 0 : i32
        %dma_start3A_224 = arith.constant 0 : i32
        %dma_start3A_225 = tpu.memref_slice %arg13[%dma_start3A_223, %dma_start3A_224] : memref<10240x128xf32, #tpu.memory_space<vmem_shared>> -> memref<10240x128xf32, #tpu.memory_space<vmem_shared>>
        tpu.enqueue_indirect_dma source(%arg10 : memref<128x128xf32, #tpu.memory_space<vmem>>) target(%dma_start3A_225 : memref<10240x128xf32, #tpu.memory_space<vmem_shared>>) offsets(%dma_start3A_222 : memref<128xi32, #tpu.memory_space<vmem>>) semaphore(%run_scoped3A_219 : memref<!tpu.dma_semaphore, #tpu.memory_space<semaphore_mem>>) {add = true}
        %dma_wait3A_226 = arith.constant 0 : i32
        %dma_wait3A_227 = tpu.memref_slice %arg8[%run_scoped3A_195, %dma_wait3A_226] : memref<8x128xi32, #tpu.memory_space<vmem>> -> memref<1x128xi32, #tpu.memory_space<vmem>>
        %dma_wait3A_228 = tpu.memref_squeeze %dma_wait3A_227 : memref<1x128xi32, #tpu.memory_space<vmem>> -> memref<128xi32, #tpu.memory_space<vmem>>
        %dma_wait3A_229 = arith.constant 0 : i32
        %dma_wait3A_230 = arith.constant 0 : i32
        %dma_wait3A_231 = tpu.memref_slice %arg13[%dma_wait3A_229, %dma_wait3A_230] : memref<10240x128xf32, #tpu.memory_space<vmem_shared>> -> memref<10240x128xf32, #tpu.memory_space<vmem_shared>>
        tpu.wait_indirect_dma semaphore(%run_scoped3A_219 : memref<!tpu.dma_semaphore, #tpu.memory_space<semaphore_mem>>) src(%arg10 : memref<128x128xf32, #tpu.memory_space<vmem>>) dst(%dma_wait3A_231 : memref<10240x128xf32, #tpu.memory_space<vmem_shared>>)
        tpu.yield
      }) : () -> ()
      %dma_start3A_196 = arith.constant 7 : i32
      %dma_start3A_197 = arith.constant 0 : i32
      %dma_start3A_198 = tpu.memref_slice %arg7[%dma_start3A_196, %dma_start3A_197] : memref<8x128xi32, #tpu.memory_space<vmem>> -> memref<1x128xi32, #tpu.memory_space<vmem>>
      %dma_start3A_199 = tpu.memref_squeeze %dma_start3A_198 : memref<1x128xi32, #tpu.memory_space<vmem>> -> memref<128xi32, #tpu.memory_space<vmem>>
      %dma_start3A_200 = arith.constant 0 : i32
      %dma_start3A_201 = arith.constant 0 : i32
      %dma_start3A_202 = tpu.memref_slice %arg2[%dma_start3A_200, %dma_start3A_201] : memref<10240x128xf32, #tpu.memory_space<hbm>> -> memref<10240x128xf32, #tpu.memory_space<hbm>>
      tpu.enqueue_indirect_dma source(%dma_start3A_202 : memref<10240x128xf32, #tpu.memory_space<hbm>>) target(%arg10 : memref<128x128xf32, #tpu.memory_space<vmem>>) offsets(%dma_start3A_199 : memref<128xi32, #tpu.memory_space<vmem>>) semaphore(%arg12 : memref<!tpu.dma_semaphore, #tpu.memory_space<semaphore_mem>>)
      %dma_wait3A_203 = arith.constant 6 : i32
      %dma_wait3A_204 = arith.constant 0 : i32
      %dma_wait3A_205 = tpu.memref_slice %arg7[%dma_wait3A_203, %dma_wait3A_204] : memref<8x128xi32, #tpu.memory_space<vmem>> -> memref<1x128xi32, #tpu.memory_space<vmem>>
      %dma_wait3A_206 = tpu.memref_squeeze %dma_wait3A_205 : memref<1x128xi32, #tpu.memory_space<vmem>> -> memref<128xi32, #tpu.memory_space<vmem>>
      %dma_wait3A_207 = arith.constant 0 : i32
      %dma_wait3A_208 = arith.constant 0 : i32
      %dma_wait3A_209 = tpu.memref_slice %arg2[%dma_wait3A_207, %dma_wait3A_208] : memref<10240x128xf32, #tpu.memory_space<hbm>> -> memref<10240x128xf32, #tpu.memory_space<hbm>>
      tpu.wait_indirect_dma semaphore(%arg11 : memref<!tpu.dma_semaphore, #tpu.memory_space<semaphore_mem>>) src(%dma_wait3A_209 : memref<10240x128xf32, #tpu.memory_space<hbm>>) dst(%arg9 : memref<128x128xf32, #tpu.memory_space<vmem>>)
      %run_scoped3A_210 = arith.constant 6 : i32
      "tpu.region"() ({
        %run_scoped3A_219 = tpu.sem_alloc : memref<!tpu.dma_semaphore, #tpu.memory_space<semaphore_mem>>
        %dma_start3A_220 = arith.constant 0 : i32
        %dma_start3A_221 = tpu.memref_slice %arg8[%run_scoped3A_210, %dma_start3A_220] : memref<8x128xi32, #tpu.memory_space<vmem>> -> memref<1x128xi32, #tpu.memory_space<vmem>>
        %dma_start3A_222 = tpu.memref_squeeze %dma_start3A_221 : memref<1x128xi32, #tpu.memory_space<vmem>> -> memref<128xi32, #tpu.memory_space<vmem>>
        %dma_start3A_223 = arith.constant 0 : i32
        %dma_start3A_224 = arith.constant 0 : i32
        %dma_start3A_225 = tpu.memref_slice %arg13[%dma_start3A_223, %dma_start3A_224] : memref<10240x128xf32, #tpu.memory_space<vmem_shared>> -> memref<10240x128xf32, #tpu.memory_space<vmem_shared>>
        tpu.enqueue_indirect_dma source(%arg9 : memref<128x128xf32, #tpu.memory_space<vmem>>) target(%dma_start3A_225 : memref<10240x128xf32, #tpu.memory_space<vmem_shared>>) offsets(%dma_start3A_222 : memref<128xi32, #tpu.memory_space<vmem>>) semaphore(%run_scoped3A_219 : memref<!tpu.dma_semaphore, #tpu.memory_space<semaphore_mem>>) {add = true}
        %dma_wait3A_226 = arith.constant 0 : i32
        %dma_wait3A_227 = tpu.memref_slice %arg8[%run_scoped3A_210, %dma_wait3A_226] : memref<8x128xi32, #tpu.memory_space<vmem>> -> memref<1x128xi32, #tpu.memory_space<vmem>>
        %dma_wait3A_228 = tpu.memref_squeeze %dma_wait3A_227 : memref<1x128xi32, #tpu.memory_space<vmem>> -> memref<128xi32, #tpu.memory_space<vmem>>
        %dma_wait3A_229 = arith.constant 0 : i32
        %dma_wait3A_230 = arith.constant 0 : i32
        %dma_wait3A_231 = tpu.memref_slice %arg13[%dma_wait3A_229, %dma_wait3A_230] : memref<10240x128xf32, #tpu.memory_space<vmem_shared>> -> memref<10240x128xf32, #tpu.memory_space<vmem_shared>>
        tpu.wait_indirect_dma semaphore(%run_scoped3A_219 : memref<!tpu.dma_semaphore, #tpu.memory_space<semaphore_mem>>) src(%arg9 : memref<128x128xf32, #tpu.memory_space<vmem>>) dst(%dma_wait3A_231 : memref<10240x128xf32, #tpu.memory_space<vmem_shared>>)
        tpu.yield
      }) : () -> ()
      %dma_wait3A_211 = arith.constant 7 : i32
      %dma_wait3A_212 = arith.constant 0 : i32
      %dma_wait3A_213 = tpu.memref_slice %arg7[%dma_wait3A_211, %dma_wait3A_212] : memref<8x128xi32, #tpu.memory_space<vmem>> -> memref<1x128xi32, #tpu.memory_space<vmem>>
      %dma_wait3A_214 = tpu.memref_squeeze %dma_wait3A_213 : memref<1x128xi32, #tpu.memory_space<vmem>> -> memref<128xi32, #tpu.memory_space<vmem>>
      %dma_wait3A_215 = arith.constant 0 : i32
      %dma_wait3A_216 = arith.constant 0 : i32
      %dma_wait3A_217 = tpu.memref_slice %arg2[%dma_wait3A_215, %dma_wait3A_216] : memref<10240x128xf32, #tpu.memory_space<hbm>> -> memref<10240x128xf32, #tpu.memory_space<hbm>>
      tpu.wait_indirect_dma semaphore(%arg12 : memref<!tpu.dma_semaphore, #tpu.memory_space<semaphore_mem>>) src(%dma_wait3A_217 : memref<10240x128xf32, #tpu.memory_space<hbm>>) dst(%arg10 : memref<128x128xf32, #tpu.memory_space<vmem>>)
      %run_scoped3A_218 = arith.constant 7 : i32
      "tpu.region"() ({
        %run_scoped3A_219 = tpu.sem_alloc : memref<!tpu.dma_semaphore, #tpu.memory_space<semaphore_mem>>
        %dma_start3A_220 = arith.constant 0 : i32
        %dma_start3A_221 = tpu.memref_slice %arg8[%run_scoped3A_218, %dma_start3A_220] : memref<8x128xi32, #tpu.memory_space<vmem>> -> memref<1x128xi32, #tpu.memory_space<vmem>>
        %dma_start3A_222 = tpu.memref_squeeze %dma_start3A_221 : memref<1x128xi32, #tpu.memory_space<vmem>> -> memref<128xi32, #tpu.memory_space<vmem>>
        %dma_start3A_223 = arith.constant 0 : i32
        %dma_start3A_224 = arith.constant 0 : i32
        %dma_start3A_225 = tpu.memref_slice %arg13[%dma_start3A_223, %dma_start3A_224] : memref<10240x128xf32, #tpu.memory_space<vmem_shared>> -> memref<10240x128xf32, #tpu.memory_space<vmem_shared>>
        tpu.enqueue_indirect_dma source(%arg10 : memref<128x128xf32, #tpu.memory_space<vmem>>) target(%dma_start3A_225 : memref<10240x128xf32, #tpu.memory_space<vmem_shared>>) offsets(%dma_start3A_222 : memref<128xi32, #tpu.memory_space<vmem>>) semaphore(%run_scoped3A_219 : memref<!tpu.dma_semaphore, #tpu.memory_space<semaphore_mem>>) {add = true}
        %dma_wait3A_226 = arith.constant 0 : i32
        %dma_wait3A_227 = tpu.memref_slice %arg8[%run_scoped3A_218, %dma_wait3A_226] : memref<8x128xi32, #tpu.memory_space<vmem>> -> memref<1x128xi32, #tpu.memory_space<vmem>>
        %dma_wait3A_228 = tpu.memref_squeeze %dma_wait3A_227 : memref<1x128xi32, #tpu.memory_space<vmem>> -> memref<128xi32, #tpu.memory_space<vmem>>
        %dma_wait3A_229 = arith.constant 0 : i32
        %dma_wait3A_230 = arith.constant 0 : i32
        %dma_wait3A_231 = tpu.memref_slice %arg13[%dma_wait3A_229, %dma_wait3A_230] : memref<10240x128xf32, #tpu.memory_space<vmem_shared>> -> memref<10240x128xf32, #tpu.memory_space<vmem_shared>>
        tpu.wait_indirect_dma semaphore(%run_scoped3A_219 : memref<!tpu.dma_semaphore, #tpu.memory_space<semaphore_mem>>) src(%arg10 : memref<128x128xf32, #tpu.memory_space<vmem>>) dst(%dma_wait3A_231 : memref<10240x128xf32, #tpu.memory_space<vmem_shared>>)
        tpu.yield
      }) : () -> ()
    }
    %while3A_61 = arith.constant 1 : i32
    scf.for %while3A_95 = %while3A_59 to %while3A_55 step %while3A_61  : i32 {
      %mul3A_96 = arith.constant 8 : i32
      %mul3A_97 = arith.muli %while3A_95, %mul3A_96 : i32
      %add3A_98 = arith.addi %select_n3A, %mul3A_97 : i32
      "tpu.region"() ({
        %run_scoped3A_219 = tpu.sem_alloc : memref<!tpu.dma_semaphore, #tpu.memory_space<semaphore_mem>>
        %dma_start3A_220 = arith.constant 0 : i32
        %dma_start3A_221 = tpu.memref_slice %arg3[%add3A_98, %dma_start3A_220] : memref<2560x128xi32, #tpu.memory_space<hbm>> -> memref<8x128xi32, #tpu.memory_space<hbm>>
        %dma_start3A_222 = arith.constant 0 : i32
        %dma_start3A_223 = tpu.memref_slice %arg3[%add3A_98, %dma_start3A_222] : memref<2560x128xi32, #tpu.memory_space<hbm>> -> memref<8x128xi32, #tpu.memory_space<hbm>>
        tpu.enqueue_dma source(%dma_start3A_223 : memref<8x128xi32, #tpu.memory_space<hbm>>) target(%arg7 : memref<8x128xi32, #tpu.memory_space<vmem>>) target_semaphore(%run_scoped3A_219 : memref<!tpu.dma_semaphore, #tpu.memory_space<semaphore_mem>>)
        %dma_wait3A_224 = arith.constant 0 : i32
        %dma_wait3A_225 = tpu.memref_slice %arg3[%add3A_98, %dma_wait3A_224] : memref<2560x128xi32, #tpu.memory_space<hbm>> -> memref<8x128xi32, #tpu.memory_space<hbm>>
        %dma_wait3A_226 = arith.constant 0 : i32
        %dma_wait3A_227 = tpu.memref_slice %arg3[%add3A_98, %dma_wait3A_226] : memref<2560x128xi32, #tpu.memory_space<hbm>> -> memref<8x128xi32, #tpu.memory_space<hbm>>
        tpu.wait_dma2 semaphore(%run_scoped3A_219 : memref<!tpu.dma_semaphore, #tpu.memory_space<semaphore_mem>>) src(%dma_wait3A_227 : memref<8x128xi32, #tpu.memory_space<hbm>>) dst(%arg7 : memref<8x128xi32, #tpu.memory_space<vmem>>)
        tpu.yield
      }) : () -> ()
      %mul3A_99 = arith.constant 8 : i32
      %mul3A_100 = arith.muli %while3A_95, %mul3A_99 : i32
      %add3A_101 = arith.addi %select_n3A, %mul3A_100 : i32
      "tpu.region"() ({
        %run_scoped3A_219 = tpu.sem_alloc : memref<!tpu.dma_semaphore, #tpu.memory_space<semaphore_mem>>
        %dma_start3A_220 = arith.constant 0 : i32
        %dma_start3A_221 = tpu.memref_slice %arg4[%add3A_101, %dma_start3A_220] : memref<2560x128xi32, #tpu.memory_space<hbm>> -> memref<8x128xi32, #tpu.memory_space<hbm>>
        %dma_start3A_222 = arith.constant 0 : i32
        %dma_start3A_223 = tpu.memref_slice %arg4[%add3A_101, %dma_start3A_222] : memref<2560x128xi32, #tpu.memory_space<hbm>> -> memref<8x128xi32, #tpu.memory_space<hbm>>
        tpu.enqueue_dma source(%dma_start3A_223 : memref<8x128xi32, #tpu.memory_space<hbm>>) target(%arg8 : memref<8x128xi32, #tpu.memory_space<vmem>>) target_semaphore(%run_scoped3A_219 : memref<!tpu.dma_semaphore, #tpu.memory_space<semaphore_mem>>)
        %dma_wait3A_224 = arith.constant 0 : i32
        %dma_wait3A_225 = tpu.memref_slice %arg4[%add3A_101, %dma_wait3A_224] : memref<2560x128xi32, #tpu.memory_space<hbm>> -> memref<8x128xi32, #tpu.memory_space<hbm>>
        %dma_wait3A_226 = arith.constant 0 : i32
        %dma_wait3A_227 = tpu.memref_slice %arg4[%add3A_101, %dma_wait3A_226] : memref<2560x128xi32, #tpu.memory_space<hbm>> -> memref<8x128xi32, #tpu.memory_space<hbm>>
        tpu.wait_dma2 semaphore(%run_scoped3A_219 : memref<!tpu.dma_semaphore, #tpu.memory_space<semaphore_mem>>) src(%dma_wait3A_227 : memref<8x128xi32, #tpu.memory_space<hbm>>) dst(%arg8 : memref<8x128xi32, #tpu.memory_space<vmem>>)
        tpu.yield
      }) : () -> ()
      %dma_start3A = arith.constant 0 : i32
      %dma_start3A_102 = arith.constant 0 : i32
      %dma_start3A_103 = tpu.memref_slice %arg7[%dma_start3A, %dma_start3A_102] : memref<8x128xi32, #tpu.memory_space<vmem>> -> memref<1x128xi32, #tpu.memory_space<vmem>>
      %dma_start3A_104 = tpu.memref_squeeze %dma_start3A_103 : memref<1x128xi32, #tpu.memory_space<vmem>> -> memref<128xi32, #tpu.memory_space<vmem>>
      %dma_start3A_105 = arith.constant 0 : i32
      %dma_start3A_106 = arith.constant 0 : i32
      %dma_start3A_107 = tpu.memref_slice %arg2[%dma_start3A_105, %dma_start3A_106] : memref<10240x128xf32, #tpu.memory_space<hbm>> -> memref<10240x128xf32, #tpu.memory_space<hbm>>
      tpu.enqueue_indirect_dma source(%dma_start3A_107 : memref<10240x128xf32, #tpu.memory_space<hbm>>) target(%arg9 : memref<128x128xf32, #tpu.memory_space<vmem>>) offsets(%dma_start3A_104 : memref<128xi32, #tpu.memory_space<vmem>>) semaphore(%arg11 : memref<!tpu.dma_semaphore, #tpu.memory_space<semaphore_mem>>)
      %dma_start3A_108 = arith.constant 1 : i32
      %dma_start3A_109 = arith.constant 0 : i32
      %dma_start3A_110 = tpu.memref_slice %arg7[%dma_start3A_108, %dma_start3A_109] : memref<8x128xi32, #tpu.memory_space<vmem>> -> memref<1x128xi32, #tpu.memory_space<vmem>>
      %dma_start3A_111 = tpu.memref_squeeze %dma_start3A_110 : memref<1x128xi32, #tpu.memory_space<vmem>> -> memref<128xi32, #tpu.memory_space<vmem>>
      %dma_start3A_112 = arith.constant 0 : i32
      %dma_start3A_113 = arith.constant 0 : i32
      %dma_start3A_114 = tpu.memref_slice %arg2[%dma_start3A_112, %dma_start3A_113] : memref<10240x128xf32, #tpu.memory_space<hbm>> -> memref<10240x128xf32, #tpu.memory_space<hbm>>
      tpu.enqueue_indirect_dma source(%dma_start3A_114 : memref<10240x128xf32, #tpu.memory_space<hbm>>) target(%arg10 : memref<128x128xf32, #tpu.memory_space<vmem>>) offsets(%dma_start3A_111 : memref<128xi32, #tpu.memory_space<vmem>>) semaphore(%arg12 : memref<!tpu.dma_semaphore, #tpu.memory_space<semaphore_mem>>)
      %dma_wait3A = arith.constant 0 : i32
      %dma_wait3A_115 = arith.constant 0 : i32
      %dma_wait3A_116 = tpu.memref_slice %arg7[%dma_wait3A, %dma_wait3A_115] : memref<8x128xi32, #tpu.memory_space<vmem>> -> memref<1x128xi32, #tpu.memory_space<vmem>>
      %dma_wait3A_117 = tpu.memref_squeeze %dma_wait3A_116 : memref<1x128xi32, #tpu.memory_space<vmem>> -> memref<128xi32, #tpu.memory_space<vmem>>
      %dma_wait3A_118 = arith.constant 0 : i32
      %dma_wait3A_119 = arith.constant 0 : i32
      %dma_wait3A_120 = tpu.memref_slice %arg2[%dma_wait3A_118, %dma_wait3A_119] : memref<10240x128xf32, #tpu.memory_space<hbm>> -> memref<10240x128xf32, #tpu.memory_space<hbm>>
      tpu.wait_indirect_dma semaphore(%arg11 : memref<!tpu.dma_semaphore, #tpu.memory_space<semaphore_mem>>) src(%dma_wait3A_120 : memref<10240x128xf32, #tpu.memory_space<hbm>>) dst(%arg9 : memref<128x128xf32, #tpu.memory_space<vmem>>)
      %run_scoped3A = arith.constant 0 : i32
      "tpu.region"() ({
        %run_scoped3A_219 = tpu.sem_alloc : memref<!tpu.dma_semaphore, #tpu.memory_space<semaphore_mem>>
        %dma_start3A_220 = arith.constant 0 : i32
        %dma_start3A_221 = tpu.memref_slice %arg8[%run_scoped3A, %dma_start3A_220] : memref<8x128xi32, #tpu.memory_space<vmem>> -> memref<1x128xi32, #tpu.memory_space<vmem>>
        %dma_start3A_222 = tpu.memref_squeeze %dma_start3A_221 : memref<1x128xi32, #tpu.memory_space<vmem>> -> memref<128xi32, #tpu.memory_space<vmem>>
        %dma_start3A_223 = arith.constant 0 : i32
        %dma_start3A_224 = arith.constant 0 : i32
        %dma_start3A_225 = tpu.memref_slice %arg13[%dma_start3A_223, %dma_start3A_224] : memref<10240x128xf32, #tpu.memory_space<vmem_shared>> -> memref<10240x128xf32, #tpu.memory_space<vmem_shared>>
        tpu.enqueue_indirect_dma source(%arg9 : memref<128x128xf32, #tpu.memory_space<vmem>>) target(%dma_start3A_225 : memref<10240x128xf32, #tpu.memory_space<vmem_shared>>) offsets(%dma_start3A_222 : memref<128xi32, #tpu.memory_space<vmem>>) semaphore(%run_scoped3A_219 : memref<!tpu.dma_semaphore, #tpu.memory_space<semaphore_mem>>) {add = true}
        %dma_wait3A_226 = arith.constant 0 : i32
        %dma_wait3A_227 = tpu.memref_slice %arg8[%run_scoped3A, %dma_wait3A_226] : memref<8x128xi32, #tpu.memory_space<vmem>> -> memref<1x128xi32, #tpu.memory_space<vmem>>
        %dma_wait3A_228 = tpu.memref_squeeze %dma_wait3A_227 : memref<1x128xi32, #tpu.memory_space<vmem>> -> memref<128xi32, #tpu.memory_space<vmem>>
        %dma_wait3A_229 = arith.constant 0 : i32
        %dma_wait3A_230 = arith.constant 0 : i32
        %dma_wait3A_231 = tpu.memref_slice %arg13[%dma_wait3A_229, %dma_wait3A_230] : memref<10240x128xf32, #tpu.memory_space<vmem_shared>> -> memref<10240x128xf32, #tpu.memory_space<vmem_shared>>
        tpu.wait_indirect_dma semaphore(%run_scoped3A_219 : memref<!tpu.dma_semaphore, #tpu.memory_space<semaphore_mem>>) src(%arg9 : memref<128x128xf32, #tpu.memory_space<vmem>>) dst(%dma_wait3A_231 : memref<10240x128xf32, #tpu.memory_space<vmem_shared>>)
        tpu.yield
      }) : () -> ()
      %dma_start3A_121 = arith.constant 2 : i32
      %dma_start3A_122 = arith.constant 0 : i32
      %dma_start3A_123 = tpu.memref_slice %arg7[%dma_start3A_121, %dma_start3A_122] : memref<8x128xi32, #tpu.memory_space<vmem>> -> memref<1x128xi32, #tpu.memory_space<vmem>>
      %dma_start3A_124 = tpu.memref_squeeze %dma_start3A_123 : memref<1x128xi32, #tpu.memory_space<vmem>> -> memref<128xi32, #tpu.memory_space<vmem>>
      %dma_start3A_125 = arith.constant 0 : i32
      %dma_start3A_126 = arith.constant 0 : i32
      %dma_start3A_127 = tpu.memref_slice %arg2[%dma_start3A_125, %dma_start3A_126] : memref<10240x128xf32, #tpu.memory_space<hbm>> -> memref<10240x128xf32, #tpu.memory_space<hbm>>
      tpu.enqueue_indirect_dma source(%dma_start3A_127 : memref<10240x128xf32, #tpu.memory_space<hbm>>) target(%arg9 : memref<128x128xf32, #tpu.memory_space<vmem>>) offsets(%dma_start3A_124 : memref<128xi32, #tpu.memory_space<vmem>>) semaphore(%arg11 : memref<!tpu.dma_semaphore, #tpu.memory_space<semaphore_mem>>)
      %dma_wait3A_128 = arith.constant 1 : i32
      %dma_wait3A_129 = arith.constant 0 : i32
      %dma_wait3A_130 = tpu.memref_slice %arg7[%dma_wait3A_128, %dma_wait3A_129] : memref<8x128xi32, #tpu.memory_space<vmem>> -> memref<1x128xi32, #tpu.memory_space<vmem>>
      %dma_wait3A_131 = tpu.memref_squeeze %dma_wait3A_130 : memref<1x128xi32, #tpu.memory_space<vmem>> -> memref<128xi32, #tpu.memory_space<vmem>>
      %dma_wait3A_132 = arith.constant 0 : i32
      %dma_wait3A_133 = arith.constant 0 : i32
      %dma_wait3A_134 = tpu.memref_slice %arg2[%dma_wait3A_132, %dma_wait3A_133] : memref<10240x128xf32, #tpu.memory_space<hbm>> -> memref<10240x128xf32, #tpu.memory_space<hbm>>
      tpu.wait_indirect_dma semaphore(%arg12 : memref<!tpu.dma_semaphore, #tpu.memory_space<semaphore_mem>>) src(%dma_wait3A_134 : memref<10240x128xf32, #tpu.memory_space<hbm>>) dst(%arg10 : memref<128x128xf32, #tpu.memory_space<vmem>>)
      %run_scoped3A_135 = arith.constant 1 : i32
      "tpu.region"() ({
        %run_scoped3A_219 = tpu.sem_alloc : memref<!tpu.dma_semaphore, #tpu.memory_space<semaphore_mem>>
        %dma_start3A_220 = arith.constant 0 : i32
        %dma_start3A_221 = tpu.memref_slice %arg8[%run_scoped3A_135, %dma_start3A_220] : memref<8x128xi32, #tpu.memory_space<vmem>> -> memref<1x128xi32, #tpu.memory_space<vmem>>
        %dma_start3A_222 = tpu.memref_squeeze %dma_start3A_221 : memref<1x128xi32, #tpu.memory_space<vmem>> -> memref<128xi32, #tpu.memory_space<vmem>>
        %dma_start3A_223 = arith.constant 0 : i32
        %dma_start3A_224 = arith.constant 0 : i32
        %dma_start3A_225 = tpu.memref_slice %arg13[%dma_start3A_223, %dma_start3A_224] : memref<10240x128xf32, #tpu.memory_space<vmem_shared>> -> memref<10240x128xf32, #tpu.memory_space<vmem_shared>>
        tpu.enqueue_indirect_dma source(%arg10 : memref<128x128xf32, #tpu.memory_space<vmem>>) target(%dma_start3A_225 : memref<10240x128xf32, #tpu.memory_space<vmem_shared>>) offsets(%dma_start3A_222 : memref<128xi32, #tpu.memory_space<vmem>>) semaphore(%run_scoped3A_219 : memref<!tpu.dma_semaphore, #tpu.memory_space<semaphore_mem>>) {add = true}
        %dma_wait3A_226 = arith.constant 0 : i32
        %dma_wait3A_227 = tpu.memref_slice %arg8[%run_scoped3A_135, %dma_wait3A_226] : memref<8x128xi32, #tpu.memory_space<vmem>> -> memref<1x128xi32, #tpu.memory_space<vmem>>
        %dma_wait3A_228 = tpu.memref_squeeze %dma_wait3A_227 : memref<1x128xi32, #tpu.memory_space<vmem>> -> memref<128xi32, #tpu.memory_space<vmem>>
        %dma_wait3A_229 = arith.constant 0 : i32
        %dma_wait3A_230 = arith.constant 0 : i32
        %dma_wait3A_231 = tpu.memref_slice %arg13[%dma_wait3A_229, %dma_wait3A_230] : memref<10240x128xf32, #tpu.memory_space<vmem_shared>> -> memref<10240x128xf32, #tpu.memory_space<vmem_shared>>
        tpu.wait_indirect_dma semaphore(%run_scoped3A_219 : memref<!tpu.dma_semaphore, #tpu.memory_space<semaphore_mem>>) src(%arg10 : memref<128x128xf32, #tpu.memory_space<vmem>>) dst(%dma_wait3A_231 : memref<10240x128xf32, #tpu.memory_space<vmem_shared>>)
        tpu.yield
      }) : () -> ()
      %dma_start3A_136 = arith.constant 3 : i32
      %dma_start3A_137 = arith.constant 0 : i32
      %dma_start3A_138 = tpu.memref_slice %arg7[%dma_start3A_136, %dma_start3A_137] : memref<8x128xi32, #tpu.memory_space<vmem>> -> memref<1x128xi32, #tpu.memory_space<vmem>>
      %dma_start3A_139 = tpu.memref_squeeze %dma_start3A_138 : memref<1x128xi32, #tpu.memory_space<vmem>> -> memref<128xi32, #tpu.memory_space<vmem>>
      %dma_start3A_140 = arith.constant 0 : i32
      %dma_start3A_141 = arith.constant 0 : i32
      %dma_start3A_142 = tpu.memref_slice %arg2[%dma_start3A_140, %dma_start3A_141] : memref<10240x128xf32, #tpu.memory_space<hbm>> -> memref<10240x128xf32, #tpu.memory_space<hbm>>
      tpu.enqueue_indirect_dma source(%dma_start3A_142 : memref<10240x128xf32, #tpu.memory_space<hbm>>) target(%arg10 : memref<128x128xf32, #tpu.memory_space<vmem>>) offsets(%dma_start3A_139 : memref<128xi32, #tpu.memory_space<vmem>>) semaphore(%arg12 : memref<!tpu.dma_semaphore, #tpu.memory_space<semaphore_mem>>)
      %dma_wait3A_143 = arith.constant 2 : i32
      %dma_wait3A_144 = arith.constant 0 : i32
      %dma_wait3A_145 = tpu.memref_slice %arg7[%dma_wait3A_143, %dma_wait3A_144] : memref<8x128xi32, #tpu.memory_space<vmem>> -> memref<1x128xi32, #tpu.memory_space<vmem>>
      %dma_wait3A_146 = tpu.memref_squeeze %dma_wait3A_145 : memref<1x128xi32, #tpu.memory_space<vmem>> -> memref<128xi32, #tpu.memory_space<vmem>>
      %dma_wait3A_147 = arith.constant 0 : i32
      %dma_wait3A_148 = arith.constant 0 : i32
      %dma_wait3A_149 = tpu.memref_slice %arg2[%dma_wait3A_147, %dma_wait3A_148] : memref<10240x128xf32, #tpu.memory_space<hbm>> -> memref<10240x128xf32, #tpu.memory_space<hbm>>
      tpu.wait_indirect_dma semaphore(%arg11 : memref<!tpu.dma_semaphore, #tpu.memory_space<semaphore_mem>>) src(%dma_wait3A_149 : memref<10240x128xf32, #tpu.memory_space<hbm>>) dst(%arg9 : memref<128x128xf32, #tpu.memory_space<vmem>>)
      %run_scoped3A_150 = arith.constant 2 : i32
      "tpu.region"() ({
        %run_scoped3A_219 = tpu.sem_alloc : memref<!tpu.dma_semaphore, #tpu.memory_space<semaphore_mem>>
        %dma_start3A_220 = arith.constant 0 : i32
        %dma_start3A_221 = tpu.memref_slice %arg8[%run_scoped3A_150, %dma_start3A_220] : memref<8x128xi32, #tpu.memory_space<vmem>> -> memref<1x128xi32, #tpu.memory_space<vmem>>
        %dma_start3A_222 = tpu.memref_squeeze %dma_start3A_221 : memref<1x128xi32, #tpu.memory_space<vmem>> -> memref<128xi32, #tpu.memory_space<vmem>>
        %dma_start3A_223 = arith.constant 0 : i32
        %dma_start3A_224 = arith.constant 0 : i32
        %dma_start3A_225 = tpu.memref_slice %arg13[%dma_start3A_223, %dma_start3A_224] : memref<10240x128xf32, #tpu.memory_space<vmem_shared>> -> memref<10240x128xf32, #tpu.memory_space<vmem_shared>>
        tpu.enqueue_indirect_dma source(%arg9 : memref<128x128xf32, #tpu.memory_space<vmem>>) target(%dma_start3A_225 : memref<10240x128xf32, #tpu.memory_space<vmem_shared>>) offsets(%dma_start3A_222 : memref<128xi32, #tpu.memory_space<vmem>>) semaphore(%run_scoped3A_219 : memref<!tpu.dma_semaphore, #tpu.memory_space<semaphore_mem>>) {add = true}
        %dma_wait3A_226 = arith.constant 0 : i32
        %dma_wait3A_227 = tpu.memref_slice %arg8[%run_scoped3A_150, %dma_wait3A_226] : memref<8x128xi32, #tpu.memory_space<vmem>> -> memref<1x128xi32, #tpu.memory_space<vmem>>
        %dma_wait3A_228 = tpu.memref_squeeze %dma_wait3A_227 : memref<1x128xi32, #tpu.memory_space<vmem>> -> memref<128xi32, #tpu.memory_space<vmem>>
        %dma_wait3A_229 = arith.constant 0 : i32
        %dma_wait3A_230 = arith.constant 0 : i32
        %dma_wait3A_231 = tpu.memref_slice %arg13[%dma_wait3A_229, %dma_wait3A_230] : memref<10240x128xf32, #tpu.memory_space<vmem_shared>> -> memref<10240x128xf32, #tpu.memory_space<vmem_shared>>
        tpu.wait_indirect_dma semaphore(%run_scoped3A_219 : memref<!tpu.dma_semaphore, #tpu.memory_space<semaphore_mem>>) src(%arg9 : memref<128x128xf32, #tpu.memory_space<vmem>>) dst(%dma_wait3A_231 : memref<10240x128xf32, #tpu.memory_space<vmem_shared>>)
        tpu.yield
      }) : () -> ()
      %dma_start3A_151 = arith.constant 4 : i32
      %dma_start3A_152 = arith.constant 0 : i32
      %dma_start3A_153 = tpu.memref_slice %arg7[%dma_start3A_151, %dma_start3A_152] : memref<8x128xi32, #tpu.memory_space<vmem>> -> memref<1x128xi32, #tpu.memory_space<vmem>>
      %dma_start3A_154 = tpu.memref_squeeze %dma_start3A_153 : memref<1x128xi32, #tpu.memory_space<vmem>> -> memref<128xi32, #tpu.memory_space<vmem>>
      %dma_start3A_155 = arith.constant 0 : i32
      %dma_start3A_156 = arith.constant 0 : i32
      %dma_start3A_157 = tpu.memref_slice %arg2[%dma_start3A_155, %dma_start3A_156] : memref<10240x128xf32, #tpu.memory_space<hbm>> -> memref<10240x128xf32, #tpu.memory_space<hbm>>
      tpu.enqueue_indirect_dma source(%dma_start3A_157 : memref<10240x128xf32, #tpu.memory_space<hbm>>) target(%arg9 : memref<128x128xf32, #tpu.memory_space<vmem>>) offsets(%dma_start3A_154 : memref<128xi32, #tpu.memory_space<vmem>>) semaphore(%arg11 : memref<!tpu.dma_semaphore, #tpu.memory_space<semaphore_mem>>)
      %dma_wait3A_158 = arith.constant 3 : i32
      %dma_wait3A_159 = arith.constant 0 : i32
      %dma_wait3A_160 = tpu.memref_slice %arg7[%dma_wait3A_158, %dma_wait3A_159] : memref<8x128xi32, #tpu.memory_space<vmem>> -> memref<1x128xi32, #tpu.memory_space<vmem>>
      %dma_wait3A_161 = tpu.memref_squeeze %dma_wait3A_160 : memref<1x128xi32, #tpu.memory_space<vmem>> -> memref<128xi32, #tpu.memory_space<vmem>>
      %dma_wait3A_162 = arith.constant 0 : i32
      %dma_wait3A_163 = arith.constant 0 : i32
      %dma_wait3A_164 = tpu.memref_slice %arg2[%dma_wait3A_162, %dma_wait3A_163] : memref<10240x128xf32, #tpu.memory_space<hbm>> -> memref<10240x128xf32, #tpu.memory_space<hbm>>
      tpu.wait_indirect_dma semaphore(%arg12 : memref<!tpu.dma_semaphore, #tpu.memory_space<semaphore_mem>>) src(%dma_wait3A_164 : memref<10240x128xf32, #tpu.memory_space<hbm>>) dst(%arg10 : memref<128x128xf32, #tpu.memory_space<vmem>>)
      %run_scoped3A_165 = arith.constant 3 : i32
      "tpu.region"() ({
        %run_scoped3A_219 = tpu.sem_alloc : memref<!tpu.dma_semaphore, #tpu.memory_space<semaphore_mem>>
        %dma_start3A_220 = arith.constant 0 : i32
        %dma_start3A_221 = tpu.memref_slice %arg8[%run_scoped3A_165, %dma_start3A_220] : memref<8x128xi32, #tpu.memory_space<vmem>> -> memref<1x128xi32, #tpu.memory_space<vmem>>
        %dma_start3A_222 = tpu.memref_squeeze %dma_start3A_221 : memref<1x128xi32, #tpu.memory_space<vmem>> -> memref<128xi32, #tpu.memory_space<vmem>>
        %dma_start3A_223 = arith.constant 0 : i32
        %dma_start3A_224 = arith.constant 0 : i32
        %dma_start3A_225 = tpu.memref_slice %arg13[%dma_start3A_223, %dma_start3A_224] : memref<10240x128xf32, #tpu.memory_space<vmem_shared>> -> memref<10240x128xf32, #tpu.memory_space<vmem_shared>>
        tpu.enqueue_indirect_dma source(%arg10 : memref<128x128xf32, #tpu.memory_space<vmem>>) target(%dma_start3A_225 : memref<10240x128xf32, #tpu.memory_space<vmem_shared>>) offsets(%dma_start3A_222 : memref<128xi32, #tpu.memory_space<vmem>>) semaphore(%run_scoped3A_219 : memref<!tpu.dma_semaphore, #tpu.memory_space<semaphore_mem>>) {add = true}
        %dma_wait3A_226 = arith.constant 0 : i32
        %dma_wait3A_227 = tpu.memref_slice %arg8[%run_scoped3A_165, %dma_wait3A_226] : memref<8x128xi32, #tpu.memory_space<vmem>> -> memref<1x128xi32, #tpu.memory_space<vmem>>
        %dma_wait3A_228 = tpu.memref_squeeze %dma_wait3A_227 : memref<1x128xi32, #tpu.memory_space<vmem>> -> memref<128xi32, #tpu.memory_space<vmem>>
        %dma_wait3A_229 = arith.constant 0 : i32
        %dma_wait3A_230 = arith.constant 0 : i32
        %dma_wait3A_231 = tpu.memref_slice %arg13[%dma_wait3A_229, %dma_wait3A_230] : memref<10240x128xf32, #tpu.memory_space<vmem_shared>> -> memref<10240x128xf32, #tpu.memory_space<vmem_shared>>
        tpu.wait_indirect_dma semaphore(%run_scoped3A_219 : memref<!tpu.dma_semaphore, #tpu.memory_space<semaphore_mem>>) src(%arg10 : memref<128x128xf32, #tpu.memory_space<vmem>>) dst(%dma_wait3A_231 : memref<10240x128xf32, #tpu.memory_space<vmem_shared>>)
        tpu.yield
      }) : () -> ()
      %dma_start3A_166 = arith.constant 5 : i32
      %dma_start3A_167 = arith.constant 0 : i32
      %dma_start3A_168 = tpu.memref_slice %arg7[%dma_start3A_166, %dma_start3A_167] : memref<8x128xi32, #tpu.memory_space<vmem>> -> memref<1x128xi32, #tpu.memory_space<vmem>>
      %dma_start3A_169 = tpu.memref_squeeze %dma_start3A_168 : memref<1x128xi32, #tpu.memory_space<vmem>> -> memref<128xi32, #tpu.memory_space<vmem>>
      %dma_start3A_170 = arith.constant 0 : i32
      %dma_start3A_171 = arith.constant 0 : i32
      %dma_start3A_172 = tpu.memref_slice %arg2[%dma_start3A_170, %dma_start3A_171] : memref<10240x128xf32, #tpu.memory_space<hbm>> -> memref<10240x128xf32, #tpu.memory_space<hbm>>
      tpu.enqueue_indirect_dma source(%dma_start3A_172 : memref<10240x128xf32, #tpu.memory_space<hbm>>) target(%arg10 : memref<128x128xf32, #tpu.memory_space<vmem>>) offsets(%dma_start3A_169 : memref<128xi32, #tpu.memory_space<vmem>>) semaphore(%arg12 : memref<!tpu.dma_semaphore, #tpu.memory_space<semaphore_mem>>)
      %dma_wait3A_173 = arith.constant 4 : i32
      %dma_wait3A_174 = arith.constant 0 : i32
      %dma_wait3A_175 = tpu.memref_slice %arg7[%dma_wait3A_173, %dma_wait3A_174] : memref<8x128xi32, #tpu.memory_space<vmem>> -> memref<1x128xi32, #tpu.memory_space<vmem>>
      %dma_wait3A_176 = tpu.memref_squeeze %dma_wait3A_175 : memref<1x128xi32, #tpu.memory_space<vmem>> -> memref<128xi32, #tpu.memory_space<vmem>>
      %dma_wait3A_177 = arith.constant 0 : i32
      %dma_wait3A_178 = arith.constant 0 : i32
      %dma_wait3A_179 = tpu.memref_slice %arg2[%dma_wait3A_177, %dma_wait3A_178] : memref<10240x128xf32, #tpu.memory_space<hbm>> -> memref<10240x128xf32, #tpu.memory_space<hbm>>
      tpu.wait_indirect_dma semaphore(%arg11 : memref<!tpu.dma_semaphore, #tpu.memory_space<semaphore_mem>>) src(%dma_wait3A_179 : memref<10240x128xf32, #tpu.memory_space<hbm>>) dst(%arg9 : memref<128x128xf32, #tpu.memory_space<vmem>>)
      %run_scoped3A_180 = arith.constant 4 : i32
      "tpu.region"() ({
        %run_scoped3A_219 = tpu.sem_alloc : memref<!tpu.dma_semaphore, #tpu.memory_space<semaphore_mem>>
        %dma_start3A_220 = arith.constant 0 : i32
        %dma_start3A_221 = tpu.memref_slice %arg8[%run_scoped3A_180, %dma_start3A_220] : memref<8x128xi32, #tpu.memory_space<vmem>> -> memref<1x128xi32, #tpu.memory_space<vmem>>
        %dma_start3A_222 = tpu.memref_squeeze %dma_start3A_221 : memref<1x128xi32, #tpu.memory_space<vmem>> -> memref<128xi32, #tpu.memory_space<vmem>>
        %dma_start3A_223 = arith.constant 0 : i32
        %dma_start3A_224 = arith.constant 0 : i32
        %dma_start3A_225 = tpu.memref_slice %arg13[%dma_start3A_223, %dma_start3A_224] : memref<10240x128xf32, #tpu.memory_space<vmem_shared>> -> memref<10240x128xf32, #tpu.memory_space<vmem_shared>>
        tpu.enqueue_indirect_dma source(%arg9 : memref<128x128xf32, #tpu.memory_space<vmem>>) target(%dma_start3A_225 : memref<10240x128xf32, #tpu.memory_space<vmem_shared>>) offsets(%dma_start3A_222 : memref<128xi32, #tpu.memory_space<vmem>>) semaphore(%run_scoped3A_219 : memref<!tpu.dma_semaphore, #tpu.memory_space<semaphore_mem>>) {add = true}
        %dma_wait3A_226 = arith.constant 0 : i32
        %dma_wait3A_227 = tpu.memref_slice %arg8[%run_scoped3A_180, %dma_wait3A_226] : memref<8x128xi32, #tpu.memory_space<vmem>> -> memref<1x128xi32, #tpu.memory_space<vmem>>
        %dma_wait3A_228 = tpu.memref_squeeze %dma_wait3A_227 : memref<1x128xi32, #tpu.memory_space<vmem>> -> memref<128xi32, #tpu.memory_space<vmem>>
        %dma_wait3A_229 = arith.constant 0 : i32
        %dma_wait3A_230 = arith.constant 0 : i32
        %dma_wait3A_231 = tpu.memref_slice %arg13[%dma_wait3A_229, %dma_wait3A_230] : memref<10240x128xf32, #tpu.memory_space<vmem_shared>> -> memref<10240x128xf32, #tpu.memory_space<vmem_shared>>
        tpu.wait_indirect_dma semaphore(%run_scoped3A_219 : memref<!tpu.dma_semaphore, #tpu.memory_space<semaphore_mem>>) src(%arg9 : memref<128x128xf32, #tpu.memory_space<vmem>>) dst(%dma_wait3A_231 : memref<10240x128xf32, #tpu.memory_space<vmem_shared>>)
        tpu.yield
      }) : () -> ()
      %dma_start3A_181 = arith.constant 6 : i32
      %dma_start3A_182 = arith.constant 0 : i32
      %dma_start3A_183 = tpu.memref_slice %arg7[%dma_start3A_181, %dma_start3A_182] : memref<8x128xi32, #tpu.memory_space<vmem>> -> memref<1x128xi32, #tpu.memory_space<vmem>>
      %dma_start3A_184 = tpu.memref_squeeze %dma_start3A_183 : memref<1x128xi32, #tpu.memory_space<vmem>> -> memref<128xi32, #tpu.memory_space<vmem>>
      %dma_start3A_185 = arith.constant 0 : i32
      %dma_start3A_186 = arith.constant 0 : i32
      %dma_start3A_187 = tpu.memref_slice %arg2[%dma_start3A_185, %dma_start3A_186] : memref<10240x128xf32, #tpu.memory_space<hbm>> -> memref<10240x128xf32, #tpu.memory_space<hbm>>
      tpu.enqueue_indirect_dma source(%dma_start3A_187 : memref<10240x128xf32, #tpu.memory_space<hbm>>) target(%arg9 : memref<128x128xf32, #tpu.memory_space<vmem>>) offsets(%dma_start3A_184 : memref<128xi32, #tpu.memory_space<vmem>>) semaphore(%arg11 : memref<!tpu.dma_semaphore, #tpu.memory_space<semaphore_mem>>)
      %dma_wait3A_188 = arith.constant 5 : i32
      %dma_wait3A_189 = arith.constant 0 : i32
      %dma_wait3A_190 = tpu.memref_slice %arg7[%dma_wait3A_188, %dma_wait3A_189] : memref<8x128xi32, #tpu.memory_space<vmem>> -> memref<1x128xi32, #tpu.memory_space<vmem>>
      %dma_wait3A_191 = tpu.memref_squeeze %dma_wait3A_190 : memref<1x128xi32, #tpu.memory_space<vmem>> -> memref<128xi32, #tpu.memory_space<vmem>>
      %dma_wait3A_192 = arith.constant 0 : i32
      %dma_wait3A_193 = arith.constant 0 : i32
      %dma_wait3A_194 = tpu.memref_slice %arg2[%dma_wait3A_192, %dma_wait3A_193] : memref<10240x128xf32, #tpu.memory_space<hbm>> -> memref<10240x128xf32, #tpu.memory_space<hbm>>
      tpu.wait_indirect_dma semaphore(%arg12 : memref<!tpu.dma_semaphore, #tpu.memory_space<semaphore_mem>>) src(%dma_wait3A_194 : memref<10240x128xf32, #tpu.memory_space<hbm>>) dst(%arg10 : memref<128x128xf32, #tpu.memory_space<vmem>>)
      %run_scoped3A_195 = arith.constant 5 : i32
      "tpu.region"() ({
        %run_scoped3A_219 = tpu.sem_alloc : memref<!tpu.dma_semaphore, #tpu.memory_space<semaphore_mem>>
        %dma_start3A_220 = arith.constant 0 : i32
        %dma_start3A_221 = tpu.memref_slice %arg8[%run_scoped3A_195, %dma_start3A_220] : memref<8x128xi32, #tpu.memory_space<vmem>> -> memref<1x128xi32, #tpu.memory_space<vmem>>
        %dma_start3A_222 = tpu.memref_squeeze %dma_start3A_221 : memref<1x128xi32, #tpu.memory_space<vmem>> -> memref<128xi32, #tpu.memory_space<vmem>>
        %dma_start3A_223 = arith.constant 0 : i32
        %dma_start3A_224 = arith.constant 0 : i32
        %dma_start3A_225 = tpu.memref_slice %arg13[%dma_start3A_223, %dma_start3A_224] : memref<10240x128xf32, #tpu.memory_space<vmem_shared>> -> memref<10240x128xf32, #tpu.memory_space<vmem_shared>>
        tpu.enqueue_indirect_dma source(%arg10 : memref<128x128xf32, #tpu.memory_space<vmem>>) target(%dma_start3A_225 : memref<10240x128xf32, #tpu.memory_space<vmem_shared>>) offsets(%dma_start3A_222 : memref<128xi32, #tpu.memory_space<vmem>>) semaphore(%run_scoped3A_219 : memref<!tpu.dma_semaphore, #tpu.memory_space<semaphore_mem>>) {add = true}
        %dma_wait3A_226 = arith.constant 0 : i32
        %dma_wait3A_227 = tpu.memref_slice %arg8[%run_scoped3A_195, %dma_wait3A_226] : memref<8x128xi32, #tpu.memory_space<vmem>> -> memref<1x128xi32, #tpu.memory_space<vmem>>
        %dma_wait3A_228 = tpu.memref_squeeze %dma_wait3A_227 : memref<1x128xi32, #tpu.memory_space<vmem>> -> memref<128xi32, #tpu.memory_space<vmem>>
        %dma_wait3A_229 = arith.constant 0 : i32
        %dma_wait3A_230 = arith.constant 0 : i32
        %dma_wait3A_231 = tpu.memref_slice %arg13[%dma_wait3A_229, %dma_wait3A_230] : memref<10240x128xf32, #tpu.memory_space<vmem_shared>> -> memref<10240x128xf32, #tpu.memory_space<vmem_shared>>
        tpu.wait_indirect_dma semaphore(%run_scoped3A_219 : memref<!tpu.dma_semaphore, #tpu.memory_space<semaphore_mem>>) src(%arg10 : memref<128x128xf32, #tpu.memory_space<vmem>>) dst(%dma_wait3A_231 : memref<10240x128xf32, #tpu.memory_space<vmem_shared>>)
        tpu.yield
      }) : () -> ()
      %dma_start3A_196 = arith.constant 7 : i32
      %dma_start3A_197 = arith.constant 0 : i32
      %dma_start3A_198 = tpu.memref_slice %arg7[%dma_start3A_196, %dma_start3A_197] : memref<8x128xi32, #tpu.memory_space<vmem>> -> memref<1x128xi32, #tpu.memory_space<vmem>>
      %dma_start3A_199 = tpu.memref_squeeze %dma_start3A_198 : memref<1x128xi32, #tpu.memory_space<vmem>> -> memref<128xi32, #tpu.memory_space<vmem>>
      %dma_start3A_200 = arith.constant 0 : i32
      %dma_start3A_201 = arith.constant 0 : i32
      %dma_start3A_202 = tpu.memref_slice %arg2[%dma_start3A_200, %dma_start3A_201] : memref<10240x128xf32, #tpu.memory_space<hbm>> -> memref<10240x128xf32, #tpu.memory_space<hbm>>
      tpu.enqueue_indirect_dma source(%dma_start3A_202 : memref<10240x128xf32, #tpu.memory_space<hbm>>) target(%arg10 : memref<128x128xf32, #tpu.memory_space<vmem>>) offsets(%dma_start3A_199 : memref<128xi32, #tpu.memory_space<vmem>>) semaphore(%arg12 : memref<!tpu.dma_semaphore, #tpu.memory_space<semaphore_mem>>)
      %dma_wait3A_203 = arith.constant 6 : i32
      %dma_wait3A_204 = arith.constant 0 : i32
      %dma_wait3A_205 = tpu.memref_slice %arg7[%dma_wait3A_203, %dma_wait3A_204] : memref<8x128xi32, #tpu.memory_space<vmem>> -> memref<1x128xi32, #tpu.memory_space<vmem>>
      %dma_wait3A_206 = tpu.memref_squeeze %dma_wait3A_205 : memref<1x128xi32, #tpu.memory_space<vmem>> -> memref<128xi32, #tpu.memory_space<vmem>>
      %dma_wait3A_207 = arith.constant 0 : i32
      %dma_wait3A_208 = arith.constant 0 : i32
      %dma_wait3A_209 = tpu.memref_slice %arg2[%dma_wait3A_207, %dma_wait3A_208] : memref<10240x128xf32, #tpu.memory_space<hbm>> -> memref<10240x128xf32, #tpu.memory_space<hbm>>
      tpu.wait_indirect_dma semaphore(%arg11 : memref<!tpu.dma_semaphore, #tpu.memory_space<semaphore_mem>>) src(%dma_wait3A_209 : memref<10240x128xf32, #tpu.memory_space<hbm>>) dst(%arg9 : memref<128x128xf32, #tpu.memory_space<vmem>>)
      %run_scoped3A_210 = arith.constant 6 : i32
      "tpu.region"() ({
        %run_scoped3A_219 = tpu.sem_alloc : memref<!tpu.dma_semaphore, #tpu.memory_space<semaphore_mem>>
        %dma_start3A_220 = arith.constant 0 : i32
        %dma_start3A_221 = tpu.memref_slice %arg8[%run_scoped3A_210, %dma_start3A_220] : memref<8x128xi32, #tpu.memory_space<vmem>> -> memref<1x128xi32, #tpu.memory_space<vmem>>
        %dma_start3A_222 = tpu.memref_squeeze %dma_start3A_221 : memref<1x128xi32, #tpu.memory_space<vmem>> -> memref<128xi32, #tpu.memory_space<vmem>>
        %dma_start3A_223 = arith.constant 0 : i32
        %dma_start3A_224 = arith.constant 0 : i32
        %dma_start3A_225 = tpu.memref_slice %arg13[%dma_start3A_223, %dma_start3A_224] : memref<10240x128xf32, #tpu.memory_space<vmem_shared>> -> memref<10240x128xf32, #tpu.memory_space<vmem_shared>>
        tpu.enqueue_indirect_dma source(%arg9 : memref<128x128xf32, #tpu.memory_space<vmem>>) target(%dma_start3A_225 : memref<10240x128xf32, #tpu.memory_space<vmem_shared>>) offsets(%dma_start3A_222 : memref<128xi32, #tpu.memory_space<vmem>>) semaphore(%run_scoped3A_219 : memref<!tpu.dma_semaphore, #tpu.memory_space<semaphore_mem>>) {add = true}
        %dma_wait3A_226 = arith.constant 0 : i32
        %dma_wait3A_227 = tpu.memref_slice %arg8[%run_scoped3A_210, %dma_wait3A_226] : memref<8x128xi32, #tpu.memory_space<vmem>> -> memref<1x128xi32, #tpu.memory_space<vmem>>
        %dma_wait3A_228 = tpu.memref_squeeze %dma_wait3A_227 : memref<1x128xi32, #tpu.memory_space<vmem>> -> memref<128xi32, #tpu.memory_space<vmem>>
        %dma_wait3A_229 = arith.constant 0 : i32
        %dma_wait3A_230 = arith.constant 0 : i32
        %dma_wait3A_231 = tpu.memref_slice %arg13[%dma_wait3A_229, %dma_wait3A_230] : memref<10240x128xf32, #tpu.memory_space<vmem_shared>> -> memref<10240x128xf32, #tpu.memory_space<vmem_shared>>
        tpu.wait_indirect_dma semaphore(%run_scoped3A_219 : memref<!tpu.dma_semaphore, #tpu.memory_space<semaphore_mem>>) src(%arg9 : memref<128x128xf32, #tpu.memory_space<vmem>>) dst(%dma_wait3A_231 : memref<10240x128xf32, #tpu.memory_space<vmem_shared>>)
        tpu.yield
      }) : () -> ()
      %dma_wait3A_211 = arith.constant 7 : i32
      %dma_wait3A_212 = arith.constant 0 : i32
      %dma_wait3A_213 = tpu.memref_slice %arg7[%dma_wait3A_211, %dma_wait3A_212] : memref<8x128xi32, #tpu.memory_space<vmem>> -> memref<1x128xi32, #tpu.memory_space<vmem>>
      %dma_wait3A_214 = tpu.memref_squeeze %dma_wait3A_213 : memref<1x128xi32, #tpu.memory_space<vmem>> -> memref<128xi32, #tpu.memory_space<vmem>>
      %dma_wait3A_215 = arith.constant 0 : i32
      %dma_wait3A_216 = arith.constant 0 : i32
      %dma_wait3A_217 = tpu.memref_slice %arg2[%dma_wait3A_215, %dma_wait3A_216] : memref<10240x128xf32, #tpu.memory_space<hbm>> -> memref<10240x128xf32, #tpu.memory_space<hbm>>
      tpu.wait_indirect_dma semaphore(%arg12 : memref<!tpu.dma_semaphore, #tpu.memory_space<semaphore_mem>>) src(%dma_wait3A_217 : memref<10240x128xf32, #tpu.memory_space<hbm>>) dst(%arg10 : memref<128x128xf32, #tpu.memory_space<vmem>>)
      %run_scoped3A_218 = arith.constant 7 : i32
      "tpu.region"() ({
        %run_scoped3A_219 = tpu.sem_alloc : memref<!tpu.dma_semaphore, #tpu.memory_space<semaphore_mem>>
        %dma_start3A_220 = arith.constant 0 : i32
        %dma_start3A_221 = tpu.memref_slice %arg8[%run_scoped3A_218, %dma_start3A_220] : memref<8x128xi32, #tpu.memory_space<vmem>> -> memref<1x128xi32, #tpu.memory_space<vmem>>
        %dma_start3A_222 = tpu.memref_squeeze %dma_start3A_221 : memref<1x128xi32, #tpu.memory_space<vmem>> -> memref<128xi32, #tpu.memory_space<vmem>>
        %dma_start3A_223 = arith.constant 0 : i32
        %dma_start3A_224 = arith.constant 0 : i32
        %dma_start3A_225 = tpu.memref_slice %arg13[%dma_start3A_223, %dma_start3A_224] : memref<10240x128xf32, #tpu.memory_space<vmem_shared>> -> memref<10240x128xf32, #tpu.memory_space<vmem_shared>>
        tpu.enqueue_indirect_dma source(%arg10 : memref<128x128xf32, #tpu.memory_space<vmem>>) target(%dma_start3A_225 : memref<10240x128xf32, #tpu.memory_space<vmem_shared>>) offsets(%dma_start3A_222 : memref<128xi32, #tpu.memory_space<vmem>>) semaphore(%run_scoped3A_219 : memref<!tpu.dma_semaphore, #tpu.memory_space<semaphore_mem>>) {add = true}
        %dma_wait3A_226 = arith.constant 0 : i32
        %dma_wait3A_227 = tpu.memref_slice %arg8[%run_scoped3A_218, %dma_wait3A_226] : memref<8x128xi32, #tpu.memory_space<vmem>> -> memref<1x128xi32, #tpu.memory_space<vmem>>
        %dma_wait3A_228 = tpu.memref_squeeze %dma_wait3A_227 : memref<1x128xi32, #tpu.memory_space<vmem>> -> memref<128xi32, #tpu.memory_space<vmem>>
        %dma_wait3A_229 = arith.constant 0 : i32
        %dma_wait3A_230 = arith.constant 0 : i32
        %dma_wait3A_231 = tpu.memref_slice %arg13[%dma_wait3A_229, %dma_wait3A_230] : memref<10240x128xf32, #tpu.memory_space<vmem_shared>> -> memref<10240x128xf32, #tpu.memory_space<vmem_shared>>
        tpu.wait_indirect_dma semaphore(%run_scoped3A_219 : memref<!tpu.dma_semaphore, #tpu.memory_space<semaphore_mem>>) src(%arg10 : memref<128x128xf32, #tpu.memory_space<vmem>>) dst(%dma_wait3A_231 : memref<10240x128xf32, #tpu.memory_space<vmem_shared>>)
        tpu.yield
      }) : () -> ()
    }
    %barrier3A_62 = arith.constant 0 : index
    tpu.barrier barrier_id(%barrier3A_62)
    %eq3A_63 = arith.constant 0 : i32
    %eq3A_64 = arith.cmpi eq, %arg0, %eq3A_63 : i32
    %jit3A_65 = arith.constant 5 : i32
    %jit3A_66 = arith.constant 0 : i32
    %select_n3A_67 = arith.select %eq3A_64, %jit3A_65, %jit3A_66 : i32
    %while3A_68 = arith.constant 0 : i32
    %while3A_69 = arith.constant 0 : i32
    %while3A_70 = arith.subi %select_n3A_67, %while3A_69 : i32
    %while3A_71 = arith.addi %while3A_69, %while3A_70 : i32
    %while3A_72 = arith.constant 1 : i32
    %while3A_73 = arith.divsi %while3A_70, %while3A_72 : i32
    %while3A_74 = arith.muli %while3A_73, %while3A_72 : i32
    %while3A_75 = arith.addi %while3A_69, %while3A_74 : i32
    %while3A_76 = arith.constant 1 : i32
    scf.for %while3A_95 = %while3A_69 to %while3A_75 step %while3A_76  : i32 {
      %mul3A_96 = arith.constant 640 : i32
      %mul3A_97 = arith.muli %arg1, %mul3A_96 : i32
      %mul3A_98 = arith.constant 128 : i32
      %mul3A_99 = arith.muli %while3A_95, %mul3A_98 : i32
      %add3A_100 = arith.addi %mul3A_97, %mul3A_99 : i32
      "tpu.region"() ({
        %run_scoped3A = tpu.sem_alloc : memref<!tpu.dma_semaphore, #tpu.memory_space<semaphore_mem>>
        %dma_start3A = arith.constant 0 : i32
        %dma_start3A_106 = tpu.memref_slice %arg13[%add3A_100, %dma_start3A] : memref<10240x128xf32, #tpu.memory_space<vmem_shared>> -> memref<128x128xf32, #tpu.memory_space<vmem_shared>>
        %dma_start3A_107 = arith.constant 0 : i32
        %dma_start3A_108 = tpu.memref_slice %arg13[%add3A_100, %dma_start3A_107] : memref<10240x128xf32, #tpu.memory_space<vmem_shared>> -> memref<128x128xf32, #tpu.memory_space<vmem_shared>>
        tpu.enqueue_dma source(%dma_start3A_108 : memref<128x128xf32, #tpu.memory_space<vmem_shared>>) target(%arg9 : memref<128x128xf32, #tpu.memory_space<vmem>>) target_semaphore(%run_scoped3A : memref<!tpu.dma_semaphore, #tpu.memory_space<semaphore_mem>>)
        %dma_wait3A = arith.constant 0 : i32
        %dma_wait3A_109 = tpu.memref_slice %arg13[%add3A_100, %dma_wait3A] : memref<10240x128xf32, #tpu.memory_space<vmem_shared>> -> memref<128x128xf32, #tpu.memory_space<vmem_shared>>
        %dma_wait3A_110 = arith.constant 0 : i32
        %dma_wait3A_111 = tpu.memref_slice %arg13[%add3A_100, %dma_wait3A_110] : memref<10240x128xf32, #tpu.memory_space<vmem_shared>> -> memref<128x128xf32, #tpu.memory_space<vmem_shared>>
        tpu.wait_dma2 semaphore(%run_scoped3A : memref<!tpu.dma_semaphore, #tpu.memory_space<semaphore_mem>>) src(%dma_wait3A_111 : memref<128x128xf32, #tpu.memory_space<vmem_shared>>) dst(%arg9 : memref<128x128xf32, #tpu.memory_space<vmem>>)
        tpu.yield
      }) : () -> ()
      %mul3A_101 = arith.constant 640 : i32
      %mul3A_102 = arith.muli %arg1, %mul3A_101 : i32
      %mul3A_103 = arith.constant 128 : i32
      %mul3A_104 = arith.muli %while3A_95, %mul3A_103 : i32
      %add3A_105 = arith.addi %mul3A_102, %mul3A_104 : i32
      "tpu.region"() ({
        %run_scoped3A = tpu.sem_alloc : memref<!tpu.dma_semaphore, #tpu.memory_space<semaphore_mem>>
        %dma_start3A = arith.constant 0 : i32
        %dma_start3A_106 = tpu.memref_slice %arg5[%add3A_105, %dma_start3A] : memref<10240x128xf32, #tpu.memory_space<hbm>> -> memref<128x128xf32, #tpu.memory_space<hbm>>
        %dma_start3A_107 = arith.constant 0 : i32
        %dma_start3A_108 = tpu.memref_slice %arg5[%add3A_105, %dma_start3A_107] : memref<10240x128xf32, #tpu.memory_space<hbm>> -> memref<128x128xf32, #tpu.memory_space<hbm>>
        tpu.enqueue_dma source(%arg9 : memref<128x128xf32, #tpu.memory_space<vmem>>) target(%dma_start3A_108 : memref<128x128xf32, #tpu.memory_space<hbm>>) target_semaphore(%run_scoped3A : memref<!tpu.dma_semaphore, #tpu.memory_space<semaphore_mem>>)
        %dma_wait3A = arith.constant 0 : i32
        %dma_wait3A_109 = tpu.memref_slice %arg5[%add3A_105, %dma_wait3A] : memref<10240x128xf32, #tpu.memory_space<hbm>> -> memref<128x128xf32, #tpu.memory_space<hbm>>
        %dma_wait3A_110 = arith.constant 0 : i32
        %dma_wait3A_111 = tpu.memref_slice %arg5[%add3A_105, %dma_wait3A_110] : memref<10240x128xf32, #tpu.memory_space<hbm>> -> memref<128x128xf32, #tpu.memory_space<hbm>>
        tpu.wait_dma2 semaphore(%run_scoped3A : memref<!tpu.dma_semaphore, #tpu.memory_space<semaphore_mem>>) src(%arg9 : memref<128x128xf32, #tpu.memory_space<vmem>>) dst(%dma_wait3A_111 : memref<128x128xf32, #tpu.memory_space<hbm>>)
        tpu.yield
      }) : () -> ()
    }
    %while3A_77 = arith.constant 1 : i32
    scf.for %while3A_95 = %while3A_75 to %while3A_71 step %while3A_77  : i32 {
      %mul3A_96 = arith.constant 640 : i32
      %mul3A_97 = arith.muli %arg1, %mul3A_96 : i32
      %mul3A_98 = arith.constant 128 : i32
      %mul3A_99 = arith.muli %while3A_95, %mul3A_98 : i32
      %add3A_100 = arith.addi %mul3A_97, %mul3A_99 : i32
      "tpu.region"() ({
        %run_scoped3A = tpu.sem_alloc : memref<!tpu.dma_semaphore, #tpu.memory_space<semaphore_mem>>
        %dma_start3A = arith.constant 0 : i32
        %dma_start3A_106 = tpu.memref_slice %arg13[%add3A_100, %dma_start3A] : memref<10240x128xf32, #tpu.memory_space<vmem_shared>> -> memref<128x128xf32, #tpu.memory_space<vmem_shared>>
        %dma_start3A_107 = arith.constant 0 : i32
        %dma_start3A_108 = tpu.memref_slice %arg13[%add3A_100, %dma_start3A_107] : memref<10240x128xf32, #tpu.memory_space<vmem_shared>> -> memref<128x128xf32, #tpu.memory_space<vmem_shared>>
        tpu.enqueue_dma source(%dma_start3A_108 : memref<128x128xf32, #tpu.memory_space<vmem_shared>>) target(%arg9 : memref<128x128xf32, #tpu.memory_space<vmem>>) target_semaphore(%run_scoped3A : memref<!tpu.dma_semaphore, #tpu.memory_space<semaphore_mem>>)
        %dma_wait3A = arith.constant 0 : i32
        %dma_wait3A_109 = tpu.memref_slice %arg13[%add3A_100, %dma_wait3A] : memref<10240x128xf32, #tpu.memory_space<vmem_shared>> -> memref<128x128xf32, #tpu.memory_space<vmem_shared>>
        %dma_wait3A_110 = arith.constant 0 : i32
        %dma_wait3A_111 = tpu.memref_slice %arg13[%add3A_100, %dma_wait3A_110] : memref<10240x128xf32, #tpu.memory_space<vmem_shared>> -> memref<128x128xf32, #tpu.memory_space<vmem_shared>>
        tpu.wait_dma2 semaphore(%run_scoped3A : memref<!tpu.dma_semaphore, #tpu.memory_space<semaphore_mem>>) src(%dma_wait3A_111 : memref<128x128xf32, #tpu.memory_space<vmem_shared>>) dst(%arg9 : memref<128x128xf32, #tpu.memory_space<vmem>>)
        tpu.yield
      }) : () -> ()
      %mul3A_101 = arith.constant 640 : i32
      %mul3A_102 = arith.muli %arg1, %mul3A_101 : i32
      %mul3A_103 = arith.constant 128 : i32
      %mul3A_104 = arith.muli %while3A_95, %mul3A_103 : i32
      %add3A_105 = arith.addi %mul3A_102, %mul3A_104 : i32
      "tpu.region"() ({
        %run_scoped3A = tpu.sem_alloc : memref<!tpu.dma_semaphore, #tpu.memory_space<semaphore_mem>>
        %dma_start3A = arith.constant 0 : i32
        %dma_start3A_106 = tpu.memref_slice %arg5[%add3A_105, %dma_start3A] : memref<10240x128xf32, #tpu.memory_space<hbm>> -> memref<128x128xf32, #tpu.memory_space<hbm>>
        %dma_start3A_107 = arith.constant 0 : i32
        %dma_start3A_108 = tpu.memref_slice %arg5[%add3A_105, %dma_start3A_107] : memref<10240x128xf32, #tpu.memory_space<hbm>> -> memref<128x128xf32, #tpu.memory_space<hbm>>
        tpu.enqueue_dma source(%arg9 : memref<128x128xf32, #tpu.memory_space<vmem>>) target(%dma_start3A_108 : memref<128x128xf32, #tpu.memory_space<hbm>>) target_semaphore(%run_scoped3A : memref<!tpu.dma_semaphore, #tpu.memory_space<semaphore_mem>>)
        %dma_wait3A = arith.constant 0 : i32
        %dma_wait3A_109 = tpu.memref_slice %arg5[%add3A_105, %dma_wait3A] : memref<10240x128xf32, #tpu.memory_space<hbm>> -> memref<128x128xf32, #tpu.memory_space<hbm>>
        %dma_wait3A_110 = arith.constant 0 : i32
        %dma_wait3A_111 = tpu.memref_slice %arg5[%add3A_105, %dma_wait3A_110] : memref<10240x128xf32, #tpu.memory_space<hbm>> -> memref<128x128xf32, #tpu.memory_space<hbm>>
        tpu.wait_dma2 semaphore(%run_scoped3A : memref<!tpu.dma_semaphore, #tpu.memory_space<semaphore_mem>>) src(%arg9 : memref<128x128xf32, #tpu.memory_space<vmem>>) dst(%dma_wait3A_111 : memref<128x128xf32, #tpu.memory_space<hbm>>)
        tpu.yield
      }) : () -> ()
    }
    %eq3A_78 = arith.constant 1 : i32
    %eq3A_79 = arith.cmpi eq, %arg0, %eq3A_78 : i32
    %jit3A_80 = arith.constant 5 : i32
    %jit3A_81 = arith.constant 0 : i32
    %select_n3A_82 = arith.select %eq3A_79, %jit3A_80, %jit3A_81 : i32
    %while3A_83 = arith.constant 0 : i32
    %while3A_84 = arith.constant 32768 : i32
    %while3A_85 = arith.constant 16 : i32
    %while3A_86 = arith.constant 0 : i32
    %while3A_87 = arith.subi %select_n3A_82, %while3A_86 : i32
    %while3A_88 = arith.addi %while3A_86, %while3A_87 : i32
    %while3A_89 = arith.constant 1 : i32
    %while3A_90 = arith.divsi %while3A_87, %while3A_89 : i32
    %while3A_91 = arith.muli %while3A_90, %while3A_89 : i32
    %while3A_92 = arith.addi %while3A_86, %while3A_91 : i32
    %while3A_93 = arith.constant 1 : i32
    scf.for %while3A_95 = %while3A_86 to %while3A_92 step %while3A_93  : i32 {
      %mul3A_96 = arith.constant 640 : i32
      %mul3A_97 = arith.muli %arg1, %mul3A_96 : i32
      %mul3A_98 = arith.constant 128 : i32
      %mul3A_99 = arith.muli %while3A_95, %mul3A_98 : i32
      %add3A_100 = arith.addi %mul3A_97, %mul3A_99 : i32
      "tpu.region"() ({
        %run_scoped3A = tpu.sem_alloc : memref<!tpu.dma_semaphore, #tpu.memory_space<semaphore_mem>>
        %dma_start3A = arith.constant 0 : i32
        %dma_start3A_112 = tpu.memref_slice %arg13[%add3A_100, %dma_start3A] : memref<10240x128xf32, #tpu.memory_space<vmem_shared>> -> memref<128x128xf32, #tpu.memory_space<vmem_shared>>
        %dma_start3A_113 = arith.constant 0 : i32
        %dma_start3A_114 = tpu.memref_slice %arg13[%add3A_100, %dma_start3A_113] : memref<10240x128xf32, #tpu.memory_space<vmem_shared>> -> memref<128x128xf32, #tpu.memory_space<vmem_shared>>
        tpu.enqueue_dma source(%dma_start3A_114 : memref<128x128xf32, #tpu.memory_space<vmem_shared>>) target(%arg9 : memref<128x128xf32, #tpu.memory_space<vmem>>) target_semaphore(%run_scoped3A : memref<!tpu.dma_semaphore, #tpu.memory_space<semaphore_mem>>)
        %dma_wait3A = arith.constant 0 : i32
        %dma_wait3A_115 = tpu.memref_slice %arg13[%add3A_100, %dma_wait3A] : memref<10240x128xf32, #tpu.memory_space<vmem_shared>> -> memref<128x128xf32, #tpu.memory_space<vmem_shared>>
        %dma_wait3A_116 = arith.constant 0 : i32
        %dma_wait3A_117 = tpu.memref_slice %arg13[%add3A_100, %dma_wait3A_116] : memref<10240x128xf32, #tpu.memory_space<vmem_shared>> -> memref<128x128xf32, #tpu.memory_space<vmem_shared>>
        tpu.wait_dma2 semaphore(%run_scoped3A : memref<!tpu.dma_semaphore, #tpu.memory_space<semaphore_mem>>) src(%dma_wait3A_117 : memref<128x128xf32, #tpu.memory_space<vmem_shared>>) dst(%arg9 : memref<128x128xf32, #tpu.memory_space<vmem>>)
        tpu.yield
      }) : () -> ()
      %scan3A_101 = arith.constant 0 : i32
      %scan3A_102 = arith.constant 0 : i32
      %scan3A_103 = arith.constant 128 : i32
      %scan3A_104 = arith.addi %scan3A_102, %scan3A_103 : i32
      %scan3A_105 = arith.constant 1 : i32
      scf.for %scan3A_112 = %scan3A_102 to %scan3A_104 step %scan3A_105  : i32 {
        %jit3A_113 = arith.constant 2 : i32
        %div3A_114 = arith.divsi %scan3A_112, %jit3A_113 : i32
        %sign3A_115 = arith.constant 0 : i32
        %sign3A_116 = arith.cmpi sgt, %scan3A_112, %sign3A_115 : i32
        %sign3A_117 = arith.extui %sign3A_116 : i1 to i32
        %sign3A_118 = arith.constant 0 : i32
        %sign3A_119 = arith.cmpi slt, %scan3A_112, %sign3A_118 : i32
        %sign3A_120 = arith.extui %sign3A_119 : i1 to i32
        %sign3A_121 = arith.subi %sign3A_117, %sign3A_120 : i32
        %sign3A_122 = arith.constant 0 : i32
        %sign3A_123 = arith.cmpi sgt, %jit3A_113, %sign3A_122 : i32
        %sign3A_124 = arith.extui %sign3A_123 : i1 to i32
        %sign3A_125 = arith.constant 0 : i32
        %sign3A_126 = arith.cmpi slt, %jit3A_113, %sign3A_125 : i32
        %sign3A_127 = arith.extui %sign3A_126 : i1 to i32
        %sign3A_128 = arith.subi %sign3A_124, %sign3A_127 : i32
        %ne3A_129 = arith.cmpi ne, %sign3A_121, %sign3A_128 : i32
        %rem3A_130 = arith.remsi %scan3A_112, %jit3A_113 : i32
        %ne3A_131 = arith.constant 0 : i32
        %ne3A_132 = arith.cmpi ne, %rem3A_130, %ne3A_131 : i32
        %and3A_133 = arith.andi %ne3A_129, %ne3A_132 : i1
        %sub3A_134 = arith.constant 1 : i32
        %sub3A_135 = arith.subi %div3A_114, %sub3A_134 : i32
        %select_n3A_136 = arith.select %and3A_133, %sub3A_135, %div3A_114 : i32
        %jit3A_137 = arith.constant 2 : i32
        %eq3A_138 = arith.constant 0 : i32
        %eq3A_139 = arith.cmpi eq, %jit3A_137, %eq3A_138 : i32
        %jit3A_140 = arith.constant 1 : i32
        %select_n3A_141 = arith.select %eq3A_139, %jit3A_140, %jit3A_137 : i32
        %rem3A_142 = arith.remsi %scan3A_112, %select_n3A_141 : i32
        %ne3A_143 = arith.constant 0 : i32
        %ne3A_144 = arith.cmpi ne, %rem3A_142, %ne3A_143 : i32
        %lt3A = arith.constant 0 : i32
        %lt3A_145 = arith.cmpi slt, %rem3A_142, %lt3A : i32
        %lt3A_146 = arith.constant 0 : i32
        %lt3A_147 = arith.cmpi slt, %select_n3A_141, %lt3A_146 : i32
        %ne3A_148 = arith.xori %lt3A_145, %lt3A_147 : i1
        %and3A_149 = arith.andi %ne3A_148, %ne3A_144 : i1
        %add3A_150 = arith.addi %rem3A_142, %select_n3A_141 : i32
        %select_n3A_151 = arith.select %and3A_149, %add3A_150, %rem3A_142 : i32
        %mul3A_152 = arith.constant 64 : i32
        %mul3A_153 = arith.muli %select_n3A_151, %mul3A_152 : i32
        %get3A = arith.index_cast %scan3A_112 : i32 to index
        %get3A_154 = arith.constant 0 : index
        %get3A_155 = tpu.vector_load %arg9[%get3A, %get3A_154] {strides = array<i32>} : memref<128x128xf32, #tpu.memory_space<vmem>>, vector<1x16xf32>,
        %get3A_156 = vector.shape_cast %get3A_155 : vector<1x16xf32> to vector<16xf32>
        %get3A_157 = arith.index_cast %scan3A_112 : i32 to index
        %get3A_158 = arith.constant 64 : index
        %get3A_159 = tpu.vector_load %arg9[%get3A_157, %get3A_158] {strides = array<i32>} : memref<128x128xf32, #tpu.memory_space<vmem>>, vector<1x16xf32>,
        %get3A_160 = vector.shape_cast %get3A_159 : vector<1x16xf32> to vector<16xf32>
        %bitcast_convert_type3A = tpu.bitcast %get3A_156 : vector<16xf32> -> vector<16xi32>
        %bitcast_convert_type3A_161 = tpu.bitcast %get3A_160 : vector<16xf32> -> vector<16xi32>
        %add3A_162 = vector.broadcast %while3A_84 : i32 to vector<16xi32>
        %add3A_163 = arith.addi %bitcast_convert_type3A, %add3A_162 : vector<16xi32>
        %shift_right_logical3A = vector.broadcast %while3A_85 : i32 to vector<16xi32>
        %shift_right_logical3A_164 = arith.shrui %add3A_163, %shift_right_logical3A : vector<16xi32>
        %add3A_165 = vector.broadcast %while3A_84 : i32 to vector<16xi32>
        %add3A_166 = arith.addi %bitcast_convert_type3A_161, %add3A_165 : vector<16xi32>
        %shift_right_logical3A_167 = vector.broadcast %while3A_85 : i32 to vector<16xi32>
        %shift_right_logical3A_168 = arith.shrui %add3A_166, %shift_right_logical3A_167 : vector<16xi32>
        %shift_left3A = vector.broadcast %while3A_85 : i32 to vector<16xi32>
        %shift_left3A_169 = arith.shli %shift_right_logical3A_168, %shift_left3A : vector<16xi32>
        %or3A = arith.ori %shift_right_logical3A_164, %shift_left3A_169 : vector<16xi32>
        %bitcast_convert_type3A_170 = tpu.bitcast %or3A : vector<16xi32> -> vector<16xf32>
        %add3A_171 = arith.constant 0 : i32
        %add3A_172 = arith.addi %mul3A_153, %add3A_171 : i32
        %swap3A = arith.index_cast %select_n3A_136 : i32 to index
        %swap3A_173 = arith.index_cast %add3A_172 : i32 to index
        %swap3A_174 = tpu.vector_load %arg10[%swap3A, %swap3A_173] {strides = array<i32>} : memref<128x128xf32, #tpu.memory_space<vmem>>, vector<1x16xf32>,
        %swap3A_175 = vector.shape_cast %swap3A_174 : vector<1x16xf32> to vector<16xf32>
        %swap3A_176 = vector.shape_cast %bitcast_convert_type3A_170 : vector<16xf32> to vector<1x16xf32>
        tpu.vector_store %arg10[%swap3A, %swap3A_173], %swap3A_176 {strides = array<i32>} : memref<128x128xf32, #tpu.memory_space<vmem>>, vector<1x16xf32>,
        %get3A_177 = arith.index_cast %scan3A_112 : i32 to index
        %get3A_178 = arith.constant 16 : index
        %get3A_179 = tpu.vector_load %arg9[%get3A_177, %get3A_178] {strides = array<i32>} : memref<128x128xf32, #tpu.memory_space<vmem>>, vector<1x16xf32>,
        %get3A_180 = vector.shape_cast %get3A_179 : vector<1x16xf32> to vector<16xf32>
        %get3A_181 = arith.index_cast %scan3A_112 : i32 to index
        %get3A_182 = arith.constant 80 : index
        %get3A_183 = tpu.vector_load %arg9[%get3A_181, %get3A_182] {strides = array<i32>} : memref<128x128xf32, #tpu.memory_space<vmem>>, vector<1x16xf32>,
        %get3A_184 = vector.shape_cast %get3A_183 : vector<1x16xf32> to vector<16xf32>
        %bitcast_convert_type3A_185 = tpu.bitcast %get3A_180 : vector<16xf32> -> vector<16xi32>
        %bitcast_convert_type3A_186 = tpu.bitcast %get3A_184 : vector<16xf32> -> vector<16xi32>
        %add3A_187 = vector.broadcast %while3A_84 : i32 to vector<16xi32>
        %add3A_188 = arith.addi %bitcast_convert_type3A_185, %add3A_187 : vector<16xi32>
        %shift_right_logical3A_189 = vector.broadcast %while3A_85 : i32 to vector<16xi32>
        %shift_right_logical3A_190 = arith.shrui %add3A_188, %shift_right_logical3A_189 : vector<16xi32>
        %add3A_191 = vector.broadcast %while3A_84 : i32 to vector<16xi32>
        %add3A_192 = arith.addi %bitcast_convert_type3A_186, %add3A_191 : vector<16xi32>
        %shift_right_logical3A_193 = vector.broadcast %while3A_85 : i32 to vector<16xi32>
        %shift_right_logical3A_194 = arith.shrui %add3A_192, %shift_right_logical3A_193 : vector<16xi32>
        %shift_left3A_195 = vector.broadcast %while3A_85 : i32 to vector<16xi32>
        %shift_left3A_196 = arith.shli %shift_right_logical3A_194, %shift_left3A_195 : vector<16xi32>
        %or3A_197 = arith.ori %shift_right_logical3A_190, %shift_left3A_196 : vector<16xi32>
        %bitcast_convert_type3A_198 = tpu.bitcast %or3A_197 : vector<16xi32> -> vector<16xf32>
        %add3A_199 = arith.constant 16 : i32
        %add3A_200 = arith.addi %mul3A_153, %add3A_199 : i32
        %swap3A_201 = arith.index_cast %select_n3A_136 : i32 to index
        %swap3A_202 = arith.index_cast %add3A_200 : i32 to index
        %swap3A_203 = tpu.vector_load %arg10[%swap3A_201, %swap3A_202] {strides = array<i32>} : memref<128x128xf32, #tpu.memory_space<vmem>>, vector<1x16xf32>,
        %swap3A_204 = vector.shape_cast %swap3A_203 : vector<1x16xf32> to vector<16xf32>
        %swap3A_205 = vector.shape_cast %bitcast_convert_type3A_198 : vector<16xf32> to vector<1x16xf32>
        tpu.vector_store %arg10[%swap3A_201, %swap3A_202], %swap3A_205 {strides = array<i32>} : memref<128x128xf32, #tpu.memory_space<vmem>>, vector<1x16xf32>,
        %get3A_206 = arith.index_cast %scan3A_112 : i32 to index
        %get3A_207 = arith.constant 32 : index
        %get3A_208 = tpu.vector_load %arg9[%get3A_206, %get3A_207] {strides = array<i32>} : memref<128x128xf32, #tpu.memory_space<vmem>>, vector<1x16xf32>,
        %get3A_209 = vector.shape_cast %get3A_208 : vector<1x16xf32> to vector<16xf32>
        %get3A_210 = arith.index_cast %scan3A_112 : i32 to index
        %get3A_211 = arith.constant 96 : index
        %get3A_212 = tpu.vector_load %arg9[%get3A_210, %get3A_211] {strides = array<i32>} : memref<128x128xf32, #tpu.memory_space<vmem>>, vector<1x16xf32>,
        %get3A_213 = vector.shape_cast %get3A_212 : vector<1x16xf32> to vector<16xf32>
        %bitcast_convert_type3A_214 = tpu.bitcast %get3A_209 : vector<16xf32> -> vector<16xi32>
        %bitcast_convert_type3A_215 = tpu.bitcast %get3A_213 : vector<16xf32> -> vector<16xi32>
        %add3A_216 = vector.broadcast %while3A_84 : i32 to vector<16xi32>
        %add3A_217 = arith.addi %bitcast_convert_type3A_214, %add3A_216 : vector<16xi32>
        %shift_right_logical3A_218 = vector.broadcast %while3A_85 : i32 to vector<16xi32>
        %shift_right_logical3A_219 = arith.shrui %add3A_217, %shift_right_logical3A_218 : vector<16xi32>
        %add3A_220 = vector.broadcast %while3A_84 : i32 to vector<16xi32>
        %add3A_221 = arith.addi %bitcast_convert_type3A_215, %add3A_220 : vector<16xi32>
        %shift_right_logical3A_222 = vector.broadcast %while3A_85 : i32 to vector<16xi32>
        %shift_right_logical3A_223 = arith.shrui %add3A_221, %shift_right_logical3A_222 : vector<16xi32>
        %shift_left3A_224 = vector.broadcast %while3A_85 : i32 to vector<16xi32>
        %shift_left3A_225 = arith.shli %shift_right_logical3A_223, %shift_left3A_224 : vector<16xi32>
        %or3A_226 = arith.ori %shift_right_logical3A_219, %shift_left3A_225 : vector<16xi32>
        %bitcast_convert_type3A_227 = tpu.bitcast %or3A_226 : vector<16xi32> -> vector<16xf32>
        %add3A_228 = arith.constant 32 : i32
        %add3A_229 = arith.addi %mul3A_153, %add3A_228 : i32
        %swap3A_230 = arith.index_cast %select_n3A_136 : i32 to index
        %swap3A_231 = arith.index_cast %add3A_229 : i32 to index
        %swap3A_232 = tpu.vector_load %arg10[%swap3A_230, %swap3A_231] {strides = array<i32>} : memref<128x128xf32, #tpu.memory_space<vmem>>, vector<1x16xf32>,
        %swap3A_233 = vector.shape_cast %swap3A_232 : vector<1x16xf32> to vector<16xf32>
        %swap3A_234 = vector.shape_cast %bitcast_convert_type3A_227 : vector<16xf32> to vector<1x16xf32>
        tpu.vector_store %arg10[%swap3A_230, %swap3A_231], %swap3A_234 {strides = array<i32>} : memref<128x128xf32, #tpu.memory_space<vmem>>, vector<1x16xf32>,
        %get3A_235 = arith.index_cast %scan3A_112 : i32 to index
        %get3A_236 = arith.constant 48 : index
        %get3A_237 = tpu.vector_load %arg9[%get3A_235, %get3A_236] {strides = array<i32>} : memref<128x128xf32, #tpu.memory_space<vmem>>, vector<1x16xf32>,
        %get3A_238 = vector.shape_cast %get3A_237 : vector<1x16xf32> to vector<16xf32>
        %get3A_239 = arith.index_cast %scan3A_112 : i32 to index
        %get3A_240 = arith.constant 112 : index
        %get3A_241 = tpu.vector_load %arg9[%get3A_239, %get3A_240] {strides = array<i32>} : memref<128x128xf32, #tpu.memory_space<vmem>>, vector<1x16xf32>,
        %get3A_242 = vector.shape_cast %get3A_241 : vector<1x16xf32> to vector<16xf32>
        %bitcast_convert_type3A_243 = tpu.bitcast %get3A_238 : vector<16xf32> -> vector<16xi32>
        %bitcast_convert_type3A_244 = tpu.bitcast %get3A_242 : vector<16xf32> -> vector<16xi32>
        %add3A_245 = vector.broadcast %while3A_84 : i32 to vector<16xi32>
        %add3A_246 = arith.addi %bitcast_convert_type3A_243, %add3A_245 : vector<16xi32>
        %shift_right_logical3A_247 = vector.broadcast %while3A_85 : i32 to vector<16xi32>
        %shift_right_logical3A_248 = arith.shrui %add3A_246, %shift_right_logical3A_247 : vector<16xi32>
        %add3A_249 = vector.broadcast %while3A_84 : i32 to vector<16xi32>
        %add3A_250 = arith.addi %bitcast_convert_type3A_244, %add3A_249 : vector<16xi32>
        %shift_right_logical3A_251 = vector.broadcast %while3A_85 : i32 to vector<16xi32>
        %shift_right_logical3A_252 = arith.shrui %add3A_250, %shift_right_logical3A_251 : vector<16xi32>
        %shift_left3A_253 = vector.broadcast %while3A_85 : i32 to vector<16xi32>
        %shift_left3A_254 = arith.shli %shift_right_logical3A_252, %shift_left3A_253 : vector<16xi32>
        %or3A_255 = arith.ori %shift_right_logical3A_248, %shift_left3A_254 : vector<16xi32>
        %bitcast_convert_type3A_256 = tpu.bitcast %or3A_255 : vector<16xi32> -> vector<16xf32>
        %add3A_257 = arith.constant 48 : i32
        %add3A_258 = arith.addi %mul3A_153, %add3A_257 : i32
        %swap3A_259 = arith.index_cast %select_n3A_136 : i32 to index
        %swap3A_260 = arith.index_cast %add3A_258 : i32 to index
        %swap3A_261 = tpu.vector_load %arg10[%swap3A_259, %swap3A_260] {strides = array<i32>} : memref<128x128xf32, #tpu.memory_space<vmem>>, vector<1x16xf32>,
        %swap3A_262 = vector.shape_cast %swap3A_261 : vector<1x16xf32> to vector<16xf32>
        %swap3A_263 = vector.shape_cast %bitcast_convert_type3A_256 : vector<16xf32> to vector<1x16xf32>
        tpu.vector_store %arg10[%swap3A_259, %swap3A_260], %swap3A_263 {strides = array<i32>} : memref<128x128xf32, #tpu.memory_space<vmem>>, vector<1x16xf32>,
      }
      %scan3A_106 = arith.constant 128 : i32
      %mul3A_107 = arith.constant 320 : i32
      %mul3A_108 = arith.muli %arg1, %mul3A_107 : i32
      %mul3A_109 = arith.constant 64 : i32
      %mul3A_110 = arith.muli %while3A_95, %mul3A_109 : i32
      %add3A_111 = arith.addi %mul3A_108, %mul3A_110 : i32
      "tpu.region"() ({
        %run_scoped3A = tpu.sem_alloc : memref<!tpu.dma_semaphore, #tpu.memory_space<semaphore_mem>>
        %dma_start3A = arith.constant 0 : i32
        %dma_start3A_112 = arith.constant 0 : i32
        %dma_start3A_113 = tpu.memref_slice %arg10[%dma_start3A, %dma_start3A_112] : memref<128x128xf32, #tpu.memory_space<vmem>> -> memref<64x128xf32, #tpu.memory_space<vmem>>
        %dma_start3A_114 = arith.constant 0 : i32
        %dma_start3A_115 = tpu.memref_slice %arg6[%add3A_111, %dma_start3A_114] : memref<5120x128xf32, #tpu.memory_space<hbm>> -> memref<64x128xf32, #tpu.memory_space<hbm>>
        %dma_start3A_116 = arith.constant 0 : i32
        %dma_start3A_117 = tpu.memref_slice %arg6[%add3A_111, %dma_start3A_116] : memref<5120x128xf32, #tpu.memory_space<hbm>> -> memref<64x128xf32, #tpu.memory_space<hbm>>
        %dma_start3A_118 = arith.constant 0 : i32
        %dma_start3A_119 = arith.constant 0 : i32
        %dma_start3A_120 = tpu.memref_slice %arg10[%dma_start3A_118, %dma_start3A_119] : memref<128x128xf32, #tpu.memory_space<vmem>> -> memref<64x128xf32, #tpu.memory_space<vmem>>
        tpu.enqueue_dma source(%dma_start3A_120 : memref<64x128xf32, #tpu.memory_space<vmem>>) target(%dma_start3A_117 : memref<64x128xf32, #tpu.memory_space<hbm>>) target_semaphore(%run_scoped3A : memref<!tpu.dma_semaphore, #tpu.memory_space<semaphore_mem>>)
        %dma_wait3A = arith.constant 0 : i32
        %dma_wait3A_121 = arith.constant 0 : i32
        %dma_wait3A_122 = tpu.memref_slice %arg10[%dma_wait3A, %dma_wait3A_121] : memref<128x128xf32, #tpu.memory_space<vmem>> -> memref<64x128xf32, #tpu.memory_space<vmem>>
        %dma_wait3A_123 = arith.constant 0 : i32
        %dma_wait3A_124 = tpu.memref_slice %arg6[%add3A_111, %dma_wait3A_123] : memref<5120x128xf32, #tpu.memory_space<hbm>> -> memref<64x128xf32, #tpu.memory_space<hbm>>
        %dma_wait3A_125 = arith.constant 0 : i32
        %dma_wait3A_126 = tpu.memref_slice %arg6[%add3A_111, %dma_wait3A_125] : memref<5120x128xf32, #tpu.memory_space<hbm>> -> memref<64x128xf32, #tpu.memory_space<hbm>>
        %dma_wait3A_127 = arith.constant 0 : i32
        %dma_wait3A_128 = arith.constant 0 : i32
        %dma_wait3A_129 = tpu.memref_slice %arg10[%dma_wait3A_127, %dma_wait3A_128] : memref<128x128xf32, #tpu.memory_space<vmem>> -> memref<64x128xf32, #tpu.memory_space<vmem>>
        tpu.wait_dma2 semaphore(%run_scoped3A : memref<!tpu.dma_semaphore, #tpu.memory_space<semaphore_mem>>) src(%dma_wait3A_129 : memref<64x128xf32, #tpu.memory_space<vmem>>) dst(%dma_wait3A_126 : memref<64x128xf32, #tpu.memory_space<hbm>>)
        tpu.yield
      }) : () -> ()
    }
    %while3A_94 = arith.constant 1 : i32
    scf.for %while3A_95 = %while3A_92 to %while3A_88 step %while3A_94  : i32 {
      %mul3A_96 = arith.constant 640 : i32
      %mul3A_97 = arith.muli %arg1, %mul3A_96 : i32
      %mul3A_98 = arith.constant 128 : i32
      %mul3A_99 = arith.muli %while3A_95, %mul3A_98 : i32
      %add3A_100 = arith.addi %mul3A_97, %mul3A_99 : i32
      "tpu.region"() ({
        %run_scoped3A = tpu.sem_alloc : memref<!tpu.dma_semaphore, #tpu.memory_space<semaphore_mem>>
        %dma_start3A = arith.constant 0 : i32
        %dma_start3A_112 = tpu.memref_slice %arg13[%add3A_100, %dma_start3A] : memref<10240x128xf32, #tpu.memory_space<vmem_shared>> -> memref<128x128xf32, #tpu.memory_space<vmem_shared>>
        %dma_start3A_113 = arith.constant 0 : i32
        %dma_start3A_114 = tpu.memref_slice %arg13[%add3A_100, %dma_start3A_113] : memref<10240x128xf32, #tpu.memory_space<vmem_shared>> -> memref<128x128xf32, #tpu.memory_space<vmem_shared>>
        tpu.enqueue_dma source(%dma_start3A_114 : memref<128x128xf32, #tpu.memory_space<vmem_shared>>) target(%arg9 : memref<128x128xf32, #tpu.memory_space<vmem>>) target_semaphore(%run_scoped3A : memref<!tpu.dma_semaphore, #tpu.memory_space<semaphore_mem>>)
        %dma_wait3A = arith.constant 0 : i32
        %dma_wait3A_115 = tpu.memref_slice %arg13[%add3A_100, %dma_wait3A] : memref<10240x128xf32, #tpu.memory_space<vmem_shared>> -> memref<128x128xf32, #tpu.memory_space<vmem_shared>>
        %dma_wait3A_116 = arith.constant 0 : i32
        %dma_wait3A_117 = tpu.memref_slice %arg13[%add3A_100, %dma_wait3A_116] : memref<10240x128xf32, #tpu.memory_space<vmem_shared>> -> memref<128x128xf32, #tpu.memory_space<vmem_shared>>
        tpu.wait_dma2 semaphore(%run_scoped3A : memref<!tpu.dma_semaphore, #tpu.memory_space<semaphore_mem>>) src(%dma_wait3A_117 : memref<128x128xf32, #tpu.memory_space<vmem_shared>>) dst(%arg9 : memref<128x128xf32, #tpu.memory_space<vmem>>)
        tpu.yield
      }) : () -> ()
      %scan3A_101 = arith.constant 0 : i32
      %scan3A_102 = arith.constant 0 : i32
      %scan3A_103 = arith.constant 128 : i32
      %scan3A_104 = arith.addi %scan3A_102, %scan3A_103 : i32
      %scan3A_105 = arith.constant 1 : i32
      scf.for %scan3A_112 = %scan3A_102 to %scan3A_104 step %scan3A_105  : i32 {
        %jit3A_113 = arith.constant 2 : i32
        %div3A_114 = arith.divsi %scan3A_112, %jit3A_113 : i32
        %sign3A_115 = arith.constant 0 : i32
        %sign3A_116 = arith.cmpi sgt, %scan3A_112, %sign3A_115 : i32
        %sign3A_117 = arith.extui %sign3A_116 : i1 to i32
        %sign3A_118 = arith.constant 0 : i32
        %sign3A_119 = arith.cmpi slt, %scan3A_112, %sign3A_118 : i32
        %sign3A_120 = arith.extui %sign3A_119 : i1 to i32
        %sign3A_121 = arith.subi %sign3A_117, %sign3A_120 : i32
        %sign3A_122 = arith.constant 0 : i32
        %sign3A_123 = arith.cmpi sgt, %jit3A_113, %sign3A_122 : i32
        %sign3A_124 = arith.extui %sign3A_123 : i1 to i32
        %sign3A_125 = arith.constant 0 : i32
        %sign3A_126 = arith.cmpi slt, %jit3A_113, %sign3A_125 : i32
        %sign3A_127 = arith.extui %sign3A_126 : i1 to i32
        %sign3A_128 = arith.subi %sign3A_124, %sign3A_127 : i32
        %ne3A_129 = arith.cmpi ne, %sign3A_121, %sign3A_128 : i32
        %rem3A_130 = arith.remsi %scan3A_112, %jit3A_113 : i32
        %ne3A_131 = arith.constant 0 : i32
        %ne3A_132 = arith.cmpi ne, %rem3A_130, %ne3A_131 : i32
        %and3A_133 = arith.andi %ne3A_129, %ne3A_132 : i1
        %sub3A_134 = arith.constant 1 : i32
        %sub3A_135 = arith.subi %div3A_114, %sub3A_134 : i32
        %select_n3A_136 = arith.select %and3A_133, %sub3A_135, %div3A_114 : i32
        %jit3A_137 = arith.constant 2 : i32
        %eq3A_138 = arith.constant 0 : i32
        %eq3A_139 = arith.cmpi eq, %jit3A_137, %eq3A_138 : i32
        %jit3A_140 = arith.constant 1 : i32
        %select_n3A_141 = arith.select %eq3A_139, %jit3A_140, %jit3A_137 : i32
        %rem3A_142 = arith.remsi %scan3A_112, %select_n3A_141 : i32
        %ne3A_143 = arith.constant 0 : i32
        %ne3A_144 = arith.cmpi ne, %rem3A_142, %ne3A_143 : i32
        %lt3A = arith.constant 0 : i32
        %lt3A_145 = arith.cmpi slt, %rem3A_142, %lt3A : i32
        %lt3A_146 = arith.constant 0 : i32
        %lt3A_147 = arith.cmpi slt, %select_n3A_141, %lt3A_146 : i32
        %ne3A_148 = arith.xori %lt3A_145, %lt3A_147 : i1
        %and3A_149 = arith.andi %ne3A_148, %ne3A_144 : i1
        %add3A_150 = arith.addi %rem3A_142, %select_n3A_141 : i32
        %select_n3A_151 = arith.select %and3A_149, %add3A_150, %rem3A_142 : i32
        %mul3A_152 = arith.constant 64 : i32
        %mul3A_153 = arith.muli %select_n3A_151, %mul3A_152 : i32
        %get3A = arith.index_cast %scan3A_112 : i32 to index
        %get3A_154 = arith.constant 0 : index
        %get3A_155 = tpu.vector_load %arg9[%get3A, %get3A_154] {strides = array<i32>} : memref<128x128xf32, #tpu.memory_space<vmem>>, vector<1x16xf32>,
        %get3A_156 = vector.shape_cast %get3A_155 : vector<1x16xf32> to vector<16xf32>
        %get3A_157 = arith.index_cast %scan3A_112 : i32 to index
        %get3A_158 = arith.constant 64 : index
        %get3A_159 = tpu.vector_load %arg9[%get3A_157, %get3A_158] {strides = array<i32>} : memref<128x128xf32, #tpu.memory_space<vmem>>, vector<1x16xf32>,
        %get3A_160 = vector.shape_cast %get3A_159 : vector<1x16xf32> to vector<16xf32>
        %bitcast_convert_type3A = tpu.bitcast %get3A_156 : vector<16xf32> -> vector<16xi32>
        %bitcast_convert_type3A_161 = tpu.bitcast %get3A_160 : vector<16xf32> -> vector<16xi32>
        %add3A_162 = vector.broadcast %while3A_84 : i32 to vector<16xi32>
        %add3A_163 = arith.addi %bitcast_convert_type3A, %add3A_162 : vector<16xi32>
        %shift_right_logical3A = vector.broadcast %while3A_85 : i32 to vector<16xi32>
        %shift_right_logical3A_164 = arith.shrui %add3A_163, %shift_right_logical3A : vector<16xi32>
        %add3A_165 = vector.broadcast %while3A_84 : i32 to vector<16xi32>
        %add3A_166 = arith.addi %bitcast_convert_type3A_161, %add3A_165 : vector<16xi32>
        %shift_right_logical3A_167 = vector.broadcast %while3A_85 : i32 to vector<16xi32>
        %shift_right_logical3A_168 = arith.shrui %add3A_166, %shift_right_logical3A_167 : vector<16xi32>
        %shift_left3A = vector.broadcast %while3A_85 : i32 to vector<16xi32>
        %shift_left3A_169 = arith.shli %shift_right_logical3A_168, %shift_left3A : vector<16xi32>
        %or3A = arith.ori %shift_right_logical3A_164, %shift_left3A_169 : vector<16xi32>
        %bitcast_convert_type3A_170 = tpu.bitcast %or3A : vector<16xi32> -> vector<16xf32>
        %add3A_171 = arith.constant 0 : i32
        %add3A_172 = arith.addi %mul3A_153, %add3A_171 : i32
        %swap3A = arith.index_cast %select_n3A_136 : i32 to index
        %swap3A_173 = arith.index_cast %add3A_172 : i32 to index
        %swap3A_174 = tpu.vector_load %arg10[%swap3A, %swap3A_173] {strides = array<i32>} : memref<128x128xf32, #tpu.memory_space<vmem>>, vector<1x16xf32>,
        %swap3A_175 = vector.shape_cast %swap3A_174 : vector<1x16xf32> to vector<16xf32>
        %swap3A_176 = vector.shape_cast %bitcast_convert_type3A_170 : vector<16xf32> to vector<1x16xf32>
        tpu.vector_store %arg10[%swap3A, %swap3A_173], %swap3A_176 {strides = array<i32>} : memref<128x128xf32, #tpu.memory_space<vmem>>, vector<1x16xf32>,
        %get3A_177 = arith.index_cast %scan3A_112 : i32 to index
        %get3A_178 = arith.constant 16 : index
        %get3A_179 = tpu.vector_load %arg9[%get3A_177, %get3A_178] {strides = array<i32>} : memref<128x128xf32, #tpu.memory_space<vmem>>, vector<1x16xf32>,
        %get3A_180 = vector.shape_cast %get3A_179 : vector<1x16xf32> to vector<16xf32>
        %get3A_181 = arith.index_cast %scan3A_112 : i32 to index
        %get3A_182 = arith.constant 80 : index
        %get3A_183 = tpu.vector_load %arg9[%get3A_181, %get3A_182] {strides = array<i32>} : memref<128x128xf32, #tpu.memory_space<vmem>>, vector<1x16xf32>,
        %get3A_184 = vector.shape_cast %get3A_183 : vector<1x16xf32> to vector<16xf32>
        %bitcast_convert_type3A_185 = tpu.bitcast %get3A_180 : vector<16xf32> -> vector<16xi32>
        %bitcast_convert_type3A_186 = tpu.bitcast %get3A_184 : vector<16xf32> -> vector<16xi32>
        %add3A_187 = vector.broadcast %while3A_84 : i32 to vector<16xi32>
        %add3A_188 = arith.addi %bitcast_convert_type3A_185, %add3A_187 : vector<16xi32>
        %shift_right_logical3A_189 = vector.broadcast %while3A_85 : i32 to vector<16xi32>
        %shift_right_logical3A_190 = arith.shrui %add3A_188, %shift_right_logical3A_189 : vector<16xi32>
        %add3A_191 = vector.broadcast %while3A_84 : i32 to vector<16xi32>
        %add3A_192 = arith.addi %bitcast_convert_type3A_186, %add3A_191 : vector<16xi32>
        %shift_right_logical3A_193 = vector.broadcast %while3A_85 : i32 to vector<16xi32>
        %shift_right_logical3A_194 = arith.shrui %add3A_192, %shift_right_logical3A_193 : vector<16xi32>
        %shift_left3A_195 = vector.broadcast %while3A_85 : i32 to vector<16xi32>
        %shift_left3A_196 = arith.shli %shift_right_logical3A_194, %shift_left3A_195 : vector<16xi32>
        %or3A_197 = arith.ori %shift_right_logical3A_190, %shift_left3A_196 : vector<16xi32>
        %bitcast_convert_type3A_198 = tpu.bitcast %or3A_197 : vector<16xi32> -> vector<16xf32>
        %add3A_199 = arith.constant 16 : i32
        %add3A_200 = arith.addi %mul3A_153, %add3A_199 : i32
        %swap3A_201 = arith.index_cast %select_n3A_136 : i32 to index
        %swap3A_202 = arith.index_cast %add3A_200 : i32 to index
        %swap3A_203 = tpu.vector_load %arg10[%swap3A_201, %swap3A_202] {strides = array<i32>} : memref<128x128xf32, #tpu.memory_space<vmem>>, vector<1x16xf32>,
        %swap3A_204 = vector.shape_cast %swap3A_203 : vector<1x16xf32> to vector<16xf32>
        %swap3A_205 = vector.shape_cast %bitcast_convert_type3A_198 : vector<16xf32> to vector<1x16xf32>
        tpu.vector_store %arg10[%swap3A_201, %swap3A_202], %swap3A_205 {strides = array<i32>} : memref<128x128xf32, #tpu.memory_space<vmem>>, vector<1x16xf32>,
        %get3A_206 = arith.index_cast %scan3A_112 : i32 to index
        %get3A_207 = arith.constant 32 : index
        %get3A_208 = tpu.vector_load %arg9[%get3A_206, %get3A_207] {strides = array<i32>} : memref<128x128xf32, #tpu.memory_space<vmem>>, vector<1x16xf32>,
        %get3A_209 = vector.shape_cast %get3A_208 : vector<1x16xf32> to vector<16xf32>
        %get3A_210 = arith.index_cast %scan3A_112 : i32 to index
        %get3A_211 = arith.constant 96 : index
        %get3A_212 = tpu.vector_load %arg9[%get3A_210, %get3A_211] {strides = array<i32>} : memref<128x128xf32, #tpu.memory_space<vmem>>, vector<1x16xf32>,
        %get3A_213 = vector.shape_cast %get3A_212 : vector<1x16xf32> to vector<16xf32>
        %bitcast_convert_type3A_214 = tpu.bitcast %get3A_209 : vector<16xf32> -> vector<16xi32>
        %bitcast_convert_type3A_215 = tpu.bitcast %get3A_213 : vector<16xf32> -> vector<16xi32>
        %add3A_216 = vector.broadcast %while3A_84 : i32 to vector<16xi32>
        %add3A_217 = arith.addi %bitcast_convert_type3A_214, %add3A_216 : vector<16xi32>
        %shift_right_logical3A_218 = vector.broadcast %while3A_85 : i32 to vector<16xi32>
        %shift_right_logical3A_219 = arith.shrui %add3A_217, %shift_right_logical3A_218 : vector<16xi32>
        %add3A_220 = vector.broadcast %while3A_84 : i32 to vector<16xi32>
        %add3A_221 = arith.addi %bitcast_convert_type3A_215, %add3A_220 : vector<16xi32>
        %shift_right_logical3A_222 = vector.broadcast %while3A_85 : i32 to vector<16xi32>
        %shift_right_logical3A_223 = arith.shrui %add3A_221, %shift_right_logical3A_222 : vector<16xi32>
        %shift_left3A_224 = vector.broadcast %while3A_85 : i32 to vector<16xi32>
        %shift_left3A_225 = arith.shli %shift_right_logical3A_223, %shift_left3A_224 : vector<16xi32>
        %or3A_226 = arith.ori %shift_right_logical3A_219, %shift_left3A_225 : vector<16xi32>
        %bitcast_convert_type3A_227 = tpu.bitcast %or3A_226 : vector<16xi32> -> vector<16xf32>
        %add3A_228 = arith.constant 32 : i32
        %add3A_229 = arith.addi %mul3A_153, %add3A_228 : i32
        %swap3A_230 = arith.index_cast %select_n3A_136 : i32 to index
        %swap3A_231 = arith.index_cast %add3A_229 : i32 to index
        %swap3A_232 = tpu.vector_load %arg10[%swap3A_230, %swap3A_231] {strides = array<i32>} : memref<128x128xf32, #tpu.memory_space<vmem>>, vector<1x16xf32>,
        %swap3A_233 = vector.shape_cast %swap3A_232 : vector<1x16xf32> to vector<16xf32>
        %swap3A_234 = vector.shape_cast %bitcast_convert_type3A_227 : vector<16xf32> to vector<1x16xf32>
        tpu.vector_store %arg10[%swap3A_230, %swap3A_231], %swap3A_234 {strides = array<i32>} : memref<128x128xf32, #tpu.memory_space<vmem>>, vector<1x16xf32>,
        %get3A_235 = arith.index_cast %scan3A_112 : i32 to index
        %get3A_236 = arith.constant 48 : index
        %get3A_237 = tpu.vector_load %arg9[%get3A_235, %get3A_236] {strides = array<i32>} : memref<128x128xf32, #tpu.memory_space<vmem>>, vector<1x16xf32>,
        %get3A_238 = vector.shape_cast %get3A_237 : vector<1x16xf32> to vector<16xf32>
        %get3A_239 = arith.index_cast %scan3A_112 : i32 to index
        %get3A_240 = arith.constant 112 : index
        %get3A_241 = tpu.vector_load %arg9[%get3A_239, %get3A_240] {strides = array<i32>} : memref<128x128xf32, #tpu.memory_space<vmem>>, vector<1x16xf32>,
        %get3A_242 = vector.shape_cast %get3A_241 : vector<1x16xf32> to vector<16xf32>
        %bitcast_convert_type3A_243 = tpu.bitcast %get3A_238 : vector<16xf32> -> vector<16xi32>
        %bitcast_convert_type3A_244 = tpu.bitcast %get3A_242 : vector<16xf32> -> vector<16xi32>
        %add3A_245 = vector.broadcast %while3A_84 : i32 to vector<16xi32>
        %add3A_246 = arith.addi %bitcast_convert_type3A_243, %add3A_245 : vector<16xi32>
        %shift_right_logical3A_247 = vector.broadcast %while3A_85 : i32 to vector<16xi32>
        %shift_right_logical3A_248 = arith.shrui %add3A_246, %shift_right_logical3A_247 : vector<16xi32>
        %add3A_249 = vector.broadcast %while3A_84 : i32 to vector<16xi32>
        %add3A_250 = arith.addi %bitcast_convert_type3A_244, %add3A_249 : vector<16xi32>
        %shift_right_logical3A_251 = vector.broadcast %while3A_85 : i32 to vector<16xi32>
        %shift_right_logical3A_252 = arith.shrui %add3A_250, %shift_right_logical3A_251 : vector<16xi32>
        %shift_left3A_253 = vector.broadcast %while3A_85 : i32 to vector<16xi32>
        %shift_left3A_254 = arith.shli %shift_right_logical3A_252, %shift_left3A_253 : vector<16xi32>
        %or3A_255 = arith.ori %shift_right_logical3A_248, %shift_left3A_254 : vector<16xi32>
        %bitcast_convert_type3A_256 = tpu.bitcast %or3A_255 : vector<16xi32> -> vector<16xf32>
        %add3A_257 = arith.constant 48 : i32
        %add3A_258 = arith.addi %mul3A_153, %add3A_257 : i32
        %swap3A_259 = arith.index_cast %select_n3A_136 : i32 to index
        %swap3A_260 = arith.index_cast %add3A_258 : i32 to index
        %swap3A_261 = tpu.vector_load %arg10[%swap3A_259, %swap3A_260] {strides = array<i32>} : memref<128x128xf32, #tpu.memory_space<vmem>>, vector<1x16xf32>,
        %swap3A_262 = vector.shape_cast %swap3A_261 : vector<1x16xf32> to vector<16xf32>
        %swap3A_263 = vector.shape_cast %bitcast_convert_type3A_256 : vector<16xf32> to vector<1x16xf32>
        tpu.vector_store %arg10[%swap3A_259, %swap3A_260], %swap3A_263 {strides = array<i32>} : memref<128x128xf32, #tpu.memory_space<vmem>>, vector<1x16xf32>,
      }
      %scan3A_106 = arith.constant 128 : i32
      %mul3A_107 = arith.constant 320 : i32
      %mul3A_108 = arith.muli %arg1, %mul3A_107 : i32
      %mul3A_109 = arith.constant 64 : i32
      %mul3A_110 = arith.muli %while3A_95, %mul3A_109 : i32
      %add3A_111 = arith.addi %mul3A_108, %mul3A_110 : i32
      "tpu.region"() ({
        %run_scoped3A = tpu.sem_alloc : memref<!tpu.dma_semaphore, #tpu.memory_space<semaphore_mem>>
        %dma_start3A = arith.constant 0 : i32
        %dma_start3A_112 = arith.constant 0 : i32
        %dma_start3A_113 = tpu.memref_slice %arg10[%dma_start3A, %dma_start3A_112] : memref<128x128xf32, #tpu.memory_space<vmem>> -> memref<64x128xf32, #tpu.memory_space<vmem>>
        %dma_start3A_114 = arith.constant 0 : i32
        %dma_start3A_115 = tpu.memref_slice %arg6[%add3A_111, %dma_start3A_114] : memref<5120x128xf32, #tpu.memory_space<hbm>> -> memref<64x128xf32, #tpu.memory_space<hbm>>
        %dma_start3A_116 = arith.constant 0 : i32
        %dma_start3A_117 = tpu.memref_slice %arg6[%add3A_111, %dma_start3A_116] : memref<5120x128xf32, #tpu.memory_space<hbm>> -> memref<64x128xf32, #tpu.memory_space<hbm>>
        %dma_start3A_118 = arith.constant 0 : i32
        %dma_start3A_119 = arith.constant 0 : i32
        %dma_start3A_120 = tpu.memref_slice %arg10[%dma_start3A_118, %dma_start3A_119] : memref<128x128xf32, #tpu.memory_space<vmem>> -> memref<64x128xf32, #tpu.memory_space<vmem>>
        tpu.enqueue_dma source(%dma_start3A_120 : memref<64x128xf32, #tpu.memory_space<vmem>>) target(%dma_start3A_117 : memref<64x128xf32, #tpu.memory_space<hbm>>) target_semaphore(%run_scoped3A : memref<!tpu.dma_semaphore, #tpu.memory_space<semaphore_mem>>)
        %dma_wait3A = arith.constant 0 : i32
        %dma_wait3A_121 = arith.constant 0 : i32
        %dma_wait3A_122 = tpu.memref_slice %arg10[%dma_wait3A, %dma_wait3A_121] : memref<128x128xf32, #tpu.memory_space<vmem>> -> memref<64x128xf32, #tpu.memory_space<vmem>>
        %dma_wait3A_123 = arith.constant 0 : i32
        %dma_wait3A_124 = tpu.memref_slice %arg6[%add3A_111, %dma_wait3A_123] : memref<5120x128xf32, #tpu.memory_space<hbm>> -> memref<64x128xf32, #tpu.memory_space<hbm>>
        %dma_wait3A_125 = arith.constant 0 : i32
        %dma_wait3A_126 = tpu.memref_slice %arg6[%add3A_111, %dma_wait3A_125] : memref<5120x128xf32, #tpu.memory_space<hbm>> -> memref<64x128xf32, #tpu.memory_space<hbm>>
        %dma_wait3A_127 = arith.constant 0 : i32
        %dma_wait3A_128 = arith.constant 0 : i32
        %dma_wait3A_129 = tpu.memref_slice %arg10[%dma_wait3A_127, %dma_wait3A_128] : memref<128x128xf32, #tpu.memory_space<vmem>> -> memref<64x128xf32, #tpu.memory_space<vmem>>
        tpu.wait_dma2 semaphore(%run_scoped3A : memref<!tpu.dma_semaphore, #tpu.memory_space<semaphore_mem>>) src(%dma_wait3A_129 : memref<64x128xf32, #tpu.memory_space<vmem>>) dst(%dma_wait3A_126 : memref<64x128xf32, #tpu.memory_space<hbm>>)
        tpu.yield
      }) : () -> ()
    }
    return
  }
}

module attributes {stable_mosaic.version = 14 : i64} {
  func.func @_scale_body(%arg0: i32, %arg1: memref<2x256x1xf32, #tpu.memory_space<vmem>>, %arg2: memref<256x128xf32, #tpu.memory_space<vmem>>, %arg3: memref<256x1xf32, #tpu.memory_space<vmem>>, %arg4: memref<256x128xf32, #tpu.memory_space<vmem>>) attributes {dimension_semantics = [#tpu.dimension_semantics<arbitrary>], iteration_bounds = array<i64: 40>, scalar_prefetch = 0 : i64, scratch_operands = 0 : i64, tpu.core_type = #tpu.core_type<tc>, window_params = [{transform_indices = @transform_0, window_bounds = array<i64: 2, 256, 1>}, {transform_indices = @transform_1, window_bounds = array<i64: 256, 128>}, {transform_indices = @transform_2, window_bounds = array<i64: 256, 1>}, {transform_indices = @transform_3, window_bounds = array<i64: 256, 128>}]} {
    %get3A = arith.constant 0 : index
    %get3A_0 = arith.constant 0 : index
    %get3A_1 = arith.constant 0 : index
    %get3A_2 = vector.load %arg1[%get3A, %get3A_0, %get3A_1] : memref<2x256x1xf32, #tpu.memory_space<vmem>>, vector<1x256x1xf32>
    %get3A_3 = vector.shape_cast %get3A_2 : vector<1x256x1xf32> to vector<256x1xf32>
    %get3A_4 = arith.constant 1 : index
    %get3A_5 = arith.constant 0 : index
    %get3A_6 = arith.constant 0 : index
    %get3A_7 = vector.load %arg1[%get3A_4, %get3A_5, %get3A_6] : memref<2x256x1xf32, #tpu.memory_space<vmem>>, vector<1x256x1xf32>
    %get3A_8 = vector.shape_cast %get3A_7 : vector<1x256x1xf32> to vector<256x1xf32>
    %add3A = arith.addf %get3A_3, %get3A_8 : vector<256x1xf32>
    %add3A_9 = arith.constant 1.000000e+00 : f32
    %add3A_10 = vector.broadcast %add3A_9 : f32 to vector<256x1xf32>
    %add3A_11 = arith.addf %add3A, %add3A_10 : vector<256x1xf32>
    %rsqrt3A = math.rsqrt %add3A_11 : vector<256x1xf32>
    %swap3A = arith.constant 0 : index
    %swap3A_12 = arith.constant 0 : index
    %swap3A_13 = vector.load %arg3[%swap3A, %swap3A_12] : memref<256x1xf32, #tpu.memory_space<vmem>>, vector<256x1xf32>
    tpu.vector_store %arg3[%swap3A, %swap3A_12], %rsqrt3A {strides = array<i32>} : memref<256x1xf32, #tpu.memory_space<vmem>>, vector<256x1xf32>,
    %get3A_14 = arith.constant 0 : index
    %get3A_15 = arith.constant 0 : index
    %get3A_16 = vector.load %arg2[%get3A_14, %get3A_15] : memref<256x128xf32, #tpu.memory_space<vmem>>, vector<256x128xf32>
    %mul3A = vector.broadcast %rsqrt3A : vector<256x1xf32> to vector<256x128xf32>
    %mul3A_17 = arith.mulf %get3A_16, %mul3A : vector<256x128xf32>
    %swap3A_18 = arith.constant 0 : index
    %swap3A_19 = arith.constant 0 : index
    %swap3A_20 = vector.load %arg4[%swap3A_18, %swap3A_19] : memref<256x128xf32, #tpu.memory_space<vmem>>, vector<256x128xf32>
    tpu.vector_store %arg4[%swap3A_18, %swap3A_19], %mul3A_17 {strides = array<i32>} : memref<256x128xf32, #tpu.memory_space<vmem>>, vector<256x128xf32>,
    return
  }
  func.func @transform_0(%arg0: i32) -> (i32, i32, i32) {
    %c0_i32 = arith.constant 0 : i32
    %c0_i32_0 = arith.constant 0 : i32
    %c0_i32_1 = arith.constant 0 : i32
    return %c0_i32, %arg0, %c0_i32_0 : i32, i32, i32
  }
  func.func @transform_1(%arg0: i32) -> (i32, i32) {
    %c0_i32 = arith.constant 0 : i32
    %c0_i32_0 = arith.constant 0 : i32
    return %arg0, %c0_i32 : i32, i32
  }
  func.func @transform_2(%arg0: i32) -> (i32, i32) {
    %c0_i32 = arith.constant 0 : i32
    %c0_i32_0 = arith.constant 0 : i32
    return %arg0, %c0_i32 : i32, i32
  }
  func.func @transform_3(%arg0: i32) -> (i32, i32) {
    %c0_i32 = arith.constant 0 : i32
    %c0_i32_0 = arith.constant 0 : i32
    return %arg0, %c0_i32 : i32, i32
  }
}

module attributes {stable_mosaic.version = 14 : i64} {
  func.func @_mlp_body(%arg0: i32, %arg1: memref<256x128xf32, #tpu.memory_space<vmem>>, %arg2: memref<128x128xf32, #tpu.memory_space<vmem>>, %arg3: memref<256x128xf32, #tpu.memory_space<vmem>>, %arg4: memref<256x1xf32, #tpu.memory_space<vmem>>, %arg5: memref<128x256xf32, #tpu.memory_space<vmem>>, %arg6: memref<1x256xf32, #tpu.memory_space<vmem>>, %arg7: memref<256x128xf32, #tpu.memory_space<vmem>>, %arg8: memref<256x128xf32, #tpu.memory_space<vmem>>) attributes {dimension_semantics = [#tpu.dimension_semantics<arbitrary>], iteration_bounds = array<i64: 40>, scalar_prefetch = 0 : i64, scratch_operands = 0 : i64, tpu.core_type = #tpu.core_type<tc>, window_params = [{transform_indices = @transform_0, window_bounds = array<i64: 256, 128>}, {transform_indices = @transform_1, window_bounds = array<i64: 128, 128>}, {transform_indices = @transform_2, window_bounds = array<i64: 256, 128>}, {transform_indices = @transform_3, window_bounds = array<i64: 256, 1>}, {pipeline_mode = #tpu.pipeline_mode<synchronous>, transform_indices = @transform_4, window_bounds = array<i64: 128, 256>}, {pipeline_mode = #tpu.pipeline_mode<synchronous>, transform_indices = @transform_5, window_bounds = array<i64: 1, 256>}, {pipeline_mode = #tpu.pipeline_mode<synchronous>, transform_indices = @transform_6, window_bounds = array<i64: 256, 128>}, {transform_indices = @transform_7, window_bounds = array<i64: 256, 128>}]} {
    %get3A = arith.constant 0 : index
    %get3A_0 = arith.constant 0 : index
    %get3A_1 = vector.load %arg4[%get3A, %get3A_0] : memref<256x1xf32, #tpu.memory_space<vmem>>, vector<256x1xf32>
    %get3A_2 = arith.constant 0 : index
    %get3A_3 = arith.constant 0 : index
    %get3A_4 = vector.load %arg1[%get3A_2, %get3A_3] : memref<256x128xf32, #tpu.memory_space<vmem>>, vector<256x128xf32>
    %get3A_5 = arith.constant 0 : index
    %get3A_6 = arith.constant 0 : index
    %get3A_7 = vector.load %arg2[%get3A_5, %get3A_6] : memref<128x128xf32, #tpu.memory_space<vmem>>, vector<128x128xf32>
    %bitcast_convert_type3A = tpu.bitcast %get3A_7 : vector<128x128xf32> -> vector<128x128xi32>
    %slice3A = vector.extract_strided_slice %bitcast_convert_type3A {offsets = [0, 0], sizes = [128, 64], strides = [1, 1]} : vector<128x128xi32> to vector<128x64xi32>
    %shift_left3A = arith.constant 16 : i32
    %shift_left3A_8 = vector.broadcast %shift_left3A : i32 to vector<128x64xi32>
    %shift_left3A_9 = arith.shli %slice3A, %shift_left3A_8 : vector<128x64xi32>
    %bitcast_convert_type3A_10 = tpu.bitcast %shift_left3A_9 : vector<128x64xi32> -> vector<128x64xf32>
    %and3A = arith.constant -65536 : i32
    %and3A_11 = vector.broadcast %and3A : i32 to vector<128x64xi32>
    %and3A_12 = arith.andi %slice3A, %and3A_11 : vector<128x64xi32>
    %bitcast_convert_type3A_13 = tpu.bitcast %and3A_12 : vector<128x64xi32> -> vector<128x64xf32>
    %concatenate3A = tpu.concatenate %bitcast_convert_type3A_10, %bitcast_convert_type3A_13 in 1 : vector<128x64xf32>, vector<128x64xf32> -> vector<128x128xf32>
    %slice3A_14 = vector.extract_strided_slice %bitcast_convert_type3A {offsets = [0, 64], sizes = [128, 64], strides = [1, 1]} : vector<128x128xi32> to vector<128x64xi32>
    %shift_left3A_15 = arith.constant 16 : i32
    %shift_left3A_16 = vector.broadcast %shift_left3A_15 : i32 to vector<128x64xi32>
    %shift_left3A_17 = arith.shli %slice3A_14, %shift_left3A_16 : vector<128x64xi32>
    %bitcast_convert_type3A_18 = tpu.bitcast %shift_left3A_17 : vector<128x64xi32> -> vector<128x64xf32>
    %and3A_19 = arith.constant -65536 : i32
    %and3A_20 = vector.broadcast %and3A_19 : i32 to vector<128x64xi32>
    %and3A_21 = arith.andi %slice3A_14, %and3A_20 : vector<128x64xi32>
    %bitcast_convert_type3A_22 = tpu.bitcast %and3A_21 : vector<128x64xi32> -> vector<128x64xf32>
    %concatenate3A_23 = tpu.concatenate %bitcast_convert_type3A_18, %bitcast_convert_type3A_22 in 1 : vector<128x64xf32>, vector<128x64xf32> -> vector<128x128xf32>
    %stack3A = vector.shape_cast %concatenate3A : vector<128x128xf32> to vector<128x1x128xf32>
    %stack3A_24 = vector.shape_cast %concatenate3A_23 : vector<128x128xf32> to vector<128x1x128xf32>
    %stack3A_25 = tpu.concatenate %stack3A, %stack3A_24 in 1 : vector<128x1x128xf32>, vector<128x1x128xf32> -> vector<128x2x128xf32>
    %reshape3A = vector.shape_cast %stack3A_25 : vector<128x2x128xf32> to vector<256x128xf32>
    %add3A = arith.addf %get3A_4, %reshape3A : vector<256x128xf32>
    %get3A_26 = arith.constant 0 : index
    %get3A_27 = arith.constant 0 : index
    %get3A_28 = vector.load %arg3[%get3A_26, %get3A_27] : memref<256x128xf32, #tpu.memory_space<vmem>>, vector<256x128xf32>
    %add3A_29 = arith.addf %add3A, %get3A_28 : vector<256x128xf32>
    %mul3A = vector.broadcast %get3A_1 : vector<256x1xf32> to vector<256x128xf32>
    %mul3A_30 = arith.mulf %add3A_29, %mul3A : vector<256x128xf32>
    %get3A_31 = arith.constant 0 : index
    %get3A_32 = arith.constant 0 : index
    %get3A_33 = vector.load %arg5[%get3A_31, %get3A_32] : memref<128x256xf32, #tpu.memory_space<vmem>>, vector<128x256xf32>
    %dot_general3A = arith.constant dense<0.000000e+00> : vector<256x256xf32>
    %dot_general3A_34 = tpu.matmul %mul3A_30, %get3A_33, %dot_general3A {dimension_numbers = #tpu.dot_dimension_numbers<[1], [0], [0], [1], [0, 0, 1, 1], [], []>, transpose_lhs_hint = false} : vector<256x128xf32>, vector<128x256xf32>, vector<256x256xf32> -> vector<256x256xf32>
    %get3A_35 = arith.constant 0 : index
    %get3A_36 = arith.constant 0 : index
    %get3A_37 = vector.load %arg6[%get3A_35, %get3A_36] : memref<1x256xf32, #tpu.memory_space<vmem>>, vector<1x256xf32>
    %add3A_38 = vector.broadcast %get3A_37 : vector<1x256xf32> to vector<256x256xf32>
    %add3A_39 = arith.addf %dot_general3A_34, %add3A_38 : vector<256x256xf32>
    %max3A = arith.constant 0.000000e+00 : f32
    %max3A_40 = vector.broadcast %max3A : f32 to vector<256x256xf32>
    %max3A_41 = arith.maximumf %add3A_39, %max3A_40 : vector<256x256xf32>
    %get3A_42 = arith.constant 0 : index
    %get3A_43 = arith.constant 0 : index
    %get3A_44 = vector.load %arg7[%get3A_42, %get3A_43] : memref<256x128xf32, #tpu.memory_space<vmem>>, vector<256x128xf32>
    %dot_general3A_45 = arith.constant dense<0.000000e+00> : vector<256x128xf32>
    %dot_general3A_46 = tpu.matmul %max3A_41, %get3A_44, %dot_general3A_45 {dimension_numbers = #tpu.dot_dimension_numbers<[1], [0], [0], [1], [0, 0, 1, 1], [], []>, transpose_lhs_hint = false} : vector<256x256xf32>, vector<256x128xf32>, vector<256x128xf32> -> vector<256x128xf32>
    %mul3A_47 = arith.constant 256 : i32
    %mul3A_48 = arith.muli %arg0, %mul3A_47 : i32
    %iota3A = tpu.iota {dimensions = array<i32: 0>} : vector<256x1xi32>
    %add3A_49 = vector.broadcast %mul3A_48 : i32 to vector<256x1xi32>
    %add3A_50 = arith.addi %add3A_49, %iota3A : vector<256x1xi32>
    %lt3A = arith.constant 10000 : i32
    %lt3A_51 = vector.broadcast %lt3A : i32 to vector<256x1xi32>
    %lt3A_52 = arith.cmpi slt, %add3A_50, %lt3A_51 : vector<256x1xi32>
    %mul3A_53 = vector.broadcast %get3A_1 : vector<256x1xf32> to vector<256x128xf32>
    %mul3A_54 = arith.mulf %dot_general3A_46, %mul3A_53 : vector<256x128xf32>
    %jit3A = arith.constant 0.000000e+00 : f32
    %broadcast_in_dim3A = vector.shape_cast %lt3A_52 : vector<256x1xi1> to vector<256x1xi1>
    %broadcast_in_dim3A_55 = vector.broadcast %broadcast_in_dim3A : vector<256x1xi1> to vector<256x128xi1>
    %broadcast_in_dim3A_56 = vector.broadcast %jit3A : f32 to vector<256x128xf32>
    %select_n3A = arith.select %broadcast_in_dim3A_55, %mul3A_54, %broadcast_in_dim3A_56 : vector<256x128xi1>, vector<256x128xf32>
    %swap3A = arith.constant 0 : index
    %swap3A_57 = arith.constant 0 : index
    %swap3A_58 = vector.load %arg8[%swap3A, %swap3A_57] : memref<256x128xf32, #tpu.memory_space<vmem>>, vector<256x128xf32>
    tpu.vector_store %arg8[%swap3A, %swap3A_57], %select_n3A {strides = array<i32>} : memref<256x128xf32, #tpu.memory_space<vmem>>, vector<256x128xf32>,
    return
  }
  func.func @transform_0(%arg0: i32) -> (i32, i32) {
    %c0_i32 = arith.constant 0 : i32
    %c0_i32_0 = arith.constant 0 : i32
    return %arg0, %c0_i32 : i32, i32
  }
  func.func @transform_1(%arg0: i32) -> (i32, i32) {
    %c0_i32 = arith.constant 0 : i32
    %c0_i32_0 = arith.constant 0 : i32
    return %arg0, %c0_i32 : i32, i32
  }
  func.func @transform_2(%arg0: i32) -> (i32, i32) {
    %c0_i32 = arith.constant 0 : i32
    %c0_i32_0 = arith.constant 0 : i32
    return %arg0, %c0_i32 : i32, i32
  }
  func.func @transform_3(%arg0: i32) -> (i32, i32) {
    %c0_i32 = arith.constant 0 : i32
    %c0_i32_0 = arith.constant 0 : i32
    return %arg0, %c0_i32 : i32, i32
  }
  func.func @transform_4(%arg0: i32) -> (i32, i32) {
    %c0_i32 = arith.constant 0 : i32
    %c0_i32_0 = arith.constant 0 : i32
    %c0_i32_1 = arith.constant 0 : i32
    return %c0_i32, %c0_i32_0 : i32, i32
  }
  func.func @transform_5(%arg0: i32) -> (i32, i32) {
    %c0_i32 = arith.constant 0 : i32
    %c0_i32_0 = arith.constant 0 : i32
    %c0_i32_1 = arith.constant 0 : i32
    return %c0_i32, %c0_i32_0 : i32, i32
  }
  func.func @transform_6(%arg0: i32) -> (i32, i32) {
    %c0_i32 = arith.constant 0 : i32
    %c0_i32_0 = arith.constant 0 : i32
    %c0_i32_1 = arith.constant 0 : i32
    return %c0_i32, %c0_i32_0 : i32, i32
  }
  func.func @transform_7(%arg0: i32) -> (i32, i32) {
    %c0_i32 = arith.constant 0 : i32
    %c0_i32_0 = arith.constant 0 : i32
    return %arg0, %c0_i32 : i32, i32
  }
}

module attributes {stable_mosaic.version = 14 : i64} {
  func.func @_loss_body(%arg0: i32, %arg1: memref<256x128xf32, #tpu.memory_space<vmem>>, %arg2: memref<128x128xf32, #tpu.memory_space<vmem>>, %arg3: memref<256x128xf32, #tpu.memory_space<vmem>>, %arg4: memref<256x1xf32, #tpu.memory_space<vmem>>, %arg5: memref<1x40xf32, #tpu.memory_space<vmem>>, %arg6: memref<256x1xi32, #tpu.memory_space<vmem>>, %arg7: memref<256x40xf32, #tpu.memory_space<vmem>>, %arg8: memref<1x1xf32, #tpu.memory_space<vmem>>) attributes {dimension_semantics = [#tpu.dimension_semantics<arbitrary>], iteration_bounds = array<i64: 40>, scalar_prefetch = 0 : i64, scratch_operands = 0 : i64, tpu.core_type = #tpu.core_type<tc>, window_params = [{transform_indices = @transform_0, window_bounds = array<i64: 256, 128>}, {transform_indices = @transform_1, window_bounds = array<i64: 128, 128>}, {transform_indices = @transform_2, window_bounds = array<i64: 256, 128>}, {transform_indices = @transform_3, window_bounds = array<i64: 256, 1>}, {pipeline_mode = #tpu.pipeline_mode<synchronous>, transform_indices = @transform_4, window_bounds = array<i64: 1, 40>}, {transform_indices = @transform_5, window_bounds = array<i64: 256, 1>}, {transform_indices = @transform_6, window_bounds = array<i64: 256, 40>}, {pipeline_mode = #tpu.pipeline_mode<synchronous>, transform_indices = @transform_7, window_bounds = array<i64: 1, 1>}]} {
    %get3A = arith.constant 0 : index
    %get3A_0 = arith.constant 0 : index
    %get3A_1 = vector.load %arg1[%get3A, %get3A_0] : memref<256x128xf32, #tpu.memory_space<vmem>>, vector<256x128xf32>
    %get3A_2 = arith.constant 0 : index
    %get3A_3 = arith.constant 0 : index
    %get3A_4 = vector.load %arg2[%get3A_2, %get3A_3] : memref<128x128xf32, #tpu.memory_space<vmem>>, vector<128x128xf32>
    %bitcast_convert_type3A = tpu.bitcast %get3A_4 : vector<128x128xf32> -> vector<128x128xi32>
    %slice3A = vector.extract_strided_slice %bitcast_convert_type3A {offsets = [0, 0], sizes = [128, 64], strides = [1, 1]} : vector<128x128xi32> to vector<128x64xi32>
    %shift_left3A = arith.constant 16 : i32
    %shift_left3A_5 = vector.broadcast %shift_left3A : i32 to vector<128x64xi32>
    %shift_left3A_6 = arith.shli %slice3A, %shift_left3A_5 : vector<128x64xi32>
    %bitcast_convert_type3A_7 = tpu.bitcast %shift_left3A_6 : vector<128x64xi32> -> vector<128x64xf32>
    %and3A = arith.constant -65536 : i32
    %and3A_8 = vector.broadcast %and3A : i32 to vector<128x64xi32>
    %and3A_9 = arith.andi %slice3A, %and3A_8 : vector<128x64xi32>
    %bitcast_convert_type3A_10 = tpu.bitcast %and3A_9 : vector<128x64xi32> -> vector<128x64xf32>
    %concatenate3A = tpu.concatenate %bitcast_convert_type3A_7, %bitcast_convert_type3A_10 in 1 : vector<128x64xf32>, vector<128x64xf32> -> vector<128x128xf32>
    %slice3A_11 = vector.extract_strided_slice %bitcast_convert_type3A {offsets = [0, 64], sizes = [128, 64], strides = [1, 1]} : vector<128x128xi32> to vector<128x64xi32>
    %shift_left3A_12 = arith.constant 16 : i32
    %shift_left3A_13 = vector.broadcast %shift_left3A_12 : i32 to vector<128x64xi32>
    %shift_left3A_14 = arith.shli %slice3A_11, %shift_left3A_13 : vector<128x64xi32>
    %bitcast_convert_type3A_15 = tpu.bitcast %shift_left3A_14 : vector<128x64xi32> -> vector<128x64xf32>
    %and3A_16 = arith.constant -65536 : i32
    %and3A_17 = vector.broadcast %and3A_16 : i32 to vector<128x64xi32>
    %and3A_18 = arith.andi %slice3A_11, %and3A_17 : vector<128x64xi32>
    %bitcast_convert_type3A_19 = tpu.bitcast %and3A_18 : vector<128x64xi32> -> vector<128x64xf32>
    %concatenate3A_20 = tpu.concatenate %bitcast_convert_type3A_15, %bitcast_convert_type3A_19 in 1 : vector<128x64xf32>, vector<128x64xf32> -> vector<128x128xf32>
    %stack3A = vector.shape_cast %concatenate3A : vector<128x128xf32> to vector<128x1x128xf32>
    %stack3A_21 = vector.shape_cast %concatenate3A_20 : vector<128x128xf32> to vector<128x1x128xf32>
    %stack3A_22 = tpu.concatenate %stack3A, %stack3A_21 in 1 : vector<128x1x128xf32>, vector<128x1x128xf32> -> vector<128x2x128xf32>
    %reshape3A = vector.shape_cast %stack3A_22 : vector<128x2x128xf32> to vector<256x128xf32>
    %add3A = arith.addf %get3A_1, %reshape3A : vector<256x128xf32>
    %get3A_23 = arith.constant 0 : index
    %get3A_24 = arith.constant 0 : index
    %get3A_25 = vector.load %arg3[%get3A_23, %get3A_24] : memref<256x128xf32, #tpu.memory_space<vmem>>, vector<256x128xf32>
    %add3A_26 = arith.addf %add3A, %get3A_25 : vector<256x128xf32>
    %get3A_27 = arith.constant 0 : index
    %get3A_28 = arith.constant 0 : index
    %get3A_29 = vector.load %arg4[%get3A_27, %get3A_28] : memref<256x1xf32, #tpu.memory_space<vmem>>, vector<256x1xf32>
    %mul3A = vector.broadcast %get3A_29 : vector<256x1xf32> to vector<256x128xf32>
    %mul3A_30 = arith.mulf %add3A_26, %mul3A : vector<256x128xf32>
    %slice3A_31 = vector.extract_strided_slice %mul3A_30 {offsets = [0, 0], sizes = [256, 40], strides = [1, 1]} : vector<256x128xf32> to vector<256x40xf32>
    %get3A_32 = arith.constant 0 : index
    %get3A_33 = arith.constant 0 : index
    %get3A_34 = vector.load %arg5[%get3A_32, %get3A_33] : memref<1x40xf32, #tpu.memory_space<vmem>>, vector<1x40xf32>
    %add3A_35 = vector.broadcast %get3A_34 : vector<1x40xf32> to vector<256x40xf32>
    %add3A_36 = arith.addf %slice3A_31, %add3A_35 : vector<256x40xf32>
    %swap3A = arith.constant 0 : index
    %swap3A_37 = arith.constant 0 : index
    %swap3A_38 = vector.load %arg7[%swap3A, %swap3A_37] : memref<256x40xf32, #tpu.memory_space<vmem>>, vector<256x40xf32>
    tpu.vector_store %arg7[%swap3A, %swap3A_37], %add3A_36 {strides = array<i32>} : memref<256x40xf32, #tpu.memory_space<vmem>>, vector<256x40xf32>,
    %reduce_max3A = arith.constant dense<0xFF800000> : vector<256xf32>
    %reduce_max3A_39 = vector.multi_reduction <maximumf>, %add3A_36, %reduce_max3A [1] : vector<256x40xf32> to vector<256xf32>
    %broadcast_in_dim3A = vector.shape_cast %reduce_max3A_39 : vector<256xf32> to vector<256x1xf32>
    %sub3A = vector.broadcast %broadcast_in_dim3A : vector<256x1xf32> to vector<256x40xf32>
    %sub3A_40 = arith.subf %add3A_36, %sub3A : vector<256x40xf32>
    %exp3A = math.exp %sub3A_40 : vector<256x40xf32>
    %reduce_sum3A = arith.constant dense<0.000000e+00> : vector<256xf32>
    %reduce_sum3A_41 = vector.multi_reduction <add>, %exp3A, %reduce_sum3A [1] : vector<256x40xf32> to vector<256xf32>
    %broadcast_in_dim3A_42 = vector.shape_cast %reduce_sum3A_41 : vector<256xf32> to vector<256x1xf32>
    %log3A = math.log %broadcast_in_dim3A_42 : vector<256x1xf32>
    %add3A_43 = arith.addf %log3A, %broadcast_in_dim3A : vector<256x1xf32>
    %iota3A = tpu.iota {dimensions = array<i32: 1>} : vector<256x40xi32>
    %get3A_44 = arith.constant 0 : index
    %get3A_45 = arith.constant 0 : index
    %get3A_46 = vector.load %arg6[%get3A_44, %get3A_45] : memref<256x1xi32, #tpu.memory_space<vmem>>, vector<256x1xi32>
    %eq3A = vector.broadcast %get3A_46 : vector<256x1xi32> to vector<256x40xi32>
    %eq3A_47 = arith.cmpi eq, %iota3A, %eq3A : vector<256x40xi32>
    %jit3A = arith.constant 0.000000e+00 : f32
    %broadcast_in_dim3A_48 = vector.broadcast %jit3A : f32 to vector<256x40xf32>
    %select_n3A = arith.select %eq3A_47, %add3A_36, %broadcast_in_dim3A_48 : vector<256x40xi1>, vector<256x40xf32>
    %reduce_sum3A_49 = arith.constant dense<0.000000e+00> : vector<256xf32>
    %reduce_sum3A_50 = vector.multi_reduction <add>, %select_n3A, %reduce_sum3A_49 [1] : vector<256x40xf32> to vector<256xf32>
    %broadcast_in_dim3A_51 = vector.shape_cast %reduce_sum3A_50 : vector<256xf32> to vector<256x1xf32>
    %mul3A_52 = arith.constant 256 : i32
    %mul3A_53 = arith.muli %arg0, %mul3A_52 : i32
    %iota3A_54 = tpu.iota {dimensions = array<i32: 0>} : vector<256x1xi32>
    %add3A_55 = vector.broadcast %mul3A_53 : i32 to vector<256x1xi32>
    %add3A_56 = arith.addi %add3A_55, %iota3A_54 : vector<256x1xi32>
    %lt3A = arith.constant 10000 : i32
    %lt3A_57 = vector.broadcast %lt3A : i32 to vector<256x1xi32>
    %lt3A_58 = arith.cmpi slt, %add3A_56, %lt3A_57 : vector<256x1xi32>
    %sub3A_59 = arith.subf %add3A_43, %broadcast_in_dim3A_51 : vector<256x1xf32>
    %jit3A_60 = arith.constant 0.000000e+00 : f32
    %broadcast_in_dim3A_61 = vector.broadcast %jit3A_60 : f32 to vector<256x1xf32>
    %select_n3A_62 = arith.select %lt3A_58, %sub3A_59, %broadcast_in_dim3A_61 : vector<256x1xi1>, vector<256x1xf32>
    %reduce_sum3A_63 = vector.shape_cast %select_n3A_62 : vector<256x1xf32> to vector<1x256x1xf32>
    %reduce_sum3A_64 = arith.constant dense<0.000000e+00> : vector<1xf32>
    %reduce_sum3A_65 = vector.multi_reduction <add>, %reduce_sum3A_63, %reduce_sum3A_64 [1, 2] : vector<1x256x1xf32> to vector<1xf32>
    %reduce_sum3A_66 = vector.shape_cast %reduce_sum3A_65 : vector<1xf32> to vector<1x1x1xf32>
    %reduce_sum3A_67 = vector.extract %reduce_sum3A_66[0, 0, 0] : f32 from vector<1x1x1xf32>
    %eq3A_68 = arith.constant 0 : i32
    %eq3A_69 = arith.cmpi eq, %arg0, %eq3A_68 : i32
    %convert_element_type3A = arith.extui %eq3A_69 : i1 to i32
    %cond3A = arith.constant 0 : i32
    %cond3A_70 = arith.cmpi ne, %convert_element_type3A, %cond3A : i32
    scf.if %cond3A_70 {
      %broadcast_in_dim3A_79 = arith.constant 0.000000e+00 : f32
      %broadcast_in_dim3A_80 = vector.broadcast %broadcast_in_dim3A_79 : f32 to vector<1x1xf32>
      %swap3A_81 = arith.constant 0 : index
      %swap3A_82 = arith.constant 0 : index
      %swap3A_83 = vector.load %arg8[%swap3A_81, %swap3A_82] : memref<1x1xf32, #tpu.memory_space<vmem>>, vector<1x1xf32>
      tpu.vector_store %arg8[%swap3A_81, %swap3A_82], %broadcast_in_dim3A_80 {strides = array<i32>} : memref<1x1xf32, #tpu.memory_space<vmem>>, vector<1x1xf32>,
    } else {
    }
    %get3A_71 = arith.constant 0 : index
    %get3A_72 = arith.constant 0 : index
    %get3A_73 = vector.load %arg8[%get3A_71, %get3A_72] : memref<1x1xf32, #tpu.memory_space<vmem>>, vector<1x1xf32>
    %add3A_74 = vector.broadcast %reduce_sum3A_67 : f32 to vector<1x1xf32>
    %add3A_75 = arith.addf %get3A_73, %add3A_74 : vector<1x1xf32>
    %swap3A_76 = arith.constant 0 : index
    %swap3A_77 = arith.constant 0 : index
    %swap3A_78 = vector.load %arg8[%swap3A_76, %swap3A_77] : memref<1x1xf32, #tpu.memory_space<vmem>>, vector<1x1xf32>
    tpu.vector_store %arg8[%swap3A_76, %swap3A_77], %add3A_75 {strides = array<i32>} : memref<1x1xf32, #tpu.memory_space<vmem>>, vector<1x1xf32>,
    return
  }
  func.func @transform_0(%arg0: i32) -> (i32, i32) {
    %c0_i32 = arith.constant 0 : i32
    %c0_i32_0 = arith.constant 0 : i32
    return %arg0, %c0_i32 : i32, i32
  }
  func.func @transform_1(%arg0: i32) -> (i32, i32) {
    %c0_i32 = arith.constant 0 : i32
    %c0_i32_0 = arith.constant 0 : i32
    return %arg0, %c0_i32 : i32, i32
  }
  func.func @transform_2(%arg0: i32) -> (i32, i32) {
    %c0_i32 = arith.constant 0 : i32
    %c0_i32_0 = arith.constant 0 : i32
    return %arg0, %c0_i32 : i32, i32
  }
  func.func @transform_3(%arg0: i32) -> (i32, i32) {
    %c0_i32 = arith.constant 0 : i32
    %c0_i32_0 = arith.constant 0 : i32
    return %arg0, %c0_i32 : i32, i32
  }
  func.func @transform_4(%arg0: i32) -> (i32, i32) {
    %c0_i32 = arith.constant 0 : i32
    %c0_i32_0 = arith.constant 0 : i32
    %c0_i32_1 = arith.constant 0 : i32
    return %c0_i32, %c0_i32_0 : i32, i32
  }
  func.func @transform_5(%arg0: i32) -> (i32, i32) {
    %c0_i32 = arith.constant 0 : i32
    %c0_i32_0 = arith.constant 0 : i32
    return %arg0, %c0_i32 : i32, i32
  }
  func.func @transform_6(%arg0: i32) -> (i32, i32) {
    %c0_i32 = arith.constant 0 : i32
    %c0_i32_0 = arith.constant 0 : i32
    return %arg0, %c0_i32 : i32, i32
  }
  func.func @transform_7(%arg0: i32) -> (i32, i32) {
    %c0_i32 = arith.constant 0 : i32
    %c0_i32_0 = arith.constant 0 : i32
    %c0_i32_1 = arith.constant 0 : i32
    return %c0_i32, %c0_i32_0 : i32, i32
  }
}

</mosaic_0001>

<sc_bundles>
// kernel: kernel.11.cloned.1.call-start
scs
__scs_entry_jumppad:
0x0: {  	(pc) =	sbr.rel $0x88, $3  }
0x1: {  	(tag) =	ssettag $0x0;
	lr =	simm.s32 $0x1  }
0x2: {  	[smem:$0x3F9A] =	sst lr;
	_ =	strace $0xD0000000  }
0x3: {  	_ = 	snop  }
0x4: {  	_ = 	snop  }
0x5: {  	_ = 	snop  }
0x6: {  	_ = 	snop  }
0x7: {  	_ = 	snop  }
__scs_overlays_trampoline_lowered:
0x8: {  	[smem:$0x3FA9] =	sst s0  }
0x9: {  	[smem:$0x3FAA] =	sst s1  }
0xa: {  	[smem:$0x3FAB] =	sst s2  }
0xb: {  	[smem:$0x3FAC] =	sst s3  }
0xc: {  	[smem:$0x3FAD] =	sst s4  }
0xd: {  	[smem:$0x3FAE] =	sst s5  }
0xe: {  	[smem:$0x3FAF] =	sst s6  }
0xf: {  	[smem:$0x3FB0] =	sst s7  }
0x10: {  	[smem:$0x3FB1] =	sst s8  }
0x11: {  	[smem:$0x3FB2] =	sst s9;
	s0 =	simm.s32 @!p0 $0x0  }
0x12: {  	s1 =	sld [smem:$0x3F98];
	s0 =	simm.s32 @p0 $0x1  }
0x13: {  	[smem:$0x3FB3] =	sst s0;
	s0 =	simm.s32 @!p1 $0x0  }
0x14: {  	s2 =	sld [smem:$0x3F97];
	s0 =	simm.s32 @p1 $0x1  }
0x15: {  	[smem:$0x3FB4] =	sst s0;
	s0 =	simm.s32 @!p2 $0x0  }
0x16: {  	s3 =	sld [smem:$0x3FDB];
	s0 =	simm.s32 @p2 $0x1  }
0x17: {  	s4 =	simm.s32 $0x1BF5;
	[smem:$0x3FB6] =	sst s0  }
0x18: {  	s0 =	sld [smem:$0x3F99];
	_ =	swait.ge [sflag:s4], $0x0  }
0x19: {  	s7 =	sld [smem:$0x3F9A]  }
0x1a: {  	s8 =	sadd.s32 $0xFFFFE003, lr  }
0x1b: {  	s9 =	sadd.s32 $0xFFFFFEF7, lr;
	s5 =	simm.s32 $0xFFFFFFFF;
	p2 =	slt.u32 s8, $0xFFFFF086  }
0x1c: {  	p1 =	slt.u32 s9, $0xF7A;
	s5 =	simm.s32 @!p2 $0x0  }
0x1d: {  	s5 =	simm.s32 @p1 $0x1;
	p0 =	seq.s32 s7, s2  }
0x1e: {  	s7 =	smul.u32 @!p0 $0xF7A, s2;
	p2 =	seq.s32 @!p0 s5, $0x0  }
0x1f: {  	s9 =	smul.u32 $0xF7A, s1;
	s8 =	simm.s32 @!p0 $0x1BF5;
	p2 =	por !p2, p0  }
0x20: {  	[sflag:s8] =	ssyncset.s32 @!p0 $0xFFFFF086;
	s6 =	sadd.s32 @!p0 s3, s7;
	s7 =	simm.s32 @!p0 $0x108  }
0x21: {  	s3 =	sadd.s32 s3, s9;
	s6 =	sadd.s32 @!p0 $0x88, s6;
	s7 =	simm.s32 @p2 $0x1082  }
0x22: {  	[simem:s7], [sflag:s8] =	dma.local @!p0 [hbm:s6], $0xF7A  }
0x23: {  	s9 =	sor.u32 $0xD0000000, s2;
	s6 =	simm.s32 $0x108;
	_ =	swait.ge @!p0 [sflag:s8], $0x0  }
0x24: {  	s3 =	sadd.s32 $0x88, s3;
	s6 =	simm.s32 @!p1 $0x1082;
	[sflag:s4] =	ssyncset.s32 $0xFFFFF086  }
0x25: {  	[simem:s6], [sflag:s4] =	dma.local [hbm:s3], $0xF7A  }
0x26: {  	[smem:$0x3F9A] =	sst s1;
	(tag) =	ssettag s2;
	_ =	strace s9  }
0x27: {  	s1 =	sld [smem:$0x3FAA]  }
0x28: {  	s2 =	sld [smem:$0x3FAB]  }
0x29: {  	s4 =	sld [smem:$0x3FAD]  }
0x2a: {  	p0 =	seq.s32 s5, $0x0;
	s5 =	sld [smem:$0x3FAE]  }
0x2b: {  	s6 =	sld [smem:$0x3FAF]  }
0x2c: {  	s7 =	sld [smem:$0x3FB0]  }
0x2d: {  	s3 =	simm.s32 $0x108;
	s8 =	sld [smem:$0x3FB1]  }
0x2e: {  	s3 =	simm.s32 @!p0 $0x1082;
	s9 =	sld [smem:$0x3FB2]  }
0x2f: {  	lr =	sadd.s32 s0, s3;
	s0 =	sld [smem:$0x3FA9]  }
0x30: {  	s3 =	sld [smem:$0x3FAC]  }
0x31: {  	[smem:$0x3FB5] =	sst s10  }
0x32: {  	s10 =	sld [smem:$0x3FB3];
	_ =	sdelay $0x3  }
0x33: {  	p0 =	seq.s32 s10, $0x1;
	s10 =	sld [smem:$0x3FB5];
	_ =	sdelay $0x3  }
0x34: {  	[smem:$0x3FB5] =	sst s10  }
0x35: {  	s10 =	sld [smem:$0x3FB4];
	_ =	sdelay $0x3  }
0x36: {  	p1 =	seq.s32 s10, $0x1;
	s10 =	sld [smem:$0x3FB5];
	_ =	sdelay $0x3  }
0x37: {  	[smem:$0x3FB5] =	sst s10  }
0x38: {  	s10 =	sld [smem:$0x3FB6]  }
0x39: {  	_ = 	snop;
	(pc) =	sbr.ind lr, $3  }
0x3a: {  	_ = 	snop  }
0x3b: {  	_ = 	snop  }
0x3c: {  	p2 =	seq.s32 s10, $0x1;
	s10 =	sld [smem:$0x3FB5]  }
0x3d: {  	_ =	shalt  }
0x3e: {  	_ =	shalt  }
0x3f: {  	_ =	shalt  }
0x40: {  	_ =	shalt  }
0x41: {  	_ =	shalt  }
0x42: {  	_ =	shalt  }
0x43: {  	_ =	shalt  }
0x44: {  	_ =	shalt  }
0x45: {  	_ =	shalt  }
0x46: {  	_ =	shalt  }
0x47: {  	_ =	shalt  }
0x48: {  	_ =	shalt  }
0x49: {  	_ =	shalt  }
0x4a: {  	_ =	shalt  }
0x4b: {  	_ =	shalt  }
0x4c: {  	_ =	shalt  }
0x4d: {  	_ =	shalt  }
0x4e: {  	_ =	shalt  }
0x4f: {  	_ =	shalt  }
0x50: {  	_ =	shalt  }
0x51: {  	_ =	shalt  }
0x52: {  	_ =	shalt  }
0x53: {  	_ =	shalt  }
0x54: {  	_ =	shalt  }
0x55: {  	_ =	shalt  }
0x56: {  	_ =	shalt  }
0x57: {  	_ =	shalt  }
0x58: {  	_ =	shalt  }
0x59: {  	_ =	shalt  }
0x5a: {  	_ =	shalt  }
0x5b: {  	_ =	shalt  }
0x5c: {  	_ =	shalt  }
0x5d: {  	_ =	shalt  }
0x5e: {  	_ =	shalt  }
0x5f: {  	_ =	shalt  }
0x60: {  	_ =	shalt  }
0x61: {  	_ =	shalt  }
0x62: {  	_ =	shalt  }
0x63: {  	_ =	shalt  }
0x64: {  	_ =	shalt  }
0x65: {  	_ =	shalt  }
0x66: {  	_ =	shalt  }
0x67: {  	_ =	shalt  }
0x68: {  	_ =	shalt  }
0x69: {  	_ =	shalt  }
0x6a: {  	_ =	shalt  }
0x6b: {  	_ =	shalt  }
0x6c: {  	_ =	shalt  }
0x6d: {  	_ =	shalt  }
0x6e: {  	_ =	shalt  }
0x6f: {  	_ =	shalt  }
0x70: {  	_ =	shalt  }
0x71: {  	_ =	shalt  }
0x72: {  	_ =	shalt  }
0x73: {  	_ =	shalt  }
0x74: {  	_ =	shalt  }
0x75: {  	_ =	shalt  }
0x76: {  	_ =	shalt  }
0x77: {  	_ =	shalt  }
0x78: {  	_ =	shalt  }
0x79: {  	_ =	shalt  }
0x7a: {  	_ =	shalt  }
0x7b: {  	_ =	shalt  }
0x7c: {  	_ =	shalt  }
0x7d: {  	_ =	shalt  }
0x7e: {  	_ =	shalt  }
0x7f: {  	_ =	shalt  }
0x80: {  	_ =	shalt  }
0x81: {  	_ =	shalt  }
0x82: {  	_ =	shalt  }
0x83: {  	_ =	shalt  }
0x84: {  	_ =	shalt  }
0x85: {  	_ =	shalt  }
0x86: {  	_ =	shalt  }
0x87: {  	_ =	shalt  }
.Lfunc_end0:
.L_simem_size_0:
called_computation.1_lowered:
.L_overlay_start_0:
0x88: {  	s2 =	sld [smem:$0x3FD9]  }
0x89: {  	s3 =	sld [smem:$0x3FFE];
	_ =	sdelay $0x1  }
0x8a: {  	s1 =	srdreg.scid  }
0x8b: {  	s0 =	sand.u32 $0x1, s1  }
0x8c: {  	s14 =	sshll.u32 s0, $0xA;
	s2 =	sadd.s32 s3, s2  }
0x8d: {  	s2 =	sadd.s32 s2, s14  }
0x8e: {  	[smem:$0x3FC1] =	sst s2  }
0x8f: {  	_ = 	snop  }
0x90: {  	s2 =	sld [smem:$0x3FD0];
	_ =	sdelay $0x2  }
0x91: {  	s15 =	simm.s32 $0xA;
	s4 =	simm.s32 $0x10  }
0x92: {  	[smem:s4], [sflag:s15] =	dma.local [hbm:s2], $0x1  }
0x93: {  	_ =	swait.eq [sflag:s15], $0x1  }
0x94: {  	[sflag:s15] =	ssyncset.done $0x0  }
0x95: {  	[sflag:s15] =	ssyncadd.s32 $0xFFFFFFFF  }
0x96: {  	s16 =	sld [smem:$0x11];
	(tm) =	ssettm $0x1  }
0x97: {  	s17 =	sld [smem:$0x3FFB];
	_ =	sdelay $0x3  }
0x98: {  	_ =	strace s17  }
0x99: {  	s3 =	sld [smem:$0x3FFC];
	_ =	sdelay $0x3  }
0x9a: {  	_ =	strace s3  }
0x9b: {  	s3 =	sld [smem:$0x3FFD];
	_ =	sdelay $0x3  }
0x9c: {  	_ =	strace s3  }
0x9d: {  	_ =	strace $0x8FFFFFFF  }
0x9e: {  	s18 =	sld [smem:$0x3FDB];
	_ =	sdelay $0x1  }
0x9f: {  	s19 =	simm.s32 $_scs_section_size  }
0xa0: {  	s5 =	simm.s32 $_size__tile_overlayer_lowered;
	s6 =	simm.s32 $_tile_overlayer_lowered  }
0xa1: {  	s22 =	simm.s32 $0x1BFF;
	s21 =	sshll.u32 s6, $0x1;
	s3 =	sadd.s32 s19, s18  }
0xa2: {  	s7 =	simm.s32 $0x0;
	s20 =	sshll.u32 s5, $0x1;
	s5 =	sadd.s32 s21, s3  }
0xa3: {  	[timem:s7], [sflag:s22] =	dma.local [hbm:s5], s20  }
0xa4: {  	_ =	swait.ge [sflag:s22], s20  }
0xa5: {  	s4 =	ssub.s32 $0x0, s20;
	[sflag:s22] =	ssyncset.done $0x0  }
0xa6: {  	[sflag:s22] =	ssyncadd.s32 s4;
	_ =	sdelay $0x1  }
0xa7: {  	s23 =	simm.s32 $0x1B8B  }
0xa8: {  	_ =	swait.ge [sflag:s23], $0x1  }
0xa9: {  	[sflag:s23] =	ssyncset.done $0x0  }
0xaa: {  	s25 =	simm.s32 $0x1B8E;
	s24 =	sld [smem:$0x3FFE];
	[sflag:s23] =	ssyncadd.s32 $0xFFFFFFFF  }
0xab: {  	s26 =	simm.s32 $execute0_lowered;
	[smem:$0x3FD2] =	sst s25  }
0xac: {  	s5 =	sshll.u32 s26, $0x1;
	_ =	strace $0x80000049;
	[dreg:$0x1] =	wrdreg $0xFFFFFFFF  }
0xad: {  	s28 =	simm.s32 $_size_execute0_lowered;
	s3 =	sadd.s32 s3, s5;
	[dreg:$0x0] =	wrdreg $0x0  }
0xae: {  	s5 =	sshll.u32 s28, $0x1;
	[dreg:$0x2] =	wrdreg s3  }
0xaf: {  	[dreg:$0x3] =	wrdreg s5  }
0xb0: {  	[dreg:$0x4] =	wrdreg $0xC0  }
0xb1: {  	_ =	task [dreg:s7], $0x5FFFF  }
0xb2: {  	[dreg:$0x1] =	wrdreg $0xFFFFFFFF  }
0xb3: {  	[dreg:$0x0] =	wrdreg $0x60  }
0xb4: {  	[dreg:$0x2] =	wrdreg s24  }
0xb5: {  	[dreg:$0x3] =	wrdreg s16  }
0xb6: {  	[dreg:$0x4] =	wrdreg $0x88000  }
0xb7: {  	[dreg:$0x5] =	wrdreg $0x9  }
0xb8: {  	_ =	task.clear_ibuf [dreg:s7], $0x6FFFF;
	_ =	strace $0x90000049  }
0xb9: {  	s29 =	simm.s32 $0x9;
	_ =	strace $0x8000004B  }
0xba: {  	_ =	swait.ge [sflag:s29], $0x1  }
0xbb: {  	[sflag:s29] =	ssyncadd.s32 $0xFFFFFFFF  }
0xbc: {  	_ =	strace $0x9000004B  }
0xbd: {  	_ =	sfence  }
0xbe: {  	s30 =	sld [smem:$0x0];
	_ =	sdelay $0x2  }
0xbf: {  	s31 =	sshll.u32 s1, $0xD;
	s1 =	sshrl.u32 s1, $0x2  }
0xc0: {  	s3 =	sand.u32 $0x4000, s31;
	s1 =	sadd.s32 s1, s30  }
0xc1: {  	s0 =	sor.u32 s3, s0;
	s1 =	sshll.u32 s1, $0x11  }
0xc2: {  	s0 =	sor.u32 s1, s0  }
0xc3: {  	s0 =	sadd.s32 $0x8F2B, s0  }
0xc4: {  	[sflag:s0] =	ssyncadd.remote.s32 $0x1  }
0xc5: {  	_ =	sfence.sel $0xFFFF  }
0xc6: {  	[dreg:$0x0] =	wrdreg $0xFFFFFFFF;
	(pc) =	sbr.abs _section_cstart, $3  }
0xc7: {  	[dreg:$0x1] =	wrdreg $0xFFFFFFFF  }
0xc8: {  	_ =	task.clear_ibuf [dreg:s7], $0x2FFFF;
	_ =	strace $0x9FFFFFFF  }
0xc9: {  	(tm) =	ssettm $0x7FFFFFFF  }
tec
execute0_lowered:
.L_overlay_start_1:
0x0: {  	(tag) =	ssettag $0x1  }
0x1: {  	s0 =	rddreg [dreg:$0x0]  }
0x2: {  	s1 =	rddreg [dreg:$0x1]  }
0x3: {  	s2 =	rddreg [dreg:$0x2];
	s3 =	srdreg.scid  }
0x4: {  	s18 =	stileid.u32;
	s28 =	simm.s32 $0x80;
	s29 =	simm.s32 $0x4800  }
0x5: {  	s30 =	simm.s32 $0x1;
	s31 =	simm.s32 $0x100;
	s4 =	smul.u32 $0x98, s18  }
0x6: {  	s7 =	sand.u32 $0x1, s3;
	s5 =	sshll.u32 s18, $0x3;
	s6 =	smul.u32 $0x50000, s18  }
0x7: {  	s3 =	simm.s32 $0x0;
	s10 =	sadd.s32 $0x5DC00, s0;
	s12 =	smul.u32 $0x280, s18  }
0x8: {  	s20 =	smul.u32 $0x2800, s18;
	p0 =	seq.s32 s7, $0x0;
	s5 =	sor.u32 $0x980, s5  }
0x9: {  	[smem:$0x7FF] =	sst s3;
	s15 =	ssub.s32 $0x2, s7;
	p1 =	sne.s32 s7, $0x0  }
0xa: {  	s5 =	smov.u32 @p0 s4;
	_ =	strace $0x8000004A;
	s4 =	sadd.s32 $0xDC00, s0  }
0xb: {  	s6 =	sshrl.u32 s6, $0x2;
	s11 =	sshrl.u32 s15, $0x1;
	s13 =	sadd.s32 $0x80, s12  }
0xc: {  	p0 =	seq.s32 s7, $0x1;
	s22 =	sadd.s32 s10, s20;
	s25 =	sadd.s32 $0x100, s12  }
0xd: {  	s26 =	sadd.s32 $0x180, s12;
	s12 =	sadd.s32 $0x200, s12;
	s7 =	simm.s32 $0x180  }
0xe: {  	s8 =	sshll.u32 s5, $0x4;
	s6 =	sadd.s32 s6, s2;
	s14 =	sshll.u32 s13, $0x4  }
0xf: {  	[dreg:$0x9] =	wrdreg s22;
	s9 =	sadd.s32 s8, s0;
	s0 =	sadd.s32 $0x85C00, s0  }
0x10: {  	s23 =	sshll.u32 s13, $0x7;
	s16 =	sadd.s32 $0x4000, s6;
	[dreg:$0x4] =	wrdreg s0  }
0x11: {  	s20 =	sshll.u32 s25, $0x7;
	s17 =	sadd.s32 $0x8000, s6;
	[dreg:$0x5] =	wrdreg s16  }
0x12: {  	s22 =	sshll.u32 s12, $0x7;
	s19 =	sadd.s32 $0xC000, s6;
	[dreg:$0x6] =	wrdreg s17  }
0x13: {  	s13 =	simm.s32 $0x300;
	s21 =	sadd.s32 $0x10000, s6;
	[dreg:$0x7] =	wrdreg s19  }
0x14: {  	s24 =	sadd.s32 s10, s14;
	s14 =	simm.s32 $0x680;
	[dreg:$0x8] =	wrdreg s21  }
0x15: {  	s0 =	ssub.s32 s15, s11;
	[dreg:$0xa] =	wrdreg s24;
	s15 =	sshll.u32 s25, $0x4  }
0x16: {  	s16 =	sshll.u32 s26, $0x4;
	s17 =	sshll.u32 s12, $0x4;
	s19 =	sadd.s32 s23, s2  }
0x17: {  	s21 =	sshll.u32 s26, $0x7;
	s24 =	sadd.s32 s22, s2;
	s25 =	sadd.s32 $0x3C00, s9  }
0x18: {  	s26 =	sadd.s32 s8, s1;
	s1 =	simm.s32 $0x480;
	s8 =	simm.s32 $0x500  }
0x19: {  	s9 =	simm.s32 $0x200;
	s11 =	simm.s32 $0x280;
	[dreg:$0xf] =	wrdreg s19  }
0x1a: {  	s12 =	simm.s32 $0x600;
	s15 =	sadd.s32 s10, s15;
	[dreg:$0x12] =	wrdreg s24  }
0x1b: {  	s16 =	sadd.s32 s10, s16;
	s17 =	sadd.s32 s10, s17;
	[dreg:$0x13] =	wrdreg s25  }
0x1c: {  	s0 =	smax.u32 s0, $0x1;
	s23 =	sadd.s32 s21, s2;
	[dreg:$0x14] =	wrdreg s26  }
0x1d: {  	s24 =	simm.s32 $0x800;
	s25 =	simm.s32 $0x3;
	[dreg:$0xb] =	wrdreg s15  }
.Ltmp0:
0x1e: {  	s26 =	simm.s32 $0x400;
	[dreg:$0xc] =	wrdreg s16;
	(pc) =	sbr.rel .LBB2_1-.Ltmp0, $4  }
0x1f: {  	s10 =	simm.s32 $0x580;
	s19 =	simm.s32 $0x0;
	[dreg:$0xd] =	wrdreg s17  }
0x20: {  	s16 =	smul.u32 $0xA000, s18;
	[dreg:$0xe] =	wrdreg s0;
	s0 =	sadd.s32 s20, s2  }
0x21: {  	[dreg:$0x11] =	wrdreg s23;
	s15 =	simm.s32 $0x380;
	s17 =	simm.s32 $0x700  }
0x22: {  	v0 =	vimm.f32 $0.0e+00;
	s18 =	simm.s32 $0x780;
	[dreg:$0x10] =	wrdreg s0;
	s0 =	simm.s32 $0x2  }
.LBB2_9:
0x23: {  	s19 =	rddreg [dreg:$0x15]  }
0x24: {  	s5 =	rddreg [dreg:$0xe];
	s19 =	sadd.s32 $0x1, s19  }
0x25: {  	p2 =	sne.s32 s19, s5  }
.Ltmp1:
0x26: {  	_ = 	snop;
	(pc) =	sbr.rel @!p2 .LBB2_10-.Ltmp1, $1  }
0x27: {  	_ =	sdelay $0x3  }
.LBB2_1:
0x28: {  	[dreg:$0x15] =	wrdreg s19;
	s19 =	simm.s32 $0x0;
	s20 =	simm.s32 $0x200  }
.LBB2_2:
0x29: {  	p2 =	sne.s32 s20, $0xFE00;
	[tilespmem:s19+$0x870] =	vst v0  }
0x2a: {  	[tilespmem:s19+$0x800] =	vst v0  }
0x2b: {  	[tilespmem:s19+$0x810] =	vst v0  }
.Ltmp2:
0x2c: {  	[tilespmem:s19+$0x820] =	vst v0;
	(pc) =	sbr.rel @p2 .LBB2_2-.Ltmp2, $4  }
0x2d: {  	[tilespmem:s19+$0x830] =	vst v0  }
0x2e: {  	[tilespmem:s19+$0x840] =	vst v0  }
0x2f: {  	[tilespmem:s19+$0x850] =	vst v0  }
0x30: {  	[tilespmem:s19+$0x860] =	vst v0;
	s19 =	sshra.s32 s20, $0x2;
	s20 =	sadd.s32 $0x200, s20  }
0x31: {  	[tilespmem:s19+$0x870] =	vst v0  }
0x32: {  	[tilespmem:s19+$0x800] =	vst v0  }
0x33: {  	[tilespmem:s19+$0x810] =	vst v0  }
0x34: {  	[tilespmem:s19+$0x820] =	vst v0  }
0x35: {  	[tilespmem:s19+$0x830] =	vst v0  }
0x36: {  	[tilespmem:s19+$0x840] =	vst v0  }
0x37: {  	[tilespmem:s19+$0x850] =	vst v0  }
0x38: {  	[tilespmem:s19+$0x860] =	vst v0  }
0x39: {  	[spmem:s6] =	stream.linear.scatter [tilespmem:s24], [sflag:$0x3], $0x4000, $0x38;
	[tilespmem:$0x1C800] =	vst v63  }
0x3a: {  	_ =	swait.ge [sflag:s25], $0x4000  }
0x3b: {  	[sflag:s25] =	ssyncset.done $0x0  }
0x3c: {  	s5 =	rddreg [dreg:$0x5];
	[sflag:s25] =	ssyncadd.s32 $0xFFFFC000  }
0x3d: {  	[spmem:s5] =	stream.linear.scatter [tilespmem:s24], [sflag:$0x3], $0x4000, $0x38;
	[tilespmem:$0x1C800] =	vst v63  }
0x3e: {  	_ =	swait.ge [sflag:s25], $0x4000  }
0x3f: {  	[sflag:s25] =	ssyncset.done $0x0  }
0x40: {  	s21 =	rddreg [dreg:$0x6];
	[sflag:s25] =	ssyncadd.s32 $0xFFFFC000  }
0x41: {  	[spmem:s21] =	stream.linear.scatter [tilespmem:s24], [sflag:$0x3], $0x4000, $0x38;
	[tilespmem:$0x1C800] =	vst v63  }
0x42: {  	_ =	swait.ge [sflag:s25], $0x4000  }
0x43: {  	[sflag:s25] =	ssyncset.done $0x0  }
0x44: {  	s22 =	rddreg [dreg:$0x7];
	[sflag:s25] =	ssyncadd.s32 $0xFFFFC000  }
0x45: {  	[spmem:s22] =	stream.linear.scatter [tilespmem:s24], [sflag:$0x3], $0x4000, $0x38;
	[tilespmem:$0x1C800] =	vst v63  }
0x46: {  	_ =	swait.ge [sflag:s25], $0x4000  }
0x47: {  	[sflag:s25] =	ssyncset.done $0x0  }
0x48: {  	s23 =	rddreg [dreg:$0x8];
	[sflag:s25] =	ssyncadd.s32 $0xFFFFC000  }
0x49: {  	[spmem:s23] =	stream.linear.scatter [tilespmem:s24], [sflag:$0x3], $0x4000, $0x38;
	[tilespmem:$0x1C800] =	vst v63  }
0x4a: {  	_ =	swait.ge [sflag:s25], $0x4000  }
0x4b: {  	[sflag:s25] =	ssyncset.done $0x0  }
0x4c: {  	[sflag:s25] =	ssyncadd.s32 $0xFFFFC000  }
0x4d: {  	[bflag:$0x0] =	sbarrier.arrive $0xFFFF  }
0x4e: {  	s20 =	rddreg [dreg:$0x14]  }
0x4f: {  	s21 =	simm.s32 $0x0;
	s19 =	rddreg [dreg:$0x13]  }
.LBB2_4:
0x50: {  	[tilespmem:s3], [sflag:$0x3] =	stream.linear.gather [hbm4b:s20+s3], $0x400, $0x38;
	[tilespmem:$0x1C800] =	vst v63  }
0x51: {  	_ =	swait.ge [sflag:s25], $0x400  }
0x52: {  	[sflag:s25] =	ssyncset.done $0x0  }
0x53: {  	[sflag:s25] =	ssyncadd.s32 $0xFFFFFC00  }
0x54: {  	[tilespmem:s26], [sflag:$0x3] =	stream.linear.gather [hbm4b:s19+s3], $0x400, $0x38;
	[tilespmem:$0x1C800] =	vst v63  }
0x55: {  	_ =	swait.ge [sflag:s25], $0x400  }
0x56: {  	[sflag:s25] =	ssyncset.done $0x0  }
0x57: {  	[sflag:s25] =	ssyncadd.s32 $0xFFFFFC00  }
0x58: {  	[tilespmem:s24], [sflag:$0x1] =	stream.indirect.gather [hbm4b:s4+s28], $0x80, s3, s28, $0xb8;
	[tilespmem:$0x1C800] =	vst v63  }
0x59: {  	_ = 	snop  }
0x5a: {  	[tilespmem:s29], [sflag:$0x2] =	stream.indirect.gather [hbm4b:s4+s28], $0x80, s28, s28, $0xb8;
	[tilespmem:$0x1C800] =	vst v63  }
0x5b: {  	_ =	swait.ge [sflag:s30], $0x4000  }
0x5c: {  	[sflag:s30] =	ssyncset.done $0x0  }
0x5d: {  	[sflag:s30] =	ssyncadd.s32 $0xFFFFC000  }
0x5e: {  	[spmem:s2] =	stream.indirect.scatter.add.f32 [tilespmem:s24], [sflag:$0x3], $0x80, s26, s28, $0xb8;
	[tilespmem:$0x1C800] =	vst v63  }
0x5f: {  	_ =	swait.ge [sflag:s25], $0x4000  }
0x60: {  	[sflag:s25] =	ssyncset.done $0x0  }
0x61: {  	[sflag:s25] =	ssyncadd.s32 $0xFFFFC000  }
0x62: {  	[tilespmem:s24], [sflag:$0x1] =	stream.indirect.gather [hbm4b:s4+s28], $0x80, s31, s28, $0xb8;
	[tilespmem:$0x1C800] =	vst v63  }
0x63: {  	_ =	swait.ge [sflag:s0], $0x4000  }
0x64: {  	[sflag:s0] =	ssyncset.done $0x0  }
0x65: {  	[sflag:s0] =	ssyncadd.s32 $0xFFFFC000  }
0x66: {  	[spmem:s2] =	stream.indirect.scatter.add.f32 [tilespmem:s29], [sflag:$0x3], $0x80, s1, s28, $0xb8;
	[tilespmem:$0x1C800] =	vst v63  }
0x67: {  	_ =	swait.ge [sflag:s25], $0x4000  }
0x68: {  	[sflag:s25] =	ssyncset.done $0x0  }
0x69: {  	[sflag:s25] =	ssyncadd.s32 $0xFFFFC000  }
0x6a: {  	[tilespmem:s29], [sflag:$0x2] =	stream.indirect.gather [hbm4b:s4+s28], $0x80, s7, s28, $0xb8;
	[tilespmem:$0x1C800] =	vst v63  }
0x6b: {  	_ =	swait.ge [sflag:s30], $0x4000  }
0x6c: {  	[sflag:s30] =	ssyncset.done $0x0  }
0x6d: {  	[sflag:s30] =	ssyncadd.s32 $0xFFFFC000  }
0x6e: {  	[spmem:s2] =	stream.indirect.scatter.add.f32 [tilespmem:s24], [sflag:$0x3], $0x80, s8, s28, $0xb8;
	[tilespmem:$0x1C800] =	vst v63  }
0x6f: {  	_ =	swait.ge [sflag:s25], $0x4000  }
0x70: {  	[sflag:s25] =	ssyncset.done $0x0  }
0x71: {  	[sflag:s25] =	ssyncadd.s32 $0xFFFFC000  }
0x72: {  	[tilespmem:s24], [sflag:$0x1] =	stream.indirect.gather [hbm4b:s4+s28], $0x80, s9, s28, $0xb8;
	[tilespmem:$0x1C800] =	vst v63  }
0x73: {  	_ =	swait.ge [sflag:s0], $0x4000  }
0x74: {  	[sflag:s0] =	ssyncset.done $0x0  }
0x75: {  	[sflag:s0] =	ssyncadd.s32 $0xFFFFC000  }
0x76: {  	[spmem:s2] =	stream.indirect.scatter.add.f32 [tilespmem:s29], [sflag:$0x3], $0x80, s10, s28, $0xb8;
	[tilespmem:$0x1C800] =	vst v63  }
0x77: {  	_ =	swait.ge [sflag:s25], $0x4000  }
0x78: {  	[sflag:s25] =	ssyncset.done $0x0  }
0x79: {  	[sflag:s25] =	ssyncadd.s32 $0xFFFFC000  }
0x7a: {  	[tilespmem:s29], [sflag:$0x2] =	stream.indirect.gather [hbm4b:s4+s28], $0x80, s11, s28, $0xb8;
	[tilespmem:$0x1C800] =	vst v63  }
0x7b: {  	_ =	swait.ge [sflag:s30], $0x4000  }
0x7c: {  	[sflag:s30] =	ssyncset.done $0x0  }
0x7d: {  	[sflag:s30] =	ssyncadd.s32 $0xFFFFC000  }
0x7e: {  	[spmem:s2] =	stream.indirect.scatter.add.f32 [tilespmem:s24], [sflag:$0x3], $0x80, s12, s28, $0xb8;
	[tilespmem:$0x1C800] =	vst v63  }
0x7f: {  	_ =	swait.ge [sflag:s25], $0x4000  }
0x80: {  	[sflag:s25] =	ssyncset.done $0x0  }
0x81: {  	[sflag:s25] =	ssyncadd.s32 $0xFFFFC000  }
0x82: {  	[tilespmem:s24], [sflag:$0x1] =	stream.indirect.gather [hbm4b:s4+s28], $0x80, s13, s28, $0xb8;
	[tilespmem:$0x1C800] =	vst v63  }
0x83: {  	_ =	swait.ge [sflag:s0], $0x4000  }
0x84: {  	[sflag:s0] =	ssyncset.done $0x0  }
0x85: {  	[sflag:s0] =	ssyncadd.s32 $0xFFFFC000  }
0x86: {  	[spmem:s2] =	stream.indirect.scatter.add.f32 [tilespmem:s29], [sflag:$0x3], $0x80, s14, s28, $0xb8;
	[tilespmem:$0x1C800] =	vst v63  }
0x87: {  	_ =	swait.ge [sflag:s25], $0x4000  }
0x88: {  	[sflag:s25] =	ssyncset.done $0x0  }
0x89: {  	[sflag:s25] =	ssyncadd.s32 $0xFFFFC000  }
0x8a: {  	[tilespmem:s29], [sflag:$0x2] =	stream.indirect.gather [hbm4b:s4+s28], $0x80, s15, s28, $0xb8;
	[tilespmem:$0x1C800] =	vst v63  }
0x8b: {  	_ =	swait.ge [sflag:s30], $0x4000  }
0x8c: {  	[sflag:s30] =	ssyncset.done $0x0  }
0x8d: {  	[sflag:s30] =	ssyncadd.s32 $0xFFFFC000  }
0x8e: {  	[spmem:s2] =	stream.indirect.scatter.add.f32 [tilespmem:s24], [sflag:$0x3], $0x80, s17, s28, $0xb8;
	[tilespmem:$0x1C800] =	vst v63  }
0x8f: {  	_ =	swait.ge [sflag:s25], $0x4000  }
0x90: {  	[sflag:s25] =	ssyncset.done $0x0  }
0x91: {  	[sflag:s25] =	ssyncadd.s32 $0xFFFFC000  }
0x92: {  	p2 =	slt.u32 @!p1 s21, $0x12;
	_ =	swait.ge [sflag:s0], $0x4000  }
0x93: {  	p2 =	por p1, !p2;
	[sflag:s0] =	ssyncset.done $0x0  }
.Ltmp3:
0x94: {  	[sflag:s0] =	ssyncadd.s32 $0xFFFFC000;
	(pc) =	sbr.rel @!p2 .LBB2_4-.Ltmp3, $4  }
0x95: {  	[spmem:s2] =	stream.indirect.scatter.add.f32 [tilespmem:s29], [sflag:$0x3], $0x80, s18, s28, $0xb8;
	[tilespmem:$0x1C800] =	vst v63  }
0x96: {  	_ =	swait.ge [sflag:s25], $0x4000  }
0x97: {  	s21 =	sadd.s32 $0x1, s21;
	[sflag:s25] =	ssyncset.done $0x0  }
0x98: {  	s20 =	sadd.s32 $0x80, s20;
	s19 =	sadd.s32 $0x80, s19;
	[sflag:s25] =	ssyncadd.s32 $0xFFFFC000  }
0x99: {  	[bflag:$0x0] =	sbarrier.arrive $0xFFFF;
	s19 =	simm.s32 @!p1 $0x800;
	s20 =	simm.s32 @!p1 $0x3  }
0x9a: {  	[tilespmem:s19], [sflag:$0x3] =	stream.linear.gather @!p1 [spmem:s6], $0x4000, $0x38;
	[tilespmem:$0x1C800] =	vst v63  }
0x9b: {  	_ =	swait.ge @!p1 [sflag:s20], $0x4000  }
0x9c: {  	[sflag:s20] =	ssyncset.done @!p1 $0x0  }
0x9d: {  	s21 =	simm.s32 @!p1 $0x0;
	s5 =	rddreg [dreg:$0x9];
	[sflag:s20] =	ssyncadd.s32 @!p1 $0xFFFFC000  }
0x9e: {  	[hbm4b:s5+s21] =	stream.linear.scatter @!p1 [tilespmem:s19], [sflag:$0x3], $0x4000, $0x38;
	[tilespmem:$0x1C800] =	vst v63  }
0x9f: {  	_ =	swait.ge @!p1 [sflag:s20], $0x4000  }
0xa0: {  	[sflag:s20] =	ssyncset.done @!p1 $0x0  }
0xa1: {  	s5 =	rddreg [dreg:$0xf];
	[sflag:s20] =	ssyncadd.s32 @!p1 $0xFFFFC000  }
0xa2: {  	[tilespmem:s19], [sflag:$0x3] =	stream.linear.gather @!p1 [spmem:s5], $0x4000, $0x38;
	[tilespmem:$0x1C800] =	vst v63  }
0xa3: {  	_ =	swait.ge @!p1 [sflag:s20], $0x4000  }
0xa4: {  	[sflag:s20] =	ssyncset.done @!p1 $0x0  }
0xa5: {  	s5 =	rddreg [dreg:$0xa];
	[sflag:s20] =	ssyncadd.s32 @!p1 $0xFFFFC000  }
0xa6: {  	[hbm4b:s5+s21] =	stream.linear.scatter @!p1 [tilespmem:s19], [sflag:$0x3], $0x4000, $0x38;
	[tilespmem:$0x1C800] =	vst v63  }
0xa7: {  	_ =	swait.ge @!p1 [sflag:s20], $0x4000  }
0xa8: {  	[sflag:s20] =	ssyncset.done @!p1 $0x0  }
0xa9: {  	s5 =	rddreg [dreg:$0x10];
	[sflag:s20] =	ssyncadd.s32 @!p1 $0xFFFFC000  }
0xaa: {  	[tilespmem:s19], [sflag:$0x3] =	stream.linear.gather @!p1 [spmem:s5], $0x4000, $0x38;
	[tilespmem:$0x1C800] =	vst v63  }
0xab: {  	_ =	swait.ge @!p1 [sflag:s20], $0x4000  }
0xac: {  	[sflag:s20] =	ssyncset.done @!p1 $0x0  }
0xad: {  	s5 =	rddreg [dreg:$0xb];
	[sflag:s20] =	ssyncadd.s32 @!p1 $0xFFFFC000  }
0xae: {  	[hbm4b:s5+s21] =	stream.linear.scatter @!p1 [tilespmem:s19], [sflag:$0x3], $0x4000, $0x38;
	[tilespmem:$0x1C800] =	vst v63  }
0xaf: {  	_ =	swait.ge @!p1 [sflag:s20], $0x4000  }
0xb0: {  	[sflag:s20] =	ssyncset.done @!p1 $0x0  }
0xb1: {  	s5 =	rddreg [dreg:$0x11];
	[sflag:s20] =	ssyncadd.s32 @!p1 $0xFFFFC000  }
0xb2: {  	[tilespmem:s19], [sflag:$0x3] =	stream.linear.gather @!p1 [spmem:s5], $0x4000, $0x38;
	[tilespmem:$0x1C800] =	vst v63  }
0xb3: {  	_ =	swait.ge @!p1 [sflag:s20], $0x4000  }
0xb4: {  	[sflag:s20] =	ssyncset.done @!p1 $0x0  }
0xb5: {  	s5 =	rddreg [dreg:$0xc];
	[sflag:s20] =	ssyncadd.s32 @!p1 $0xFFFFC000  }
0xb6: {  	[hbm4b:s5+s21] =	stream.linear.scatter @!p1 [tilespmem:s19], [sflag:$0x3], $0x4000, $0x38;
	[tilespmem:$0x1C800] =	vst v63  }
0xb7: {  	_ =	swait.ge @!p1 [sflag:s20], $0x4000  }
0xb8: {  	[sflag:s20] =	ssyncset.done @!p1 $0x0  }
0xb9: {  	s5 =	rddreg [dreg:$0x12];
	[sflag:s20] =	ssyncadd.s32 @!p1 $0xFFFFC000  }
0xba: {  	[tilespmem:s19], [sflag:$0x3] =	stream.linear.gather @!p1 [spmem:s5], $0x4000, $0x38;
	[tilespmem:$0x1C800] =	vst v63  }
0xbb: {  	_ =	swait.ge @!p1 [sflag:s20], $0x4000  }
0xbc: {  	[sflag:s20] =	ssyncset.done @!p1 $0x0  }
.Ltmp4:
0xbd: {  	s5 =	rddreg [dreg:$0xd];
	[sflag:s20] =	ssyncadd.s32 @!p1 $0xFFFFC000;
	(pc) =	sbr.rel @!p0 .LBB2_9-.Ltmp4, $4  }
0xbe: {  	[hbm4b:s5+s21] =	stream.linear.scatter @!p1 [tilespmem:s19], [sflag:$0x3], $0x4000, $0x38;
	[tilespmem:$0x1C800] =	vst v63  }
0xbf: {  	_ =	swait.ge @!p1 [sflag:s20], $0x4000  }
0xc0: {  	[sflag:s20] =	ssyncset.done @!p1 $0x0  }
0xc1: {  	s21 =	simm.s32 $0x0;
	[sflag:s20] =	ssyncadd.s32 @!p1 $0xFFFFC000;
	s20 =	simm.s32 $0x0  }
.LBB2_6:
0xc2: {  	s19 =	sshll.u32 s21, $0xE  }
0xc3: {  	s19 =	sand.u32 $0x3FFFC000, s19  }
0xc4: {  	s19 =	sadd.s32 s19, s6  }
0xc5: {  	[tilespmem:s24], [sflag:$0x3] =	stream.linear.gather [spmem:s19], $0x4000, $0x38;
	[tilespmem:$0x1C800] =	vst v63  }
0xc6: {  	_ =	swait.ge [sflag:s25], $0x4000  }
0xc7: {  	[sflag:s25] =	ssyncset.done $0x0  }
0xc8: {  	s22 =	simm.s32 $0x840;
	[sflag:s25] =	ssyncadd.s32 $0xFFFFC000  }
0xc9: {  	v1 =	vld [tilespmem:s22+$0xFFFFFFC0]  }
0xca: {  	v2 =	vld [tilespmem:s22+$0x0];
	_ =	sdelay $0x4  }
0xcb: {  	v1 =	vadd.s32 $0x8000, v1;
	v2 =	vadd.s32 $0x8000, v2  }
0xcc: {  	v1 =	vshrl.u32 v1, $0x10;
	v2 =	vand.u32 $0xFFFF0000, v2  }
0xcd: {  	s23 =	sand.u32 $0x1FC0, s20;
	v1 =	vor.u32 v1, v2  }
0xce: {  	[tilespmem:s23+$0x4800] =	vst v1  }
0xcf: {  	v1 =	vld [tilespmem:s22+$0xFFFFFFD0]  }
0xd0: {  	v2 =	vld [tilespmem:s22+$0x10];
	_ =	sdelay $0x4  }
0xd1: {  	v1 =	vadd.s32 $0x8000, v1;
	v2 =	vadd.s32 $0x8000, v2  }
0xd2: {  	v1 =	vshrl.u32 v1, $0x10;
	v2 =	vand.u32 $0xFFFF0000, v2  }
0xd3: {  	v1 =	vor.u32 v1, v2  }
0xd4: {  	[tilespmem:s23+$0x4810] =	vst v1  }
0xd5: {  	v1 =	vld [tilespmem:s22+$0xFFFFFFE0]  }
0xd6: {  	v2 =	vld [tilespmem:s22+$0x20];
	_ =	sdelay $0x4  }
0xd7: {  	v1 =	vadd.s32 $0x8000, v1;
	v2 =	vadd.s32 $0x8000, v2  }
0xd8: {  	v1 =	vshrl.u32 v1, $0x10;
	v2 =	vand.u32 $0xFFFF0000, v2  }
0xd9: {  	v1 =	vor.u32 v1, v2  }
0xda: {  	[tilespmem:s23+$0x4820] =	vst v1  }
0xdb: {  	v2 =	vld [tilespmem:s22+$0xFFFFFFF0];
	_ =	sdelay $0x1  }
0xdc: {  	v1 =	vld [tilespmem:s22+$0x30];
	_ =	sdelay $0x2  }
0xdd: {  	s19 =	simm.s32 $0x40;
	v2 =	vadd.s32 $0x8000, v2  }
.LBB2_7:
0xde: {  	p2 =	sne.s32 s19, $0x1FC0  }
0xdf: {  	v2 =	vshrl.u32 v2, $0x10;
	v1 =	vadd.s32 $0x8000, v1;
	s22 =	sadd.s32 $0x80, s22;
	s5 =	smov.u32 s19;
	s19 =	sadd.s32 $0x40, s19  }
0xe0: {  	v1 =	vand.u32 $0xFFFF0000, v1  }
0xe1: {  	v1 =	vor.u32 v2, v1  }
0xe2: {  	[tilespmem:s23+$0x4830] =	vst v1  }
0xe3: {  	v1 =	vld [tilespmem:s22+$0xFFFFFFC0]  }
0xe4: {  	v2 =	vld [tilespmem:s22+$0x0];
	_ =	sdelay $0x3  }
0xe5: {  	v1 =	vadd.s32 $0x8000, v1  }
0xe6: {  	v2 =	vadd.s32 $0x8000, v2  }
0xe7: {  	v1 =	vshrl.u32 v1, $0x10;
	v2 =	vand.u32 $0xFFFF0000, v2  }
0xe8: {  	s23 =	sand.u32 $0x1FC0, s5;
	v1 =	vor.u32 v1, v2  }
0xe9: {  	[tilespmem:s23+$0x4800] =	vst v1  }
0xea: {  	v1 =	vld [tilespmem:s22+$0xFFFFFFD0]  }
0xeb: {  	v2 =	vld [tilespmem:s22+$0x10];
	_ =	sdelay $0x3  }
0xec: {  	v1 =	vadd.s32 $0x8000, v1  }
0xed: {  	v1 =	vshrl.u32 v1, $0x10;
	v2 =	vadd.s32 $0x8000, v2  }
0xee: {  	v2 =	vand.u32 $0xFFFF0000, v2  }
0xef: {  	v1 =	vor.u32 v1, v2  }
0xf0: {  	[tilespmem:s23+$0x4810] =	vst v1  }
0xf1: {  	v1 =	vld [tilespmem:s22+$0xFFFFFFE0]  }
0xf2: {  	v2 =	vld [tilespmem:s22+$0x20];
	_ =	sdelay $0x3  }
0xf3: {  	v1 =	vadd.s32 $0x8000, v1  }
0xf4: {  	v1 =	vshrl.u32 v1, $0x10;
	v2 =	vadd.s32 $0x8000, v2  }
0xf5: {  	v2 =	vand.u32 $0xFFFF0000, v2  }
0xf6: {  	v1 =	vor.u32 v1, v2  }
0xf7: {  	[tilespmem:s23+$0x4820] =	vst v1  }
0xf8: {  	v2 =	vld [tilespmem:s22+$0xFFFFFFF0]  }
.Ltmp5:
0xf9: {  	v1 =	vld [tilespmem:s22+$0x30];
	(pc) =	sbr.rel @p2 .LBB2_7-.Ltmp5, $2  }
0xfa: {  	_ =	sdelay $0x2  }
0xfb: {  	v2 =	vadd.s32 $0x8000, v2  }
0xfc: {  	v1 =	vadd.s32 $0x8000, v1;
	s5 =	sshll.u32 s21, $0xD  }
0xfd: {  	v2 =	vshrl.u32 v2, $0x10;
	v1 =	vand.u32 $0xFFFF0000, v1;
	s5 =	sadd.s32 s16, s5  }
0xfe: {  	s19 =	rddreg [dreg:$0x4];
	s21 =	sadd.s32 $0x1, s21;
	v1 =	vor.u32 v2, v1;
	s5 =	sshrl.u32 s5, $0x3  }
0xff: {  	p2 =	sne.s32 s21, $0x5;
	[tilespmem:s23+$0x4830] =	vst v1;
	s5 =	sadd.s32 s19, s5  }
0x100: {  	[hbm4b:s5+s3] =	stream.linear.scatter [tilespmem:s29], [sflag:$0x3], $0x2000, $0x38;
	[tilespmem:$0x1C800] =	vst v63  }
.Ltmp6:
0x101: {  	_ = 	snop;
	(pc) =	sbr.rel @p2 .LBB2_6-.Ltmp6, $4  }
.Ltmp7:
0x102: {  	_ = 	snop;
	(pc) =	sbr.rel @!p2 .LBB2_9-.Ltmp7, $4  }
0x103: {  	_ =	swait.ge [sflag:s25], $0x2000  }
0x104: {  	[sflag:s25] =	ssyncset.done $0x0  }
0x105: {  	[sflag:s25] =	ssyncadd.s32 $0xFFFFE000  }
0x106: {  	_ = 	snop  }
.LBB2_10:
0x107: {  	_ =	sfence.sel $0x180000  }
0x108: {  	[bflag:$0x0] =	sbarrier.arrive $0xFFFF  }
0x109: {  	_ =	strace $0x9000004A  }
0x10a: {  	s0 =	stileid.u32;
	[bflag:$0x2] =	sbarrier.arrive $0xFFFF  }
0x10b: {  	p0 =	sne.s32 s0, $0x0;
	s0 =	rddreg [dreg:$0x3]  }
0x10c: {  	s0 =	sadd.s32 @!p0 $0x100000, s0  }
0x10d: {  	[sflag:s0] =	ssyncadd.tile.s32 @!p0 $0x1;
	_ =	shalt  }
.Lfunc_end2:
_tile_overlayer_lowered:
.L_overlay_start_2:
0x10e: {  	(tag) =	ssettag $0x2  }
0x10f: {  	s0 =	rddreg [dreg:$0x0];
	s2 =	stileid.u32  }
0x110: {  	s1 =	rddreg [dreg:$0x1];
	p0 =	sne.s32 s2, $0x0  }
0x111: {  	s3 =	rddreg [dreg:$0x2];
	[bflag:$0x3] =	sbarrier.arrive $0xFFFF;
	s2 =	simm.s32 @!p0 $0x1C03  }
0x112: {  	[timem:s3], [sflag:s2] =	dma.local @!p0 [hbm:s0], s1  }
0x113: {  	s0 =	simm.s32 @!p0 $0x3  }
0x114: {  	_ =	swait.ge @!p0 [sflag:s0], s1  }
0x115: {  	s1 =	ssub.s32 @!p0 $0x0, s1;
	[sflag:s0] =	ssyncset.done @!p0 $0x0  }
0x116: {  	[sflag:s0] =	ssyncadd.s32 @!p0 s1  }
0x117: {  	[bflag:$0x3] =	sbarrier.arrive $0xFFFF  }
0x118: {  	_ =	shalt  }

// kernel: kernel.14.cloned.1.call-start
scs
__scs_entry_jumppad:
0x0: {  	(pc) =	sbr.rel $0x88, $3  }
0x1: {  	(tag) =	ssettag $0x0;
	lr =	simm.s32 $0x1  }
0x2: {  	[smem:$0x3F9A] =	sst lr;
	_ =	strace $0xD0000000  }
0x3: {  	_ = 	snop  }
0x4: {  	_ = 	snop  }
0x5: {  	_ = 	snop  }
0x6: {  	_ = 	snop  }
0x7: {  	_ = 	snop  }
__scs_overlays_trampoline_lowered:
0x8: {  	[smem:$0x3FA9] =	sst s0  }
0x9: {  	[smem:$0x3FAA] =	sst s1  }
0xa: {  	[smem:$0x3FAB] =	sst s2  }
0xb: {  	[smem:$0x3FAC] =	sst s3  }
0xc: {  	[smem:$0x3FAD] =	sst s4  }
0xd: {  	[smem:$0x3FAE] =	sst s5  }
0xe: {  	[smem:$0x3FAF] =	sst s6  }
0xf: {  	[smem:$0x3FB0] =	sst s7  }
0x10: {  	[smem:$0x3FB1] =	sst s8  }
0x11: {  	[smem:$0x3FB2] =	sst s9;
	s0 =	simm.s32 @!p0 $0x0  }
0x12: {  	s1 =	sld [smem:$0x3F98];
	s0 =	simm.s32 @p0 $0x1  }
0x13: {  	[smem:$0x3FB3] =	sst s0;
	s0 =	simm.s32 @!p1 $0x0  }
0x14: {  	s2 =	sld [smem:$0x3F97];
	s0 =	simm.s32 @p1 $0x1  }
0x15: {  	[smem:$0x3FB4] =	sst s0;
	s0 =	simm.s32 @!p2 $0x0  }
0x16: {  	s3 =	sld [smem:$0x3FDB];
	s0 =	simm.s32 @p2 $0x1  }
0x17: {  	s4 =	simm.s32 $0x1BF5;
	[smem:$0x3FB6] =	sst s0  }
0x18: {  	s0 =	sld [smem:$0x3F99];
	_ =	swait.ge [sflag:s4], $0x0  }
0x19: {  	s7 =	sld [smem:$0x3F9A]  }
0x1a: {  	s8 =	sadd.s32 $0xFFFFE003, lr  }
0x1b: {  	s9 =	sadd.s32 $0xFFFFFEF7, lr;
	s5 =	simm.s32 $0xFFFFFFFF;
	p2 =	slt.u32 s8, $0xFFFFF086  }
0x1c: {  	p1 =	slt.u32 s9, $0xF7A;
	s5 =	simm.s32 @!p2 $0x0  }
0x1d: {  	s5 =	simm.s32 @p1 $0x1;
	p0 =	seq.s32 s7, s2  }
0x1e: {  	s7 =	smul.u32 @!p0 $0xF7A, s2;
	p2 =	seq.s32 @!p0 s5, $0x0  }
0x1f: {  	s9 =	smul.u32 $0xF7A, s1;
	s8 =	simm.s32 @!p0 $0x1BF5;
	p2 =	por !p2, p0  }
0x20: {  	[sflag:s8] =	ssyncset.s32 @!p0 $0xFFFFF086;
	s6 =	sadd.s32 @!p0 s3, s7;
	s7 =	simm.s32 @!p0 $0x108  }
0x21: {  	s3 =	sadd.s32 s3, s9;
	s6 =	sadd.s32 @!p0 $0x88, s6;
	s7 =	simm.s32 @p2 $0x1082  }
0x22: {  	[simem:s7], [sflag:s8] =	dma.local @!p0 [hbm:s6], $0xF7A  }
0x23: {  	s9 =	sor.u32 $0xD0000000, s2;
	s6 =	simm.s32 $0x108;
	_ =	swait.ge @!p0 [sflag:s8], $0x0  }
0x24: {  	s3 =	sadd.s32 $0x88, s3;
	s6 =	simm.s32 @!p1 $0x1082;
	[sflag:s4] =	ssyncset.s32 $0xFFFFF086  }
0x25: {  	[simem:s6], [sflag:s4] =	dma.local [hbm:s3], $0xF7A  }
0x26: {  	[smem:$0x3F9A] =	sst s1;
	(tag) =	ssettag s2;
	_ =	strace s9  }
0x27: {  	s1 =	sld [smem:$0x3FAA]  }
0x28: {  	s2 =	sld [smem:$0x3FAB]  }
0x29: {  	s4 =	sld [smem:$0x3FAD]  }
0x2a: {  	p0 =	seq.s32 s5, $0x0;
	s5 =	sld [smem:$0x3FAE]  }
0x2b: {  	s6 =	sld [smem:$0x3FAF]  }
0x2c: {  	s7 =	sld [smem:$0x3FB0]  }
0x2d: {  	s3 =	simm.s32 $0x108;
	s8 =	sld [smem:$0x3FB1]  }
0x2e: {  	s3 =	simm.s32 @!p0 $0x1082;
	s9 =	sld [smem:$0x3FB2]  }
0x2f: {  	lr =	sadd.s32 s0, s3;
	s0 =	sld [smem:$0x3FA9]  }
0x30: {  	s3 =	sld [smem:$0x3FAC]  }
0x31: {  	[smem:$0x3FB5] =	sst s10  }
0x32: {  	s10 =	sld [smem:$0x3FB3];
	_ =	sdelay $0x3  }
0x33: {  	p0 =	seq.s32 s10, $0x1;
	s10 =	sld [smem:$0x3FB5];
	_ =	sdelay $0x3  }
0x34: {  	[smem:$0x3FB5] =	sst s10  }
0x35: {  	s10 =	sld [smem:$0x3FB4];
	_ =	sdelay $0x3  }
0x36: {  	p1 =	seq.s32 s10, $0x1;
	s10 =	sld [smem:$0x3FB5];
	_ =	sdelay $0x3  }
0x37: {  	[smem:$0x3FB5] =	sst s10  }
0x38: {  	s10 =	sld [smem:$0x3FB6]  }
0x39: {  	_ = 	snop;
	(pc) =	sbr.ind lr, $3  }
0x3a: {  	_ = 	snop  }
0x3b: {  	_ = 	snop  }
0x3c: {  	p2 =	seq.s32 s10, $0x1;
	s10 =	sld [smem:$0x3FB5]  }
0x3d: {  	_ =	shalt  }
0x3e: {  	_ =	shalt  }
0x3f: {  	_ =	shalt  }
0x40: {  	_ =	shalt  }
0x41: {  	_ =	shalt  }
0x42: {  	_ =	shalt  }
0x43: {  	_ =	shalt  }
0x44: {  	_ =	shalt  }
0x45: {  	_ =	shalt  }
0x46: {  	_ =	shalt  }
0x47: {  	_ =	shalt  }
0x48: {  	_ =	shalt  }
0x49: {  	_ =	shalt  }
0x4a: {  	_ =	shalt  }
0x4b: {  	_ =	shalt  }
0x4c: {  	_ =	shalt  }
0x4d: {  	_ =	shalt  }
0x4e: {  	_ =	shalt  }
0x4f: {  	_ =	shalt  }
0x50: {  	_ =	shalt  }
0x51: {  	_ =	shalt  }
0x52: {  	_ =	shalt  }
0x53: {  	_ =	shalt  }
0x54: {  	_ =	shalt  }
0x55: {  	_ =	shalt  }
0x56: {  	_ =	shalt  }
0x57: {  	_ =	shalt  }
0x58: {  	_ =	shalt  }
0x59: {  	_ =	shalt  }
0x5a: {  	_ =	shalt  }
0x5b: {  	_ =	shalt  }
0x5c: {  	_ =	shalt  }
0x5d: {  	_ =	shalt  }
0x5e: {  	_ =	shalt  }
0x5f: {  	_ =	shalt  }
0x60: {  	_ =	shalt  }
0x61: {  	_ =	shalt  }
0x62: {  	_ =	shalt  }
0x63: {  	_ =	shalt  }
0x64: {  	_ =	shalt  }
0x65: {  	_ =	shalt  }
0x66: {  	_ =	shalt  }
0x67: {  	_ =	shalt  }
0x68: {  	_ =	shalt  }
0x69: {  	_ =	shalt  }
0x6a: {  	_ =	shalt  }
0x6b: {  	_ =	shalt  }
0x6c: {  	_ =	shalt  }
0x6d: {  	_ =	shalt  }
0x6e: {  	_ =	shalt  }
0x6f: {  	_ =	shalt  }
0x70: {  	_ =	shalt  }
0x71: {  	_ =	shalt  }
0x72: {  	_ =	shalt  }
0x73: {  	_ =	shalt  }
0x74: {  	_ =	shalt  }
0x75: {  	_ =	shalt  }
0x76: {  	_ =	shalt  }
0x77: {  	_ =	shalt  }
0x78: {  	_ =	shalt  }
0x79: {  	_ =	shalt  }
0x7a: {  	_ =	shalt  }
0x7b: {  	_ =	shalt  }
0x7c: {  	_ =	shalt  }
0x7d: {  	_ =	shalt  }
0x7e: {  	_ =	shalt  }
0x7f: {  	_ =	shalt  }
0x80: {  	_ =	shalt  }
0x81: {  	_ =	shalt  }
0x82: {  	_ =	shalt  }
0x83: {  	_ =	shalt  }
0x84: {  	_ =	shalt  }
0x85: {  	_ =	shalt  }
0x86: {  	_ =	shalt  }
0x87: {  	_ =	shalt  }
.Lfunc_end0:
.L_simem_size_0:
called_computation.2_lowered:
.L_overlay_start_0:
0x88: {  	s2 =	sld [smem:$0x3FD9]  }
0x89: {  	s3 =	sld [smem:$0x3FFE];
	_ =	sdelay $0x1  }
0x8a: {  	s1 =	srdreg.scid  }
0x8b: {  	s0 =	sand.u32 $0x1, s1  }
0x8c: {  	s14 =	sshll.u32 s0, $0xA;
	s2 =	sadd.s32 s3, s2  }
0x8d: {  	s2 =	sadd.s32 s2, s14  }
0x8e: {  	[smem:$0x3FC1] =	sst s2  }
0x8f: {  	_ = 	snop  }
0x90: {  	s2 =	sld [smem:$0x3FD0];
	_ =	sdelay $0x2  }
0x91: {  	s15 =	simm.s32 $0xA;
	s4 =	simm.s32 $0x10  }
0x92: {  	[smem:s4], [sflag:s15] =	dma.local [hbm:s2], $0x1  }
0x93: {  	_ =	swait.eq [sflag:s15], $0x1  }
0x94: {  	[sflag:s15] =	ssyncset.done $0x0  }
0x95: {  	[sflag:s15] =	ssyncadd.s32 $0xFFFFFFFF  }
0x96: {  	s16 =	sld [smem:$0x11];
	(tm) =	ssettm $0x1  }
0x97: {  	s17 =	sld [smem:$0x3FFB];
	_ =	sdelay $0x3  }
0x98: {  	_ =	strace s17  }
0x99: {  	s3 =	sld [smem:$0x3FFC];
	_ =	sdelay $0x3  }
0x9a: {  	_ =	strace s3  }
0x9b: {  	s3 =	sld [smem:$0x3FFD];
	_ =	sdelay $0x3  }
0x9c: {  	_ =	strace s3  }
0x9d: {  	_ =	strace $0x8FFFFFFF  }
0x9e: {  	s18 =	sld [smem:$0x3FDB];
	_ =	sdelay $0x1  }
0x9f: {  	s19 =	simm.s32 $_scs_section_size  }
0xa0: {  	s5 =	simm.s32 $_size__tile_overlayer_lowered;
	s6 =	simm.s32 $_tile_overlayer_lowered  }
0xa1: {  	s22 =	simm.s32 $0x1BFF;
	s21 =	sshll.u32 s6, $0x1;
	s3 =	sadd.s32 s19, s18  }
0xa2: {  	s7 =	simm.s32 $0x0;
	s20 =	sshll.u32 s5, $0x1;
	s5 =	sadd.s32 s21, s3  }
0xa3: {  	[timem:s7], [sflag:s22] =	dma.local [hbm:s5], s20  }
0xa4: {  	_ =	swait.ge [sflag:s22], s20  }
0xa5: {  	s4 =	ssub.s32 $0x0, s20;
	[sflag:s22] =	ssyncset.done $0x0  }
0xa6: {  	[sflag:s22] =	ssyncadd.s32 s4;
	_ =	sdelay $0x1  }
0xa7: {  	s23 =	simm.s32 $0x1B8B  }
0xa8: {  	_ =	swait.ge [sflag:s23], $0x1  }
0xa9: {  	[sflag:s23] =	ssyncset.done $0x0  }
0xaa: {  	s25 =	simm.s32 $0x1B8E;
	s24 =	sld [smem:$0x3FFE];
	[sflag:s23] =	ssyncadd.s32 $0xFFFFFFFF  }
0xab: {  	s26 =	simm.s32 $execute0_lowered;
	[smem:$0x3FD2] =	sst s25  }
0xac: {  	s5 =	sshll.u32 s26, $0x1;
	_ =	strace $0x8000004C;
	[dreg:$0x1] =	wrdreg $0xFFFFFFFF  }
0xad: {  	s28 =	simm.s32 $_size_execute0_lowered;
	s3 =	sadd.s32 s3, s5;
	[dreg:$0x0] =	wrdreg $0x0  }
0xae: {  	s5 =	sshll.u32 s28, $0x1;
	[dreg:$0x2] =	wrdreg s3  }
0xaf: {  	[dreg:$0x3] =	wrdreg s5  }
0xb0: {  	[dreg:$0x4] =	wrdreg $0xC0  }
0xb1: {  	_ =	task [dreg:s7], $0x5FFFF  }
0xb2: {  	[dreg:$0x1] =	wrdreg $0xFFFFFFFF  }
0xb3: {  	[dreg:$0x0] =	wrdreg $0x60  }
0xb4: {  	[dreg:$0x2] =	wrdreg s24  }
0xb5: {  	[dreg:$0x3] =	wrdreg s16  }
0xb6: {  	[dreg:$0x4] =	wrdreg $0x88000  }
0xb7: {  	[dreg:$0x5] =	wrdreg $0x9  }
0xb8: {  	_ =	task.clear_ibuf [dreg:s7], $0x6FFFF;
	_ =	strace $0x9000004C  }
0xb9: {  	s29 =	simm.s32 $0x9;
	_ =	strace $0x8000004E  }
0xba: {  	_ =	swait.ge [sflag:s29], $0x1  }
0xbb: {  	[sflag:s29] =	ssyncadd.s32 $0xFFFFFFFF  }
0xbc: {  	_ =	strace $0x9000004E  }
0xbd: {  	_ =	sfence  }
0xbe: {  	s30 =	sld [smem:$0x0];
	_ =	sdelay $0x2  }
0xbf: {  	s31 =	sshll.u32 s1, $0xD;
	s1 =	sshrl.u32 s1, $0x2  }
0xc0: {  	s3 =	sand.u32 $0x4000, s31;
	s1 =	sadd.s32 s1, s30  }
0xc1: {  	s0 =	sor.u32 s3, s0;
	s1 =	sshll.u32 s1, $0x11  }
0xc2: {  	s0 =	sor.u32 s1, s0  }
0xc3: {  	s0 =	sadd.s32 $0x8F2B, s0  }
0xc4: {  	[sflag:s0] =	ssyncadd.remote.s32 $0x1  }
0xc5: {  	_ =	sfence.sel $0xFFFF  }
0xc6: {  	[dreg:$0x0] =	wrdreg $0xFFFFFFFF;
	(pc) =	sbr.abs _section_cstart, $3  }
0xc7: {  	[dreg:$0x1] =	wrdreg $0xFFFFFFFF  }
0xc8: {  	_ =	task.clear_ibuf [dreg:s7], $0x2FFFF;
	_ =	strace $0x9FFFFFFF  }
0xc9: {  	(tm) =	ssettm $0x7FFFFFFF  }
tec
execute0_lowered:
.L_overlay_start_1:
0x0: {  	(tag) =	ssettag $0x1  }
0x1: {  	s0 =	rddreg [dreg:$0x0]  }
0x2: {  	s1 =	rddreg [dreg:$0x1]  }
0x3: {  	s2 =	rddreg [dreg:$0x2];
	s3 =	srdreg.scid  }
0x4: {  	s18 =	stileid.u32;
	s28 =	simm.s32 $0x80;
	s29 =	simm.s32 $0x4800  }
0x5: {  	s30 =	simm.s32 $0x1;
	s31 =	simm.s32 $0x100;
	s4 =	smul.u32 $0x98, s18  }
0x6: {  	s7 =	sand.u32 $0x1, s3;
	s5 =	sshll.u32 s18, $0x3;
	s6 =	smul.u32 $0x50000, s18  }
0x7: {  	s3 =	simm.s32 $0x0;
	s10 =	sadd.s32 $0x5DC00, s0;
	s12 =	smul.u32 $0x280, s18  }
0x8: {  	s20 =	smul.u32 $0x2800, s18;
	p0 =	seq.s32 s7, $0x0;
	s5 =	sor.u32 $0x980, s5  }
0x9: {  	[smem:$0x7FF] =	sst s3;
	s15 =	ssub.s32 $0x2, s7;
	p1 =	sne.s32 s7, $0x0  }
0xa: {  	s5 =	smov.u32 @p0 s4;
	_ =	strace $0x8000004D;
	s4 =	sadd.s32 $0xDC00, s0  }
0xb: {  	s6 =	sshrl.u32 s6, $0x2;
	s11 =	sshrl.u32 s15, $0x1;
	s13 =	sadd.s32 $0x80, s12  }
0xc: {  	p0 =	seq.s32 s7, $0x1;
	s22 =	sadd.s32 s10, s20;
	s25 =	sadd.s32 $0x100, s12  }
0xd: {  	s26 =	sadd.s32 $0x180, s12;
	s12 =	sadd.s32 $0x200, s12;
	s7 =	simm.s32 $0x180  }
0xe: {  	s8 =	sshll.u32 s5, $0x4;
	s6 =	sadd.s32 s6, s2;
	s14 =	sshll.u32 s13, $0x4  }
0xf: {  	[dreg:$0x9] =	wrdreg s22;
	s9 =	sadd.s32 s8, s0;
	s0 =	sadd.s32 $0x85C00, s0  }
0x10: {  	s23 =	sshll.u32 s13, $0x7;
	s16 =	sadd.s32 $0x4000, s6;
	[dreg:$0x4] =	wrdreg s0  }
0x11: {  	s20 =	sshll.u32 s25, $0x7;
	s17 =	sadd.s32 $0x8000, s6;
	[dreg:$0x5] =	wrdreg s16  }
0x12: {  	s22 =	sshll.u32 s12, $0x7;
	s19 =	sadd.s32 $0xC000, s6;
	[dreg:$0x6] =	wrdreg s17  }
0x13: {  	s13 =	simm.s32 $0x300;
	s21 =	sadd.s32 $0x10000, s6;
	[dreg:$0x7] =	wrdreg s19  }
0x14: {  	s24 =	sadd.s32 s10, s14;
	s14 =	simm.s32 $0x680;
	[dreg:$0x8] =	wrdreg s21  }
0x15: {  	s0 =	ssub.s32 s15, s11;
	[dreg:$0xa] =	wrdreg s24;
	s15 =	sshll.u32 s25, $0x4  }
0x16: {  	s16 =	sshll.u32 s26, $0x4;
	s17 =	sshll.u32 s12, $0x4;
	s19 =	sadd.s32 s23, s2  }
0x17: {  	s21 =	sshll.u32 s26, $0x7;
	s24 =	sadd.s32 s22, s2;
	s25 =	sadd.s32 $0x3C00, s9  }
0x18: {  	s26 =	sadd.s32 s8, s1;
	s1 =	simm.s32 $0x480;
	s8 =	simm.s32 $0x500  }
0x19: {  	s9 =	simm.s32 $0x200;
	s11 =	simm.s32 $0x280;
	[dreg:$0xf] =	wrdreg s19  }
0x1a: {  	s12 =	simm.s32 $0x600;
	s15 =	sadd.s32 s10, s15;
	[dreg:$0x12] =	wrdreg s24  }
0x1b: {  	s16 =	sadd.s32 s10, s16;
	s17 =	sadd.s32 s10, s17;
	[dreg:$0x13] =	wrdreg s25  }
0x1c: {  	s0 =	smax.u32 s0, $0x1;
	s23 =	sadd.s32 s21, s2;
	[dreg:$0x14] =	wrdreg s26  }
0x1d: {  	s24 =	simm.s32 $0x800;
	s25 =	simm.s32 $0x3;
	[dreg:$0xb] =	wrdreg s15  }
.Ltmp0:
0x1e: {  	s26 =	simm.s32 $0x400;
	[dreg:$0xc] =	wrdreg s16;
	(pc) =	sbr.rel .LBB2_1-.Ltmp0, $4  }
0x1f: {  	s10 =	simm.s32 $0x580;
	s19 =	simm.s32 $0x0;
	[dreg:$0xd] =	wrdreg s17  }
0x20: {  	s16 =	smul.u32 $0xA000, s18;
	[dreg:$0xe] =	wrdreg s0;
	s0 =	sadd.s32 s20, s2  }
0x21: {  	[dreg:$0x11] =	wrdreg s23;
	s15 =	simm.s32 $0x380;
	s17 =	simm.s32 $0x700  }
0x22: {  	v0 =	vimm.f32 $0.0e+00;
	s18 =	simm.s32 $0x780;
	[dreg:$0x10] =	wrdreg s0;
	s0 =	simm.s32 $0x2  }
.LBB2_9:
0x23: {  	s19 =	rddreg [dreg:$0x15]  }
0x24: {  	s5 =	rddreg [dreg:$0xe];
	s19 =	sadd.s32 $0x1, s19  }
0x25: {  	p2 =	sne.s32 s19, s5  }
.Ltmp1:
0x26: {  	_ = 	snop;
	(pc) =	sbr.rel @!p2 .LBB2_10-.Ltmp1, $1  }
0x27: {  	_ =	sdelay $0x3  }
.LBB2_1:
0x28: {  	[dreg:$0x15] =	wrdreg s19;
	s19 =	simm.s32 $0x0;
	s20 =	simm.s32 $0x200  }
.LBB2_2:
0x29: {  	p2 =	sne.s32 s20, $0xFE00;
	[tilespmem:s19+$0x870] =	vst v0  }
0x2a: {  	[tilespmem:s19+$0x800] =	vst v0  }
0x2b: {  	[tilespmem:s19+$0x810] =	vst v0  }
.Ltmp2:
0x2c: {  	[tilespmem:s19+$0x820] =	vst v0;
	(pc) =	sbr.rel @p2 .LBB2_2-.Ltmp2, $4  }
0x2d: {  	[tilespmem:s19+$0x830] =	vst v0  }
0x2e: {  	[tilespmem:s19+$0x840] =	vst v0  }
0x2f: {  	[tilespmem:s19+$0x850] =	vst v0  }
0x30: {  	[tilespmem:s19+$0x860] =	vst v0;
	s19 =	sshra.s32 s20, $0x2;
	s20 =	sadd.s32 $0x200, s20  }
0x31: {  	[tilespmem:s19+$0x870] =	vst v0  }
0x32: {  	[tilespmem:s19+$0x800] =	vst v0  }
0x33: {  	[tilespmem:s19+$0x810] =	vst v0  }
0x34: {  	[tilespmem:s19+$0x820] =	vst v0  }
0x35: {  	[tilespmem:s19+$0x830] =	vst v0  }
0x36: {  	[tilespmem:s19+$0x840] =	vst v0  }
0x37: {  	[tilespmem:s19+$0x850] =	vst v0  }
0x38: {  	[tilespmem:s19+$0x860] =	vst v0  }
0x39: {  	[spmem:s6] =	stream.linear.scatter [tilespmem:s24], [sflag:$0x3], $0x4000, $0x38;
	[tilespmem:$0x1C800] =	vst v63  }
0x3a: {  	_ =	swait.ge [sflag:s25], $0x4000  }
0x3b: {  	[sflag:s25] =	ssyncset.done $0x0  }
0x3c: {  	s5 =	rddreg [dreg:$0x5];
	[sflag:s25] =	ssyncadd.s32 $0xFFFFC000  }
0x3d: {  	[spmem:s5] =	stream.linear.scatter [tilespmem:s24], [sflag:$0x3], $0x4000, $0x38;
	[tilespmem:$0x1C800] =	vst v63  }
0x3e: {  	_ =	swait.ge [sflag:s25], $0x4000  }
0x3f: {  	[sflag:s25] =	ssyncset.done $0x0  }
0x40: {  	s21 =	rddreg [dreg:$0x6];
	[sflag:s25] =	ssyncadd.s32 $0xFFFFC000  }
0x41: {  	[spmem:s21] =	stream.linear.scatter [tilespmem:s24], [sflag:$0x3], $0x4000, $0x38;
	[tilespmem:$0x1C800] =	vst v63  }
0x42: {  	_ =	swait.ge [sflag:s25], $0x4000  }
0x43: {  	[sflag:s25] =	ssyncset.done $0x0  }
0x44: {  	s22 =	rddreg [dreg:$0x7];
	[sflag:s25] =	ssyncadd.s32 $0xFFFFC000  }
0x45: {  	[spmem:s22] =	stream.linear.scatter [tilespmem:s24], [sflag:$0x3], $0x4000, $0x38;
	[tilespmem:$0x1C800] =	vst v63  }
0x46: {  	_ =	swait.ge [sflag:s25], $0x4000  }
0x47: {  	[sflag:s25] =	ssyncset.done $0x0  }
0x48: {  	s23 =	rddreg [dreg:$0x8];
	[sflag:s25] =	ssyncadd.s32 $0xFFFFC000  }
0x49: {  	[spmem:s23] =	stream.linear.scatter [tilespmem:s24], [sflag:$0x3], $0x4000, $0x38;
	[tilespmem:$0x1C800] =	vst v63  }
0x4a: {  	_ =	swait.ge [sflag:s25], $0x4000  }
0x4b: {  	[sflag:s25] =	ssyncset.done $0x0  }
0x4c: {  	[sflag:s25] =	ssyncadd.s32 $0xFFFFC000  }
0x4d: {  	[bflag:$0x0] =	sbarrier.arrive $0xFFFF  }
0x4e: {  	s20 =	rddreg [dreg:$0x14]  }
0x4f: {  	s21 =	simm.s32 $0x0;
	s19 =	rddreg [dreg:$0x13]  }
.LBB2_4:
0x50: {  	[tilespmem:s3], [sflag:$0x3] =	stream.linear.gather [hbm4b:s20+s3], $0x400, $0x38;
	[tilespmem:$0x1C800] =	vst v63  }
0x51: {  	_ =	swait.ge [sflag:s25], $0x400  }
0x52: {  	[sflag:s25] =	ssyncset.done $0x0  }
0x53: {  	[sflag:s25] =	ssyncadd.s32 $0xFFFFFC00  }
0x54: {  	[tilespmem:s26], [sflag:$0x3] =	stream.linear.gather [hbm4b:s19+s3], $0x400, $0x38;
	[tilespmem:$0x1C800] =	vst v63  }
0x55: {  	_ =	swait.ge [sflag:s25], $0x400  }
0x56: {  	[sflag:s25] =	ssyncset.done $0x0  }
0x57: {  	[sflag:s25] =	ssyncadd.s32 $0xFFFFFC00  }
0x58: {  	[tilespmem:s24], [sflag:$0x1] =	stream.indirect.gather [hbm4b:s4+s28], $0x80, s3, s28, $0xb8;
	[tilespmem:$0x1C800] =	vst v63  }
0x59: {  	_ = 	snop  }
0x5a: {  	[tilespmem:s29], [sflag:$0x2] =	stream.indirect.gather [hbm4b:s4+s28], $0x80, s28, s28, $0xb8;
	[tilespmem:$0x1C800] =	vst v63  }
0x5b: {  	_ =	swait.ge [sflag:s30], $0x4000  }
0x5c: {  	[sflag:s30] =	ssyncset.done $0x0  }
0x5d: {  	[sflag:s30] =	ssyncadd.s32 $0xFFFFC000  }
0x5e: {  	[spmem:s2] =	stream.indirect.scatter.add.f32 [tilespmem:s24], [sflag:$0x3], $0x80, s26, s28, $0xb8;
	[tilespmem:$0x1C800] =	vst v63  }
0x5f: {  	_ =	swait.ge [sflag:s25], $0x4000  }
0x60: {  	[sflag:s25] =	ssyncset.done $0x0  }
0x61: {  	[sflag:s25] =	ssyncadd.s32 $0xFFFFC000  }
0x62: {  	[tilespmem:s24], [sflag:$0x1] =	stream.indirect.gather [hbm4b:s4+s28], $0x80, s31, s28, $0xb8;
	[tilespmem:$0x1C800] =	vst v63  }
0x63: {  	_ =	swait.ge [sflag:s0], $0x4000  }
0x64: {  	[sflag:s0] =	ssyncset.done $0x0  }
0x65: {  	[sflag:s0] =	ssyncadd.s32 $0xFFFFC000  }
0x66: {  	[spmem:s2] =	stream.indirect.scatter.add.f32 [tilespmem:s29], [sflag:$0x3], $0x80, s1, s28, $0xb8;
	[tilespmem:$0x1C800] =	vst v63  }
0x67: {  	_ =	swait.ge [sflag:s25], $0x4000  }
0x68: {  	[sflag:s25] =	ssyncset.done $0x0  }
0x69: {  	[sflag:s25] =	ssyncadd.s32 $0xFFFFC000  }
0x6a: {  	[tilespmem:s29], [sflag:$0x2] =	stream.indirect.gather [hbm4b:s4+s28], $0x80, s7, s28, $0xb8;
	[tilespmem:$0x1C800] =	vst v63  }
0x6b: {  	_ =	swait.ge [sflag:s30], $0x4000  }
0x6c: {  	[sflag:s30] =	ssyncset.done $0x0  }
0x6d: {  	[sflag:s30] =	ssyncadd.s32 $0xFFFFC000  }
0x6e: {  	[spmem:s2] =	stream.indirect.scatter.add.f32 [tilespmem:s24], [sflag:$0x3], $0x80, s8, s28, $0xb8;
	[tilespmem:$0x1C800] =	vst v63  }
0x6f: {  	_ =	swait.ge [sflag:s25], $0x4000  }
0x70: {  	[sflag:s25] =	ssyncset.done $0x0  }
0x71: {  	[sflag:s25] =	ssyncadd.s32 $0xFFFFC000  }
0x72: {  	[tilespmem:s24], [sflag:$0x1] =	stream.indirect.gather [hbm4b:s4+s28], $0x80, s9, s28, $0xb8;
	[tilespmem:$0x1C800] =	vst v63  }
0x73: {  	_ =	swait.ge [sflag:s0], $0x4000  }
0x74: {  	[sflag:s0] =	ssyncset.done $0x0  }
0x75: {  	[sflag:s0] =	ssyncadd.s32 $0xFFFFC000  }
0x76: {  	[spmem:s2] =	stream.indirect.scatter.add.f32 [tilespmem:s29], [sflag:$0x3], $0x80, s10, s28, $0xb8;
	[tilespmem:$0x1C800] =	vst v63  }
0x77: {  	_ =	swait.ge [sflag:s25], $0x4000  }
0x78: {  	[sflag:s25] =	ssyncset.done $0x0  }
0x79: {  	[sflag:s25] =	ssyncadd.s32 $0xFFFFC000  }
0x7a: {  	[tilespmem:s29], [sflag:$0x2] =	stream.indirect.gather [hbm4b:s4+s28], $0x80, s11, s28, $0xb8;
	[tilespmem:$0x1C800] =	vst v63  }
0x7b: {  	_ =	swait.ge [sflag:s30], $0x4000  }
0x7c: {  	[sflag:s30] =	ssyncset.done $0x0  }
0x7d: {  	[sflag:s30] =	ssyncadd.s32 $0xFFFFC000  }
0x7e: {  	[spmem:s2] =	stream.indirect.scatter.add.f32 [tilespmem:s24], [sflag:$0x3], $0x80, s12, s28, $0xb8;
	[tilespmem:$0x1C800] =	vst v63  }
0x7f: {  	_ =	swait.ge [sflag:s25], $0x4000  }
0x80: {  	[sflag:s25] =	ssyncset.done $0x0  }
0x81: {  	[sflag:s25] =	ssyncadd.s32 $0xFFFFC000  }
0x82: {  	[tilespmem:s24], [sflag:$0x1] =	stream.indirect.gather [hbm4b:s4+s28], $0x80, s13, s28, $0xb8;
	[tilespmem:$0x1C800] =	vst v63  }
0x83: {  	_ =	swait.ge [sflag:s0], $0x4000  }
0x84: {  	[sflag:s0] =	ssyncset.done $0x0  }
0x85: {  	[sflag:s0] =	ssyncadd.s32 $0xFFFFC000  }
0x86: {  	[spmem:s2] =	stream.indirect.scatter.add.f32 [tilespmem:s29], [sflag:$0x3], $0x80, s14, s28, $0xb8;
	[tilespmem:$0x1C800] =	vst v63  }
0x87: {  	_ =	swait.ge [sflag:s25], $0x4000  }
0x88: {  	[sflag:s25] =	ssyncset.done $0x0  }
0x89: {  	[sflag:s25] =	ssyncadd.s32 $0xFFFFC000  }
0x8a: {  	[tilespmem:s29], [sflag:$0x2] =	stream.indirect.gather [hbm4b:s4+s28], $0x80, s15, s28, $0xb8;
	[tilespmem:$0x1C800] =	vst v63  }
0x8b: {  	_ =	swait.ge [sflag:s30], $0x4000  }
0x8c: {  	[sflag:s30] =	ssyncset.done $0x0  }
0x8d: {  	[sflag:s30] =	ssyncadd.s32 $0xFFFFC000  }
0x8e: {  	[spmem:s2] =	stream.indirect.scatter.add.f32 [tilespmem:s24], [sflag:$0x3], $0x80, s17, s28, $0xb8;
	[tilespmem:$0x1C800] =	vst v63  }
0x8f: {  	_ =	swait.ge [sflag:s25], $0x4000  }
0x90: {  	[sflag:s25] =	ssyncset.done $0x0  }
0x91: {  	[sflag:s25] =	ssyncadd.s32 $0xFFFFC000  }
0x92: {  	p2 =	slt.u32 @!p1 s21, $0x12;
	_ =	swait.ge [sflag:s0], $0x4000  }
0x93: {  	p2 =	por p1, !p2;
	[sflag:s0] =	ssyncset.done $0x0  }
.Ltmp3:
0x94: {  	[sflag:s0] =	ssyncadd.s32 $0xFFFFC000;
	(pc) =	sbr.rel @!p2 .LBB2_4-.Ltmp3, $4  }
0x95: {  	[spmem:s2] =	stream.indirect.scatter.add.f32 [tilespmem:s29], [sflag:$0x3], $0x80, s18, s28, $0xb8;
	[tilespmem:$0x1C800] =	vst v63  }
0x96: {  	_ =	swait.ge [sflag:s25], $0x4000  }
0x97: {  	s21 =	sadd.s32 $0x1, s21;
	[sflag:s25] =	ssyncset.done $0x0  }
0x98: {  	s20 =	sadd.s32 $0x80, s20;
	s19 =	sadd.s32 $0x80, s19;
	[sflag:s25] =	ssyncadd.s32 $0xFFFFC000  }
0x99: {  	[bflag:$0x0] =	sbarrier.arrive $0xFFFF;
	s19 =	simm.s32 @!p1 $0x800;
	s20 =	simm.s32 @!p1 $0x3  }
0x9a: {  	[tilespmem:s19], [sflag:$0x3] =	stream.linear.gather @!p1 [spmem:s6], $0x4000, $0x38;
	[tilespmem:$0x1C800] =	vst v63  }
0x9b: {  	_ =	swait.ge @!p1 [sflag:s20], $0x4000  }
0x9c: {  	[sflag:s20] =	ssyncset.done @!p1 $0x0  }
0x9d: {  	s21 =	simm.s32 @!p1 $0x0;
	s5 =	rddreg [dreg:$0x9];
	[sflag:s20] =	ssyncadd.s32 @!p1 $0xFFFFC000  }
0x9e: {  	[hbm4b:s5+s21] =	stream.linear.scatter @!p1 [tilespmem:s19], [sflag:$0x3], $0x4000, $0x38;
	[tilespmem:$0x1C800] =	vst v63  }
0x9f: {  	_ =	swait.ge @!p1 [sflag:s20], $0x4000  }
0xa0: {  	[sflag:s20] =	ssyncset.done @!p1 $0x0  }
0xa1: {  	s5 =	rddreg [dreg:$0xf];
	[sflag:s20] =	ssyncadd.s32 @!p1 $0xFFFFC000  }
0xa2: {  	[tilespmem:s19], [sflag:$0x3] =	stream.linear.gather @!p1 [spmem:s5], $0x4000, $0x38;
	[tilespmem:$0x1C800] =	vst v63  }
0xa3: {  	_ =	swait.ge @!p1 [sflag:s20], $0x4000  }
0xa4: {  	[sflag:s20] =	ssyncset.done @!p1 $0x0  }
0xa5: {  	s5 =	rddreg [dreg:$0xa];
	[sflag:s20] =	ssyncadd.s32 @!p1 $0xFFFFC000  }
0xa6: {  	[hbm4b:s5+s21] =	stream.linear.scatter @!p1 [tilespmem:s19], [sflag:$0x3], $0x4000, $0x38;
	[tilespmem:$0x1C800] =	vst v63  }
0xa7: {  	_ =	swait.ge @!p1 [sflag:s20], $0x4000  }
0xa8: {  	[sflag:s20] =	ssyncset.done @!p1 $0x0  }
0xa9: {  	s5 =	rddreg [dreg:$0x10];
	[sflag:s20] =	ssyncadd.s32 @!p1 $0xFFFFC000  }
0xaa: {  	[tilespmem:s19], [sflag:$0x3] =	stream.linear.gather @!p1 [spmem:s5], $0x4000, $0x38;
	[tilespmem:$0x1C800] =	vst v63  }
0xab: {  	_ =	swait.ge @!p1 [sflag:s20], $0x4000  }
0xac: {  	[sflag:s20] =	ssyncset.done @!p1 $0x0  }
0xad: {  	s5 =	rddreg [dreg:$0xb];
	[sflag:s20] =	ssyncadd.s32 @!p1 $0xFFFFC000  }
0xae: {  	[hbm4b:s5+s21] =	stream.linear.scatter @!p1 [tilespmem:s19], [sflag:$0x3], $0x4000, $0x38;
	[tilespmem:$0x1C800] =	vst v63  }
0xaf: {  	_ =	swait.ge @!p1 [sflag:s20], $0x4000  }
0xb0: {  	[sflag:s20] =	ssyncset.done @!p1 $0x0  }
0xb1: {  	s5 =	rddreg [dreg:$0x11];
	[sflag:s20] =	ssyncadd.s32 @!p1 $0xFFFFC000  }
0xb2: {  	[tilespmem:s19], [sflag:$0x3] =	stream.linear.gather @!p1 [spmem:s5], $0x4000, $0x38;
	[tilespmem:$0x1C800] =	vst v63  }
0xb3: {  	_ =	swait.ge @!p1 [sflag:s20], $0x4000  }
0xb4: {  	[sflag:s20] =	ssyncset.done @!p1 $0x0  }
0xb5: {  	s5 =	rddreg [dreg:$0xc];
	[sflag:s20] =	ssyncadd.s32 @!p1 $0xFFFFC000  }
0xb6: {  	[hbm4b:s5+s21] =	stream.linear.scatter @!p1 [tilespmem:s19], [sflag:$0x3], $0x4000, $0x38;
	[tilespmem:$0x1C800] =	vst v63  }
0xb7: {  	_ =	swait.ge @!p1 [sflag:s20], $0x4000  }
0xb8: {  	[sflag:s20] =	ssyncset.done @!p1 $0x0  }
0xb9: {  	s5 =	rddreg [dreg:$0x12];
	[sflag:s20] =	ssyncadd.s32 @!p1 $0xFFFFC000  }
0xba: {  	[tilespmem:s19], [sflag:$0x3] =	stream.linear.gather @!p1 [spmem:s5], $0x4000, $0x38;
	[tilespmem:$0x1C800] =	vst v63  }
0xbb: {  	_ =	swait.ge @!p1 [sflag:s20], $0x4000  }
0xbc: {  	[sflag:s20] =	ssyncset.done @!p1 $0x0  }
.Ltmp4:
0xbd: {  	s5 =	rddreg [dreg:$0xd];
	[sflag:s20] =	ssyncadd.s32 @!p1 $0xFFFFC000;
	(pc) =	sbr.rel @!p0 .LBB2_9-.Ltmp4, $4  }
0xbe: {  	[hbm4b:s5+s21] =	stream.linear.scatter @!p1 [tilespmem:s19], [sflag:$0x3], $0x4000, $0x38;
	[tilespmem:$0x1C800] =	vst v63  }
0xbf: {  	_ =	swait.ge @!p1 [sflag:s20], $0x4000  }
0xc0: {  	[sflag:s20] =	ssyncset.done @!p1 $0x0  }
0xc1: {  	s21 =	simm.s32 $0x0;
	[sflag:s20] =	ssyncadd.s32 @!p1 $0xFFFFC000;
	s20 =	simm.s32 $0x0  }
.LBB2_6:
0xc2: {  	s19 =	sshll.u32 s21, $0xE  }
0xc3: {  	s19 =	sand.u32 $0x3FFFC000, s19  }
0xc4: {  	s19 =	sadd.s32 s19, s6  }
0xc5: {  	[tilespmem:s24], [sflag:$0x3] =	stream.linear.gather [spmem:s19], $0x4000, $0x38;
	[tilespmem:$0x1C800] =	vst v63  }
0xc6: {  	_ =	swait.ge [sflag:s25], $0x4000  }
0xc7: {  	[sflag:s25] =	ssyncset.done $0x0  }
0xc8: {  	s22 =	simm.s32 $0x840;
	[sflag:s25] =	ssyncadd.s32 $0xFFFFC000  }
0xc9: {  	v1 =	vld [tilespmem:s22+$0xFFFFFFC0]  }
0xca: {  	v2 =	vld [tilespmem:s22+$0x0];
	_ =	sdelay $0x4  }
0xcb: {  	v1 =	vadd.s32 $0x8000, v1;
	v2 =	vadd.s32 $0x8000, v2  }
0xcc: {  	v1 =	vshrl.u32 v1, $0x10;
	v2 =	vand.u32 $0xFFFF0000, v2  }
0xcd: {  	s23 =	sand.u32 $0x1FC0, s20;
	v1 =	vor.u32 v1, v2  }
0xce: {  	[tilespmem:s23+$0x4800] =	vst v1  }
0xcf: {  	v1 =	vld [tilespmem:s22+$0xFFFFFFD0]  }
0xd0: {  	v2 =	vld [tilespmem:s22+$0x10];
	_ =	sdelay $0x4  }
0xd1: {  	v1 =	vadd.s32 $0x8000, v1;
	v2 =	vadd.s32 $0x8000, v2  }
0xd2: {  	v1 =	vshrl.u32 v1, $0x10;
	v2 =	vand.u32 $0xFFFF0000, v2  }
0xd3: {  	v1 =	vor.u32 v1, v2  }
0xd4: {  	[tilespmem:s23+$0x4810] =	vst v1  }
0xd5: {  	v1 =	vld [tilespmem:s22+$0xFFFFFFE0]  }
0xd6: {  	v2 =	vld [tilespmem:s22+$0x20];
	_ =	sdelay $0x4  }
0xd7: {  	v1 =	vadd.s32 $0x8000, v1;
	v2 =	vadd.s32 $0x8000, v2  }
0xd8: {  	v1 =	vshrl.u32 v1, $0x10;
	v2 =	vand.u32 $0xFFFF0000, v2  }
0xd9: {  	v1 =	vor.u32 v1, v2  }
0xda: {  	[tilespmem:s23+$0x4820] =	vst v1  }
0xdb: {  	v2 =	vld [tilespmem:s22+$0xFFFFFFF0];
	_ =	sdelay $0x1  }
0xdc: {  	v1 =	vld [tilespmem:s22+$0x30];
	_ =	sdelay $0x2  }
0xdd: {  	s19 =	simm.s32 $0x40;
	v2 =	vadd.s32 $0x8000, v2  }
.LBB2_7:
0xde: {  	p2 =	sne.s32 s19, $0x1FC0  }
0xdf: {  	v2 =	vshrl.u32 v2, $0x10;
	v1 =	vadd.s32 $0x8000, v1;
	s22 =	sadd.s32 $0x80, s22;
	s5 =	smov.u32 s19;
	s19 =	sadd.s32 $0x40, s19  }
0xe0: {  	v1 =	vand.u32 $0xFFFF0000, v1  }
0xe1: {  	v1 =	vor.u32 v2, v1  }
0xe2: {  	[tilespmem:s23+$0x4830] =	vst v1  }
0xe3: {  	v1 =	vld [tilespmem:s22+$0xFFFFFFC0]  }
0xe4: {  	v2 =	vld [tilespmem:s22+$0x0];
	_ =	sdelay $0x3  }
0xe5: {  	v1 =	vadd.s32 $0x8000, v1  }
0xe6: {  	v2 =	vadd.s32 $0x8000, v2  }
0xe7: {  	v1 =	vshrl.u32 v1, $0x10;
	v2 =	vand.u32 $0xFFFF0000, v2  }
0xe8: {  	s23 =	sand.u32 $0x1FC0, s5;
	v1 =	vor.u32 v1, v2  }
0xe9: {  	[tilespmem:s23+$0x4800] =	vst v1  }
0xea: {  	v1 =	vld [tilespmem:s22+$0xFFFFFFD0]  }
0xeb: {  	v2 =	vld [tilespmem:s22+$0x10];
	_ =	sdelay $0x3  }
0xec: {  	v1 =	vadd.s32 $0x8000, v1  }
0xed: {  	v1 =	vshrl.u32 v1, $0x10;
	v2 =	vadd.s32 $0x8000, v2  }
0xee: {  	v2 =	vand.u32 $0xFFFF0000, v2  }
0xef: {  	v1 =	vor.u32 v1, v2  }
0xf0: {  	[tilespmem:s23+$0x4810] =	vst v1  }
0xf1: {  	v1 =	vld [tilespmem:s22+$0xFFFFFFE0]  }
0xf2: {  	v2 =	vld [tilespmem:s22+$0x20];
	_ =	sdelay $0x3  }
0xf3: {  	v1 =	vadd.s32 $0x8000, v1  }
0xf4: {  	v1 =	vshrl.u32 v1, $0x10;
	v2 =	vadd.s32 $0x8000, v2  }
0xf5: {  	v2 =	vand.u32 $0xFFFF0000, v2  }
0xf6: {  	v1 =	vor.u32 v1, v2  }
0xf7: {  	[tilespmem:s23+$0x4820] =	vst v1  }
0xf8: {  	v2 =	vld [tilespmem:s22+$0xFFFFFFF0]  }
.Ltmp5:
0xf9: {  	v1 =	vld [tilespmem:s22+$0x30];
	(pc) =	sbr.rel @p2 .LBB2_7-.Ltmp5, $2  }
0xfa: {  	_ =	sdelay $0x2  }
0xfb: {  	v2 =	vadd.s32 $0x8000, v2  }
0xfc: {  	v1 =	vadd.s32 $0x8000, v1;
	s5 =	sshll.u32 s21, $0xD  }
0xfd: {  	v2 =	vshrl.u32 v2, $0x10;
	v1 =	vand.u32 $0xFFFF0000, v1;
	s5 =	sadd.s32 s16, s5  }
0xfe: {  	s19 =	rddreg [dreg:$0x4];
	s21 =	sadd.s32 $0x1, s21;
	v1 =	vor.u32 v2, v1;
	s5 =	sshrl.u32 s5, $0x3  }
0xff: {  	p2 =	sne.s32 s21, $0x5;
	[tilespmem:s23+$0x4830] =	vst v1;
	s5 =	sadd.s32 s19, s5  }
0x100: {  	[hbm4b:s5+s3] =	stream.linear.scatter [tilespmem:s29], [sflag:$0x3], $0x2000, $0x38;
	[tilespmem:$0x1C800] =	vst v63  }
.Ltmp6:
0x101: {  	_ = 	snop;
	(pc) =	sbr.rel @p2 .LBB2_6-.Ltmp6, $4  }
.Ltmp7:
0x102: {  	_ = 	snop;
	(pc) =	sbr.rel @!p2 .LBB2_9-.Ltmp7, $4  }
0x103: {  	_ =	swait.ge [sflag:s25], $0x2000  }
0x104: {  	[sflag:s25] =	ssyncset.done $0x0  }
0x105: {  	[sflag:s25] =	ssyncadd.s32 $0xFFFFE000  }
0x106: {  	_ = 	snop  }
.LBB2_10:
0x107: {  	_ =	sfence.sel $0x180000  }
0x108: {  	[bflag:$0x0] =	sbarrier.arrive $0xFFFF  }
0x109: {  	_ =	strace $0x9000004D  }
0x10a: {  	s0 =	stileid.u32;
	[bflag:$0x2] =	sbarrier.arrive $0xFFFF  }
0x10b: {  	p0 =	sne.s32 s0, $0x0;
	s0 =	rddreg [dreg:$0x3]  }
0x10c: {  	s0 =	sadd.s32 @!p0 $0x100000, s0  }
0x10d: {  	[sflag:s0] =	ssyncadd.tile.s32 @!p0 $0x1;
	_ =	shalt  }
.Lfunc_end2:
_tile_overlayer_lowered:
.L_overlay_start_2:
0x10e: {  	(tag) =	ssettag $0x2  }
0x10f: {  	s0 =	rddreg [dreg:$0x0];
	s2 =	stileid.u32  }
0x110: {  	s1 =	rddreg [dreg:$0x1];
	p0 =	sne.s32 s2, $0x0  }
0x111: {  	s3 =	rddreg [dreg:$0x2];
	[bflag:$0x3] =	sbarrier.arrive $0xFFFF;
	s2 =	simm.s32 @!p0 $0x1C03  }
0x112: {  	[timem:s3], [sflag:s2] =	dma.local @!p0 [hbm:s0], s1  }
0x113: {  	s0 =	simm.s32 @!p0 $0x3  }
0x114: {  	_ =	swait.ge @!p0 [sflag:s0], s1  }
0x115: {  	s1 =	ssub.s32 @!p0 $0x0, s1;
	[sflag:s0] =	ssyncset.done @!p0 $0x0  }
0x116: {  	[sflag:s0] =	ssyncadd.s32 @!p0 s1  }
0x117: {  	[bflag:$0x3] =	sbarrier.arrive $0xFFFF  }
0x118: {  	_ =	shalt  }

// kernel: kernel.8.cloned.1.call-start
scs
__scs_entry_jumppad:
0x0: {  	(pc) =	sbr.rel $0x88, $3  }
0x1: {  	(tag) =	ssettag $0x0;
	lr =	simm.s32 $0x1  }
0x2: {  	[smem:$0x3F9A] =	sst lr;
	_ =	strace $0xD0000000  }
0x3: {  	_ = 	snop  }
0x4: {  	_ = 	snop  }
0x5: {  	_ = 	snop  }
0x6: {  	_ = 	snop  }
0x7: {  	_ = 	snop  }
__scs_overlays_trampoline_lowered:
0x8: {  	[smem:$0x3FA9] =	sst s0  }
0x9: {  	[smem:$0x3FAA] =	sst s1  }
0xa: {  	[smem:$0x3FAB] =	sst s2  }
0xb: {  	[smem:$0x3FAC] =	sst s3  }
0xc: {  	[smem:$0x3FAD] =	sst s4  }
0xd: {  	[smem:$0x3FAE] =	sst s5  }
0xe: {  	[smem:$0x3FAF] =	sst s6  }
0xf: {  	[smem:$0x3FB0] =	sst s7  }
0x10: {  	[smem:$0x3FB1] =	sst s8  }
0x11: {  	[smem:$0x3FB2] =	sst s9;
	s0 =	simm.s32 @!p0 $0x0  }
0x12: {  	s1 =	sld [smem:$0x3F98];
	s0 =	simm.s32 @p0 $0x1  }
0x13: {  	[smem:$0x3FB3] =	sst s0;
	s0 =	simm.s32 @!p1 $0x0  }
0x14: {  	s2 =	sld [smem:$0x3F97];
	s0 =	simm.s32 @p1 $0x1  }
0x15: {  	[smem:$0x3FB4] =	sst s0;
	s0 =	simm.s32 @!p2 $0x0  }
0x16: {  	s3 =	sld [smem:$0x3FDB];
	s0 =	simm.s32 @p2 $0x1  }
0x17: {  	s4 =	simm.s32 $0x1BF5;
	[smem:$0x3FB6] =	sst s0  }
0x18: {  	s0 =	sld [smem:$0x3F99];
	_ =	swait.ge [sflag:s4], $0x0  }
0x19: {  	s7 =	sld [smem:$0x3F9A]  }
0x1a: {  	s8 =	sadd.s32 $0xFFFFE003, lr  }
0x1b: {  	s9 =	sadd.s32 $0xFFFFFEF7, lr;
	s5 =	simm.s32 $0xFFFFFFFF;
	p2 =	slt.u32 s8, $0xFFFFF086  }
0x1c: {  	p1 =	slt.u32 s9, $0xF7A;
	s5 =	simm.s32 @!p2 $0x0  }
0x1d: {  	s5 =	simm.s32 @p1 $0x1;
	p0 =	seq.s32 s7, s2  }
0x1e: {  	s7 =	smul.u32 @!p0 $0xF7A, s2;
	p2 =	seq.s32 @!p0 s5, $0x0  }
0x1f: {  	s9 =	smul.u32 $0xF7A, s1;
	s8 =	simm.s32 @!p0 $0x1BF5;
	p2 =	por !p2, p0  }
0x20: {  	[sflag:s8] =	ssyncset.s32 @!p0 $0xFFFFF086;
	s6 =	sadd.s32 @!p0 s3, s7;
	s7 =	simm.s32 @!p0 $0x108  }
0x21: {  	s3 =	sadd.s32 s3, s9;
	s6 =	sadd.s32 @!p0 $0x88, s6;
	s7 =	simm.s32 @p2 $0x1082  }
0x22: {  	[simem:s7], [sflag:s8] =	dma.local @!p0 [hbm:s6], $0xF7A  }
0x23: {  	s9 =	sor.u32 $0xD0000000, s2;
	s6 =	simm.s32 $0x108;
	_ =	swait.ge @!p0 [sflag:s8], $0x0  }
0x24: {  	s3 =	sadd.s32 $0x88, s3;
	s6 =	simm.s32 @!p1 $0x1082;
	[sflag:s4] =	ssyncset.s32 $0xFFFFF086  }
0x25: {  	[simem:s6], [sflag:s4] =	dma.local [hbm:s3], $0xF7A  }
0x26: {  	[smem:$0x3F9A] =	sst s1;
	(tag) =	ssettag s2;
	_ =	strace s9  }
0x27: {  	s1 =	sld [smem:$0x3FAA]  }
0x28: {  	s2 =	sld [smem:$0x3FAB]  }
0x29: {  	s4 =	sld [smem:$0x3FAD]  }
0x2a: {  	p0 =	seq.s32 s5, $0x0;
	s5 =	sld [smem:$0x3FAE]  }
0x2b: {  	s6 =	sld [smem:$0x3FAF]  }
0x2c: {  	s7 =	sld [smem:$0x3FB0]  }
0x2d: {  	s3 =	simm.s32 $0x108;
	s8 =	sld [smem:$0x3FB1]  }
0x2e: {  	s3 =	simm.s32 @!p0 $0x1082;
	s9 =	sld [smem:$0x3FB2]  }
0x2f: {  	lr =	sadd.s32 s0, s3;
	s0 =	sld [smem:$0x3FA9]  }
0x30: {  	s3 =	sld [smem:$0x3FAC]  }
0x31: {  	[smem:$0x3FB5] =	sst s10  }
0x32: {  	s10 =	sld [smem:$0x3FB3];
	_ =	sdelay $0x3  }
0x33: {  	p0 =	seq.s32 s10, $0x1;
	s10 =	sld [smem:$0x3FB5];
	_ =	sdelay $0x3  }
0x34: {  	[smem:$0x3FB5] =	sst s10  }
0x35: {  	s10 =	sld [smem:$0x3FB4];
	_ =	sdelay $0x3  }
0x36: {  	p1 =	seq.s32 s10, $0x1;
	s10 =	sld [smem:$0x3FB5];
	_ =	sdelay $0x3  }
0x37: {  	[smem:$0x3FB5] =	sst s10  }
0x38: {  	s10 =	sld [smem:$0x3FB6]  }
0x39: {  	_ = 	snop;
	(pc) =	sbr.ind lr, $3  }
0x3a: {  	_ = 	snop  }
0x3b: {  	_ = 	snop  }
0x3c: {  	p2 =	seq.s32 s10, $0x1;
	s10 =	sld [smem:$0x3FB5]  }
0x3d: {  	_ =	shalt  }
0x3e: {  	_ =	shalt  }
0x3f: {  	_ =	shalt  }
0x40: {  	_ =	shalt  }
0x41: {  	_ =	shalt  }
0x42: {  	_ =	shalt  }
0x43: {  	_ =	shalt  }
0x44: {  	_ =	shalt  }
0x45: {  	_ =	shalt  }
0x46: {  	_ =	shalt  }
0x47: {  	_ =	shalt  }
0x48: {  	_ =	shalt  }
0x49: {  	_ =	shalt  }
0x4a: {  	_ =	shalt  }
0x4b: {  	_ =	shalt  }
0x4c: {  	_ =	shalt  }
0x4d: {  	_ =	shalt  }
0x4e: {  	_ =	shalt  }
0x4f: {  	_ =	shalt  }
0x50: {  	_ =	shalt  }
0x51: {  	_ =	shalt  }
0x52: {  	_ =	shalt  }
0x53: {  	_ =	shalt  }
0x54: {  	_ =	shalt  }
0x55: {  	_ =	shalt  }
0x56: {  	_ =	shalt  }
0x57: {  	_ =	shalt  }
0x58: {  	_ =	shalt  }
0x59: {  	_ =	shalt  }
0x5a: {  	_ =	shalt  }
0x5b: {  	_ =	shalt  }
0x5c: {  	_ =	shalt  }
0x5d: {  	_ =	shalt  }
0x5e: {  	_ =	shalt  }
0x5f: {  	_ =	shalt  }
0x60: {  	_ =	shalt  }
0x61: {  	_ =	shalt  }
0x62: {  	_ =	shalt  }
0x63: {  	_ =	shalt  }
0x64: {  	_ =	shalt  }
0x65: {  	_ =	shalt  }
0x66: {  	_ =	shalt  }
0x67: {  	_ =	shalt  }
0x68: {  	_ =	shalt  }
0x69: {  	_ =	shalt  }
0x6a: {  	_ =	shalt  }
0x6b: {  	_ =	shalt  }
0x6c: {  	_ =	shalt  }
0x6d: {  	_ =	shalt  }
0x6e: {  	_ =	shalt  }
0x6f: {  	_ =	shalt  }
0x70: {  	_ =	shalt  }
0x71: {  	_ =	shalt  }
0x72: {  	_ =	shalt  }
0x73: {  	_ =	shalt  }
0x74: {  	_ =	shalt  }
0x75: {  	_ =	shalt  }
0x76: {  	_ =	shalt  }
0x77: {  	_ =	shalt  }
0x78: {  	_ =	shalt  }
0x79: {  	_ =	shalt  }
0x7a: {  	_ =	shalt  }
0x7b: {  	_ =	shalt  }
0x7c: {  	_ =	shalt  }
0x7d: {  	_ =	shalt  }
0x7e: {  	_ =	shalt  }
0x7f: {  	_ =	shalt  }
0x80: {  	_ =	shalt  }
0x81: {  	_ =	shalt  }
0x82: {  	_ =	shalt  }
0x83: {  	_ =	shalt  }
0x84: {  	_ =	shalt  }
0x85: {  	_ =	shalt  }
0x86: {  	_ =	shalt  }
0x87: {  	_ =	shalt  }
.Lfunc_end0:
.L_simem_size_0:
called_computation_lowered:
.L_overlay_start_0:
0x88: {  	s2 =	sld [smem:$0x3FD9]  }
0x89: {  	s3 =	sld [smem:$0x3FFE];
	_ =	sdelay $0x1  }
0x8a: {  	s1 =	srdreg.scid  }
0x8b: {  	s0 =	sand.u32 $0x1, s1  }
0x8c: {  	s14 =	sshll.u32 s0, $0xA;
	s2 =	sadd.s32 s3, s2  }
0x8d: {  	s2 =	sadd.s32 s2, s14  }
0x8e: {  	[smem:$0x3FC1] =	sst s2  }
0x8f: {  	_ = 	snop  }
0x90: {  	s2 =	sld [smem:$0x3FD0];
	_ =	sdelay $0x2  }
0x91: {  	s15 =	simm.s32 $0xA;
	s4 =	simm.s32 $0x10  }
0x92: {  	[smem:s4], [sflag:s15] =	dma.local [hbm:s2], $0x1  }
0x93: {  	_ =	swait.eq [sflag:s15], $0x1  }
0x94: {  	[sflag:s15] =	ssyncset.done $0x0  }
0x95: {  	[sflag:s15] =	ssyncadd.s32 $0xFFFFFFFF  }
0x96: {  	s16 =	sld [smem:$0x10];
	(tm) =	ssettm $0x1  }
0x97: {  	s17 =	sld [smem:$0x3FFB];
	_ =	sdelay $0x3  }
0x98: {  	_ =	strace s17  }
0x99: {  	s3 =	sld [smem:$0x3FFC];
	_ =	sdelay $0x3  }
0x9a: {  	_ =	strace s3  }
0x9b: {  	s3 =	sld [smem:$0x3FFD];
	_ =	sdelay $0x3  }
0x9c: {  	_ =	strace s3  }
0x9d: {  	_ =	strace $0x8FFFFFFF  }
0x9e: {  	s18 =	sld [smem:$0x3FDB];
	_ =	sdelay $0x1  }
0x9f: {  	s19 =	simm.s32 $_scs_section_size  }
0xa0: {  	s5 =	simm.s32 $_size__tile_overlayer_lowered;
	s6 =	simm.s32 $_tile_overlayer_lowered  }
0xa1: {  	s22 =	simm.s32 $0x1BFF;
	s21 =	sshll.u32 s6, $0x1;
	s3 =	sadd.s32 s19, s18  }
0xa2: {  	s7 =	simm.s32 $0x0;
	s20 =	sshll.u32 s5, $0x1;
	s5 =	sadd.s32 s21, s3  }
0xa3: {  	[timem:s7], [sflag:s22] =	dma.local [hbm:s5], s20  }
0xa4: {  	_ =	swait.ge [sflag:s22], s20  }
0xa5: {  	s4 =	ssub.s32 $0x0, s20;
	[sflag:s22] =	ssyncset.done $0x0  }
0xa6: {  	[sflag:s22] =	ssyncadd.s32 s4;
	_ =	sdelay $0x1  }
0xa7: {  	s23 =	simm.s32 $0x1B8B  }
0xa8: {  	_ =	swait.ge [sflag:s23], $0x1  }
0xa9: {  	[sflag:s23] =	ssyncset.done $0x0  }
0xaa: {  	s25 =	simm.s32 $0x1B8E;
	s24 =	sld [smem:$0x3FFE];
	[sflag:s23] =	ssyncadd.s32 $0xFFFFFFFF  }
0xab: {  	s26 =	simm.s32 $execute0_lowered;
	[smem:$0x3FD2] =	sst s25  }
0xac: {  	s5 =	sshll.u32 s26, $0x1;
	_ =	strace $0x80000046;
	[dreg:$0x1] =	wrdreg $0xFFFFFFFF  }
0xad: {  	s28 =	simm.s32 $_size_execute0_lowered;
	s3 =	sadd.s32 s3, s5;
	[dreg:$0x0] =	wrdreg $0x0  }
0xae: {  	s5 =	sshll.u32 s28, $0x1;
	[dreg:$0x2] =	wrdreg s3  }
0xaf: {  	[dreg:$0x3] =	wrdreg s5  }
0xb0: {  	[dreg:$0x4] =	wrdreg $0xC0  }
0xb1: {  	_ =	task [dreg:s7], $0x5FFFF  }
0xb2: {  	[dreg:$0x1] =	wrdreg $0xFFFFFFFF  }
0xb3: {  	[dreg:$0x0] =	wrdreg $0x60  }
0xb4: {  	[dreg:$0x2] =	wrdreg s24  }
0xb5: {  	[dreg:$0x3] =	wrdreg s16  }
0xb6: {  	[dreg:$0x4] =	wrdreg $0x2B000  }
0xb7: {  	[dreg:$0x5] =	wrdreg $0x9  }
0xb8: {  	_ =	task.clear_ibuf [dreg:s7], $0x6FFFF;
	_ =	strace $0x90000046  }
0xb9: {  	s29 =	simm.s32 $0x9;
	_ =	strace $0x80000048  }
0xba: {  	_ =	swait.ge [sflag:s29], $0x1  }
0xbb: {  	[sflag:s29] =	ssyncadd.s32 $0xFFFFFFFF  }
0xbc: {  	_ =	strace $0x90000048  }
0xbd: {  	_ =	sfence  }
0xbe: {  	s30 =	sld [smem:$0x0];
	_ =	sdelay $0x2  }
0xbf: {  	s31 =	sshll.u32 s1, $0xD;
	s1 =	sshrl.u32 s1, $0x2  }
0xc0: {  	s3 =	sand.u32 $0x4000, s31;
	s1 =	sadd.s32 s1, s30  }
0xc1: {  	s0 =	sor.u32 s3, s0;
	s1 =	sshll.u32 s1, $0x11  }
0xc2: {  	s0 =	sor.u32 s1, s0  }
0xc3: {  	s0 =	sadd.s32 $0x8F2B, s0  }
0xc4: {  	[sflag:s0] =	ssyncadd.remote.s32 $0x1  }
0xc5: {  	_ =	sfence.sel $0xFFFF  }
0xc6: {  	[dreg:$0x0] =	wrdreg $0xFFFFFFFF;
	(pc) =	sbr.abs _section_cstart, $3  }
0xc7: {  	[dreg:$0x1] =	wrdreg $0xFFFFFFFF  }
0xc8: {  	_ =	task.clear_ibuf [dreg:s7], $0x2FFFF;
	_ =	strace $0x9FFFFFFF  }
0xc9: {  	(tm) =	ssettm $0x7FFFFFFF  }
tec
execute0_lowered:
.L_overlay_start_1:
0x0: {  	(tag) =	ssettag $0x1  }
0x1: {  	s6 =	rddreg [dreg:$0x0]  }
0x2: {  	s2 =	rddreg [dreg:$0x1]  }
0x3: {  	s3 =	rddreg [dreg:$0x2]  }
0x4: {  	s0 =	rddreg [dreg:$0x3];
	s4 =	srdreg.scid  }
0x5: {  	s1 =	stileid.u32;
	s12 =	simm.s32 $0x2800;
	s13 =	simm.s32 $0x80  }
0x6: {  	s16 =	simm.s32 $0x0;
	s5 =	sand.u32 $0x1, s4;
	s7 =	sshll.u32 s1, $0x1  }
0x7: {  	s8 =	smul.u32 $0x280, s1;
	s4 =	simm.s32 $0x0;
	s14 =	sshll.u32 s1, $0x6  }
0x8: {  	s7 =	sor.u32 s5, s7;
	s9 =	smul.u32 $0x2800, s5;
	[smem:$0x7FF] =	sst s4  }
0x9: {  	s10 =	ssub.s32 $0x2, s5;
	s5 =	sadd.s32 $0xDC00, s6;
	s14 =	sor.u32 $0x1C01, s14  }
0xa: {  	s7 =	smul.u32 $0x500, s7;
	s11 =	sshrl.u32 s10, $0x1;
	s9 =	sadd.s32 s8, s9  }
0xb: {  	_ =	strace $0x80000047;
	s10 =	ssub.s32 s10, s11;
	s9 =	sshrl.u32 s9, $0x3  }
0xc: {  	s11 =	simm.s32 $0x1;
	s7 =	sadd.s32 s7, s6;
	s9 =	sadd.s32 s9, s6  }
0xd: {  	s6 =	sadd.s32 s8, s3;
	s7 =	sadd.s32 $0x3C00, s7;
	s8 =	sadd.s32 $0xDE00, s9  }
0xe: {  	s9 =	smax.u32 s10, $0x1;
	s10 =	simm.s32 $0x2880;
	s15 =	sshrl.u32 s6, $0x3  }
.LBB2_1:
0xf: {  	[tilespmem:s10], [sflag:$0x1] =	stream.linear.gather [hbm4b:s5+s4], $0x280, $0x38;
	[tilespmem:$0x2D80] =	vst v63  }
0x10: {  	_ =	swait.ge [sflag:s11], $0x280  }
0x11: {  	[sflag:s11] =	ssyncset.done $0x0  }
0x12: {  	[sflag:s11] =	ssyncadd.s32 $0xFFFFFD80  }
0x13: {  	[spmem:s6] =	stream.linear.scatter [tilespmem:s10], [sflag:$0x1], $0x280, $0x38;
	[tilespmem:$0x2D80] =	vst v63  }
0x14: {  	_ =	swait.ge [sflag:s11], $0x280  }
0x15: {  	[sflag:s11] =	ssyncset.done $0x0  }
0x16: {  	[sflag:s11] =	ssyncadd.s32 $0xFFFFFD80  }
0x17: {  	[tilespmem:s12], [sflag:$0x1] =	stream.linear.gather [hbm4b:s2+s4], $0x80, $0x38;
	[tilespmem:$0x2D80] =	vst v63  }
0x18: {  	_ =	swait.ge [sflag:s11], $0x80  }
0x19: {  	[sflag:s11] =	ssyncset.done $0x0  }
0x1a: {  	[sflag:s11] =	ssyncadd.s32 $0xFFFFFF80  }
0x1b: {  	[tilespmem:s4], [sflag:$0x1] =	stream.linear.gather [hbm4b:s7+s4], $0x2800, $0x38;
	[tilespmem:$0x2D80] =	vst v63  }
0x1c: {  	_ =	swait.ge [sflag:s11], $0x2800  }
0x1d: {  	[sflag:s11] =	ssyncset.done $0x0  }
0x1e: {  	[sflag:s11] =	ssyncadd.s32 $0xFFFFD800  }
0x1f: {  	s17 =	simm.s32 $0x0;
	[bflag:$0x0] =	sbarrier.arrive $0xFFFF  }
0x20: {  	[spmem:s3] =	stream.indirect.scatter.add.f32 [tilespmem:s12], [sflag:$0x1], $0x1, s17, s13, $0xb8;
	[tilespmem:$0x2D80] =	vst v63  }
0x21: {  	_ =	swait.ge [sflag:s11], $0x80  }
0x22: {  	s17 =	simm.s32 $0x200;
	[sflag:s11] =	ssyncset.done $0x0  }
.LBB2_2:
0x23: {  	s18 =	sshra.s32 s17, $0x2;
	[sflag:s11] =	ssyncadd.s32 $0xFFFFFF80;
	p0 =	sne.s32 s17, $0x9E00  }
0x24: {  	[spmem:s3] =	stream.indirect.scatter.add.f32 [tilespmem:s12], [sflag:$0x1], $0x1, s18, s13, $0xb8;
	[tilespmem:$0x2D80] =	vst v63  }
.Ltmp0:
0x25: {  	_ = 	snop;
	(pc) =	sbr.rel @p0 .LBB2_2-.Ltmp0, $4  }
0x26: {  	_ = 	snop  }
0x27: {  	s17 =	sadd.s32 $0x200, s17  }
0x28: {  	_ =	swait.ge [sflag:s11], $0x80  }
0x29: {  	[sflag:s11] =	ssyncset.done $0x0  }
0x2a: {  	s16 =	sadd.s32 $0x1, s16  }
0x2b: {  	[sflag:s11] =	ssyncadd.s32 $0xFFFFFF80;
	p0 =	sne.s32 s16, s9  }
.Ltmp1:
0x2c: {  	[bflag:$0x0] =	sbarrier.arrive $0xFFFF;
	(pc) =	sbr.rel @p0 .LBB2_1-.Ltmp1, $4  }
0x2d: {  	[hbm:s8], [sflag:s14] =	dma.local [spmem:s15], $0x50  }
0x2e: {  	_ =	swait.ge [sflag:s11], $0x50  }
0x2f: {  	[sflag:s11] =	ssyncset.done $0x0  }
0x30: {  	[sflag:s11] =	ssyncadd.s32 $0xFFFFFFB0  }
0x31: {  	_ =	sfence.sel $0x180000  }
0x32: {  	[bflag:$0x0] =	sbarrier.arrive $0xFFFF  }
0x33: {  	p0 =	sne.s32 s1, $0x0;
	_ =	strace $0x90000047  }
0x34: {  	s0 =	sadd.s32 @!p0 $0x100000, s0;
	[bflag:$0x2] =	sbarrier.arrive $0xFFFF  }
0x35: {  	[sflag:s0] =	ssyncadd.tile.s32 @!p0 $0x1;
	_ =	shalt  }
.Lfunc_end2:
_tile_overlayer_lowered:
.L_overlay_start_2:
0x36: {  	(tag) =	ssettag $0x2  }
0x37: {  	s0 =	rddreg [dreg:$0x0];
	s2 =	stileid.u32  }
0x38: {  	s1 =	rddreg [dreg:$0x1];
	p0 =	sne.s32 s2, $0x0  }
0x39: {  	s3 =	rddreg [dreg:$0x2];
	[bflag:$0x3] =	sbarrier.arrive $0xFFFF;
	s2 =	simm.s32 @!p0 $0x1C01  }
0x3a: {  	[timem:s3], [sflag:s2] =	dma.local @!p0 [hbm:s0], s1  }
0x3b: {  	s0 =	simm.s32 @!p0 $0x1  }
0x3c: {  	_ =	swait.ge @!p0 [sflag:s0], s1  }
0x3d: {  	s1 =	ssub.s32 @!p0 $0x0, s1;
	[sflag:s0] =	ssyncset.done @!p0 $0x0  }
0x3e: {  	[sflag:s0] =	ssyncadd.s32 @!p0 s1  }
0x3f: {  	[bflag:$0x3] =	sbarrier.arrive $0xFFFF  }
0x40: {  	_ =	shalt  }

</sc_bundles>
